<compile_context>
chip_gen: v7x
topology: tpu7x:2x2x1
jax: 0.10.2.dev20260603
libtpu: 0.0.44.dev20260713+nightly
codegen_flags: <defaults>
</compile_context>

<pallas_src>
import functools
from math import factorial

import numpy as np
import jax
import jax.numpy as jnp
from jax import lax
from jax.experimental import pallas as pl
from jax.experimental.pallas import tpu as pltpu
from jax.experimental.pallas import tpu_sc as plsc

L_MAX = 2
L_MAX_OUT = 2



def _f(n):
    return float(factorial(int(round(n))))


def _su2_cg(j1, m1, j2, m2, j3, m3):
    if m3 != m1 + m2:
        return 0.0
    vmin = int(max(-j1 + j2 + m3, -j1 + m1, 0))
    vmax = int(min(j2 + j3 + m1, j3 - j1 + j2, j3 + m3))
    C = ((2.0 * j3 + 1.0) * _f(j3 + j1 - j2) * _f(j3 - j1 + j2) * _f(j1 + j2 - j3) / _f(j1 + j2 + j3 + 1)
         * _f(j3 + m3) * _f(j3 - m3) / (_f(j1 + m1) * _f(j1 - m1) * _f(j2 + m2) * _f(j2 - m2))) ** 0.5
    S = 0.0
    for v in range(vmin, vmax + 1):
        S += (-1.0) ** (v + j2 + m2) / _f(v) * _f(j2 + j3 + m1 - v) * _f(j1 - m1 + v) / _f(j3 - j1 + j2 - v) / _f(j3 + m3 - v) / _f(v + j1 - j2 - m3)
    return C * S


def _su2_cg_tensor(j1, j2, j3):
    mat = np.zeros((2 * j1 + 1, 2 * j2 + 1, 2 * j3 + 1))
    for m1 in range(-j1, j1 + 1):
        for m2 in range(-j2, j2 + 1):
            m3 = m1 + m2
            if abs(m3) <= j3:
                mat[j1 + m1, j2 + m2, j3 + m3] = _su2_cg(j1, m1, j2, m2, j3, m3)
    return mat


def _real_to_complex(l):
    q = np.zeros((2 * l + 1, 2 * l + 1), dtype=np.complex128)
    s2 = np.sqrt(2.0)
    for m in range(-l, 0):
        q[l + m, l + abs(m)] = 1.0 / s2
        q[l + m, l - abs(m)] = -1j / s2
    q[l, l] = 1.0
    for m in range(1, l + 1):
        q[l + m, l + abs(m)] = (-1.0) ** m / s2
        q[l + m, l - abs(m)] = 1j * (-1.0) ** m / s2
    return ((-1j) ** l) * q


def _so3_cg(l1, l2, l3):
    Q1 = _real_to_complex(l1)
    Q2 = _real_to_complex(l2)
    Q3 = _real_to_complex(l3)
    C = _su2_cg_tensor(l1, l2, l3).astype(np.complex128)
    C = np.einsum('ij,kl,mn,ikn->jlm', Q1, Q2, np.conj(Q3.T), C)
    return np.real(C).astype(np.float32)


def _build_postmap():
    split_size = [(2 * l + 1) * (L_MAX + 1 - l) for l in range(L_MAX + 1)]
    coffs = np.cumsum([0, 8, 24, 40])
    soffs = np.cumsum([0] + split_size)
    N = 14 * 72
    y = np.eye(N, dtype=np.float64).reshape(N, 1, 14, 72)
    bb, vv = N, 1
    out = {str(j): [] for j in range(L_MAX + 1)}
    y_cg = []
    for i, l in enumerate([0, 1, 2]):
        yl = y[..., int(coffs[i]):int(coffs[i + 1])]
        for j in range(L_MAX + 1):
            yij = yl[:, :, int(soffs[j]):int(soffs[j + 1]), :]
            yij = yij.reshape(bb, vv, 2 * j + 1, L_MAX + 1 - j, 2 * l + 1, -1)
            yij = np.transpose(yij, (0, 1, 2, 4, 3, 5))
            yij = yij.reshape(bb, vv, 2 * j + 1, 2 * l + 1, -1)
            if l == 0:
                out[str(j)].append(yij[:, :, :, 0, :])
            elif j == 0:
                out[str(l)].append(yij[:, :, 0, :, :])
            else:
                y_cg.append((j, l, yij))
    for (j, l, t) in y_cg:
        for J in range(abs(j - l), min(j + l, L_MAX_OUT) + 1):
            cg = _so3_cg(j, l, J).astype(np.float64)
            out[str(J)].append(np.einsum('mnJ,bvmnc->bvJc', cg, t))
    mats = []
    for J in range(L_MAX_OUT + 1):
        o = np.concatenate(out[str(J)], axis=-1)
        mats.append(o.reshape(N, -1))
    W = np.concatenate(mats, axis=1)
    return W.reshape(14, 72, 712).astype(np.float32)


_W_POSTMAP = _build_postmap()
_FW = 128
_W_POSTMAP_PAD = np.zeros((14, _FW, 712), dtype=np.float32)
_W_POSTMAP_PAD[:, :72, :] = _W_POSTMAP
_CH_OUT = (48, 264, 400)


_NC, _NS = 2, 16
_NW = _NC * _NS
_CHUNK = 128
_NBUF = 4


def _sc_gather_body(nchunk, table_hbm, idx_hbm, out_hbm, idx_v, rows_v, *sems):
    wid = lax.axis_index("s") * _NC + lax.axis_index("c")
    rows_per_w = nchunk * _CHUNK
    base = wid * rows_per_w
    pltpu.sync_copy(idx_hbm.at[wid], idx_v)

    def start(c, slot):
        pltpu.make_async_copy(
            table_hbm.at[idx_v.at[c]], rows_v.at[slot], sems[slot]).start()

    def wait(c, slot):
        pltpu.make_async_copy(
            table_hbm.at[idx_v.at[c]], rows_v.at[slot], sems[slot]).wait()

    for slot in range(_NBUF):
        start(slot, slot)

    def group(g, _):
        for slot in range(_NBUF):
            c = g * _NBUF + slot
            wait(c, slot)
            pltpu.sync_copy(rows_v.at[slot],
                            out_hbm.at[pl.ds(base + c * _CHUNK, _CHUNK)])
            nxt = c + _NBUF

            @pl.when(nxt < nchunk)
            def _():
                start(nxt, slot)
        return 0

    lax.fori_loop(0, nchunk // _NBUF, group, 0)


def _make_sc_gather(n_rows_out, nchunk):
    mesh = plsc.VectorSubcoreMesh(core_axis_name="c", subcore_axis_name="s")
    scratch = [
        pltpu.VMEM((nchunk, _CHUNK), jnp.int32),
        pltpu.VMEM((_NBUF, _CHUNK, _FW), jnp.float32),
    ] + [pltpu.SemaphoreType.DMA] * _NBUF
    return functools.partial(
        pl.kernel,
        out_type=jax.ShapeDtypeStruct((n_rows_out, _FW), jnp.float32),
        mesh=mesh,
        scratch_types=scratch,
    )(functools.partial(_sc_gather_body, nchunk))



_VB = 256
_SUB = 8

_BD_MASK = (np.arange(8)[:, None] == (np.arange(256)[None, :] // 32))
_BD_MASK = np.broadcast_to(_BD_MASK[None], (14, 8, 256)).reshape(112, 256)
_BD_MASK = _BD_MASK.astype(np.float32)


def _tc_body(g_ref, k_ref, w_ref, m_ref, o0_ref, o1_ref, o2_ref, y_scr):
    mask = m_ref[...]

    for s in range(_VB // _SUB):
        gs2 = g_ref[s * _SUB * 32:(s + 1) * _SUB * 32].astype(jnp.bfloat16)
        kt2 = k_ref[s].reshape(14 * _SUB, 32)
        bd = jnp.concatenate([kt2] * 8, axis=1) * mask
        y2 = jnp.dot(bd, gs2, preferred_element_type=jnp.float32)
        for i in range(14):
            y_scr[i, s * _SUB:(s + 1) * _SUB, :] = y2[i * _SUB:(i + 1) * _SUB]
    acc = jnp.zeros((_VB, 712), jnp.float32)
    for i in range(14):
        acc += jnp.dot(y_scr[i].astype(jnp.bfloat16), w_ref[i],
                       preferred_element_type=jnp.float32)
    o0_ref[...] = acc[:, :48]
    o1_ref[...] = acc[:, 48:312]
    o2_ref[...] = acc[:, 312:]


def _make_tc_conv(n_points):
    grid = n_points // _VB
    return pl.pallas_call(
        _tc_body,
        grid=(grid,),
        in_specs=[
            pl.BlockSpec((_VB * 32, _FW), lambda i: (i, 0)),
            pl.BlockSpec((_VB // _SUB, 14, _SUB, 32), lambda i: (i, 0, 0, 0)),
            pl.BlockSpec((14, _FW, 712), lambda i: (0, 0, 0)),
            pl.BlockSpec((112, 256), lambda i: (0, 0)),
        ],
        out_specs=[
            pl.BlockSpec((_VB, 48), lambda i: (i, 0)),
            pl.BlockSpec((_VB, 264), lambda i: (i, 0)),
            pl.BlockSpec((_VB, 400), lambda i: (i, 0)),
        ],
        out_shape=[
            jax.ShapeDtypeStruct((n_points, 48), jnp.float32),
            jax.ShapeDtypeStruct((n_points, 264), jnp.float32),
            jax.ShapeDtypeStruct((n_points, 400), jnp.float32),
        ],
        scratch_shapes=[pltpu.VMEM((14, _VB, _FW), jnp.float32)],
    )


def kernel(x0, x1, x2, patches_idx, kernels):
    b, n = x0.shape[0], x0.shape[1]
    v, p = patches_idx.shape[1], patches_idx.shape[2]
    pad = jnp.zeros((b, n, _FW - 72), jnp.float32)
    signal = jnp.concatenate(
        [t.reshape(b, n, -1) for t in (x0, x1, x2)] + [pad], axis=-1)
    table = signal.reshape(b * n, _FW)

    flat_idx = (patches_idx[..., 0].astype(jnp.int32) * n
                + patches_idx[..., 1].astype(jnp.int32))
    n_points = b * v
    n_rows = n_points * p
    nchunk = n_rows // _NW // _CHUNK
    idx3 = flat_idx.reshape(_NW, nchunk, _CHUNK)

    gathered = _make_sc_gather(n_rows, nchunk)(table, idx3)

    kt = kernels.reshape(n_points // _SUB, _SUB, p, 14)
    kt = jnp.transpose(kt, (0, 3, 1, 2)).astype(jnp.bfloat16)
    o0, o1, o2 = _make_tc_conv(n_points)(
        gathered,
        kt,
        jnp.asarray(_W_POSTMAP_PAD, dtype=jnp.bfloat16),
        jnp.asarray(_BD_MASK, dtype=jnp.bfloat16),
    )
    return (o0.reshape(b, v, 1, 48),
            o1.reshape(b, v, 3, 88),
            o2.reshape(b, v, 5, 80))

# --- scband reference (transcript-rebuilt; emitter-appended) ---
"""Pipeline reference for scband-spherical-harmonics-shells-conv-65309272703471 (READ-ONLY COPY).

The authoritative reference and input builder live on the scoring server;
editing this copy changes nothing except your own understanding.
"""

import jax, jax.numpy as jnp
import numpy as np
from math import factorial

L_MAX = 2
L_MAX_OUT = 2

def _f(n):
    return float(factorial(int(round(n))))

def _su2_cg(j1, m1, j2, m2, j3, m3):
    if m3 != m1 + m2:
        return 0.0
    vmin = int(max(-j1 + j2 + m3, -j1 + m1, 0))
    vmax = int(min(j2 + j3 + m1, j3 - j1 + j2, j3 + m3))
    C = ((2.0 * j3 + 1.0) * _f(j3 + j1 - j2) * _f(j3 - j1 + j2) * _f(j1 + j2 - j3) / _f(j1 + j2 + j3 + 1)
         * _f(j3 + m3) * _f(j3 - m3) / (_f(j1 + m1) * _f(j1 - m1) * _f(j2 + m2) * _f(j2 - m2))) ** 0.5
    S = 0.0
    for v in range(vmin, vmax + 1):
        S += (-1.0) ** (v + j2 + m2) / _f(v) * _f(j2 + j3 + m1 - v) * _f(j1 - m1 + v) / _f(j3 - j1 + j2 - v) / _f(j3 + m3 - v) / _f(v + j1 - j2 - m3)
    return C * S

def _su2_cg_tensor(j1, j2, j3):
    mat = np.zeros((2 * j1 + 1, 2 * j2 + 1, 2 * j3 + 1))
    for m1 in range(-j1, j1 + 1):
        for m2 in range(-j2, j2 + 1):
            m3 = m1 + m2
            if abs(m3) <= j3:
                mat[j1 + m1, j2 + m2, j3 + m3] = _su2_cg(j1, m1, j2, m2, j3, m3)
    return mat

def _real_to_complex(l):
    q = np.zeros((2 * l + 1, 2 * l + 1), dtype=np.complex128)
    s2 = np.sqrt(2.0)
    for m in range(-l, 0):
        q[l + m, l + abs(m)] = 1.0 / s2
        q[l + m, l - abs(m)] = -1j / s2
    q[l, l] = 1.0
    for m in range(1, l + 1):
        q[l + m, l + abs(m)] = (-1.0) ** m / s2
        q[l + m, l - abs(m)] = 1j * (-1.0) ** m / s2
    return ((-1j) ** l) * q

def _so3_cg(l1, l2, l3):
    Q1 = _real_to_complex(l1)
    Q2 = _real_to_complex(l2)
    Q3 = _real_to_complex(l3)
    C = _su2_cg_tensor(l1, l2, l3).astype(np.complex128)
    C = np.einsum('ij,kl,mn,ikn->jlm', Q1, Q2, np.conj(Q3.T), C)
    return np.real(C).astype(np.float32)

def _forward(x0, x1, x2, patches_idx, kernels):
    l_max = L_MAX
    split_size = [(2 * l + 1) * (l_max + 1 - l) for l in range(l_max + 1)]
    xs = [x0, x1, x2]
    features_type = [0, 1, 2]
    channels_split_size = [int(t.shape[-2] * t.shape[-1]) for t in xs]
    signal = jnp.concatenate([t.reshape(t.shape[0], t.shape[1], -1) for t in xs], axis=-1)
    signal = signal[patches_idx[..., 0], patches_idx[..., 1]]
    b, v = signal.shape[0], signal.shape[1]
    y = jnp.einsum('bvpy,bvpc->bvyc', kernels, signal)
    coffs = np.cumsum([0] + channels_split_size)
    soffs = np.cumsum([0] + split_size)
    out = {str(j): [] for j in range(l_max + 1)}
    y_cg = []
    for i, l in enumerate(features_type):
        yl = y[..., int(coffs[i]):int(coffs[i + 1])]
        for j in range(l_max + 1):
            yij = yl[:, :, int(soffs[j]):int(soffs[j + 1]), :]
            yij = yij.reshape(b, v, 2 * j + 1, l_max + 1 - j, 2 * l + 1, -1)
            yij = jnp.transpose(yij, (0, 1, 2, 4, 3, 5))
            yij = yij.reshape(b, v, 2 * j + 1, 2 * l + 1, -1)
            if l == 0:
                out[str(j)].append(yij[:, :, :, 0, :])
            elif j == 0:
                out[str(l)].append(yij[:, :, 0, :, :])
            else:
                y_cg.append((j, l, yij))
    for (j, l, t) in y_cg:
        for J in range(abs(j - l), min(j + l, L_MAX_OUT) + 1):
            cg = jnp.asarray(_so3_cg(j, l, J))
            out[str(J)].append(jnp.einsum('mnJ,bvmnc->bvJc', cg, t))
    return tuple(jnp.concatenate(out[str(J)], axis=-1) for J in range(L_MAX_OUT + 1))

def setup_inputs(seed: int = 0):
    key = jax.random.key(seed)
    b, n, v, p, c = 4, 2048, 2048, 32, 8
    k0, k1, k2, k3, k4 = jax.random.split(key, 5)
    x0 = jax.random.normal(k0, (b, n, 1, c), dtype=jnp.float32)
    x1 = jax.random.normal(k1, (b, n, 3, c), dtype=jnp.float32)
    x2 = jax.random.normal(k2, (b, n, 5, c), dtype=jnp.float32)
    pt = jax.random.randint(k3, (b, v, p), 0, n, dtype=jnp.int32)
    bi = jnp.broadcast_to(jnp.arange(b, dtype=jnp.int32)[:, None, None], (b, v, p))
    patches_idx = jnp.stack([bi, pt], axis=-1)
    kernels = jax.random.normal(k4, (b, v, p, 14), dtype=jnp.float32)
    return {"x0": x0, "x1": x1, "x2": x2, "patches_idx": patches_idx, "kernels": kernels}

def reference(x0, x1, x2, patches_idx, kernels):
    return _forward(x0, x1, x2, patches_idx, kernels)

if __name__ == "__main__":
    import jax
    _d = setup_inputs()
    print(jax.jit(kernel)(*tuple(_d.values())))

</pallas_src>

<mosaic_0001>
#map = affine_map<(d0, d1) -> (0, 0)>
#map1 = affine_map<(d0, d1) -> (0, 0, 0)>
module attributes {stable_mosaic.version = 14 : i64} {
  func.func @_sc_gather_body(%arg0: i32, %arg1: i32, %arg2: memref<8192x128xf32, #tpu.memory_space<hbm>>, %arg3: memref<32x64x128xi32, #tpu.memory_space<hbm>>, %arg4: memref<262144x128xf32, #tpu.memory_space<hbm>>, %arg5: memref<64x128xi32, #tpu.memory_space<vmem>>, %arg6: memref<4x128x128xf32, #tpu.memory_space<vmem>>, %arg7: memref<!tpu.dma_semaphore, #tpu.memory_space<semaphore_mem>>, %arg8: memref<!tpu.dma_semaphore, #tpu.memory_space<semaphore_mem>>, %arg9: memref<!tpu.dma_semaphore, #tpu.memory_space<semaphore_mem>>, %arg10: memref<!tpu.dma_semaphore, #tpu.memory_space<semaphore_mem>>) attributes {dimension_semantics = [#tpu.dimension_semantics<core_parallel>, #tpu.dimension_semantics<subcore_parallel>], iteration_bounds = array<i64: 2, 16>, scalar_prefetch = 0 : i64, scratch_operands = 6 : i64, tpu.core_type = #tpu.core_type<sc_vector_subcore>, window_params = [{transform_indices = #map}, {transform_indices = #map1}, {transform_indices = #map}]} {
    %mul3A = arith.constant 2 : i32
    %mul3A_0 = arith.muli %arg1, %mul3A : i32
    %add3A = arith.addi %mul3A_0, %arg0 : i32
    %mul3A_1 = arith.constant 8192 : i32
    %mul3A_2 = arith.muli %add3A, %mul3A_1 : i32
    "tpu.region"() ({
      %run_scoped3A = tpu.sem_alloc : memref<!tpu.dma_semaphore, #tpu.memory_space<semaphore_mem>>
      %dma_start3A_56 = arith.constant 0 : i32
      %dma_start3A_57 = arith.constant 0 : i32
      %dma_start3A_58 = tpu.memref_slice %arg3[%add3A, %dma_start3A_56, %dma_start3A_57] : memref<32x64x128xi32, #tpu.memory_space<hbm>> -> memref<1x64x128xi32, #tpu.memory_space<hbm>>
      %dma_start3A_59 = tpu.memref_squeeze %dma_start3A_58 : memref<1x64x128xi32, #tpu.memory_space<hbm>> -> memref<64x128xi32, #tpu.memory_space<hbm>>
      %dma_start3A_60 = arith.constant 0 : i32
      %dma_start3A_61 = arith.constant 0 : i32
      %dma_start3A_62 = tpu.memref_slice %arg3[%add3A, %dma_start3A_60, %dma_start3A_61] : memref<32x64x128xi32, #tpu.memory_space<hbm>> -> memref<1x64x128xi32, #tpu.memory_space<hbm>>
      %dma_start3A_63 = tpu.memref_squeeze %dma_start3A_62 : memref<1x64x128xi32, #tpu.memory_space<hbm>> -> memref<64x128xi32, #tpu.memory_space<hbm>>
      tpu.enqueue_dma source(%dma_start3A_63 : memref<64x128xi32, #tpu.memory_space<hbm>>) target(%arg5 : memref<64x128xi32, #tpu.memory_space<vmem>>) target_semaphore(%run_scoped3A : memref<!tpu.dma_semaphore, #tpu.memory_space<semaphore_mem>>)
      %dma_wait3A = arith.constant 0 : i32
      %dma_wait3A_64 = arith.constant 0 : i32
      %dma_wait3A_65 = tpu.memref_slice %arg3[%add3A, %dma_wait3A, %dma_wait3A_64] : memref<32x64x128xi32, #tpu.memory_space<hbm>> -> memref<1x64x128xi32, #tpu.memory_space<hbm>>
      %dma_wait3A_66 = tpu.memref_squeeze %dma_wait3A_65 : memref<1x64x128xi32, #tpu.memory_space<hbm>> -> memref<64x128xi32, #tpu.memory_space<hbm>>
      %dma_wait3A_67 = arith.constant 0 : i32
      %dma_wait3A_68 = arith.constant 0 : i32
      %dma_wait3A_69 = tpu.memref_slice %arg3[%add3A, %dma_wait3A_67, %dma_wait3A_68] : memref<32x64x128xi32, #tpu.memory_space<hbm>> -> memref<1x64x128xi32, #tpu.memory_space<hbm>>
      %dma_wait3A_70 = tpu.memref_squeeze %dma_wait3A_69 : memref<1x64x128xi32, #tpu.memory_space<hbm>> -> memref<64x128xi32, #tpu.memory_space<hbm>>
      tpu.wait_dma2 semaphore(%run_scoped3A : memref<!tpu.dma_semaphore, #tpu.memory_space<semaphore_mem>>) src(%dma_wait3A_70 : memref<64x128xi32, #tpu.memory_space<hbm>>) dst(%arg5 : memref<64x128xi32, #tpu.memory_space<vmem>>)
      tpu.yield
    }) : () -> ()
    %dma_start3A = arith.constant 0 : i32
    %dma_start3A_3 = arith.constant 0 : i32
    %dma_start3A_4 = arith.constant 0 : i32
    %dma_start3A_5 = arith.constant 0 : i32
    %dma_start3A_6 = tpu.memref_slice %arg6[%dma_start3A_3, %dma_start3A_4, %dma_start3A_5] : memref<4x128x128xf32, #tpu.memory_space<vmem>> -> memref<1x128x128xf32, #tpu.memory_space<vmem>>
    %dma_start3A_7 = tpu.memref_squeeze %dma_start3A_6 : memref<1x128x128xf32, #tpu.memory_space<vmem>> -> memref<128x128xf32, #tpu.memory_space<vmem>>
    %dma_start3A_8 = arith.constant 0 : i32
    %dma_start3A_9 = tpu.memref_slice %arg5[%dma_start3A, %dma_start3A_8] : memref<64x128xi32, #tpu.memory_space<vmem>> -> memref<1x128xi32, #tpu.memory_space<vmem>>
    %dma_start3A_10 = tpu.memref_squeeze %dma_start3A_9 : memref<1x128xi32, #tpu.memory_space<vmem>> -> memref<128xi32, #tpu.memory_space<vmem>>
    %dma_start3A_11 = arith.constant 0 : i32
    %dma_start3A_12 = arith.constant 0 : i32
    %dma_start3A_13 = tpu.memref_slice %arg2[%dma_start3A_11, %dma_start3A_12] : memref<8192x128xf32, #tpu.memory_space<hbm>> -> memref<8192x128xf32, #tpu.memory_space<hbm>>
    tpu.enqueue_indirect_dma source(%dma_start3A_13 : memref<8192x128xf32, #tpu.memory_space<hbm>>) target(%dma_start3A_7 : memref<128x128xf32, #tpu.memory_space<vmem>>) offsets(%dma_start3A_10 : memref<128xi32, #tpu.memory_space<vmem>>) semaphore(%arg7 : memref<!tpu.dma_semaphore, #tpu.memory_space<semaphore_mem>>)
    %dma_start3A_14 = arith.constant 1 : i32
    %dma_start3A_15 = arith.constant 1 : i32
    %dma_start3A_16 = arith.constant 0 : i32
    %dma_start3A_17 = arith.constant 0 : i32
    %dma_start3A_18 = tpu.memref_slice %arg6[%dma_start3A_15, %dma_start3A_16, %dma_start3A_17] : memref<4x128x128xf32, #tpu.memory_space<vmem>> -> memref<1x128x128xf32, #tpu.memory_space<vmem>>
    %dma_start3A_19 = tpu.memref_squeeze %dma_start3A_18 : memref<1x128x128xf32, #tpu.memory_space<vmem>> -> memref<128x128xf32, #tpu.memory_space<vmem>>
    %dma_start3A_20 = arith.constant 0 : i32
    %dma_start3A_21 = tpu.memref_slice %arg5[%dma_start3A_14, %dma_start3A_20] : memref<64x128xi32, #tpu.memory_space<vmem>> -> memref<1x128xi32, #tpu.memory_space<vmem>>
    %dma_start3A_22 = tpu.memref_squeeze %dma_start3A_21 : memref<1x128xi32, #tpu.memory_space<vmem>> -> memref<128xi32, #tpu.memory_space<vmem>>
    %dma_start3A_23 = arith.constant 0 : i32
    %dma_start3A_24 = arith.constant 0 : i32
    %dma_start3A_25 = tpu.memref_slice %arg2[%dma_start3A_23, %dma_start3A_24] : memref<8192x128xf32, #tpu.memory_space<hbm>> -> memref<8192x128xf32, #tpu.memory_space<hbm>>
    tpu.enqueue_indirect_dma source(%dma_start3A_25 : memref<8192x128xf32, #tpu.memory_space<hbm>>) target(%dma_start3A_19 : memref<128x128xf32, #tpu.memory_space<vmem>>) offsets(%dma_start3A_22 : memref<128xi32, #tpu.memory_space<vmem>>) semaphore(%arg8 : memref<!tpu.dma_semaphore, #tpu.memory_space<semaphore_mem>>)
    %dma_start3A_26 = arith.constant 2 : i32
    %dma_start3A_27 = arith.constant 2 : i32
    %dma_start3A_28 = arith.constant 0 : i32
    %dma_start3A_29 = arith.constant 0 : i32
    %dma_start3A_30 = tpu.memref_slice %arg6[%dma_start3A_27, %dma_start3A_28, %dma_start3A_29] : memref<4x128x128xf32, #tpu.memory_space<vmem>> -> memref<1x128x128xf32, #tpu.memory_space<vmem>>
    %dma_start3A_31 = tpu.memref_squeeze %dma_start3A_30 : memref<1x128x128xf32, #tpu.memory_space<vmem>> -> memref<128x128xf32, #tpu.memory_space<vmem>>
    %dma_start3A_32 = arith.constant 0 : i32
    %dma_start3A_33 = tpu.memref_slice %arg5[%dma_start3A_26, %dma_start3A_32] : memref<64x128xi32, #tpu.memory_space<vmem>> -> memref<1x128xi32, #tpu.memory_space<vmem>>
    %dma_start3A_34 = tpu.memref_squeeze %dma_start3A_33 : memref<1x128xi32, #tpu.memory_space<vmem>> -> memref<128xi32, #tpu.memory_space<vmem>>
    %dma_start3A_35 = arith.constant 0 : i32
    %dma_start3A_36 = arith.constant 0 : i32
    %dma_start3A_37 = tpu.memref_slice %arg2[%dma_start3A_35, %dma_start3A_36] : memref<8192x128xf32, #tpu.memory_space<hbm>> -> memref<8192x128xf32, #tpu.memory_space<hbm>>
    tpu.enqueue_indirect_dma source(%dma_start3A_37 : memref<8192x128xf32, #tpu.memory_space<hbm>>) target(%dma_start3A_31 : memref<128x128xf32, #tpu.memory_space<vmem>>) offsets(%dma_start3A_34 : memref<128xi32, #tpu.memory_space<vmem>>) semaphore(%arg9 : memref<!tpu.dma_semaphore, #tpu.memory_space<semaphore_mem>>)
    %dma_start3A_38 = arith.constant 3 : i32
    %dma_start3A_39 = arith.constant 3 : i32
    %dma_start3A_40 = arith.constant 0 : i32
    %dma_start3A_41 = arith.constant 0 : i32
    %dma_start3A_42 = tpu.memref_slice %arg6[%dma_start3A_39, %dma_start3A_40, %dma_start3A_41] : memref<4x128x128xf32, #tpu.memory_space<vmem>> -> memref<1x128x128xf32, #tpu.memory_space<vmem>>
    %dma_start3A_43 = tpu.memref_squeeze %dma_start3A_42 : memref<1x128x128xf32, #tpu.memory_space<vmem>> -> memref<128x128xf32, #tpu.memory_space<vmem>>
    %dma_start3A_44 = arith.constant 0 : i32
    %dma_start3A_45 = tpu.memref_slice %arg5[%dma_start3A_38, %dma_start3A_44] : memref<64x128xi32, #tpu.memory_space<vmem>> -> memref<1x128xi32, #tpu.memory_space<vmem>>
    %dma_start3A_46 = tpu.memref_squeeze %dma_start3A_45 : memref<1x128xi32, #tpu.memory_space<vmem>> -> memref<128xi32, #tpu.memory_space<vmem>>
    %dma_start3A_47 = arith.constant 0 : i32
    %dma_start3A_48 = arith.constant 0 : i32
    %dma_start3A_49 = tpu.memref_slice %arg2[%dma_start3A_47, %dma_start3A_48] : memref<8192x128xf32, #tpu.memory_space<hbm>> -> memref<8192x128xf32, #tpu.memory_space<hbm>>
    tpu.enqueue_indirect_dma source(%dma_start3A_49 : memref<8192x128xf32, #tpu.memory_space<hbm>>) target(%dma_start3A_43 : memref<128x128xf32, #tpu.memory_space<vmem>>) offsets(%dma_start3A_46 : memref<128xi32, #tpu.memory_space<vmem>>) semaphore(%arg10 : memref<!tpu.dma_semaphore, #tpu.memory_space<semaphore_mem>>)
    %scan3A = arith.constant 0 : i32
    %scan3A_50 = arith.constant 0 : i32
    %scan3A_51 = arith.constant 16 : i32
    %scan3A_52 = arith.addi %scan3A_50, %scan3A_51 : i32
    %scan3A_53 = arith.constant 1 : i32
    %scan3A_54 = scf.for %scan3A_56 = %scan3A_50 to %scan3A_52 step %scan3A_53 iter_args(%scan3A_57 = %scan3A) -> (i32)  : i32 {
      %mul3A_58 = arith.constant 4 : i32
      %mul3A_59 = arith.muli %scan3A_56, %mul3A_58 : i32
      %add3A_60 = arith.constant 0 : i32
      %add3A_61 = arith.addi %mul3A_59, %add3A_60 : i32
      %dma_wait3A = arith.constant 0 : i32
      %dma_wait3A_62 = arith.constant 0 : i32
      %dma_wait3A_63 = arith.constant 0 : i32
      %dma_wait3A_64 = tpu.memref_slice %arg6[%dma_wait3A, %dma_wait3A_62, %dma_wait3A_63] : memref<4x128x128xf32, #tpu.memory_space<vmem>> -> memref<1x128x128xf32, #tpu.memory_space<vmem>>
      %dma_wait3A_65 = tpu.memref_squeeze %dma_wait3A_64 : memref<1x128x128xf32, #tpu.memory_space<vmem>> -> memref<128x128xf32, #tpu.memory_space<vmem>>
      %dma_wait3A_66 = arith.constant 0 : i32
      %dma_wait3A_67 = tpu.memref_slice %arg5[%add3A_61, %dma_wait3A_66] : memref<64x128xi32, #tpu.memory_space<vmem>> -> memref<1x128xi32, #tpu.memory_space<vmem>>
      %dma_wait3A_68 = tpu.memref_squeeze %dma_wait3A_67 : memref<1x128xi32, #tpu.memory_space<vmem>> -> memref<128xi32, #tpu.memory_space<vmem>>
      %dma_wait3A_69 = arith.constant 0 : i32
      %dma_wait3A_70 = arith.constant 0 : i32
      %dma_wait3A_71 = tpu.memref_slice %arg2[%dma_wait3A_69, %dma_wait3A_70] : memref<8192x128xf32, #tpu.memory_space<hbm>> -> memref<8192x128xf32, #tpu.memory_space<hbm>>
      tpu.wait_indirect_dma semaphore(%arg7 : memref<!tpu.dma_semaphore, #tpu.memory_space<semaphore_mem>>) src(%dma_wait3A_71 : memref<8192x128xf32, #tpu.memory_space<hbm>>) dst(%dma_wait3A_65 : memref<128x128xf32, #tpu.memory_space<vmem>>)
      %mul3A_72 = arith.constant 128 : i32
      %mul3A_73 = arith.muli %add3A_61, %mul3A_72 : i32
      %add3A_74 = arith.addi %mul3A_2, %mul3A_73 : i32
      %run_scoped3A = arith.constant 0 : i32
      "tpu.region"() ({
        %run_scoped3A_158 = tpu.sem_alloc : memref<!tpu.dma_semaphore, #tpu.memory_space<semaphore_mem>>
        %dma_start3A_159 = arith.constant 0 : i32
        %dma_start3A_160 = arith.constant 0 : i32
        %dma_start3A_161 = tpu.memref_slice %arg6[%run_scoped3A, %dma_start3A_159, %dma_start3A_160] : memref<4x128x128xf32, #tpu.memory_space<vmem>> -> memref<1x128x128xf32, #tpu.memory_space<vmem>>
        %dma_start3A_162 = tpu.memref_squeeze %dma_start3A_161 : memref<1x128x128xf32, #tpu.memory_space<vmem>> -> memref<128x128xf32, #tpu.memory_space<vmem>>
        %dma_start3A_163 = arith.constant 0 : i32
        %dma_start3A_164 = tpu.memref_slice %arg4[%add3A_74, %dma_start3A_163] : memref<262144x128xf32, #tpu.memory_space<hbm>> -> memref<128x128xf32, #tpu.memory_space<hbm>>
        %dma_start3A_165 = arith.constant 0 : i32
        %dma_start3A_166 = tpu.memref_slice %arg4[%add3A_74, %dma_start3A_165] : memref<262144x128xf32, #tpu.memory_space<hbm>> -> memref<128x128xf32, #tpu.memory_space<hbm>>
        %dma_start3A_167 = arith.constant 0 : i32
        %dma_start3A_168 = arith.constant 0 : i32
        %dma_start3A_169 = tpu.memref_slice %arg6[%run_scoped3A, %dma_start3A_167, %dma_start3A_168] : memref<4x128x128xf32, #tpu.memory_space<vmem>> -> memref<1x128x128xf32, #tpu.memory_space<vmem>>
        %dma_start3A_170 = tpu.memref_squeeze %dma_start3A_169 : memref<1x128x128xf32, #tpu.memory_space<vmem>> -> memref<128x128xf32, #tpu.memory_space<vmem>>
        tpu.enqueue_dma source(%dma_start3A_170 : memref<128x128xf32, #tpu.memory_space<vmem>>) target(%dma_start3A_166 : memref<128x128xf32, #tpu.memory_space<hbm>>) target_semaphore(%run_scoped3A_158 : memref<!tpu.dma_semaphore, #tpu.memory_space<semaphore_mem>>)
        %dma_wait3A_171 = arith.constant 0 : i32
        %dma_wait3A_172 = arith.constant 0 : i32
        %dma_wait3A_173 = tpu.memref_slice %arg6[%run_scoped3A, %dma_wait3A_171, %dma_wait3A_172] : memref<4x128x128xf32, #tpu.memory_space<vmem>> -> memref<1x128x128xf32, #tpu.memory_space<vmem>>
        %dma_wait3A_174 = tpu.memref_squeeze %dma_wait3A_173 : memref<1x128x128xf32, #tpu.memory_space<vmem>> -> memref<128x128xf32, #tpu.memory_space<vmem>>
        %dma_wait3A_175 = arith.constant 0 : i32
        %dma_wait3A_176 = tpu.memref_slice %arg4[%add3A_74, %dma_wait3A_175] : memref<262144x128xf32, #tpu.memory_space<hbm>> -> memref<128x128xf32, #tpu.memory_space<hbm>>
        %dma_wait3A_177 = arith.constant 0 : i32
        %dma_wait3A_178 = tpu.memref_slice %arg4[%add3A_74, %dma_wait3A_177] : memref<262144x128xf32, #tpu.memory_space<hbm>> -> memref<128x128xf32, #tpu.memory_space<hbm>>
        %dma_wait3A_179 = arith.constant 0 : i32
        %dma_wait3A_180 = arith.constant 0 : i32
        %dma_wait3A_181 = tpu.memref_slice %arg6[%run_scoped3A, %dma_wait3A_179, %dma_wait3A_180] : memref<4x128x128xf32, #tpu.memory_space<vmem>> -> memref<1x128x128xf32, #tpu.memory_space<vmem>>
        %dma_wait3A_182 = tpu.memref_squeeze %dma_wait3A_181 : memref<1x128x128xf32, #tpu.memory_space<vmem>> -> memref<128x128xf32, #tpu.memory_space<vmem>>
        tpu.wait_dma2 semaphore(%run_scoped3A_158 : memref<!tpu.dma_semaphore, #tpu.memory_space<semaphore_mem>>) src(%dma_wait3A_182 : memref<128x128xf32, #tpu.memory_space<vmem>>) dst(%dma_wait3A_178 : memref<128x128xf32, #tpu.memory_space<hbm>>)
        tpu.yield
      }) : () -> ()
      %add3A_75 = arith.constant 4 : i32
      %add3A_76 = arith.addi %add3A_61, %add3A_75 : i32
      %lt3A = arith.constant 64 : i32
      %lt3A_77 = arith.cmpi slt, %add3A_76, %lt3A : i32
      %convert_element_type3A = arith.extui %lt3A_77 : i1 to i32
      %cond3A = arith.constant 0 : i32
      %cond3A_78 = arith.cmpi ne, %convert_element_type3A, %cond3A : i32
      scf.if %cond3A_78 {
        %dma_start3A_158 = arith.constant 0 : i32
        %dma_start3A_159 = arith.constant 0 : i32
        %dma_start3A_160 = arith.constant 0 : i32
        %dma_start3A_161 = tpu.memref_slice %arg6[%dma_start3A_158, %dma_start3A_159, %dma_start3A_160] : memref<4x128x128xf32, #tpu.memory_space<vmem>> -> memref<1x128x128xf32, #tpu.memory_space<vmem>>
        %dma_start3A_162 = tpu.memref_squeeze %dma_start3A_161 : memref<1x128x128xf32, #tpu.memory_space<vmem>> -> memref<128x128xf32, #tpu.memory_space<vmem>>
        %dma_start3A_163 = arith.constant 0 : i32
        %dma_start3A_164 = tpu.memref_slice %arg5[%add3A_76, %dma_start3A_163] : memref<64x128xi32, #tpu.memory_space<vmem>> -> memref<1x128xi32, #tpu.memory_space<vmem>>
        %dma_start3A_165 = tpu.memref_squeeze %dma_start3A_164 : memref<1x128xi32, #tpu.memory_space<vmem>> -> memref<128xi32, #tpu.memory_space<vmem>>
        %dma_start3A_166 = arith.constant 0 : i32
        %dma_start3A_167 = arith.constant 0 : i32
        %dma_start3A_168 = tpu.memref_slice %arg2[%dma_start3A_166, %dma_start3A_167] : memref<8192x128xf32, #tpu.memory_space<hbm>> -> memref<8192x128xf32, #tpu.memory_space<hbm>>
        tpu.enqueue_indirect_dma source(%dma_start3A_168 : memref<8192x128xf32, #tpu.memory_space<hbm>>) target(%dma_start3A_162 : memref<128x128xf32, #tpu.memory_space<vmem>>) offsets(%dma_start3A_165 : memref<128xi32, #tpu.memory_space<vmem>>) semaphore(%arg7 : memref<!tpu.dma_semaphore, #tpu.memory_space<semaphore_mem>>)
      } else {
      }
      %mul3A_79 = arith.constant 4 : i32
      %mul3A_80 = arith.muli %scan3A_56, %mul3A_79 : i32
      %add3A_81 = arith.constant 1 : i32
      %add3A_82 = arith.addi %mul3A_80, %add3A_81 : i32
      %dma_wait3A_83 = arith.constant 1 : i32
      %dma_wait3A_84 = arith.constant 0 : i32
      %dma_wait3A_85 = arith.constant 0 : i32
      %dma_wait3A_86 = tpu.memref_slice %arg6[%dma_wait3A_83, %dma_wait3A_84, %dma_wait3A_85] : memref<4x128x128xf32, #tpu.memory_space<vmem>> -> memref<1x128x128xf32, #tpu.memory_space<vmem>>
      %dma_wait3A_87 = tpu.memref_squeeze %dma_wait3A_86 : memref<1x128x128xf32, #tpu.memory_space<vmem>> -> memref<128x128xf32, #tpu.memory_space<vmem>>
      %dma_wait3A_88 = arith.constant 0 : i32
      %dma_wait3A_89 = tpu.memref_slice %arg5[%add3A_82, %dma_wait3A_88] : memref<64x128xi32, #tpu.memory_space<vmem>> -> memref<1x128xi32, #tpu.memory_space<vmem>>
      %dma_wait3A_90 = tpu.memref_squeeze %dma_wait3A_89 : memref<1x128xi32, #tpu.memory_space<vmem>> -> memref<128xi32, #tpu.memory_space<vmem>>
      %dma_wait3A_91 = arith.constant 0 : i32
      %dma_wait3A_92 = arith.constant 0 : i32
      %dma_wait3A_93 = tpu.memref_slice %arg2[%dma_wait3A_91, %dma_wait3A_92] : memref<8192x128xf32, #tpu.memory_space<hbm>> -> memref<8192x128xf32, #tpu.memory_space<hbm>>
      tpu.wait_indirect_dma semaphore(%arg8 : memref<!tpu.dma_semaphore, #tpu.memory_space<semaphore_mem>>) src(%dma_wait3A_93 : memref<8192x128xf32, #tpu.memory_space<hbm>>) dst(%dma_wait3A_87 : memref<128x128xf32, #tpu.memory_space<vmem>>)
      %mul3A_94 = arith.constant 128 : i32
      %mul3A_95 = arith.muli %add3A_82, %mul3A_94 : i32
      %add3A_96 = arith.addi %mul3A_2, %mul3A_95 : i32
      %run_scoped3A_97 = arith.constant 1 : i32
      "tpu.region"() ({
        %run_scoped3A_158 = tpu.sem_alloc : memref<!tpu.dma_semaphore, #tpu.memory_space<semaphore_mem>>
        %dma_start3A_159 = arith.constant 0 : i32
        %dma_start3A_160 = arith.constant 0 : i32
        %dma_start3A_161 = tpu.memref_slice %arg6[%run_scoped3A_97, %dma_start3A_159, %dma_start3A_160] : memref<4x128x128xf32, #tpu.memory_space<vmem>> -> memref<1x128x128xf32, #tpu.memory_space<vmem>>
        %dma_start3A_162 = tpu.memref_squeeze %dma_start3A_161 : memref<1x128x128xf32, #tpu.memory_space<vmem>> -> memref<128x128xf32, #tpu.memory_space<vmem>>
        %dma_start3A_163 = arith.constant 0 : i32
        %dma_start3A_164 = tpu.memref_slice %arg4[%add3A_96, %dma_start3A_163] : memref<262144x128xf32, #tpu.memory_space<hbm>> -> memref<128x128xf32, #tpu.memory_space<hbm>>
        %dma_start3A_165 = arith.constant 0 : i32
        %dma_start3A_166 = tpu.memref_slice %arg4[%add3A_96, %dma_start3A_165] : memref<262144x128xf32, #tpu.memory_space<hbm>> -> memref<128x128xf32, #tpu.memory_space<hbm>>
        %dma_start3A_167 = arith.constant 0 : i32
        %dma_start3A_168 = arith.constant 0 : i32
        %dma_start3A_169 = tpu.memref_slice %arg6[%run_scoped3A_97, %dma_start3A_167, %dma_start3A_168] : memref<4x128x128xf32, #tpu.memory_space<vmem>> -> memref<1x128x128xf32, #tpu.memory_space<vmem>>
        %dma_start3A_170 = tpu.memref_squeeze %dma_start3A_169 : memref<1x128x128xf32, #tpu.memory_space<vmem>> -> memref<128x128xf32, #tpu.memory_space<vmem>>
        tpu.enqueue_dma source(%dma_start3A_170 : memref<128x128xf32, #tpu.memory_space<vmem>>) target(%dma_start3A_166 : memref<128x128xf32, #tpu.memory_space<hbm>>) target_semaphore(%run_scoped3A_158 : memref<!tpu.dma_semaphore, #tpu.memory_space<semaphore_mem>>)
        %dma_wait3A_171 = arith.constant 0 : i32
        %dma_wait3A_172 = arith.constant 0 : i32
        %dma_wait3A_173 = tpu.memref_slice %arg6[%run_scoped3A_97, %dma_wait3A_171, %dma_wait3A_172] : memref<4x128x128xf32, #tpu.memory_space<vmem>> -> memref<1x128x128xf32, #tpu.memory_space<vmem>>
        %dma_wait3A_174 = tpu.memref_squeeze %dma_wait3A_173 : memref<1x128x128xf32, #tpu.memory_space<vmem>> -> memref<128x128xf32, #tpu.memory_space<vmem>>
        %dma_wait3A_175 = arith.constant 0 : i32
        %dma_wait3A_176 = tpu.memref_slice %arg4[%add3A_96, %dma_wait3A_175] : memref<262144x128xf32, #tpu.memory_space<hbm>> -> memref<128x128xf32, #tpu.memory_space<hbm>>
        %dma_wait3A_177 = arith.constant 0 : i32
        %dma_wait3A_178 = tpu.memref_slice %arg4[%add3A_96, %dma_wait3A_177] : memref<262144x128xf32, #tpu.memory_space<hbm>> -> memref<128x128xf32, #tpu.memory_space<hbm>>
        %dma_wait3A_179 = arith.constant 0 : i32
        %dma_wait3A_180 = arith.constant 0 : i32
        %dma_wait3A_181 = tpu.memref_slice %arg6[%run_scoped3A_97, %dma_wait3A_179, %dma_wait3A_180] : memref<4x128x128xf32, #tpu.memory_space<vmem>> -> memref<1x128x128xf32, #tpu.memory_space<vmem>>
        %dma_wait3A_182 = tpu.memref_squeeze %dma_wait3A_181 : memref<1x128x128xf32, #tpu.memory_space<vmem>> -> memref<128x128xf32, #tpu.memory_space<vmem>>
        tpu.wait_dma2 semaphore(%run_scoped3A_158 : memref<!tpu.dma_semaphore, #tpu.memory_space<semaphore_mem>>) src(%dma_wait3A_182 : memref<128x128xf32, #tpu.memory_space<vmem>>) dst(%dma_wait3A_178 : memref<128x128xf32, #tpu.memory_space<hbm>>)
        tpu.yield
      }) : () -> ()
      %add3A_98 = arith.constant 4 : i32
      %add3A_99 = arith.addi %add3A_82, %add3A_98 : i32
      %lt3A_100 = arith.constant 64 : i32
      %lt3A_101 = arith.cmpi slt, %add3A_99, %lt3A_100 : i32
      %convert_element_type3A_102 = arith.extui %lt3A_101 : i1 to i32
      %cond3A_103 = arith.constant 0 : i32
      %cond3A_104 = arith.cmpi ne, %convert_element_type3A_102, %cond3A_103 : i32
      scf.if %cond3A_104 {
        %dma_start3A_158 = arith.constant 1 : i32
        %dma_start3A_159 = arith.constant 0 : i32
        %dma_start3A_160 = arith.constant 0 : i32
        %dma_start3A_161 = tpu.memref_slice %arg6[%dma_start3A_158, %dma_start3A_159, %dma_start3A_160] : memref<4x128x128xf32, #tpu.memory_space<vmem>> -> memref<1x128x128xf32, #tpu.memory_space<vmem>>
        %dma_start3A_162 = tpu.memref_squeeze %dma_start3A_161 : memref<1x128x128xf32, #tpu.memory_space<vmem>> -> memref<128x128xf32, #tpu.memory_space<vmem>>
        %dma_start3A_163 = arith.constant 0 : i32
        %dma_start3A_164 = tpu.memref_slice %arg5[%add3A_99, %dma_start3A_163] : memref<64x128xi32, #tpu.memory_space<vmem>> -> memref<1x128xi32, #tpu.memory_space<vmem>>
        %dma_start3A_165 = tpu.memref_squeeze %dma_start3A_164 : memref<1x128xi32, #tpu.memory_space<vmem>> -> memref<128xi32, #tpu.memory_space<vmem>>
        %dma_start3A_166 = arith.constant 0 : i32
        %dma_start3A_167 = arith.constant 0 : i32
        %dma_start3A_168 = tpu.memref_slice %arg2[%dma_start3A_166, %dma_start3A_167] : memref<8192x128xf32, #tpu.memory_space<hbm>> -> memref<8192x128xf32, #tpu.memory_space<hbm>>
        tpu.enqueue_indirect_dma source(%dma_start3A_168 : memref<8192x128xf32, #tpu.memory_space<hbm>>) target(%dma_start3A_162 : memref<128x128xf32, #tpu.memory_space<vmem>>) offsets(%dma_start3A_165 : memref<128xi32, #tpu.memory_space<vmem>>) semaphore(%arg8 : memref<!tpu.dma_semaphore, #tpu.memory_space<semaphore_mem>>)
      } else {
      }
      %mul3A_105 = arith.constant 4 : i32
      %mul3A_106 = arith.muli %scan3A_56, %mul3A_105 : i32
      %add3A_107 = arith.constant 2 : i32
      %add3A_108 = arith.addi %mul3A_106, %add3A_107 : i32
      %dma_wait3A_109 = arith.constant 2 : i32
      %dma_wait3A_110 = arith.constant 0 : i32
      %dma_wait3A_111 = arith.constant 0 : i32
      %dma_wait3A_112 = tpu.memref_slice %arg6[%dma_wait3A_109, %dma_wait3A_110, %dma_wait3A_111] : memref<4x128x128xf32, #tpu.memory_space<vmem>> -> memref<1x128x128xf32, #tpu.memory_space<vmem>>
      %dma_wait3A_113 = tpu.memref_squeeze %dma_wait3A_112 : memref<1x128x128xf32, #tpu.memory_space<vmem>> -> memref<128x128xf32, #tpu.memory_space<vmem>>
      %dma_wait3A_114 = arith.constant 0 : i32
      %dma_wait3A_115 = tpu.memref_slice %arg5[%add3A_108, %dma_wait3A_114] : memref<64x128xi32, #tpu.memory_space<vmem>> -> memref<1x128xi32, #tpu.memory_space<vmem>>
      %dma_wait3A_116 = tpu.memref_squeeze %dma_wait3A_115 : memref<1x128xi32, #tpu.memory_space<vmem>> -> memref<128xi32, #tpu.memory_space<vmem>>
      %dma_wait3A_117 = arith.constant 0 : i32
      %dma_wait3A_118 = arith.constant 0 : i32
      %dma_wait3A_119 = tpu.memref_slice %arg2[%dma_wait3A_117, %dma_wait3A_118] : memref<8192x128xf32, #tpu.memory_space<hbm>> -> memref<8192x128xf32, #tpu.memory_space<hbm>>
      tpu.wait_indirect_dma semaphore(%arg9 : memref<!tpu.dma_semaphore, #tpu.memory_space<semaphore_mem>>) src(%dma_wait3A_119 : memref<8192x128xf32, #tpu.memory_space<hbm>>) dst(%dma_wait3A_113 : memref<128x128xf32, #tpu.memory_space<vmem>>)
      %mul3A_120 = arith.constant 128 : i32
      %mul3A_121 = arith.muli %add3A_108, %mul3A_120 : i32
      %add3A_122 = arith.addi %mul3A_2, %mul3A_121 : i32
      %run_scoped3A_123 = arith.constant 2 : i32
      "tpu.region"() ({
        %run_scoped3A_158 = tpu.sem_alloc : memref<!tpu.dma_semaphore, #tpu.memory_space<semaphore_mem>>
        %dma_start3A_159 = arith.constant 0 : i32
        %dma_start3A_160 = arith.constant 0 : i32
        %dma_start3A_161 = tpu.memref_slice %arg6[%run_scoped3A_123, %dma_start3A_159, %dma_start3A_160] : memref<4x128x128xf32, #tpu.memory_space<vmem>> -> memref<1x128x128xf32, #tpu.memory_space<vmem>>
        %dma_start3A_162 = tpu.memref_squeeze %dma_start3A_161 : memref<1x128x128xf32, #tpu.memory_space<vmem>> -> memref<128x128xf32, #tpu.memory_space<vmem>>
        %dma_start3A_163 = arith.constant 0 : i32
        %dma_start3A_164 = tpu.memref_slice %arg4[%add3A_122, %dma_start3A_163] : memref<262144x128xf32, #tpu.memory_space<hbm>> -> memref<128x128xf32, #tpu.memory_space<hbm>>
        %dma_start3A_165 = arith.constant 0 : i32
        %dma_start3A_166 = tpu.memref_slice %arg4[%add3A_122, %dma_start3A_165] : memref<262144x128xf32, #tpu.memory_space<hbm>> -> memref<128x128xf32, #tpu.memory_space<hbm>>
        %dma_start3A_167 = arith.constant 0 : i32
        %dma_start3A_168 = arith.constant 0 : i32
        %dma_start3A_169 = tpu.memref_slice %arg6[%run_scoped3A_123, %dma_start3A_167, %dma_start3A_168] : memref<4x128x128xf32, #tpu.memory_space<vmem>> -> memref<1x128x128xf32, #tpu.memory_space<vmem>>
        %dma_start3A_170 = tpu.memref_squeeze %dma_start3A_169 : memref<1x128x128xf32, #tpu.memory_space<vmem>> -> memref<128x128xf32, #tpu.memory_space<vmem>>
        tpu.enqueue_dma source(%dma_start3A_170 : memref<128x128xf32, #tpu.memory_space<vmem>>) target(%dma_start3A_166 : memref<128x128xf32, #tpu.memory_space<hbm>>) target_semaphore(%run_scoped3A_158 : memref<!tpu.dma_semaphore, #tpu.memory_space<semaphore_mem>>)
        %dma_wait3A_171 = arith.constant 0 : i32
        %dma_wait3A_172 = arith.constant 0 : i32
        %dma_wait3A_173 = tpu.memref_slice %arg6[%run_scoped3A_123, %dma_wait3A_171, %dma_wait3A_172] : memref<4x128x128xf32, #tpu.memory_space<vmem>> -> memref<1x128x128xf32, #tpu.memory_space<vmem>>
        %dma_wait3A_174 = tpu.memref_squeeze %dma_wait3A_173 : memref<1x128x128xf32, #tpu.memory_space<vmem>> -> memref<128x128xf32, #tpu.memory_space<vmem>>
        %dma_wait3A_175 = arith.constant 0 : i32
        %dma_wait3A_176 = tpu.memref_slice %arg4[%add3A_122, %dma_wait3A_175] : memref<262144x128xf32, #tpu.memory_space<hbm>> -> memref<128x128xf32, #tpu.memory_space<hbm>>
        %dma_wait3A_177 = arith.constant 0 : i32
        %dma_wait3A_178 = tpu.memref_slice %arg4[%add3A_122, %dma_wait3A_177] : memref<262144x128xf32, #tpu.memory_space<hbm>> -> memref<128x128xf32, #tpu.memory_space<hbm>>
        %dma_wait3A_179 = arith.constant 0 : i32
        %dma_wait3A_180 = arith.constant 0 : i32
        %dma_wait3A_181 = tpu.memref_slice %arg6[%run_scoped3A_123, %dma_wait3A_179, %dma_wait3A_180] : memref<4x128x128xf32, #tpu.memory_space<vmem>> -> memref<1x128x128xf32, #tpu.memory_space<vmem>>
        %dma_wait3A_182 = tpu.memref_squeeze %dma_wait3A_181 : memref<1x128x128xf32, #tpu.memory_space<vmem>> -> memref<128x128xf32, #tpu.memory_space<vmem>>
        tpu.wait_dma2 semaphore(%run_scoped3A_158 : memref<!tpu.dma_semaphore, #tpu.memory_space<semaphore_mem>>) src(%dma_wait3A_182 : memref<128x128xf32, #tpu.memory_space<vmem>>) dst(%dma_wait3A_178 : memref<128x128xf32, #tpu.memory_space<hbm>>)
        tpu.yield
      }) : () -> ()
      %add3A_124 = arith.constant 4 : i32
      %add3A_125 = arith.addi %add3A_108, %add3A_124 : i32
      %lt3A_126 = arith.constant 64 : i32
      %lt3A_127 = arith.cmpi slt, %add3A_125, %lt3A_126 : i32
      %convert_element_type3A_128 = arith.extui %lt3A_127 : i1 to i32
      %cond3A_129 = arith.constant 0 : i32
      %cond3A_130 = arith.cmpi ne, %convert_element_type3A_128, %cond3A_129 : i32
      scf.if %cond3A_130 {
        %dma_start3A_158 = arith.constant 2 : i32
        %dma_start3A_159 = arith.constant 0 : i32
        %dma_start3A_160 = arith.constant 0 : i32
        %dma_start3A_161 = tpu.memref_slice %arg6[%dma_start3A_158, %dma_start3A_159, %dma_start3A_160] : memref<4x128x128xf32, #tpu.memory_space<vmem>> -> memref<1x128x128xf32, #tpu.memory_space<vmem>>
        %dma_start3A_162 = tpu.memref_squeeze %dma_start3A_161 : memref<1x128x128xf32, #tpu.memory_space<vmem>> -> memref<128x128xf32, #tpu.memory_space<vmem>>
        %dma_start3A_163 = arith.constant 0 : i32
        %dma_start3A_164 = tpu.memref_slice %arg5[%add3A_125, %dma_start3A_163] : memref<64x128xi32, #tpu.memory_space<vmem>> -> memref<1x128xi32, #tpu.memory_space<vmem>>
        %dma_start3A_165 = tpu.memref_squeeze %dma_start3A_164 : memref<1x128xi32, #tpu.memory_space<vmem>> -> memref<128xi32, #tpu.memory_space<vmem>>
        %dma_start3A_166 = arith.constant 0 : i32
        %dma_start3A_167 = arith.constant 0 : i32
        %dma_start3A_168 = tpu.memref_slice %arg2[%dma_start3A_166, %dma_start3A_167] : memref<8192x128xf32, #tpu.memory_space<hbm>> -> memref<8192x128xf32, #tpu.memory_space<hbm>>
        tpu.enqueue_indirect_dma source(%dma_start3A_168 : memref<8192x128xf32, #tpu.memory_space<hbm>>) target(%dma_start3A_162 : memref<128x128xf32, #tpu.memory_space<vmem>>) offsets(%dma_start3A_165 : memref<128xi32, #tpu.memory_space<vmem>>) semaphore(%arg9 : memref<!tpu.dma_semaphore, #tpu.memory_space<semaphore_mem>>)
      } else {
      }
      %mul3A_131 = arith.constant 4 : i32
      %mul3A_132 = arith.muli %scan3A_56, %mul3A_131 : i32
      %add3A_133 = arith.constant 3 : i32
      %add3A_134 = arith.addi %mul3A_132, %add3A_133 : i32
      %dma_wait3A_135 = arith.constant 3 : i32
      %dma_wait3A_136 = arith.constant 0 : i32
      %dma_wait3A_137 = arith.constant 0 : i32
      %dma_wait3A_138 = tpu.memref_slice %arg6[%dma_wait3A_135, %dma_wait3A_136, %dma_wait3A_137] : memref<4x128x128xf32, #tpu.memory_space<vmem>> -> memref<1x128x128xf32, #tpu.memory_space<vmem>>
      %dma_wait3A_139 = tpu.memref_squeeze %dma_wait3A_138 : memref<1x128x128xf32, #tpu.memory_space<vmem>> -> memref<128x128xf32, #tpu.memory_space<vmem>>
      %dma_wait3A_140 = arith.constant 0 : i32
      %dma_wait3A_141 = tpu.memref_slice %arg5[%add3A_134, %dma_wait3A_140] : memref<64x128xi32, #tpu.memory_space<vmem>> -> memref<1x128xi32, #tpu.memory_space<vmem>>
      %dma_wait3A_142 = tpu.memref_squeeze %dma_wait3A_141 : memref<1x128xi32, #tpu.memory_space<vmem>> -> memref<128xi32, #tpu.memory_space<vmem>>
      %dma_wait3A_143 = arith.constant 0 : i32
      %dma_wait3A_144 = arith.constant 0 : i32
      %dma_wait3A_145 = tpu.memref_slice %arg2[%dma_wait3A_143, %dma_wait3A_144] : memref<8192x128xf32, #tpu.memory_space<hbm>> -> memref<8192x128xf32, #tpu.memory_space<hbm>>
      tpu.wait_indirect_dma semaphore(%arg10 : memref<!tpu.dma_semaphore, #tpu.memory_space<semaphore_mem>>) src(%dma_wait3A_145 : memref<8192x128xf32, #tpu.memory_space<hbm>>) dst(%dma_wait3A_139 : memref<128x128xf32, #tpu.memory_space<vmem>>)
      %mul3A_146 = arith.constant 128 : i32
      %mul3A_147 = arith.muli %add3A_134, %mul3A_146 : i32
      %add3A_148 = arith.addi %mul3A_2, %mul3A_147 : i32
      %run_scoped3A_149 = arith.constant 3 : i32
      "tpu.region"() ({
        %run_scoped3A_158 = tpu.sem_alloc : memref<!tpu.dma_semaphore, #tpu.memory_space<semaphore_mem>>
        %dma_start3A_159 = arith.constant 0 : i32
        %dma_start3A_160 = arith.constant 0 : i32
        %dma_start3A_161 = tpu.memref_slice %arg6[%run_scoped3A_149, %dma_start3A_159, %dma_start3A_160] : memref<4x128x128xf32, #tpu.memory_space<vmem>> -> memref<1x128x128xf32, #tpu.memory_space<vmem>>
        %dma_start3A_162 = tpu.memref_squeeze %dma_start3A_161 : memref<1x128x128xf32, #tpu.memory_space<vmem>> -> memref<128x128xf32, #tpu.memory_space<vmem>>
        %dma_start3A_163 = arith.constant 0 : i32
        %dma_start3A_164 = tpu.memref_slice %arg4[%add3A_148, %dma_start3A_163] : memref<262144x128xf32, #tpu.memory_space<hbm>> -> memref<128x128xf32, #tpu.memory_space<hbm>>
        %dma_start3A_165 = arith.constant 0 : i32
        %dma_start3A_166 = tpu.memref_slice %arg4[%add3A_148, %dma_start3A_165] : memref<262144x128xf32, #tpu.memory_space<hbm>> -> memref<128x128xf32, #tpu.memory_space<hbm>>
        %dma_start3A_167 = arith.constant 0 : i32
        %dma_start3A_168 = arith.constant 0 : i32
        %dma_start3A_169 = tpu.memref_slice %arg6[%run_scoped3A_149, %dma_start3A_167, %dma_start3A_168] : memref<4x128x128xf32, #tpu.memory_space<vmem>> -> memref<1x128x128xf32, #tpu.memory_space<vmem>>
        %dma_start3A_170 = tpu.memref_squeeze %dma_start3A_169 : memref<1x128x128xf32, #tpu.memory_space<vmem>> -> memref<128x128xf32, #tpu.memory_space<vmem>>
        tpu.enqueue_dma source(%dma_start3A_170 : memref<128x128xf32, #tpu.memory_space<vmem>>) target(%dma_start3A_166 : memref<128x128xf32, #tpu.memory_space<hbm>>) target_semaphore(%run_scoped3A_158 : memref<!tpu.dma_semaphore, #tpu.memory_space<semaphore_mem>>)
        %dma_wait3A_171 = arith.constant 0 : i32
        %dma_wait3A_172 = arith.constant 0 : i32
        %dma_wait3A_173 = tpu.memref_slice %arg6[%run_scoped3A_149, %dma_wait3A_171, %dma_wait3A_172] : memref<4x128x128xf32, #tpu.memory_space<vmem>> -> memref<1x128x128xf32, #tpu.memory_space<vmem>>
        %dma_wait3A_174 = tpu.memref_squeeze %dma_wait3A_173 : memref<1x128x128xf32, #tpu.memory_space<vmem>> -> memref<128x128xf32, #tpu.memory_space<vmem>>
        %dma_wait3A_175 = arith.constant 0 : i32
        %dma_wait3A_176 = tpu.memref_slice %arg4[%add3A_148, %dma_wait3A_175] : memref<262144x128xf32, #tpu.memory_space<hbm>> -> memref<128x128xf32, #tpu.memory_space<hbm>>
        %dma_wait3A_177 = arith.constant 0 : i32
        %dma_wait3A_178 = tpu.memref_slice %arg4[%add3A_148, %dma_wait3A_177] : memref<262144x128xf32, #tpu.memory_space<hbm>> -> memref<128x128xf32, #tpu.memory_space<hbm>>
        %dma_wait3A_179 = arith.constant 0 : i32
        %dma_wait3A_180 = arith.constant 0 : i32
        %dma_wait3A_181 = tpu.memref_slice %arg6[%run_scoped3A_149, %dma_wait3A_179, %dma_wait3A_180] : memref<4x128x128xf32, #tpu.memory_space<vmem>> -> memref<1x128x128xf32, #tpu.memory_space<vmem>>
        %dma_wait3A_182 = tpu.memref_squeeze %dma_wait3A_181 : memref<1x128x128xf32, #tpu.memory_space<vmem>> -> memref<128x128xf32, #tpu.memory_space<vmem>>
        tpu.wait_dma2 semaphore(%run_scoped3A_158 : memref<!tpu.dma_semaphore, #tpu.memory_space<semaphore_mem>>) src(%dma_wait3A_182 : memref<128x128xf32, #tpu.memory_space<vmem>>) dst(%dma_wait3A_178 : memref<128x128xf32, #tpu.memory_space<hbm>>)
        tpu.yield
      }) : () -> ()
      %add3A_150 = arith.constant 4 : i32
      %add3A_151 = arith.addi %add3A_134, %add3A_150 : i32
      %lt3A_152 = arith.constant 64 : i32
      %lt3A_153 = arith.cmpi slt, %add3A_151, %lt3A_152 : i32
      %convert_element_type3A_154 = arith.extui %lt3A_153 : i1 to i32
      %cond3A_155 = arith.constant 0 : i32
      %cond3A_156 = arith.cmpi ne, %convert_element_type3A_154, %cond3A_155 : i32
      scf.if %cond3A_156 {
        %dma_start3A_158 = arith.constant 3 : i32
        %dma_start3A_159 = arith.constant 0 : i32
        %dma_start3A_160 = arith.constant 0 : i32
        %dma_start3A_161 = tpu.memref_slice %arg6[%dma_start3A_158, %dma_start3A_159, %dma_start3A_160] : memref<4x128x128xf32, #tpu.memory_space<vmem>> -> memref<1x128x128xf32, #tpu.memory_space<vmem>>
        %dma_start3A_162 = tpu.memref_squeeze %dma_start3A_161 : memref<1x128x128xf32, #tpu.memory_space<vmem>> -> memref<128x128xf32, #tpu.memory_space<vmem>>
        %dma_start3A_163 = arith.constant 0 : i32
        %dma_start3A_164 = tpu.memref_slice %arg5[%add3A_151, %dma_start3A_163] : memref<64x128xi32, #tpu.memory_space<vmem>> -> memref<1x128xi32, #tpu.memory_space<vmem>>
        %dma_start3A_165 = tpu.memref_squeeze %dma_start3A_164 : memref<1x128xi32, #tpu.memory_space<vmem>> -> memref<128xi32, #tpu.memory_space<vmem>>
        %dma_start3A_166 = arith.constant 0 : i32
        %dma_start3A_167 = arith.constant 0 : i32
        %dma_start3A_168 = tpu.memref_slice %arg2[%dma_start3A_166, %dma_start3A_167] : memref<8192x128xf32, #tpu.memory_space<hbm>> -> memref<8192x128xf32, #tpu.memory_space<hbm>>
        tpu.enqueue_indirect_dma source(%dma_start3A_168 : memref<8192x128xf32, #tpu.memory_space<hbm>>) target(%dma_start3A_162 : memref<128x128xf32, #tpu.memory_space<vmem>>) offsets(%dma_start3A_165 : memref<128xi32, #tpu.memory_space<vmem>>) semaphore(%arg10 : memref<!tpu.dma_semaphore, #tpu.memory_space<semaphore_mem>>)
      } else {
      }
      %scan3A_157 = arith.constant 0 : i32
      scf.yield %scan3A_157 : i32
    }
    %scan3A_55 = arith.constant 16 : i32
    return
  }
}

module attributes {stable_mosaic.version = 14 : i64} {
  func.func @_tc_body(%arg0: i32, %arg1: memref<8192x128xf32, #tpu.memory_space<vmem>>, %arg2: memref<32x14x8x32xbf16, #tpu.memory_space<vmem>>, %arg3: memref<14x128x712xbf16, #tpu.memory_space<vmem>>, %arg4: memref<112x256xbf16, #tpu.memory_space<vmem>>, %arg5: memref<256x48xf32, #tpu.memory_space<vmem>>, %arg6: memref<256x264xf32, #tpu.memory_space<vmem>>, %arg7: memref<256x400xf32, #tpu.memory_space<vmem>>, %arg8: memref<14x256x128xf32, #tpu.memory_space<vmem>>) attributes {dimension_semantics = [#tpu.dimension_semantics<arbitrary>], iteration_bounds = array<i64: 32>, scalar_prefetch = 0 : i64, scratch_operands = 1 : i64, tpu.core_type = #tpu.core_type<tc>, window_params = [{transform_indices = @transform_0, window_bounds = array<i64: 8192, 128>}, {transform_indices = @transform_1, window_bounds = array<i64: 32, 14, 8, 32>}, {pipeline_mode = #tpu.pipeline_mode<synchronous>, transform_indices = @transform_2, window_bounds = array<i64: 14, 128, 712>}, {pipeline_mode = #tpu.pipeline_mode<synchronous>, transform_indices = @transform_3, window_bounds = array<i64: 112, 256>}, {transform_indices = @transform_4, window_bounds = array<i64: 256, 48>}, {transform_indices = @transform_5, window_bounds = array<i64: 256, 264>}, {transform_indices = @transform_6, window_bounds = array<i64: 256, 400>}]} {
    %get3A = arith.constant 0 : index
    %get3A_0 = arith.constant 0 : index
    %get3A_1 = vector.load %arg4[%get3A, %get3A_0] : memref<112x256xbf16, #tpu.memory_space<vmem>>, vector<112x256xbf16>
    %get3A_2 = arith.constant 0 : index
    %get3A_3 = arith.constant 0 : index
    %get3A_4 = vector.load %arg1[%get3A_2, %get3A_3] : memref<8192x128xf32, #tpu.memory_space<vmem>>, vector<256x128xf32>
    %convert_element_type3A = arith.truncf %get3A_4 : vector<256x128xf32> to vector<256x128xbf16>
    %get3A_5 = arith.constant 0 : index
    %get3A_6 = arith.constant 0 : index
    %get3A_7 = arith.constant 0 : index
    %get3A_8 = arith.constant 0 : index
    %get3A_9 = vector.load %arg2[%get3A_5, %get3A_6, %get3A_7, %get3A_8] : memref<32x14x8x32xbf16, #tpu.memory_space<vmem>>, vector<1x14x8x32xbf16>
    %get3A_10 = vector.shape_cast %get3A_9 : vector<1x14x8x32xbf16> to vector<14x8x32xbf16>
    %reshape3A = vector.shape_cast %get3A_10 : vector<14x8x32xbf16> to vector<112x32xbf16>
    %concatenate3A = tpu.concatenate %reshape3A, %reshape3A, %reshape3A, %reshape3A, %reshape3A, %reshape3A, %reshape3A, %reshape3A in 1 : vector<112x32xbf16>, vector<112x32xbf16>, vector<112x32xbf16>, vector<112x32xbf16>, vector<112x32xbf16>, vector<112x32xbf16>, vector<112x32xbf16>, vector<112x32xbf16> -> vector<112x256xbf16>
    %mul3A = arith.mulf %concatenate3A, %get3A_1 : vector<112x256xbf16>
    %dot_general3A = arith.constant dense<0.000000e+00> : vector<112x128xf32>
    %dot_general3A_11 = tpu.matmul %mul3A, %convert_element_type3A, %dot_general3A {dimension_numbers = #tpu.dot_dimension_numbers<[1], [0], [0], [1], [0, 0, 1, 1], [], []>, transpose_lhs_hint = false} : vector<112x256xbf16>, vector<256x128xbf16>, vector<112x128xf32> -> vector<112x128xf32>
    %slice3A = vector.extract_strided_slice %dot_general3A_11 {offsets = [0, 0], sizes = [8, 128], strides = [1, 1]} : vector<112x128xf32> to vector<8x128xf32>
    %swap3A = arith.constant 0 : index
    %swap3A_12 = arith.constant 0 : index
    %swap3A_13 = arith.constant 0 : index
    %swap3A_14 = vector.load %arg8[%swap3A, %swap3A_12, %swap3A_13] : memref<14x256x128xf32, #tpu.memory_space<vmem>>, vector<1x8x128xf32>
    %swap3A_15 = vector.shape_cast %swap3A_14 : vector<1x8x128xf32> to vector<8x128xf32>
    %swap3A_16 = vector.shape_cast %slice3A : vector<8x128xf32> to vector<1x8x128xf32>
    tpu.vector_store %arg8[%swap3A, %swap3A_12, %swap3A_13], %swap3A_16 {strides = array<i32>} : memref<14x256x128xf32, #tpu.memory_space<vmem>>, vector<1x8x128xf32>,
    %slice3A_17 = vector.extract_strided_slice %dot_general3A_11 {offsets = [8, 0], sizes = [8, 128], strides = [1, 1]} : vector<112x128xf32> to vector<8x128xf32>
    %swap3A_18 = arith.constant 1 : index
    %swap3A_19 = arith.constant 0 : index
    %swap3A_20 = arith.constant 0 : index
    %swap3A_21 = vector.load %arg8[%swap3A_18, %swap3A_19, %swap3A_20] : memref<14x256x128xf32, #tpu.memory_space<vmem>>, vector<1x8x128xf32>
    %swap3A_22 = vector.shape_cast %swap3A_21 : vector<1x8x128xf32> to vector<8x128xf32>
    %swap3A_23 = vector.shape_cast %slice3A_17 : vector<8x128xf32> to vector<1x8x128xf32>
    tpu.vector_store %arg8[%swap3A_18, %swap3A_19, %swap3A_20], %swap3A_23 {strides = array<i32>} : memref<14x256x128xf32, #tpu.memory_space<vmem>>, vector<1x8x128xf32>,
    %slice3A_24 = vector.extract_strided_slice %dot_general3A_11 {offsets = [16, 0], sizes = [8, 128], strides = [1, 1]} : vector<112x128xf32> to vector<8x128xf32>
    %swap3A_25 = arith.constant 2 : index
    %swap3A_26 = arith.constant 0 : index
    %swap3A_27 = arith.constant 0 : index
    %swap3A_28 = vector.load %arg8[%swap3A_25, %swap3A_26, %swap3A_27] : memref<14x256x128xf32, #tpu.memory_space<vmem>>, vector<1x8x128xf32>
    %swap3A_29 = vector.shape_cast %swap3A_28 : vector<1x8x128xf32> to vector<8x128xf32>
    %swap3A_30 = vector.shape_cast %slice3A_24 : vector<8x128xf32> to vector<1x8x128xf32>
    tpu.vector_store %arg8[%swap3A_25, %swap3A_26, %swap3A_27], %swap3A_30 {strides = array<i32>} : memref<14x256x128xf32, #tpu.memory_space<vmem>>, vector<1x8x128xf32>,
    %slice3A_31 = vector.extract_strided_slice %dot_general3A_11 {offsets = [24, 0], sizes = [8, 128], strides = [1, 1]} : vector<112x128xf32> to vector<8x128xf32>
    %swap3A_32 = arith.constant 3 : index
    %swap3A_33 = arith.constant 0 : index
    %swap3A_34 = arith.constant 0 : index
    %swap3A_35 = vector.load %arg8[%swap3A_32, %swap3A_33, %swap3A_34] : memref<14x256x128xf32, #tpu.memory_space<vmem>>, vector<1x8x128xf32>
    %swap3A_36 = vector.shape_cast %swap3A_35 : vector<1x8x128xf32> to vector<8x128xf32>
    %swap3A_37 = vector.shape_cast %slice3A_31 : vector<8x128xf32> to vector<1x8x128xf32>
    tpu.vector_store %arg8[%swap3A_32, %swap3A_33, %swap3A_34], %swap3A_37 {strides = array<i32>} : memref<14x256x128xf32, #tpu.memory_space<vmem>>, vector<1x8x128xf32>,
    %slice3A_38 = vector.extract_strided_slice %dot_general3A_11 {offsets = [32, 0], sizes = [8, 128], strides = [1, 1]} : vector<112x128xf32> to vector<8x128xf32>
    %swap3A_39 = arith.constant 4 : index
    %swap3A_40 = arith.constant 0 : index
    %swap3A_41 = arith.constant 0 : index
    %swap3A_42 = vector.load %arg8[%swap3A_39, %swap3A_40, %swap3A_41] : memref<14x256x128xf32, #tpu.memory_space<vmem>>, vector<1x8x128xf32>
    %swap3A_43 = vector.shape_cast %swap3A_42 : vector<1x8x128xf32> to vector<8x128xf32>
    %swap3A_44 = vector.shape_cast %slice3A_38 : vector<8x128xf32> to vector<1x8x128xf32>
    tpu.vector_store %arg8[%swap3A_39, %swap3A_40, %swap3A_41], %swap3A_44 {strides = array<i32>} : memref<14x256x128xf32, #tpu.memory_space<vmem>>, vector<1x8x128xf32>,
    %slice3A_45 = vector.extract_strided_slice %dot_general3A_11 {offsets = [40, 0], sizes = [8, 128], strides = [1, 1]} : vector<112x128xf32> to vector<8x128xf32>
    %swap3A_46 = arith.constant 5 : index
    %swap3A_47 = arith.constant 0 : index
    %swap3A_48 = arith.constant 0 : index
    %swap3A_49 = vector.load %arg8[%swap3A_46, %swap3A_47, %swap3A_48] : memref<14x256x128xf32, #tpu.memory_space<vmem>>, vector<1x8x128xf32>
    %swap3A_50 = vector.shape_cast %swap3A_49 : vector<1x8x128xf32> to vector<8x128xf32>
    %swap3A_51 = vector.shape_cast %slice3A_45 : vector<8x128xf32> to vector<1x8x128xf32>
    tpu.vector_store %arg8[%swap3A_46, %swap3A_47, %swap3A_48], %swap3A_51 {strides = array<i32>} : memref<14x256x128xf32, #tpu.memory_space<vmem>>, vector<1x8x128xf32>,
    %slice3A_52 = vector.extract_strided_slice %dot_general3A_11 {offsets = [48, 0], sizes = [8, 128], strides = [1, 1]} : vector<112x128xf32> to vector<8x128xf32>
    %swap3A_53 = arith.constant 6 : index
    %swap3A_54 = arith.constant 0 : index
    %swap3A_55 = arith.constant 0 : index
    %swap3A_56 = vector.load %arg8[%swap3A_53, %swap3A_54, %swap3A_55] : memref<14x256x128xf32, #tpu.memory_space<vmem>>, vector<1x8x128xf32>
    %swap3A_57 = vector.shape_cast %swap3A_56 : vector<1x8x128xf32> to vector<8x128xf32>
    %swap3A_58 = vector.shape_cast %slice3A_52 : vector<8x128xf32> to vector<1x8x128xf32>
    tpu.vector_store %arg8[%swap3A_53, %swap3A_54, %swap3A_55], %swap3A_58 {strides = array<i32>} : memref<14x256x128xf32, #tpu.memory_space<vmem>>, vector<1x8x128xf32>,
    %slice3A_59 = vector.extract_strided_slice %dot_general3A_11 {offsets = [56, 0], sizes = [8, 128], strides = [1, 1]} : vector<112x128xf32> to vector<8x128xf32>
    %swap3A_60 = arith.constant 7 : index
    %swap3A_61 = arith.constant 0 : index
    %swap3A_62 = arith.constant 0 : index
    %swap3A_63 = vector.load %arg8[%swap3A_60, %swap3A_61, %swap3A_62] : memref<14x256x128xf32, #tpu.memory_space<vmem>>, vector<1x8x128xf32>
    %swap3A_64 = vector.shape_cast %swap3A_63 : vector<1x8x128xf32> to vector<8x128xf32>
    %swap3A_65 = vector.shape_cast %slice3A_59 : vector<8x128xf32> to vector<1x8x128xf32>
    tpu.vector_store %arg8[%swap3A_60, %swap3A_61, %swap3A_62], %swap3A_65 {strides = array<i32>} : memref<14x256x128xf32, #tpu.memory_space<vmem>>, vector<1x8x128xf32>,
    %slice3A_66 = vector.extract_strided_slice %dot_general3A_11 {offsets = [64, 0], sizes = [8, 128], strides = [1, 1]} : vector<112x128xf32> to vector<8x128xf32>
    %swap3A_67 = arith.constant 8 : index
    %swap3A_68 = arith.constant 0 : index
    %swap3A_69 = arith.constant 0 : index
    %swap3A_70 = vector.load %arg8[%swap3A_67, %swap3A_68, %swap3A_69] : memref<14x256x128xf32, #tpu.memory_space<vmem>>, vector<1x8x128xf32>
    %swap3A_71 = vector.shape_cast %swap3A_70 : vector<1x8x128xf32> to vector<8x128xf32>
    %swap3A_72 = vector.shape_cast %slice3A_66 : vector<8x128xf32> to vector<1x8x128xf32>
    tpu.vector_store %arg8[%swap3A_67, %swap3A_68, %swap3A_69], %swap3A_72 {strides = array<i32>} : memref<14x256x128xf32, #tpu.memory_space<vmem>>, vector<1x8x128xf32>,
    %slice3A_73 = vector.extract_strided_slice %dot_general3A_11 {offsets = [72, 0], sizes = [8, 128], strides = [1, 1]} : vector<112x128xf32> to vector<8x128xf32>
    %swap3A_74 = arith.constant 9 : index
    %swap3A_75 = arith.constant 0 : index
    %swap3A_76 = arith.constant 0 : index
    %swap3A_77 = vector.load %arg8[%swap3A_74, %swap3A_75, %swap3A_76] : memref<14x256x128xf32, #tpu.memory_space<vmem>>, vector<1x8x128xf32>
    %swap3A_78 = vector.shape_cast %swap3A_77 : vector<1x8x128xf32> to vector<8x128xf32>
    %swap3A_79 = vector.shape_cast %slice3A_73 : vector<8x128xf32> to vector<1x8x128xf32>
    tpu.vector_store %arg8[%swap3A_74, %swap3A_75, %swap3A_76], %swap3A_79 {strides = array<i32>} : memref<14x256x128xf32, #tpu.memory_space<vmem>>, vector<1x8x128xf32>,
    %slice3A_80 = vector.extract_strided_slice %dot_general3A_11 {offsets = [80, 0], sizes = [8, 128], strides = [1, 1]} : vector<112x128xf32> to vector<8x128xf32>
    %swap3A_81 = arith.constant 10 : index
    %swap3A_82 = arith.constant 0 : index
    %swap3A_83 = arith.constant 0 : index
    %swap3A_84 = vector.load %arg8[%swap3A_81, %swap3A_82, %swap3A_83] : memref<14x256x128xf32, #tpu.memory_space<vmem>>, vector<1x8x128xf32>
    %swap3A_85 = vector.shape_cast %swap3A_84 : vector<1x8x128xf32> to vector<8x128xf32>
    %swap3A_86 = vector.shape_cast %slice3A_80 : vector<8x128xf32> to vector<1x8x128xf32>
    tpu.vector_store %arg8[%swap3A_81, %swap3A_82, %swap3A_83], %swap3A_86 {strides = array<i32>} : memref<14x256x128xf32, #tpu.memory_space<vmem>>, vector<1x8x128xf32>,
    %slice3A_87 = vector.extract_strided_slice %dot_general3A_11 {offsets = [88, 0], sizes = [8, 128], strides = [1, 1]} : vector<112x128xf32> to vector<8x128xf32>
    %swap3A_88 = arith.constant 11 : index
    %swap3A_89 = arith.constant 0 : index
    %swap3A_90 = arith.constant 0 : index
    %swap3A_91 = vector.load %arg8[%swap3A_88, %swap3A_89, %swap3A_90] : memref<14x256x128xf32, #tpu.memory_space<vmem>>, vector<1x8x128xf32>
    %swap3A_92 = vector.shape_cast %swap3A_91 : vector<1x8x128xf32> to vector<8x128xf32>
    %swap3A_93 = vector.shape_cast %slice3A_87 : vector<8x128xf32> to vector<1x8x128xf32>
    tpu.vector_store %arg8[%swap3A_88, %swap3A_89, %swap3A_90], %swap3A_93 {strides = array<i32>} : memref<14x256x128xf32, #tpu.memory_space<vmem>>, vector<1x8x128xf32>,
    %slice3A_94 = vector.extract_strided_slice %dot_general3A_11 {offsets = [96, 0], sizes = [8, 128], strides = [1, 1]} : vector<112x128xf32> to vector<8x128xf32>
    %swap3A_95 = arith.constant 12 : index
    %swap3A_96 = arith.constant 0 : index
    %swap3A_97 = arith.constant 0 : index
    %swap3A_98 = vector.load %arg8[%swap3A_95, %swap3A_96, %swap3A_97] : memref<14x256x128xf32, #tpu.memory_space<vmem>>, vector<1x8x128xf32>
    %swap3A_99 = vector.shape_cast %swap3A_98 : vector<1x8x128xf32> to vector<8x128xf32>
    %swap3A_100 = vector.shape_cast %slice3A_94 : vector<8x128xf32> to vector<1x8x128xf32>
    tpu.vector_store %arg8[%swap3A_95, %swap3A_96, %swap3A_97], %swap3A_100 {strides = array<i32>} : memref<14x256x128xf32, #tpu.memory_space<vmem>>, vector<1x8x128xf32>,
    %slice3A_101 = vector.extract_strided_slice %dot_general3A_11 {offsets = [104, 0], sizes = [8, 128], strides = [1, 1]} : vector<112x128xf32> to vector<8x128xf32>
    %swap3A_102 = arith.constant 13 : index
    %swap3A_103 = arith.constant 0 : index
    %swap3A_104 = arith.constant 0 : index
    %swap3A_105 = vector.load %arg8[%swap3A_102, %swap3A_103, %swap3A_104] : memref<14x256x128xf32, #tpu.memory_space<vmem>>, vector<1x8x128xf32>
    %swap3A_106 = vector.shape_cast %swap3A_105 : vector<1x8x128xf32> to vector<8x128xf32>
    %swap3A_107 = vector.shape_cast %slice3A_101 : vector<8x128xf32> to vector<1x8x128xf32>
    tpu.vector_store %arg8[%swap3A_102, %swap3A_103, %swap3A_104], %swap3A_107 {strides = array<i32>} : memref<14x256x128xf32, #tpu.memory_space<vmem>>, vector<1x8x128xf32>,
    %get3A_108 = arith.constant 256 : index
    %get3A_109 = arith.constant 0 : index
    %get3A_110 = vector.load %arg1[%get3A_108, %get3A_109] : memref<8192x128xf32, #tpu.memory_space<vmem>>, vector<256x128xf32>
    %convert_element_type3A_111 = arith.truncf %get3A_110 : vector<256x128xf32> to vector<256x128xbf16>
    %get3A_112 = arith.constant 1 : index
    %get3A_113 = arith.constant 0 : index
    %get3A_114 = arith.constant 0 : index
    %get3A_115 = arith.constant 0 : index
    %get3A_116 = vector.load %arg2[%get3A_112, %get3A_113, %get3A_114, %get3A_115] : memref<32x14x8x32xbf16, #tpu.memory_space<vmem>>, vector<1x14x8x32xbf16>
    %get3A_117 = vector.shape_cast %get3A_116 : vector<1x14x8x32xbf16> to vector<14x8x32xbf16>
    %reshape3A_118 = vector.shape_cast %get3A_117 : vector<14x8x32xbf16> to vector<112x32xbf16>
    %concatenate3A_119 = tpu.concatenate %reshape3A_118, %reshape3A_118, %reshape3A_118, %reshape3A_118, %reshape3A_118, %reshape3A_118, %reshape3A_118, %reshape3A_118 in 1 : vector<112x32xbf16>, vector<112x32xbf16>, vector<112x32xbf16>, vector<112x32xbf16>, vector<112x32xbf16>, vector<112x32xbf16>, vector<112x32xbf16>, vector<112x32xbf16> -> vector<112x256xbf16>
    %mul3A_120 = arith.mulf %concatenate3A_119, %get3A_1 : vector<112x256xbf16>
    %dot_general3A_121 = arith.constant dense<0.000000e+00> : vector<112x128xf32>
    %dot_general3A_122 = tpu.matmul %mul3A_120, %convert_element_type3A_111, %dot_general3A_121 {dimension_numbers = #tpu.dot_dimension_numbers<[1], [0], [0], [1], [0, 0, 1, 1], [], []>, transpose_lhs_hint = false} : vector<112x256xbf16>, vector<256x128xbf16>, vector<112x128xf32> -> vector<112x128xf32>
    %slice3A_123 = vector.extract_strided_slice %dot_general3A_122 {offsets = [0, 0], sizes = [8, 128], strides = [1, 1]} : vector<112x128xf32> to vector<8x128xf32>
    %swap3A_124 = arith.constant 0 : index
    %swap3A_125 = arith.constant 8 : index
    %swap3A_126 = arith.constant 0 : index
    %swap3A_127 = vector.load %arg8[%swap3A_124, %swap3A_125, %swap3A_126] : memref<14x256x128xf32, #tpu.memory_space<vmem>>, vector<1x8x128xf32>
    %swap3A_128 = vector.shape_cast %swap3A_127 : vector<1x8x128xf32> to vector<8x128xf32>
    %swap3A_129 = vector.shape_cast %slice3A_123 : vector<8x128xf32> to vector<1x8x128xf32>
    tpu.vector_store %arg8[%swap3A_124, %swap3A_125, %swap3A_126], %swap3A_129 {strides = array<i32>} : memref<14x256x128xf32, #tpu.memory_space<vmem>>, vector<1x8x128xf32>,
    %slice3A_130 = vector.extract_strided_slice %dot_general3A_122 {offsets = [8, 0], sizes = [8, 128], strides = [1, 1]} : vector<112x128xf32> to vector<8x128xf32>
    %swap3A_131 = arith.constant 1 : index
    %swap3A_132 = arith.constant 8 : index
    %swap3A_133 = arith.constant 0 : index
    %swap3A_134 = vector.load %arg8[%swap3A_131, %swap3A_132, %swap3A_133] : memref<14x256x128xf32, #tpu.memory_space<vmem>>, vector<1x8x128xf32>
    %swap3A_135 = vector.shape_cast %swap3A_134 : vector<1x8x128xf32> to vector<8x128xf32>
    %swap3A_136 = vector.shape_cast %slice3A_130 : vector<8x128xf32> to vector<1x8x128xf32>
    tpu.vector_store %arg8[%swap3A_131, %swap3A_132, %swap3A_133], %swap3A_136 {strides = array<i32>} : memref<14x256x128xf32, #tpu.memory_space<vmem>>, vector<1x8x128xf32>,
    %slice3A_137 = vector.extract_strided_slice %dot_general3A_122 {offsets = [16, 0], sizes = [8, 128], strides = [1, 1]} : vector<112x128xf32> to vector<8x128xf32>
    %swap3A_138 = arith.constant 2 : index
    %swap3A_139 = arith.constant 8 : index
    %swap3A_140 = arith.constant 0 : index
    %swap3A_141 = vector.load %arg8[%swap3A_138, %swap3A_139, %swap3A_140] : memref<14x256x128xf32, #tpu.memory_space<vmem>>, vector<1x8x128xf32>
    %swap3A_142 = vector.shape_cast %swap3A_141 : vector<1x8x128xf32> to vector<8x128xf32>
    %swap3A_143 = vector.shape_cast %slice3A_137 : vector<8x128xf32> to vector<1x8x128xf32>
    tpu.vector_store %arg8[%swap3A_138, %swap3A_139, %swap3A_140], %swap3A_143 {strides = array<i32>} : memref<14x256x128xf32, #tpu.memory_space<vmem>>, vector<1x8x128xf32>,
    %slice3A_144 = vector.extract_strided_slice %dot_general3A_122 {offsets = [24, 0], sizes = [8, 128], strides = [1, 1]} : vector<112x128xf32> to vector<8x128xf32>
    %swap3A_145 = arith.constant 3 : index
    %swap3A_146 = arith.constant 8 : index
    %swap3A_147 = arith.constant 0 : index
    %swap3A_148 = vector.load %arg8[%swap3A_145, %swap3A_146, %swap3A_147] : memref<14x256x128xf32, #tpu.memory_space<vmem>>, vector<1x8x128xf32>
    %swap3A_149 = vector.shape_cast %swap3A_148 : vector<1x8x128xf32> to vector<8x128xf32>
    %swap3A_150 = vector.shape_cast %slice3A_144 : vector<8x128xf32> to vector<1x8x128xf32>
    tpu.vector_store %arg8[%swap3A_145, %swap3A_146, %swap3A_147], %swap3A_150 {strides = array<i32>} : memref<14x256x128xf32, #tpu.memory_space<vmem>>, vector<1x8x128xf32>,
    %slice3A_151 = vector.extract_strided_slice %dot_general3A_122 {offsets = [32, 0], sizes = [8, 128], strides = [1, 1]} : vector<112x128xf32> to vector<8x128xf32>
    %swap3A_152 = arith.constant 4 : index
    %swap3A_153 = arith.constant 8 : index
    %swap3A_154 = arith.constant 0 : index
    %swap3A_155 = vector.load %arg8[%swap3A_152, %swap3A_153, %swap3A_154] : memref<14x256x128xf32, #tpu.memory_space<vmem>>, vector<1x8x128xf32>
    %swap3A_156 = vector.shape_cast %swap3A_155 : vector<1x8x128xf32> to vector<8x128xf32>
    %swap3A_157 = vector.shape_cast %slice3A_151 : vector<8x128xf32> to vector<1x8x128xf32>
    tpu.vector_store %arg8[%swap3A_152, %swap3A_153, %swap3A_154], %swap3A_157 {strides = array<i32>} : memref<14x256x128xf32, #tpu.memory_space<vmem>>, vector<1x8x128xf32>,
    %slice3A_158 = vector.extract_strided_slice %dot_general3A_122 {offsets = [40, 0], sizes = [8, 128], strides = [1, 1]} : vector<112x128xf32> to vector<8x128xf32>
    %swap3A_159 = arith.constant 5 : index
    %swap3A_160 = arith.constant 8 : index
    %swap3A_161 = arith.constant 0 : index
    %swap3A_162 = vector.load %arg8[%swap3A_159, %swap3A_160, %swap3A_161] : memref<14x256x128xf32, #tpu.memory_space<vmem>>, vector<1x8x128xf32>
    %swap3A_163 = vector.shape_cast %swap3A_162 : vector<1x8x128xf32> to vector<8x128xf32>
    %swap3A_164 = vector.shape_cast %slice3A_158 : vector<8x128xf32> to vector<1x8x128xf32>
    tpu.vector_store %arg8[%swap3A_159, %swap3A_160, %swap3A_161], %swap3A_164 {strides = array<i32>} : memref<14x256x128xf32, #tpu.memory_space<vmem>>, vector<1x8x128xf32>,
    %slice3A_165 = vector.extract_strided_slice %dot_general3A_122 {offsets = [48, 0], sizes = [8, 128], strides = [1, 1]} : vector<112x128xf32> to vector<8x128xf32>
    %swap3A_166 = arith.constant 6 : index
    %swap3A_167 = arith.constant 8 : index
    %swap3A_168 = arith.constant 0 : index
    %swap3A_169 = vector.load %arg8[%swap3A_166, %swap3A_167, %swap3A_168] : memref<14x256x128xf32, #tpu.memory_space<vmem>>, vector<1x8x128xf32>
    %swap3A_170 = vector.shape_cast %swap3A_169 : vector<1x8x128xf32> to vector<8x128xf32>
    %swap3A_171 = vector.shape_cast %slice3A_165 : vector<8x128xf32> to vector<1x8x128xf32>
    tpu.vector_store %arg8[%swap3A_166, %swap3A_167, %swap3A_168], %swap3A_171 {strides = array<i32>} : memref<14x256x128xf32, #tpu.memory_space<vmem>>, vector<1x8x128xf32>,
    %slice3A_172 = vector.extract_strided_slice %dot_general3A_122 {offsets = [56, 0], sizes = [8, 128], strides = [1, 1]} : vector<112x128xf32> to vector<8x128xf32>
    %swap3A_173 = arith.constant 7 : index
    %swap3A_174 = arith.constant 8 : index
    %swap3A_175 = arith.constant 0 : index
    %swap3A_176 = vector.load %arg8[%swap3A_173, %swap3A_174, %swap3A_175] : memref<14x256x128xf32, #tpu.memory_space<vmem>>, vector<1x8x128xf32>
    %swap3A_177 = vector.shape_cast %swap3A_176 : vector<1x8x128xf32> to vector<8x128xf32>
    %swap3A_178 = vector.shape_cast %slice3A_172 : vector<8x128xf32> to vector<1x8x128xf32>
    tpu.vector_store %arg8[%swap3A_173, %swap3A_174, %swap3A_175], %swap3A_178 {strides = array<i32>} : memref<14x256x128xf32, #tpu.memory_space<vmem>>, vector<1x8x128xf32>,
    %slice3A_179 = vector.extract_strided_slice %dot_general3A_122 {offsets = [64, 0], sizes = [8, 128], strides = [1, 1]} : vector<112x128xf32> to vector<8x128xf32>
    %swap3A_180 = arith.constant 8 : index
    %swap3A_181 = arith.constant 8 : index
    %swap3A_182 = arith.constant 0 : index
    %swap3A_183 = vector.load %arg8[%swap3A_180, %swap3A_181, %swap3A_182] : memref<14x256x128xf32, #tpu.memory_space<vmem>>, vector<1x8x128xf32>
    %swap3A_184 = vector.shape_cast %swap3A_183 : vector<1x8x128xf32> to vector<8x128xf32>
    %swap3A_185 = vector.shape_cast %slice3A_179 : vector<8x128xf32> to vector<1x8x128xf32>
    tpu.vector_store %arg8[%swap3A_180, %swap3A_181, %swap3A_182], %swap3A_185 {strides = array<i32>} : memref<14x256x128xf32, #tpu.memory_space<vmem>>, vector<1x8x128xf32>,
    %slice3A_186 = vector.extract_strided_slice %dot_general3A_122 {offsets = [72, 0], sizes = [8, 128], strides = [1, 1]} : vector<112x128xf32> to vector<8x128xf32>
    %swap3A_187 = arith.constant 9 : index
    %swap3A_188 = arith.constant 8 : index
    %swap3A_189 = arith.constant 0 : index
    %swap3A_190 = vector.load %arg8[%swap3A_187, %swap3A_188, %swap3A_189] : memref<14x256x128xf32, #tpu.memory_space<vmem>>, vector<1x8x128xf32>
    %swap3A_191 = vector.shape_cast %swap3A_190 : vector<1x8x128xf32> to vector<8x128xf32>
    %swap3A_192 = vector.shape_cast %slice3A_186 : vector<8x128xf32> to vector<1x8x128xf32>
    tpu.vector_store %arg8[%swap3A_187, %swap3A_188, %swap3A_189], %swap3A_192 {strides = array<i32>} : memref<14x256x128xf32, #tpu.memory_space<vmem>>, vector<1x8x128xf32>,
    %slice3A_193 = vector.extract_strided_slice %dot_general3A_122 {offsets = [80, 0], sizes = [8, 128], strides = [1, 1]} : vector<112x128xf32> to vector<8x128xf32>
    %swap3A_194 = arith.constant 10 : index
    %swap3A_195 = arith.constant 8 : index
    %swap3A_196 = arith.constant 0 : index
    %swap3A_197 = vector.load %arg8[%swap3A_194, %swap3A_195, %swap3A_196] : memref<14x256x128xf32, #tpu.memory_space<vmem>>, vector<1x8x128xf32>
    %swap3A_198 = vector.shape_cast %swap3A_197 : vector<1x8x128xf32> to vector<8x128xf32>
    %swap3A_199 = vector.shape_cast %slice3A_193 : vector<8x128xf32> to vector<1x8x128xf32>
    tpu.vector_store %arg8[%swap3A_194, %swap3A_195, %swap3A_196], %swap3A_199 {strides = array<i32>} : memref<14x256x128xf32, #tpu.memory_space<vmem>>, vector<1x8x128xf32>,
    %slice3A_200 = vector.extract_strided_slice %dot_general3A_122 {offsets = [88, 0], sizes = [8, 128], strides = [1, 1]} : vector<112x128xf32> to vector<8x128xf32>
    %swap3A_201 = arith.constant 11 : index
    %swap3A_202 = arith.constant 8 : index
    %swap3A_203 = arith.constant 0 : index
    %swap3A_204 = vector.load %arg8[%swap3A_201, %swap3A_202, %swap3A_203] : memref<14x256x128xf32, #tpu.memory_space<vmem>>, vector<1x8x128xf32>
    %swap3A_205 = vector.shape_cast %swap3A_204 : vector<1x8x128xf32> to vector<8x128xf32>
    %swap3A_206 = vector.shape_cast %slice3A_200 : vector<8x128xf32> to vector<1x8x128xf32>
    tpu.vector_store %arg8[%swap3A_201, %swap3A_202, %swap3A_203], %swap3A_206 {strides = array<i32>} : memref<14x256x128xf32, #tpu.memory_space<vmem>>, vector<1x8x128xf32>,
    %slice3A_207 = vector.extract_strided_slice %dot_general3A_122 {offsets = [96, 0], sizes = [8, 128], strides = [1, 1]} : vector<112x128xf32> to vector<8x128xf32>
    %swap3A_208 = arith.constant 12 : index
    %swap3A_209 = arith.constant 8 : index
    %swap3A_210 = arith.constant 0 : index
    %swap3A_211 = vector.load %arg8[%swap3A_208, %swap3A_209, %swap3A_210] : memref<14x256x128xf32, #tpu.memory_space<vmem>>, vector<1x8x128xf32>
    %swap3A_212 = vector.shape_cast %swap3A_211 : vector<1x8x128xf32> to vector<8x128xf32>
    %swap3A_213 = vector.shape_cast %slice3A_207 : vector<8x128xf32> to vector<1x8x128xf32>
    tpu.vector_store %arg8[%swap3A_208, %swap3A_209, %swap3A_210], %swap3A_213 {strides = array<i32>} : memref<14x256x128xf32, #tpu.memory_space<vmem>>, vector<1x8x128xf32>,
    %slice3A_214 = vector.extract_strided_slice %dot_general3A_122 {offsets = [104, 0], sizes = [8, 128], strides = [1, 1]} : vector<112x128xf32> to vector<8x128xf32>
    %swap3A_215 = arith.constant 13 : index
    %swap3A_216 = arith.constant 8 : index
    %swap3A_217 = arith.constant 0 : index
    %swap3A_218 = vector.load %arg8[%swap3A_215, %swap3A_216, %swap3A_217] : memref<14x256x128xf32, #tpu.memory_space<vmem>>, vector<1x8x128xf32>
    %swap3A_219 = vector.shape_cast %swap3A_218 : vector<1x8x128xf32> to vector<8x128xf32>
    %swap3A_220 = vector.shape_cast %slice3A_214 : vector<8x128xf32> to vector<1x8x128xf32>
    tpu.vector_store %arg8[%swap3A_215, %swap3A_216, %swap3A_217], %swap3A_220 {strides = array<i32>} : memref<14x256x128xf32, #tpu.memory_space<vmem>>, vector<1x8x128xf32>,
    %get3A_221 = arith.constant 512 : index
    %get3A_222 = arith.constant 0 : index
    %get3A_223 = vector.load %arg1[%get3A_221, %get3A_222] : memref<8192x128xf32, #tpu.memory_space<vmem>>, vector<256x128xf32>
    %convert_element_type3A_224 = arith.truncf %get3A_223 : vector<256x128xf32> to vector<256x128xbf16>
    %get3A_225 = arith.constant 2 : index
    %get3A_226 = arith.constant 0 : index
    %get3A_227 = arith.constant 0 : index
    %get3A_228 = arith.constant 0 : index
    %get3A_229 = vector.load %arg2[%get3A_225, %get3A_226, %get3A_227, %get3A_228] : memref<32x14x8x32xbf16, #tpu.memory_space<vmem>>, vector<1x14x8x32xbf16>
    %get3A_230 = vector.shape_cast %get3A_229 : vector<1x14x8x32xbf16> to vector<14x8x32xbf16>
    %reshape3A_231 = vector.shape_cast %get3A_230 : vector<14x8x32xbf16> to vector<112x32xbf16>
    %concatenate3A_232 = tpu.concatenate %reshape3A_231, %reshape3A_231, %reshape3A_231, %reshape3A_231, %reshape3A_231, %reshape3A_231, %reshape3A_231, %reshape3A_231 in 1 : vector<112x32xbf16>, vector<112x32xbf16>, vector<112x32xbf16>, vector<112x32xbf16>, vector<112x32xbf16>, vector<112x32xbf16>, vector<112x32xbf16>, vector<112x32xbf16> -> vector<112x256xbf16>
    %mul3A_233 = arith.mulf %concatenate3A_232, %get3A_1 : vector<112x256xbf16>
    %dot_general3A_234 = arith.constant dense<0.000000e+00> : vector<112x128xf32>
    %dot_general3A_235 = tpu.matmul %mul3A_233, %convert_element_type3A_224, %dot_general3A_234 {dimension_numbers = #tpu.dot_dimension_numbers<[1], [0], [0], [1], [0, 0, 1, 1], [], []>, transpose_lhs_hint = false} : vector<112x256xbf16>, vector<256x128xbf16>, vector<112x128xf32> -> vector<112x128xf32>
    %slice3A_236 = vector.extract_strided_slice %dot_general3A_235 {offsets = [0, 0], sizes = [8, 128], strides = [1, 1]} : vector<112x128xf32> to vector<8x128xf32>
    %swap3A_237 = arith.constant 0 : index
    %swap3A_238 = arith.constant 16 : index
    %swap3A_239 = arith.constant 0 : index
    %swap3A_240 = vector.load %arg8[%swap3A_237, %swap3A_238, %swap3A_239] : memref<14x256x128xf32, #tpu.memory_space<vmem>>, vector<1x8x128xf32>
    %swap3A_241 = vector.shape_cast %swap3A_240 : vector<1x8x128xf32> to vector<8x128xf32>
    %swap3A_242 = vector.shape_cast %slice3A_236 : vector<8x128xf32> to vector<1x8x128xf32>
    tpu.vector_store %arg8[%swap3A_237, %swap3A_238, %swap3A_239], %swap3A_242 {strides = array<i32>} : memref<14x256x128xf32, #tpu.memory_space<vmem>>, vector<1x8x128xf32>,
    %slice3A_243 = vector.extract_strided_slice %dot_general3A_235 {offsets = [8, 0], sizes = [8, 128], strides = [1, 1]} : vector<112x128xf32> to vector<8x128xf32>
    %swap3A_244 = arith.constant 1 : index
    %swap3A_245 = arith.constant 16 : index
    %swap3A_246 = arith.constant 0 : index
    %swap3A_247 = vector.load %arg8[%swap3A_244, %swap3A_245, %swap3A_246] : memref<14x256x128xf32, #tpu.memory_space<vmem>>, vector<1x8x128xf32>
    %swap3A_248 = vector.shape_cast %swap3A_247 : vector<1x8x128xf32> to vector<8x128xf32>
    %swap3A_249 = vector.shape_cast %slice3A_243 : vector<8x128xf32> to vector<1x8x128xf32>
    tpu.vector_store %arg8[%swap3A_244, %swap3A_245, %swap3A_246], %swap3A_249 {strides = array<i32>} : memref<14x256x128xf32, #tpu.memory_space<vmem>>, vector<1x8x128xf32>,
    %slice3A_250 = vector.extract_strided_slice %dot_general3A_235 {offsets = [16, 0], sizes = [8, 128], strides = [1, 1]} : vector<112x128xf32> to vector<8x128xf32>
    %swap3A_251 = arith.constant 2 : index
    %swap3A_252 = arith.constant 16 : index
    %swap3A_253 = arith.constant 0 : index
    %swap3A_254 = vector.load %arg8[%swap3A_251, %swap3A_252, %swap3A_253] : memref<14x256x128xf32, #tpu.memory_space<vmem>>, vector<1x8x128xf32>
    %swap3A_255 = vector.shape_cast %swap3A_254 : vector<1x8x128xf32> to vector<8x128xf32>
    %swap3A_256 = vector.shape_cast %slice3A_250 : vector<8x128xf32> to vector<1x8x128xf32>
    tpu.vector_store %arg8[%swap3A_251, %swap3A_252, %swap3A_253], %swap3A_256 {strides = array<i32>} : memref<14x256x128xf32, #tpu.memory_space<vmem>>, vector<1x8x128xf32>,
    %slice3A_257 = vector.extract_strided_slice %dot_general3A_235 {offsets = [24, 0], sizes = [8, 128], strides = [1, 1]} : vector<112x128xf32> to vector<8x128xf32>
    %swap3A_258 = arith.constant 3 : index
    %swap3A_259 = arith.constant 16 : index
    %swap3A_260 = arith.constant 0 : index
    %swap3A_261 = vector.load %arg8[%swap3A_258, %swap3A_259, %swap3A_260] : memref<14x256x128xf32, #tpu.memory_space<vmem>>, vector<1x8x128xf32>
    %swap3A_262 = vector.shape_cast %swap3A_261 : vector<1x8x128xf32> to vector<8x128xf32>
    %swap3A_263 = vector.shape_cast %slice3A_257 : vector<8x128xf32> to vector<1x8x128xf32>
    tpu.vector_store %arg8[%swap3A_258, %swap3A_259, %swap3A_260], %swap3A_263 {strides = array<i32>} : memref<14x256x128xf32, #tpu.memory_space<vmem>>, vector<1x8x128xf32>,
    %slice3A_264 = vector.extract_strided_slice %dot_general3A_235 {offsets = [32, 0], sizes = [8, 128], strides = [1, 1]} : vector<112x128xf32> to vector<8x128xf32>
    %swap3A_265 = arith.constant 4 : index
    %swap3A_266 = arith.constant 16 : index
    %swap3A_267 = arith.constant 0 : index
    %swap3A_268 = vector.load %arg8[%swap3A_265, %swap3A_266, %swap3A_267] : memref<14x256x128xf32, #tpu.memory_space<vmem>>, vector<1x8x128xf32>
    %swap3A_269 = vector.shape_cast %swap3A_268 : vector<1x8x128xf32> to vector<8x128xf32>
    %swap3A_270 = vector.shape_cast %slice3A_264 : vector<8x128xf32> to vector<1x8x128xf32>
    tpu.vector_store %arg8[%swap3A_265, %swap3A_266, %swap3A_267], %swap3A_270 {strides = array<i32>} : memref<14x256x128xf32, #tpu.memory_space<vmem>>, vector<1x8x128xf32>,
    %slice3A_271 = vector.extract_strided_slice %dot_general3A_235 {offsets = [40, 0], sizes = [8, 128], strides = [1, 1]} : vector<112x128xf32> to vector<8x128xf32>
    %swap3A_272 = arith.constant 5 : index
    %swap3A_273 = arith.constant 16 : index
    %swap3A_274 = arith.constant 0 : index
    %swap3A_275 = vector.load %arg8[%swap3A_272, %swap3A_273, %swap3A_274] : memref<14x256x128xf32, #tpu.memory_space<vmem>>, vector<1x8x128xf32>
    %swap3A_276 = vector.shape_cast %swap3A_275 : vector<1x8x128xf32> to vector<8x128xf32>
    %swap3A_277 = vector.shape_cast %slice3A_271 : vector<8x128xf32> to vector<1x8x128xf32>
    tpu.vector_store %arg8[%swap3A_272, %swap3A_273, %swap3A_274], %swap3A_277 {strides = array<i32>} : memref<14x256x128xf32, #tpu.memory_space<vmem>>, vector<1x8x128xf32>,
    %slice3A_278 = vector.extract_strided_slice %dot_general3A_235 {offsets = [48, 0], sizes = [8, 128], strides = [1, 1]} : vector<112x128xf32> to vector<8x128xf32>
    %swap3A_279 = arith.constant 6 : index
    %swap3A_280 = arith.constant 16 : index
    %swap3A_281 = arith.constant 0 : index
    %swap3A_282 = vector.load %arg8[%swap3A_279, %swap3A_280, %swap3A_281] : memref<14x256x128xf32, #tpu.memory_space<vmem>>, vector<1x8x128xf32>
    %swap3A_283 = vector.shape_cast %swap3A_282 : vector<1x8x128xf32> to vector<8x128xf32>
    %swap3A_284 = vector.shape_cast %slice3A_278 : vector<8x128xf32> to vector<1x8x128xf32>
    tpu.vector_store %arg8[%swap3A_279, %swap3A_280, %swap3A_281], %swap3A_284 {strides = array<i32>} : memref<14x256x128xf32, #tpu.memory_space<vmem>>, vector<1x8x128xf32>,
    %slice3A_285 = vector.extract_strided_slice %dot_general3A_235 {offsets = [56, 0], sizes = [8, 128], strides = [1, 1]} : vector<112x128xf32> to vector<8x128xf32>
    %swap3A_286 = arith.constant 7 : index
    %swap3A_287 = arith.constant 16 : index
    %swap3A_288 = arith.constant 0 : index
    %swap3A_289 = vector.load %arg8[%swap3A_286, %swap3A_287, %swap3A_288] : memref<14x256x128xf32, #tpu.memory_space<vmem>>, vector<1x8x128xf32>
    %swap3A_290 = vector.shape_cast %swap3A_289 : vector<1x8x128xf32> to vector<8x128xf32>
    %swap3A_291 = vector.shape_cast %slice3A_285 : vector<8x128xf32> to vector<1x8x128xf32>
    tpu.vector_store %arg8[%swap3A_286, %swap3A_287, %swap3A_288], %swap3A_291 {strides = array<i32>} : memref<14x256x128xf32, #tpu.memory_space<vmem>>, vector<1x8x128xf32>,
    %slice3A_292 = vector.extract_strided_slice %dot_general3A_235 {offsets = [64, 0], sizes = [8, 128], strides = [1, 1]} : vector<112x128xf32> to vector<8x128xf32>
    %swap3A_293 = arith.constant 8 : index
    %swap3A_294 = arith.constant 16 : index
    %swap3A_295 = arith.constant 0 : index
    %swap3A_296 = vector.load %arg8[%swap3A_293, %swap3A_294, %swap3A_295] : memref<14x256x128xf32, #tpu.memory_space<vmem>>, vector<1x8x128xf32>
    %swap3A_297 = vector.shape_cast %swap3A_296 : vector<1x8x128xf32> to vector<8x128xf32>
    %swap3A_298 = vector.shape_cast %slice3A_292 : vector<8x128xf32> to vector<1x8x128xf32>
    tpu.vector_store %arg8[%swap3A_293, %swap3A_294, %swap3A_295], %swap3A_298 {strides = array<i32>} : memref<14x256x128xf32, #tpu.memory_space<vmem>>, vector<1x8x128xf32>,
    %slice3A_299 = vector.extract_strided_slice %dot_general3A_235 {offsets = [72, 0], sizes = [8, 128], strides = [1, 1]} : vector<112x128xf32> to vector<8x128xf32>
    %swap3A_300 = arith.constant 9 : index
    %swap3A_301 = arith.constant 16 : index
    %swap3A_302 = arith.constant 0 : index
    %swap3A_303 = vector.load %arg8[%swap3A_300, %swap3A_301, %swap3A_302] : memref<14x256x128xf32, #tpu.memory_space<vmem>>, vector<1x8x128xf32>
    %swap3A_304 = vector.shape_cast %swap3A_303 : vector<1x8x128xf32> to vector<8x128xf32>
    %swap3A_305 = vector.shape_cast %slice3A_299 : vector<8x128xf32> to vector<1x8x128xf32>
    tpu.vector_store %arg8[%swap3A_300, %swap3A_301, %swap3A_302], %swap3A_305 {strides = array<i32>} : memref<14x256x128xf32, #tpu.memory_space<vmem>>, vector<1x8x128xf32>,
    %slice3A_306 = vector.extract_strided_slice %dot_general3A_235 {offsets = [80, 0], sizes = [8, 128], strides = [1, 1]} : vector<112x128xf32> to vector<8x128xf32>
    %swap3A_307 = arith.constant 10 : index
    %swap3A_308 = arith.constant 16 : index
    %swap3A_309 = arith.constant 0 : index
    %swap3A_310 = vector.load %arg8[%swap3A_307, %swap3A_308, %swap3A_309] : memref<14x256x128xf32, #tpu.memory_space<vmem>>, vector<1x8x128xf32>
    %swap3A_311 = vector.shape_cast %swap3A_310 : vector<1x8x128xf32> to vector<8x128xf32>
    %swap3A_312 = vector.shape_cast %slice3A_306 : vector<8x128xf32> to vector<1x8x128xf32>
    tpu.vector_store %arg8[%swap3A_307, %swap3A_308, %swap3A_309], %swap3A_312 {strides = array<i32>} : memref<14x256x128xf32, #tpu.memory_space<vmem>>, vector<1x8x128xf32>,
    %slice3A_313 = vector.extract_strided_slice %dot_general3A_235 {offsets = [88, 0], sizes = [8, 128], strides = [1, 1]} : vector<112x128xf32> to vector<8x128xf32>
    %swap3A_314 = arith.constant 11 : index
    %swap3A_315 = arith.constant 16 : index
    %swap3A_316 = arith.constant 0 : index
    %swap3A_317 = vector.load %arg8[%swap3A_314, %swap3A_315, %swap3A_316] : memref<14x256x128xf32, #tpu.memory_space<vmem>>, vector<1x8x128xf32>
    %swap3A_318 = vector.shape_cast %swap3A_317 : vector<1x8x128xf32> to vector<8x128xf32>
    %swap3A_319 = vector.shape_cast %slice3A_313 : vector<8x128xf32> to vector<1x8x128xf32>
    tpu.vector_store %arg8[%swap3A_314, %swap3A_315, %swap3A_316], %swap3A_319 {strides = array<i32>} : memref<14x256x128xf32, #tpu.memory_space<vmem>>, vector<1x8x128xf32>,
    %slice3A_320 = vector.extract_strided_slice %dot_general3A_235 {offsets = [96, 0], sizes = [8, 128], strides = [1, 1]} : vector<112x128xf32> to vector<8x128xf32>
    %swap3A_321 = arith.constant 12 : index
    %swap3A_322 = arith.constant 16 : index
    %swap3A_323 = arith.constant 0 : index
    %swap3A_324 = vector.load %arg8[%swap3A_321, %swap3A_322, %swap3A_323] : memref<14x256x128xf32, #tpu.memory_space<vmem>>, vector<1x8x128xf32>
    %swap3A_325 = vector.shape_cast %swap3A_324 : vector<1x8x128xf32> to vector<8x128xf32>
    %swap3A_326 = vector.shape_cast %slice3A_320 : vector<8x128xf32> to vector<1x8x128xf32>
    tpu.vector_store %arg8[%swap3A_321, %swap3A_322, %swap3A_323], %swap3A_326 {strides = array<i32>} : memref<14x256x128xf32, #tpu.memory_space<vmem>>, vector<1x8x128xf32>,
    %slice3A_327 = vector.extract_strided_slice %dot_general3A_235 {offsets = [104, 0], sizes = [8, 128], strides = [1, 1]} : vector<112x128xf32> to vector<8x128xf32>
    %swap3A_328 = arith.constant 13 : index
    %swap3A_329 = arith.constant 16 : index
    %swap3A_330 = arith.constant 0 : index
    %swap3A_331 = vector.load %arg8[%swap3A_328, %swap3A_329, %swap3A_330] : memref<14x256x128xf32, #tpu.memory_space<vmem>>, vector<1x8x128xf32>
    %swap3A_332 = vector.shape_cast %swap3A_331 : vector<1x8x128xf32> to vector<8x128xf32>
    %swap3A_333 = vector.shape_cast %slice3A_327 : vector<8x128xf32> to vector<1x8x128xf32>
    tpu.vector_store %arg8[%swap3A_328, %swap3A_329, %swap3A_330], %swap3A_333 {strides = array<i32>} : memref<14x256x128xf32, #tpu.memory_space<vmem>>, vector<1x8x128xf32>,
    %get3A_334 = arith.constant 768 : index
    %get3A_335 = arith.constant 0 : index
    %get3A_336 = vector.load %arg1[%get3A_334, %get3A_335] : memref<8192x128xf32, #tpu.memory_space<vmem>>, vector<256x128xf32>
    %convert_element_type3A_337 = arith.truncf %get3A_336 : vector<256x128xf32> to vector<256x128xbf16>
    %get3A_338 = arith.constant 3 : index
    %get3A_339 = arith.constant 0 : index
    %get3A_340 = arith.constant 0 : index
    %get3A_341 = arith.constant 0 : index
    %get3A_342 = vector.load %arg2[%get3A_338, %get3A_339, %get3A_340, %get3A_341] : memref<32x14x8x32xbf16, #tpu.memory_space<vmem>>, vector<1x14x8x32xbf16>
    %get3A_343 = vector.shape_cast %get3A_342 : vector<1x14x8x32xbf16> to vector<14x8x32xbf16>
    %reshape3A_344 = vector.shape_cast %get3A_343 : vector<14x8x32xbf16> to vector<112x32xbf16>
    %concatenate3A_345 = tpu.concatenate %reshape3A_344, %reshape3A_344, %reshape3A_344, %reshape3A_344, %reshape3A_344, %reshape3A_344, %reshape3A_344, %reshape3A_344 in 1 : vector<112x32xbf16>, vector<112x32xbf16>, vector<112x32xbf16>, vector<112x32xbf16>, vector<112x32xbf16>, vector<112x32xbf16>, vector<112x32xbf16>, vector<112x32xbf16> -> vector<112x256xbf16>
    %mul3A_346 = arith.mulf %concatenate3A_345, %get3A_1 : vector<112x256xbf16>
    %dot_general3A_347 = arith.constant dense<0.000000e+00> : vector<112x128xf32>
    %dot_general3A_348 = tpu.matmul %mul3A_346, %convert_element_type3A_337, %dot_general3A_347 {dimension_numbers = #tpu.dot_dimension_numbers<[1], [0], [0], [1], [0, 0, 1, 1], [], []>, transpose_lhs_hint = false} : vector<112x256xbf16>, vector<256x128xbf16>, vector<112x128xf32> -> vector<112x128xf32>
    %slice3A_349 = vector.extract_strided_slice %dot_general3A_348 {offsets = [0, 0], sizes = [8, 128], strides = [1, 1]} : vector<112x128xf32> to vector<8x128xf32>
    %swap3A_350 = arith.constant 0 : index
    %swap3A_351 = arith.constant 24 : index
    %swap3A_352 = arith.constant 0 : index
    %swap3A_353 = vector.load %arg8[%swap3A_350, %swap3A_351, %swap3A_352] : memref<14x256x128xf32, #tpu.memory_space<vmem>>, vector<1x8x128xf32>
    %swap3A_354 = vector.shape_cast %swap3A_353 : vector<1x8x128xf32> to vector<8x128xf32>
    %swap3A_355 = vector.shape_cast %slice3A_349 : vector<8x128xf32> to vector<1x8x128xf32>
    tpu.vector_store %arg8[%swap3A_350, %swap3A_351, %swap3A_352], %swap3A_355 {strides = array<i32>} : memref<14x256x128xf32, #tpu.memory_space<vmem>>, vector<1x8x128xf32>,
    %slice3A_356 = vector.extract_strided_slice %dot_general3A_348 {offsets = [8, 0], sizes = [8, 128], strides = [1, 1]} : vector<112x128xf32> to vector<8x128xf32>
    %swap3A_357 = arith.constant 1 : index
    %swap3A_358 = arith.constant 24 : index
    %swap3A_359 = arith.constant 0 : index
    %swap3A_360 = vector.load %arg8[%swap3A_357, %swap3A_358, %swap3A_359] : memref<14x256x128xf32, #tpu.memory_space<vmem>>, vector<1x8x128xf32>
    %swap3A_361 = vector.shape_cast %swap3A_360 : vector<1x8x128xf32> to vector<8x128xf32>
    %swap3A_362 = vector.shape_cast %slice3A_356 : vector<8x128xf32> to vector<1x8x128xf32>
    tpu.vector_store %arg8[%swap3A_357, %swap3A_358, %swap3A_359], %swap3A_362 {strides = array<i32>} : memref<14x256x128xf32, #tpu.memory_space<vmem>>, vector<1x8x128xf32>,
    %slice3A_363 = vector.extract_strided_slice %dot_general3A_348 {offsets = [16, 0], sizes = [8, 128], strides = [1, 1]} : vector<112x128xf32> to vector<8x128xf32>
    %swap3A_364 = arith.constant 2 : index
    %swap3A_365 = arith.constant 24 : index
    %swap3A_366 = arith.constant 0 : index
    %swap3A_367 = vector.load %arg8[%swap3A_364, %swap3A_365, %swap3A_366] : memref<14x256x128xf32, #tpu.memory_space<vmem>>, vector<1x8x128xf32>
    %swap3A_368 = vector.shape_cast %swap3A_367 : vector<1x8x128xf32> to vector<8x128xf32>
    %swap3A_369 = vector.shape_cast %slice3A_363 : vector<8x128xf32> to vector<1x8x128xf32>
    tpu.vector_store %arg8[%swap3A_364, %swap3A_365, %swap3A_366], %swap3A_369 {strides = array<i32>} : memref<14x256x128xf32, #tpu.memory_space<vmem>>, vector<1x8x128xf32>,
    %slice3A_370 = vector.extract_strided_slice %dot_general3A_348 {offsets = [24, 0], sizes = [8, 128], strides = [1, 1]} : vector<112x128xf32> to vector<8x128xf32>
    %swap3A_371 = arith.constant 3 : index
    %swap3A_372 = arith.constant 24 : index
    %swap3A_373 = arith.constant 0 : index
    %swap3A_374 = vector.load %arg8[%swap3A_371, %swap3A_372, %swap3A_373] : memref<14x256x128xf32, #tpu.memory_space<vmem>>, vector<1x8x128xf32>
    %swap3A_375 = vector.shape_cast %swap3A_374 : vector<1x8x128xf32> to vector<8x128xf32>
    %swap3A_376 = vector.shape_cast %slice3A_370 : vector<8x128xf32> to vector<1x8x128xf32>
    tpu.vector_store %arg8[%swap3A_371, %swap3A_372, %swap3A_373], %swap3A_376 {strides = array<i32>} : memref<14x256x128xf32, #tpu.memory_space<vmem>>, vector<1x8x128xf32>,
    %slice3A_377 = vector.extract_strided_slice %dot_general3A_348 {offsets = [32, 0], sizes = [8, 128], strides = [1, 1]} : vector<112x128xf32> to vector<8x128xf32>
    %swap3A_378 = arith.constant 4 : index
    %swap3A_379 = arith.constant 24 : index
    %swap3A_380 = arith.constant 0 : index
    %swap3A_381 = vector.load %arg8[%swap3A_378, %swap3A_379, %swap3A_380] : memref<14x256x128xf32, #tpu.memory_space<vmem>>, vector<1x8x128xf32>
    %swap3A_382 = vector.shape_cast %swap3A_381 : vector<1x8x128xf32> to vector<8x128xf32>
    %swap3A_383 = vector.shape_cast %slice3A_377 : vector<8x128xf32> to vector<1x8x128xf32>
    tpu.vector_store %arg8[%swap3A_378, %swap3A_379, %swap3A_380], %swap3A_383 {strides = array<i32>} : memref<14x256x128xf32, #tpu.memory_space<vmem>>, vector<1x8x128xf32>,
    %slice3A_384 = vector.extract_strided_slice %dot_general3A_348 {offsets = [40, 0], sizes = [8, 128], strides = [1, 1]} : vector<112x128xf32> to vector<8x128xf32>
    %swap3A_385 = arith.constant 5 : index
    %swap3A_386 = arith.constant 24 : index
    %swap3A_387 = arith.constant 0 : index
    %swap3A_388 = vector.load %arg8[%swap3A_385, %swap3A_386, %swap3A_387] : memref<14x256x128xf32, #tpu.memory_space<vmem>>, vector<1x8x128xf32>
    %swap3A_389 = vector.shape_cast %swap3A_388 : vector<1x8x128xf32> to vector<8x128xf32>
    %swap3A_390 = vector.shape_cast %slice3A_384 : vector<8x128xf32> to vector<1x8x128xf32>
    tpu.vector_store %arg8[%swap3A_385, %swap3A_386, %swap3A_387], %swap3A_390 {strides = array<i32>} : memref<14x256x128xf32, #tpu.memory_space<vmem>>, vector<1x8x128xf32>,
    %slice3A_391 = vector.extract_strided_slice %dot_general3A_348 {offsets = [48, 0], sizes = [8, 128], strides = [1, 1]} : vector<112x128xf32> to vector<8x128xf32>
    %swap3A_392 = arith.constant 6 : index
    %swap3A_393 = arith.constant 24 : index
    %swap3A_394 = arith.constant 0 : index
    %swap3A_395 = vector.load %arg8[%swap3A_392, %swap3A_393, %swap3A_394] : memref<14x256x128xf32, #tpu.memory_space<vmem>>, vector<1x8x128xf32>
    %swap3A_396 = vector.shape_cast %swap3A_395 : vector<1x8x128xf32> to vector<8x128xf32>
    %swap3A_397 = vector.shape_cast %slice3A_391 : vector<8x128xf32> to vector<1x8x128xf32>
    tpu.vector_store %arg8[%swap3A_392, %swap3A_393, %swap3A_394], %swap3A_397 {strides = array<i32>} : memref<14x256x128xf32, #tpu.memory_space<vmem>>, vector<1x8x128xf32>,
    %slice3A_398 = vector.extract_strided_slice %dot_general3A_348 {offsets = [56, 0], sizes = [8, 128], strides = [1, 1]} : vector<112x128xf32> to vector<8x128xf32>
    %swap3A_399 = arith.constant 7 : index
    %swap3A_400 = arith.constant 24 : index
    %swap3A_401 = arith.constant 0 : index
    %swap3A_402 = vector.load %arg8[%swap3A_399, %swap3A_400, %swap3A_401] : memref<14x256x128xf32, #tpu.memory_space<vmem>>, vector<1x8x128xf32>
    %swap3A_403 = vector.shape_cast %swap3A_402 : vector<1x8x128xf32> to vector<8x128xf32>
    %swap3A_404 = vector.shape_cast %slice3A_398 : vector<8x128xf32> to vector<1x8x128xf32>
    tpu.vector_store %arg8[%swap3A_399, %swap3A_400, %swap3A_401], %swap3A_404 {strides = array<i32>} : memref<14x256x128xf32, #tpu.memory_space<vmem>>, vector<1x8x128xf32>,
    %slice3A_405 = vector.extract_strided_slice %dot_general3A_348 {offsets = [64, 0], sizes = [8, 128], strides = [1, 1]} : vector<112x128xf32> to vector<8x128xf32>
    %swap3A_406 = arith.constant 8 : index
    %swap3A_407 = arith.constant 24 : index
    %swap3A_408 = arith.constant 0 : index
    %swap3A_409 = vector.load %arg8[%swap3A_406, %swap3A_407, %swap3A_408] : memref<14x256x128xf32, #tpu.memory_space<vmem>>, vector<1x8x128xf32>
    %swap3A_410 = vector.shape_cast %swap3A_409 : vector<1x8x128xf32> to vector<8x128xf32>
    %swap3A_411 = vector.shape_cast %slice3A_405 : vector<8x128xf32> to vector<1x8x128xf32>
    tpu.vector_store %arg8[%swap3A_406, %swap3A_407, %swap3A_408], %swap3A_411 {strides = array<i32>} : memref<14x256x128xf32, #tpu.memory_space<vmem>>, vector<1x8x128xf32>,
    %slice3A_412 = vector.extract_strided_slice %dot_general3A_348 {offsets = [72, 0], sizes = [8, 128], strides = [1, 1]} : vector<112x128xf32> to vector<8x128xf32>
    %swap3A_413 = arith.constant 9 : index
    %swap3A_414 = arith.constant 24 : index
    %swap3A_415 = arith.constant 0 : index
    %swap3A_416 = vector.load %arg8[%swap3A_413, %swap3A_414, %swap3A_415] : memref<14x256x128xf32, #tpu.memory_space<vmem>>, vector<1x8x128xf32>
    %swap3A_417 = vector.shape_cast %swap3A_416 : vector<1x8x128xf32> to vector<8x128xf32>
    %swap3A_418 = vector.shape_cast %slice3A_412 : vector<8x128xf32> to vector<1x8x128xf32>
    tpu.vector_store %arg8[%swap3A_413, %swap3A_414, %swap3A_415], %swap3A_418 {strides = array<i32>} : memref<14x256x128xf32, #tpu.memory_space<vmem>>, vector<1x8x128xf32>,
    %slice3A_419 = vector.extract_strided_slice %dot_general3A_348 {offsets = [80, 0], sizes = [8, 128], strides = [1, 1]} : vector<112x128xf32> to vector<8x128xf32>
    %swap3A_420 = arith.constant 10 : index
    %swap3A_421 = arith.constant 24 : index
    %swap3A_422 = arith.constant 0 : index
    %swap3A_423 = vector.load %arg8[%swap3A_420, %swap3A_421, %swap3A_422] : memref<14x256x128xf32, #tpu.memory_space<vmem>>, vector<1x8x128xf32>
    %swap3A_424 = vector.shape_cast %swap3A_423 : vector<1x8x128xf32> to vector<8x128xf32>
    %swap3A_425 = vector.shape_cast %slice3A_419 : vector<8x128xf32> to vector<1x8x128xf32>
    tpu.vector_store %arg8[%swap3A_420, %swap3A_421, %swap3A_422], %swap3A_425 {strides = array<i32>} : memref<14x256x128xf32, #tpu.memory_space<vmem>>, vector<1x8x128xf32>,
    %slice3A_426 = vector.extract_strided_slice %dot_general3A_348 {offsets = [88, 0], sizes = [8, 128], strides = [1, 1]} : vector<112x128xf32> to vector<8x128xf32>
    %swap3A_427 = arith.constant 11 : index
    %swap3A_428 = arith.constant 24 : index
    %swap3A_429 = arith.constant 0 : index
    %swap3A_430 = vector.load %arg8[%swap3A_427, %swap3A_428, %swap3A_429] : memref<14x256x128xf32, #tpu.memory_space<vmem>>, vector<1x8x128xf32>
    %swap3A_431 = vector.shape_cast %swap3A_430 : vector<1x8x128xf32> to vector<8x128xf32>
    %swap3A_432 = vector.shape_cast %slice3A_426 : vector<8x128xf32> to vector<1x8x128xf32>
    tpu.vector_store %arg8[%swap3A_427, %swap3A_428, %swap3A_429], %swap3A_432 {strides = array<i32>} : memref<14x256x128xf32, #tpu.memory_space<vmem>>, vector<1x8x128xf32>,
    %slice3A_433 = vector.extract_strided_slice %dot_general3A_348 {offsets = [96, 0], sizes = [8, 128], strides = [1, 1]} : vector<112x128xf32> to vector<8x128xf32>
    %swap3A_434 = arith.constant 12 : index
    %swap3A_435 = arith.constant 24 : index
    %swap3A_436 = arith.constant 0 : index
    %swap3A_437 = vector.load %arg8[%swap3A_434, %swap3A_435, %swap3A_436] : memref<14x256x128xf32, #tpu.memory_space<vmem>>, vector<1x8x128xf32>
    %swap3A_438 = vector.shape_cast %swap3A_437 : vector<1x8x128xf32> to vector<8x128xf32>
    %swap3A_439 = vector.shape_cast %slice3A_433 : vector<8x128xf32> to vector<1x8x128xf32>
    tpu.vector_store %arg8[%swap3A_434, %swap3A_435, %swap3A_436], %swap3A_439 {strides = array<i32>} : memref<14x256x128xf32, #tpu.memory_space<vmem>>, vector<1x8x128xf32>,
    %slice3A_440 = vector.extract_strided_slice %dot_general3A_348 {offsets = [104, 0], sizes = [8, 128], strides = [1, 1]} : vector<112x128xf32> to vector<8x128xf32>
    %swap3A_441 = arith.constant 13 : index
    %swap3A_442 = arith.constant 24 : index
    %swap3A_443 = arith.constant 0 : index
    %swap3A_444 = vector.load %arg8[%swap3A_441, %swap3A_442, %swap3A_443] : memref<14x256x128xf32, #tpu.memory_space<vmem>>, vector<1x8x128xf32>
    %swap3A_445 = vector.shape_cast %swap3A_444 : vector<1x8x128xf32> to vector<8x128xf32>
    %swap3A_446 = vector.shape_cast %slice3A_440 : vector<8x128xf32> to vector<1x8x128xf32>
    tpu.vector_store %arg8[%swap3A_441, %swap3A_442, %swap3A_443], %swap3A_446 {strides = array<i32>} : memref<14x256x128xf32, #tpu.memory_space<vmem>>, vector<1x8x128xf32>,
    %get3A_447 = arith.constant 1024 : index
    %get3A_448 = arith.constant 0 : index
    %get3A_449 = vector.load %arg1[%get3A_447, %get3A_448] : memref<8192x128xf32, #tpu.memory_space<vmem>>, vector<256x128xf32>
    %convert_element_type3A_450 = arith.truncf %get3A_449 : vector<256x128xf32> to vector<256x128xbf16>
    %get3A_451 = arith.constant 4 : index
    %get3A_452 = arith.constant 0 : index
    %get3A_453 = arith.constant 0 : index
    %get3A_454 = arith.constant 0 : index
    %get3A_455 = vector.load %arg2[%get3A_451, %get3A_452, %get3A_453, %get3A_454] : memref<32x14x8x32xbf16, #tpu.memory_space<vmem>>, vector<1x14x8x32xbf16>
    %get3A_456 = vector.shape_cast %get3A_455 : vector<1x14x8x32xbf16> to vector<14x8x32xbf16>
    %reshape3A_457 = vector.shape_cast %get3A_456 : vector<14x8x32xbf16> to vector<112x32xbf16>
    %concatenate3A_458 = tpu.concatenate %reshape3A_457, %reshape3A_457, %reshape3A_457, %reshape3A_457, %reshape3A_457, %reshape3A_457, %reshape3A_457, %reshape3A_457 in 1 : vector<112x32xbf16>, vector<112x32xbf16>, vector<112x32xbf16>, vector<112x32xbf16>, vector<112x32xbf16>, vector<112x32xbf16>, vector<112x32xbf16>, vector<112x32xbf16> -> vector<112x256xbf16>
    %mul3A_459 = arith.mulf %concatenate3A_458, %get3A_1 : vector<112x256xbf16>
    %dot_general3A_460 = arith.constant dense<0.000000e+00> : vector<112x128xf32>
    %dot_general3A_461 = tpu.matmul %mul3A_459, %convert_element_type3A_450, %dot_general3A_460 {dimension_numbers = #tpu.dot_dimension_numbers<[1], [0], [0], [1], [0, 0, 1, 1], [], []>, transpose_lhs_hint = false} : vector<112x256xbf16>, vector<256x128xbf16>, vector<112x128xf32> -> vector<112x128xf32>
    %slice3A_462 = vector.extract_strided_slice %dot_general3A_461 {offsets = [0, 0], sizes = [8, 128], strides = [1, 1]} : vector<112x128xf32> to vector<8x128xf32>
    %swap3A_463 = arith.constant 0 : index
    %swap3A_464 = arith.constant 32 : index
    %swap3A_465 = arith.constant 0 : index
    %swap3A_466 = vector.load %arg8[%swap3A_463, %swap3A_464, %swap3A_465] : memref<14x256x128xf32, #tpu.memory_space<vmem>>, vector<1x8x128xf32>
    %swap3A_467 = vector.shape_cast %swap3A_466 : vector<1x8x128xf32> to vector<8x128xf32>
    %swap3A_468 = vector.shape_cast %slice3A_462 : vector<8x128xf32> to vector<1x8x128xf32>
    tpu.vector_store %arg8[%swap3A_463, %swap3A_464, %swap3A_465], %swap3A_468 {strides = array<i32>} : memref<14x256x128xf32, #tpu.memory_space<vmem>>, vector<1x8x128xf32>,
    %slice3A_469 = vector.extract_strided_slice %dot_general3A_461 {offsets = [8, 0], sizes = [8, 128], strides = [1, 1]} : vector<112x128xf32> to vector<8x128xf32>
    %swap3A_470 = arith.constant 1 : index
    %swap3A_471 = arith.constant 32 : index
    %swap3A_472 = arith.constant 0 : index
    %swap3A_473 = vector.load %arg8[%swap3A_470, %swap3A_471, %swap3A_472] : memref<14x256x128xf32, #tpu.memory_space<vmem>>, vector<1x8x128xf32>
    %swap3A_474 = vector.shape_cast %swap3A_473 : vector<1x8x128xf32> to vector<8x128xf32>
    %swap3A_475 = vector.shape_cast %slice3A_469 : vector<8x128xf32> to vector<1x8x128xf32>
    tpu.vector_store %arg8[%swap3A_470, %swap3A_471, %swap3A_472], %swap3A_475 {strides = array<i32>} : memref<14x256x128xf32, #tpu.memory_space<vmem>>, vector<1x8x128xf32>,
    %slice3A_476 = vector.extract_strided_slice %dot_general3A_461 {offsets = [16, 0], sizes = [8, 128], strides = [1, 1]} : vector<112x128xf32> to vector<8x128xf32>
    %swap3A_477 = arith.constant 2 : index
    %swap3A_478 = arith.constant 32 : index
    %swap3A_479 = arith.constant 0 : index
    %swap3A_480 = vector.load %arg8[%swap3A_477, %swap3A_478, %swap3A_479] : memref<14x256x128xf32, #tpu.memory_space<vmem>>, vector<1x8x128xf32>
    %swap3A_481 = vector.shape_cast %swap3A_480 : vector<1x8x128xf32> to vector<8x128xf32>
    %swap3A_482 = vector.shape_cast %slice3A_476 : vector<8x128xf32> to vector<1x8x128xf32>
    tpu.vector_store %arg8[%swap3A_477, %swap3A_478, %swap3A_479], %swap3A_482 {strides = array<i32>} : memref<14x256x128xf32, #tpu.memory_space<vmem>>, vector<1x8x128xf32>,
    %slice3A_483 = vector.extract_strided_slice %dot_general3A_461 {offsets = [24, 0], sizes = [8, 128], strides = [1, 1]} : vector<112x128xf32> to vector<8x128xf32>
    %swap3A_484 = arith.constant 3 : index
    %swap3A_485 = arith.constant 32 : index
    %swap3A_486 = arith.constant 0 : index
    %swap3A_487 = vector.load %arg8[%swap3A_484, %swap3A_485, %swap3A_486] : memref<14x256x128xf32, #tpu.memory_space<vmem>>, vector<1x8x128xf32>
    %swap3A_488 = vector.shape_cast %swap3A_487 : vector<1x8x128xf32> to vector<8x128xf32>
    %swap3A_489 = vector.shape_cast %slice3A_483 : vector<8x128xf32> to vector<1x8x128xf32>
    tpu.vector_store %arg8[%swap3A_484, %swap3A_485, %swap3A_486], %swap3A_489 {strides = array<i32>} : memref<14x256x128xf32, #tpu.memory_space<vmem>>, vector<1x8x128xf32>,
    %slice3A_490 = vector.extract_strided_slice %dot_general3A_461 {offsets = [32, 0], sizes = [8, 128], strides = [1, 1]} : vector<112x128xf32> to vector<8x128xf32>
    %swap3A_491 = arith.constant 4 : index
    %swap3A_492 = arith.constant 32 : index
    %swap3A_493 = arith.constant 0 : index
    %swap3A_494 = vector.load %arg8[%swap3A_491, %swap3A_492, %swap3A_493] : memref<14x256x128xf32, #tpu.memory_space<vmem>>, vector<1x8x128xf32>
    %swap3A_495 = vector.shape_cast %swap3A_494 : vector<1x8x128xf32> to vector<8x128xf32>
    %swap3A_496 = vector.shape_cast %slice3A_490 : vector<8x128xf32> to vector<1x8x128xf32>
    tpu.vector_store %arg8[%swap3A_491, %swap3A_492, %swap3A_493], %swap3A_496 {strides = array<i32>} : memref<14x256x128xf32, #tpu.memory_space<vmem>>, vector<1x8x128xf32>,
    %slice3A_497 = vector.extract_strided_slice %dot_general3A_461 {offsets = [40, 0], sizes = [8, 128], strides = [1, 1]} : vector<112x128xf32> to vector<8x128xf32>
    %swap3A_498 = arith.constant 5 : index
    %swap3A_499 = arith.constant 32 : index
    %swap3A_500 = arith.constant 0 : index
    %swap3A_501 = vector.load %arg8[%swap3A_498, %swap3A_499, %swap3A_500] : memref<14x256x128xf32, #tpu.memory_space<vmem>>, vector<1x8x128xf32>
    %swap3A_502 = vector.shape_cast %swap3A_501 : vector<1x8x128xf32> to vector<8x128xf32>
    %swap3A_503 = vector.shape_cast %slice3A_497 : vector<8x128xf32> to vector<1x8x128xf32>
    tpu.vector_store %arg8[%swap3A_498, %swap3A_499, %swap3A_500], %swap3A_503 {strides = array<i32>} : memref<14x256x128xf32, #tpu.memory_space<vmem>>, vector<1x8x128xf32>,
    %slice3A_504 = vector.extract_strided_slice %dot_general3A_461 {offsets = [48, 0], sizes = [8, 128], strides = [1, 1]} : vector<112x128xf32> to vector<8x128xf32>
    %swap3A_505 = arith.constant 6 : index
    %swap3A_506 = arith.constant 32 : index
    %swap3A_507 = arith.constant 0 : index
    %swap3A_508 = vector.load %arg8[%swap3A_505, %swap3A_506, %swap3A_507] : memref<14x256x128xf32, #tpu.memory_space<vmem>>, vector<1x8x128xf32>
    %swap3A_509 = vector.shape_cast %swap3A_508 : vector<1x8x128xf32> to vector<8x128xf32>
    %swap3A_510 = vector.shape_cast %slice3A_504 : vector<8x128xf32> to vector<1x8x128xf32>
    tpu.vector_store %arg8[%swap3A_505, %swap3A_506, %swap3A_507], %swap3A_510 {strides = array<i32>} : memref<14x256x128xf32, #tpu.memory_space<vmem>>, vector<1x8x128xf32>,
    %slice3A_511 = vector.extract_strided_slice %dot_general3A_461 {offsets = [56, 0], sizes = [8, 128], strides = [1, 1]} : vector<112x128xf32> to vector<8x128xf32>
    %swap3A_512 = arith.constant 7 : index
    %swap3A_513 = arith.constant 32 : index
    %swap3A_514 = arith.constant 0 : index
    %swap3A_515 = vector.load %arg8[%swap3A_512, %swap3A_513, %swap3A_514] : memref<14x256x128xf32, #tpu.memory_space<vmem>>, vector<1x8x128xf32>
    %swap3A_516 = vector.shape_cast %swap3A_515 : vector<1x8x128xf32> to vector<8x128xf32>
    %swap3A_517 = vector.shape_cast %slice3A_511 : vector<8x128xf32> to vector<1x8x128xf32>
    tpu.vector_store %arg8[%swap3A_512, %swap3A_513, %swap3A_514], %swap3A_517 {strides = array<i32>} : memref<14x256x128xf32, #tpu.memory_space<vmem>>, vector<1x8x128xf32>,
    %slice3A_518 = vector.extract_strided_slice %dot_general3A_461 {offsets = [64, 0], sizes = [8, 128], strides = [1, 1]} : vector<112x128xf32> to vector<8x128xf32>
    %swap3A_519 = arith.constant 8 : index
    %swap3A_520 = arith.constant 32 : index
    %swap3A_521 = arith.constant 0 : index
    %swap3A_522 = vector.load %arg8[%swap3A_519, %swap3A_520, %swap3A_521] : memref<14x256x128xf32, #tpu.memory_space<vmem>>, vector<1x8x128xf32>
    %swap3A_523 = vector.shape_cast %swap3A_522 : vector<1x8x128xf32> to vector<8x128xf32>
    %swap3A_524 = vector.shape_cast %slice3A_518 : vector<8x128xf32> to vector<1x8x128xf32>
    tpu.vector_store %arg8[%swap3A_519, %swap3A_520, %swap3A_521], %swap3A_524 {strides = array<i32>} : memref<14x256x128xf32, #tpu.memory_space<vmem>>, vector<1x8x128xf32>,
    %slice3A_525 = vector.extract_strided_slice %dot_general3A_461 {offsets = [72, 0], sizes = [8, 128], strides = [1, 1]} : vector<112x128xf32> to vector<8x128xf32>
    %swap3A_526 = arith.constant 9 : index
    %swap3A_527 = arith.constant 32 : index
    %swap3A_528 = arith.constant 0 : index
    %swap3A_529 = vector.load %arg8[%swap3A_526, %swap3A_527, %swap3A_528] : memref<14x256x128xf32, #tpu.memory_space<vmem>>, vector<1x8x128xf32>
    %swap3A_530 = vector.shape_cast %swap3A_529 : vector<1x8x128xf32> to vector<8x128xf32>
    %swap3A_531 = vector.shape_cast %slice3A_525 : vector<8x128xf32> to vector<1x8x128xf32>
    tpu.vector_store %arg8[%swap3A_526, %swap3A_527, %swap3A_528], %swap3A_531 {strides = array<i32>} : memref<14x256x128xf32, #tpu.memory_space<vmem>>, vector<1x8x128xf32>,
    %slice3A_532 = vector.extract_strided_slice %dot_general3A_461 {offsets = [80, 0], sizes = [8, 128], strides = [1, 1]} : vector<112x128xf32> to vector<8x128xf32>
    %swap3A_533 = arith.constant 10 : index
    %swap3A_534 = arith.constant 32 : index
    %swap3A_535 = arith.constant 0 : index
    %swap3A_536 = vector.load %arg8[%swap3A_533, %swap3A_534, %swap3A_535] : memref<14x256x128xf32, #tpu.memory_space<vmem>>, vector<1x8x128xf32>
    %swap3A_537 = vector.shape_cast %swap3A_536 : vector<1x8x128xf32> to vector<8x128xf32>
    %swap3A_538 = vector.shape_cast %slice3A_532 : vector<8x128xf32> to vector<1x8x128xf32>
    tpu.vector_store %arg8[%swap3A_533, %swap3A_534, %swap3A_535], %swap3A_538 {strides = array<i32>} : memref<14x256x128xf32, #tpu.memory_space<vmem>>, vector<1x8x128xf32>,
    %slice3A_539 = vector.extract_strided_slice %dot_general3A_461 {offsets = [88, 0], sizes = [8, 128], strides = [1, 1]} : vector<112x128xf32> to vector<8x128xf32>
    %swap3A_540 = arith.constant 11 : index
    %swap3A_541 = arith.constant 32 : index
    %swap3A_542 = arith.constant 0 : index
    %swap3A_543 = vector.load %arg8[%swap3A_540, %swap3A_541, %swap3A_542] : memref<14x256x128xf32, #tpu.memory_space<vmem>>, vector<1x8x128xf32>
    %swap3A_544 = vector.shape_cast %swap3A_543 : vector<1x8x128xf32> to vector<8x128xf32>
    %swap3A_545 = vector.shape_cast %slice3A_539 : vector<8x128xf32> to vector<1x8x128xf32>
    tpu.vector_store %arg8[%swap3A_540, %swap3A_541, %swap3A_542], %swap3A_545 {strides = array<i32>} : memref<14x256x128xf32, #tpu.memory_space<vmem>>, vector<1x8x128xf32>,
    %slice3A_546 = vector.extract_strided_slice %dot_general3A_461 {offsets = [96, 0], sizes = [8, 128], strides = [1, 1]} : vector<112x128xf32> to vector<8x128xf32>
    %swap3A_547 = arith.constant 12 : index
    %swap3A_548 = arith.constant 32 : index
    %swap3A_549 = arith.constant 0 : index
    %swap3A_550 = vector.load %arg8[%swap3A_547, %swap3A_548, %swap3A_549] : memref<14x256x128xf32, #tpu.memory_space<vmem>>, vector<1x8x128xf32>
    %swap3A_551 = vector.shape_cast %swap3A_550 : vector<1x8x128xf32> to vector<8x128xf32>
    %swap3A_552 = vector.shape_cast %slice3A_546 : vector<8x128xf32> to vector<1x8x128xf32>
    tpu.vector_store %arg8[%swap3A_547, %swap3A_548, %swap3A_549], %swap3A_552 {strides = array<i32>} : memref<14x256x128xf32, #tpu.memory_space<vmem>>, vector<1x8x128xf32>,
    %slice3A_553 = vector.extract_strided_slice %dot_general3A_461 {offsets = [104, 0], sizes = [8, 128], strides = [1, 1]} : vector<112x128xf32> to vector<8x128xf32>
    %swap3A_554 = arith.constant 13 : index
    %swap3A_555 = arith.constant 32 : index
    %swap3A_556 = arith.constant 0 : index
    %swap3A_557 = vector.load %arg8[%swap3A_554, %swap3A_555, %swap3A_556] : memref<14x256x128xf32, #tpu.memory_space<vmem>>, vector<1x8x128xf32>
    %swap3A_558 = vector.shape_cast %swap3A_557 : vector<1x8x128xf32> to vector<8x128xf32>
    %swap3A_559 = vector.shape_cast %slice3A_553 : vector<8x128xf32> to vector<1x8x128xf32>
    tpu.vector_store %arg8[%swap3A_554, %swap3A_555, %swap3A_556], %swap3A_559 {strides = array<i32>} : memref<14x256x128xf32, #tpu.memory_space<vmem>>, vector<1x8x128xf32>,
    %get3A_560 = arith.constant 1280 : index
    %get3A_561 = arith.constant 0 : index
    %get3A_562 = vector.load %arg1[%get3A_560, %get3A_561] : memref<8192x128xf32, #tpu.memory_space<vmem>>, vector<256x128xf32>
    %convert_element_type3A_563 = arith.truncf %get3A_562 : vector<256x128xf32> to vector<256x128xbf16>
    %get3A_564 = arith.constant 5 : index
    %get3A_565 = arith.constant 0 : index
    %get3A_566 = arith.constant 0 : index
    %get3A_567 = arith.constant 0 : index
    %get3A_568 = vector.load %arg2[%get3A_564, %get3A_565, %get3A_566, %get3A_567] : memref<32x14x8x32xbf16, #tpu.memory_space<vmem>>, vector<1x14x8x32xbf16>
    %get3A_569 = vector.shape_cast %get3A_568 : vector<1x14x8x32xbf16> to vector<14x8x32xbf16>
    %reshape3A_570 = vector.shape_cast %get3A_569 : vector<14x8x32xbf16> to vector<112x32xbf16>
    %concatenate3A_571 = tpu.concatenate %reshape3A_570, %reshape3A_570, %reshape3A_570, %reshape3A_570, %reshape3A_570, %reshape3A_570, %reshape3A_570, %reshape3A_570 in 1 : vector<112x32xbf16>, vector<112x32xbf16>, vector<112x32xbf16>, vector<112x32xbf16>, vector<112x32xbf16>, vector<112x32xbf16>, vector<112x32xbf16>, vector<112x32xbf16> -> vector<112x256xbf16>
    %mul3A_572 = arith.mulf %concatenate3A_571, %get3A_1 : vector<112x256xbf16>
    %dot_general3A_573 = arith.constant dense<0.000000e+00> : vector<112x128xf32>
    %dot_general3A_574 = tpu.matmul %mul3A_572, %convert_element_type3A_563, %dot_general3A_573 {dimension_numbers = #tpu.dot_dimension_numbers<[1], [0], [0], [1], [0, 0, 1, 1], [], []>, transpose_lhs_hint = false} : vector<112x256xbf16>, vector<256x128xbf16>, vector<112x128xf32> -> vector<112x128xf32>
    %slice3A_575 = vector.extract_strided_slice %dot_general3A_574 {offsets = [0, 0], sizes = [8, 128], strides = [1, 1]} : vector<112x128xf32> to vector<8x128xf32>
    %swap3A_576 = arith.constant 0 : index
    %swap3A_577 = arith.constant 40 : index
    %swap3A_578 = arith.constant 0 : index
    %swap3A_579 = vector.load %arg8[%swap3A_576, %swap3A_577, %swap3A_578] : memref<14x256x128xf32, #tpu.memory_space<vmem>>, vector<1x8x128xf32>
    %swap3A_580 = vector.shape_cast %swap3A_579 : vector<1x8x128xf32> to vector<8x128xf32>
    %swap3A_581 = vector.shape_cast %slice3A_575 : vector<8x128xf32> to vector<1x8x128xf32>
    tpu.vector_store %arg8[%swap3A_576, %swap3A_577, %swap3A_578], %swap3A_581 {strides = array<i32>} : memref<14x256x128xf32, #tpu.memory_space<vmem>>, vector<1x8x128xf32>,
    %slice3A_582 = vector.extract_strided_slice %dot_general3A_574 {offsets = [8, 0], sizes = [8, 128], strides = [1, 1]} : vector<112x128xf32> to vector<8x128xf32>
    %swap3A_583 = arith.constant 1 : index
    %swap3A_584 = arith.constant 40 : index
    %swap3A_585 = arith.constant 0 : index
    %swap3A_586 = vector.load %arg8[%swap3A_583, %swap3A_584, %swap3A_585] : memref<14x256x128xf32, #tpu.memory_space<vmem>>, vector<1x8x128xf32>
    %swap3A_587 = vector.shape_cast %swap3A_586 : vector<1x8x128xf32> to vector<8x128xf32>
    %swap3A_588 = vector.shape_cast %slice3A_582 : vector<8x128xf32> to vector<1x8x128xf32>
    tpu.vector_store %arg8[%swap3A_583, %swap3A_584, %swap3A_585], %swap3A_588 {strides = array<i32>} : memref<14x256x128xf32, #tpu.memory_space<vmem>>, vector<1x8x128xf32>,
    %slice3A_589 = vector.extract_strided_slice %dot_general3A_574 {offsets = [16, 0], sizes = [8, 128], strides = [1, 1]} : vector<112x128xf32> to vector<8x128xf32>
    %swap3A_590 = arith.constant 2 : index
    %swap3A_591 = arith.constant 40 : index
    %swap3A_592 = arith.constant 0 : index
    %swap3A_593 = vector.load %arg8[%swap3A_590, %swap3A_591, %swap3A_592] : memref<14x256x128xf32, #tpu.memory_space<vmem>>, vector<1x8x128xf32>
    %swap3A_594 = vector.shape_cast %swap3A_593 : vector<1x8x128xf32> to vector<8x128xf32>
    %swap3A_595 = vector.shape_cast %slice3A_589 : vector<8x128xf32> to vector<1x8x128xf32>
    tpu.vector_store %arg8[%swap3A_590, %swap3A_591, %swap3A_592], %swap3A_595 {strides = array<i32>} : memref<14x256x128xf32, #tpu.memory_space<vmem>>, vector<1x8x128xf32>,
    %slice3A_596 = vector.extract_strided_slice %dot_general3A_574 {offsets = [24, 0], sizes = [8, 128], strides = [1, 1]} : vector<112x128xf32> to vector<8x128xf32>
    %swap3A_597 = arith.constant 3 : index
    %swap3A_598 = arith.constant 40 : index
    %swap3A_599 = arith.constant 0 : index
    %swap3A_600 = vector.load %arg8[%swap3A_597, %swap3A_598, %swap3A_599] : memref<14x256x128xf32, #tpu.memory_space<vmem>>, vector<1x8x128xf32>
    %swap3A_601 = vector.shape_cast %swap3A_600 : vector<1x8x128xf32> to vector<8x128xf32>
    %swap3A_602 = vector.shape_cast %slice3A_596 : vector<8x128xf32> to vector<1x8x128xf32>
    tpu.vector_store %arg8[%swap3A_597, %swap3A_598, %swap3A_599], %swap3A_602 {strides = array<i32>} : memref<14x256x128xf32, #tpu.memory_space<vmem>>, vector<1x8x128xf32>,
    %slice3A_603 = vector.extract_strided_slice %dot_general3A_574 {offsets = [32, 0], sizes = [8, 128], strides = [1, 1]} : vector<112x128xf32> to vector<8x128xf32>
    %swap3A_604 = arith.constant 4 : index
    %swap3A_605 = arith.constant 40 : index
    %swap3A_606 = arith.constant 0 : index
    %swap3A_607 = vector.load %arg8[%swap3A_604, %swap3A_605, %swap3A_606] : memref<14x256x128xf32, #tpu.memory_space<vmem>>, vector<1x8x128xf32>
    %swap3A_608 = vector.shape_cast %swap3A_607 : vector<1x8x128xf32> to vector<8x128xf32>
    %swap3A_609 = vector.shape_cast %slice3A_603 : vector<8x128xf32> to vector<1x8x128xf32>
    tpu.vector_store %arg8[%swap3A_604, %swap3A_605, %swap3A_606], %swap3A_609 {strides = array<i32>} : memref<14x256x128xf32, #tpu.memory_space<vmem>>, vector<1x8x128xf32>,
    %slice3A_610 = vector.extract_strided_slice %dot_general3A_574 {offsets = [40, 0], sizes = [8, 128], strides = [1, 1]} : vector<112x128xf32> to vector<8x128xf32>
    %swap3A_611 = arith.constant 5 : index
    %swap3A_612 = arith.constant 40 : index
    %swap3A_613 = arith.constant 0 : index
    %swap3A_614 = vector.load %arg8[%swap3A_611, %swap3A_612, %swap3A_613] : memref<14x256x128xf32, #tpu.memory_space<vmem>>, vector<1x8x128xf32>
    %swap3A_615 = vector.shape_cast %swap3A_614 : vector<1x8x128xf32> to vector<8x128xf32>
    %swap3A_616 = vector.shape_cast %slice3A_610 : vector<8x128xf32> to vector<1x8x128xf32>
    tpu.vector_store %arg8[%swap3A_611, %swap3A_612, %swap3A_613], %swap3A_616 {strides = array<i32>} : memref<14x256x128xf32, #tpu.memory_space<vmem>>, vector<1x8x128xf32>,
    %slice3A_617 = vector.extract_strided_slice %dot_general3A_574 {offsets = [48, 0], sizes = [8, 128], strides = [1, 1]} : vector<112x128xf32> to vector<8x128xf32>
    %swap3A_618 = arith.constant 6 : index
    %swap3A_619 = arith.constant 40 : index
    %swap3A_620 = arith.constant 0 : index
    %swap3A_621 = vector.load %arg8[%swap3A_618, %swap3A_619, %swap3A_620] : memref<14x256x128xf32, #tpu.memory_space<vmem>>, vector<1x8x128xf32>
    %swap3A_622 = vector.shape_cast %swap3A_621 : vector<1x8x128xf32> to vector<8x128xf32>
    %swap3A_623 = vector.shape_cast %slice3A_617 : vector<8x128xf32> to vector<1x8x128xf32>
    tpu.vector_store %arg8[%swap3A_618, %swap3A_619, %swap3A_620], %swap3A_623 {strides = array<i32>} : memref<14x256x128xf32, #tpu.memory_space<vmem>>, vector<1x8x128xf32>,
    %slice3A_624 = vector.extract_strided_slice %dot_general3A_574 {offsets = [56, 0], sizes = [8, 128], strides = [1, 1]} : vector<112x128xf32> to vector<8x128xf32>
    %swap3A_625 = arith.constant 7 : index
    %swap3A_626 = arith.constant 40 : index
    %swap3A_627 = arith.constant 0 : index
    %swap3A_628 = vector.load %arg8[%swap3A_625, %swap3A_626, %swap3A_627] : memref<14x256x128xf32, #tpu.memory_space<vmem>>, vector<1x8x128xf32>
    %swap3A_629 = vector.shape_cast %swap3A_628 : vector<1x8x128xf32> to vector<8x128xf32>
    %swap3A_630 = vector.shape_cast %slice3A_624 : vector<8x128xf32> to vector<1x8x128xf32>
    tpu.vector_store %arg8[%swap3A_625, %swap3A_626, %swap3A_627], %swap3A_630 {strides = array<i32>} : memref<14x256x128xf32, #tpu.memory_space<vmem>>, vector<1x8x128xf32>,
    %slice3A_631 = vector.extract_strided_slice %dot_general3A_574 {offsets = [64, 0], sizes = [8, 128], strides = [1, 1]} : vector<112x128xf32> to vector<8x128xf32>
    %swap3A_632 = arith.constant 8 : index
    %swap3A_633 = arith.constant 40 : index
    %swap3A_634 = arith.constant 0 : index
    %swap3A_635 = vector.load %arg8[%swap3A_632, %swap3A_633, %swap3A_634] : memref<14x256x128xf32, #tpu.memory_space<vmem>>, vector<1x8x128xf32>
    %swap3A_636 = vector.shape_cast %swap3A_635 : vector<1x8x128xf32> to vector<8x128xf32>
    %swap3A_637 = vector.shape_cast %slice3A_631 : vector<8x128xf32> to vector<1x8x128xf32>
    tpu.vector_store %arg8[%swap3A_632, %swap3A_633, %swap3A_634], %swap3A_637 {strides = array<i32>} : memref<14x256x128xf32, #tpu.memory_space<vmem>>, vector<1x8x128xf32>,
    %slice3A_638 = vector.extract_strided_slice %dot_general3A_574 {offsets = [72, 0], sizes = [8, 128], strides = [1, 1]} : vector<112x128xf32> to vector<8x128xf32>
    %swap3A_639 = arith.constant 9 : index
    %swap3A_640 = arith.constant 40 : index
    %swap3A_641 = arith.constant 0 : index
    %swap3A_642 = vector.load %arg8[%swap3A_639, %swap3A_640, %swap3A_641] : memref<14x256x128xf32, #tpu.memory_space<vmem>>, vector<1x8x128xf32>
    %swap3A_643 = vector.shape_cast %swap3A_642 : vector<1x8x128xf32> to vector<8x128xf32>
    %swap3A_644 = vector.shape_cast %slice3A_638 : vector<8x128xf32> to vector<1x8x128xf32>
    tpu.vector_store %arg8[%swap3A_639, %swap3A_640, %swap3A_641], %swap3A_644 {strides = array<i32>} : memref<14x256x128xf32, #tpu.memory_space<vmem>>, vector<1x8x128xf32>,
    %slice3A_645 = vector.extract_strided_slice %dot_general3A_574 {offsets = [80, 0], sizes = [8, 128], strides = [1, 1]} : vector<112x128xf32> to vector<8x128xf32>
    %swap3A_646 = arith.constant 10 : index
    %swap3A_647 = arith.constant 40 : index
    %swap3A_648 = arith.constant 0 : index
    %swap3A_649 = vector.load %arg8[%swap3A_646, %swap3A_647, %swap3A_648] : memref<14x256x128xf32, #tpu.memory_space<vmem>>, vector<1x8x128xf32>
    %swap3A_650 = vector.shape_cast %swap3A_649 : vector<1x8x128xf32> to vector<8x128xf32>
    %swap3A_651 = vector.shape_cast %slice3A_645 : vector<8x128xf32> to vector<1x8x128xf32>
    tpu.vector_store %arg8[%swap3A_646, %swap3A_647, %swap3A_648], %swap3A_651 {strides = array<i32>} : memref<14x256x128xf32, #tpu.memory_space<vmem>>, vector<1x8x128xf32>,
    %slice3A_652 = vector.extract_strided_slice %dot_general3A_574 {offsets = [88, 0], sizes = [8, 128], strides = [1, 1]} : vector<112x128xf32> to vector<8x128xf32>
    %swap3A_653 = arith.constant 11 : index
    %swap3A_654 = arith.constant 40 : index
    %swap3A_655 = arith.constant 0 : index
    %swap3A_656 = vector.load %arg8[%swap3A_653, %swap3A_654, %swap3A_655] : memref<14x256x128xf32, #tpu.memory_space<vmem>>, vector<1x8x128xf32>
    %swap3A_657 = vector.shape_cast %swap3A_656 : vector<1x8x128xf32> to vector<8x128xf32>
    %swap3A_658 = vector.shape_cast %slice3A_652 : vector<8x128xf32> to vector<1x8x128xf32>
    tpu.vector_store %arg8[%swap3A_653, %swap3A_654, %swap3A_655], %swap3A_658 {strides = array<i32>} : memref<14x256x128xf32, #tpu.memory_space<vmem>>, vector<1x8x128xf32>,
    %slice3A_659 = vector.extract_strided_slice %dot_general3A_574 {offsets = [96, 0], sizes = [8, 128], strides = [1, 1]} : vector<112x128xf32> to vector<8x128xf32>
    %swap3A_660 = arith.constant 12 : index
    %swap3A_661 = arith.constant 40 : index
    %swap3A_662 = arith.constant 0 : index
    %swap3A_663 = vector.load %arg8[%swap3A_660, %swap3A_661, %swap3A_662] : memref<14x256x128xf32, #tpu.memory_space<vmem>>, vector<1x8x128xf32>
    %swap3A_664 = vector.shape_cast %swap3A_663 : vector<1x8x128xf32> to vector<8x128xf32>
    %swap3A_665 = vector.shape_cast %slice3A_659 : vector<8x128xf32> to vector<1x8x128xf32>
    tpu.vector_store %arg8[%swap3A_660, %swap3A_661, %swap3A_662], %swap3A_665 {strides = array<i32>} : memref<14x256x128xf32, #tpu.memory_space<vmem>>, vector<1x8x128xf32>,
    %slice3A_666 = vector.extract_strided_slice %dot_general3A_574 {offsets = [104, 0], sizes = [8, 128], strides = [1, 1]} : vector<112x128xf32> to vector<8x128xf32>
    %swap3A_667 = arith.constant 13 : index
    %swap3A_668 = arith.constant 40 : index
    %swap3A_669 = arith.constant 0 : index
    %swap3A_670 = vector.load %arg8[%swap3A_667, %swap3A_668, %swap3A_669] : memref<14x256x128xf32, #tpu.memory_space<vmem>>, vector<1x8x128xf32>
    %swap3A_671 = vector.shape_cast %swap3A_670 : vector<1x8x128xf32> to vector<8x128xf32>
    %swap3A_672 = vector.shape_cast %slice3A_666 : vector<8x128xf32> to vector<1x8x128xf32>
    tpu.vector_store %arg8[%swap3A_667, %swap3A_668, %swap3A_669], %swap3A_672 {strides = array<i32>} : memref<14x256x128xf32, #tpu.memory_space<vmem>>, vector<1x8x128xf32>,
    %get3A_673 = arith.constant 1536 : index
    %get3A_674 = arith.constant 0 : index
    %get3A_675 = vector.load %arg1[%get3A_673, %get3A_674] : memref<8192x128xf32, #tpu.memory_space<vmem>>, vector<256x128xf32>
    %convert_element_type3A_676 = arith.truncf %get3A_675 : vector<256x128xf32> to vector<256x128xbf16>
    %get3A_677 = arith.constant 6 : index
    %get3A_678 = arith.constant 0 : index
    %get3A_679 = arith.constant 0 : index
    %get3A_680 = arith.constant 0 : index
    %get3A_681 = vector.load %arg2[%get3A_677, %get3A_678, %get3A_679, %get3A_680] : memref<32x14x8x32xbf16, #tpu.memory_space<vmem>>, vector<1x14x8x32xbf16>
    %get3A_682 = vector.shape_cast %get3A_681 : vector<1x14x8x32xbf16> to vector<14x8x32xbf16>
    %reshape3A_683 = vector.shape_cast %get3A_682 : vector<14x8x32xbf16> to vector<112x32xbf16>
    %concatenate3A_684 = tpu.concatenate %reshape3A_683, %reshape3A_683, %reshape3A_683, %reshape3A_683, %reshape3A_683, %reshape3A_683, %reshape3A_683, %reshape3A_683 in 1 : vector<112x32xbf16>, vector<112x32xbf16>, vector<112x32xbf16>, vector<112x32xbf16>, vector<112x32xbf16>, vector<112x32xbf16>, vector<112x32xbf16>, vector<112x32xbf16> -> vector<112x256xbf16>
    %mul3A_685 = arith.mulf %concatenate3A_684, %get3A_1 : vector<112x256xbf16>
    %dot_general3A_686 = arith.constant dense<0.000000e+00> : vector<112x128xf32>
    %dot_general3A_687 = tpu.matmul %mul3A_685, %convert_element_type3A_676, %dot_general3A_686 {dimension_numbers = #tpu.dot_dimension_numbers<[1], [0], [0], [1], [0, 0, 1, 1], [], []>, transpose_lhs_hint = false} : vector<112x256xbf16>, vector<256x128xbf16>, vector<112x128xf32> -> vector<112x128xf32>
    %slice3A_688 = vector.extract_strided_slice %dot_general3A_687 {offsets = [0, 0], sizes = [8, 128], strides = [1, 1]} : vector<112x128xf32> to vector<8x128xf32>
    %swap3A_689 = arith.constant 0 : index
    %swap3A_690 = arith.constant 48 : index
    %swap3A_691 = arith.constant 0 : index
    %swap3A_692 = vector.load %arg8[%swap3A_689, %swap3A_690, %swap3A_691] : memref<14x256x128xf32, #tpu.memory_space<vmem>>, vector<1x8x128xf32>
    %swap3A_693 = vector.shape_cast %swap3A_692 : vector<1x8x128xf32> to vector<8x128xf32>
    %swap3A_694 = vector.shape_cast %slice3A_688 : vector<8x128xf32> to vector<1x8x128xf32>
    tpu.vector_store %arg8[%swap3A_689, %swap3A_690, %swap3A_691], %swap3A_694 {strides = array<i32>} : memref<14x256x128xf32, #tpu.memory_space<vmem>>, vector<1x8x128xf32>,
    %slice3A_695 = vector.extract_strided_slice %dot_general3A_687 {offsets = [8, 0], sizes = [8, 128], strides = [1, 1]} : vector<112x128xf32> to vector<8x128xf32>
    %swap3A_696 = arith.constant 1 : index
    %swap3A_697 = arith.constant 48 : index
    %swap3A_698 = arith.constant 0 : index
    %swap3A_699 = vector.load %arg8[%swap3A_696, %swap3A_697, %swap3A_698] : memref<14x256x128xf32, #tpu.memory_space<vmem>>, vector<1x8x128xf32>
    %swap3A_700 = vector.shape_cast %swap3A_699 : vector<1x8x128xf32> to vector<8x128xf32>
    %swap3A_701 = vector.shape_cast %slice3A_695 : vector<8x128xf32> to vector<1x8x128xf32>
    tpu.vector_store %arg8[%swap3A_696, %swap3A_697, %swap3A_698], %swap3A_701 {strides = array<i32>} : memref<14x256x128xf32, #tpu.memory_space<vmem>>, vector<1x8x128xf32>,
    %slice3A_702 = vector.extract_strided_slice %dot_general3A_687 {offsets = [16, 0], sizes = [8, 128], strides = [1, 1]} : vector<112x128xf32> to vector<8x128xf32>
    %swap3A_703 = arith.constant 2 : index
    %swap3A_704 = arith.constant 48 : index
    %swap3A_705 = arith.constant 0 : index
    %swap3A_706 = vector.load %arg8[%swap3A_703, %swap3A_704, %swap3A_705] : memref<14x256x128xf32, #tpu.memory_space<vmem>>, vector<1x8x128xf32>
    %swap3A_707 = vector.shape_cast %swap3A_706 : vector<1x8x128xf32> to vector<8x128xf32>
    %swap3A_708 = vector.shape_cast %slice3A_702 : vector<8x128xf32> to vector<1x8x128xf32>
    tpu.vector_store %arg8[%swap3A_703, %swap3A_704, %swap3A_705], %swap3A_708 {strides = array<i32>} : memref<14x256x128xf32, #tpu.memory_space<vmem>>, vector<1x8x128xf32>,
    %slice3A_709 = vector.extract_strided_slice %dot_general3A_687 {offsets = [24, 0], sizes = [8, 128], strides = [1, 1]} : vector<112x128xf32> to vector<8x128xf32>
    %swap3A_710 = arith.constant 3 : index
    %swap3A_711 = arith.constant 48 : index
    %swap3A_712 = arith.constant 0 : index
    %swap3A_713 = vector.load %arg8[%swap3A_710, %swap3A_711, %swap3A_712] : memref<14x256x128xf32, #tpu.memory_space<vmem>>, vector<1x8x128xf32>
    %swap3A_714 = vector.shape_cast %swap3A_713 : vector<1x8x128xf32> to vector<8x128xf32>
    %swap3A_715 = vector.shape_cast %slice3A_709 : vector<8x128xf32> to vector<1x8x128xf32>
    tpu.vector_store %arg8[%swap3A_710, %swap3A_711, %swap3A_712], %swap3A_715 {strides = array<i32>} : memref<14x256x128xf32, #tpu.memory_space<vmem>>, vector<1x8x128xf32>,
    %slice3A_716 = vector.extract_strided_slice %dot_general3A_687 {offsets = [32, 0], sizes = [8, 128], strides = [1, 1]} : vector<112x128xf32> to vector<8x128xf32>
    %swap3A_717 = arith.constant 4 : index
    %swap3A_718 = arith.constant 48 : index
    %swap3A_719 = arith.constant 0 : index
    %swap3A_720 = vector.load %arg8[%swap3A_717, %swap3A_718, %swap3A_719] : memref<14x256x128xf32, #tpu.memory_space<vmem>>, vector<1x8x128xf32>
    %swap3A_721 = vector.shape_cast %swap3A_720 : vector<1x8x128xf32> to vector<8x128xf32>
    %swap3A_722 = vector.shape_cast %slice3A_716 : vector<8x128xf32> to vector<1x8x128xf32>
    tpu.vector_store %arg8[%swap3A_717, %swap3A_718, %swap3A_719], %swap3A_722 {strides = array<i32>} : memref<14x256x128xf32, #tpu.memory_space<vmem>>, vector<1x8x128xf32>,
    %slice3A_723 = vector.extract_strided_slice %dot_general3A_687 {offsets = [40, 0], sizes = [8, 128], strides = [1, 1]} : vector<112x128xf32> to vector<8x128xf32>
    %swap3A_724 = arith.constant 5 : index
    %swap3A_725 = arith.constant 48 : index
    %swap3A_726 = arith.constant 0 : index
    %swap3A_727 = vector.load %arg8[%swap3A_724, %swap3A_725, %swap3A_726] : memref<14x256x128xf32, #tpu.memory_space<vmem>>, vector<1x8x128xf32>
    %swap3A_728 = vector.shape_cast %swap3A_727 : vector<1x8x128xf32> to vector<8x128xf32>
    %swap3A_729 = vector.shape_cast %slice3A_723 : vector<8x128xf32> to vector<1x8x128xf32>
    tpu.vector_store %arg8[%swap3A_724, %swap3A_725, %swap3A_726], %swap3A_729 {strides = array<i32>} : memref<14x256x128xf32, #tpu.memory_space<vmem>>, vector<1x8x128xf32>,
    %slice3A_730 = vector.extract_strided_slice %dot_general3A_687 {offsets = [48, 0], sizes = [8, 128], strides = [1, 1]} : vector<112x128xf32> to vector<8x128xf32>
    %swap3A_731 = arith.constant 6 : index
    %swap3A_732 = arith.constant 48 : index
    %swap3A_733 = arith.constant 0 : index
    %swap3A_734 = vector.load %arg8[%swap3A_731, %swap3A_732, %swap3A_733] : memref<14x256x128xf32, #tpu.memory_space<vmem>>, vector<1x8x128xf32>
    %swap3A_735 = vector.shape_cast %swap3A_734 : vector<1x8x128xf32> to vector<8x128xf32>
    %swap3A_736 = vector.shape_cast %slice3A_730 : vector<8x128xf32> to vector<1x8x128xf32>
    tpu.vector_store %arg8[%swap3A_731, %swap3A_732, %swap3A_733], %swap3A_736 {strides = array<i32>} : memref<14x256x128xf32, #tpu.memory_space<vmem>>, vector<1x8x128xf32>,
    %slice3A_737 = vector.extract_strided_slice %dot_general3A_687 {offsets = [56, 0], sizes = [8, 128], strides = [1, 1]} : vector<112x128xf32> to vector<8x128xf32>
    %swap3A_738 = arith.constant 7 : index
    %swap3A_739 = arith.constant 48 : index
    %swap3A_740 = arith.constant 0 : index
    %swap3A_741 = vector.load %arg8[%swap3A_738, %swap3A_739, %swap3A_740] : memref<14x256x128xf32, #tpu.memory_space<vmem>>, vector<1x8x128xf32>
    %swap3A_742 = vector.shape_cast %swap3A_741 : vector<1x8x128xf32> to vector<8x128xf32>
    %swap3A_743 = vector.shape_cast %slice3A_737 : vector<8x128xf32> to vector<1x8x128xf32>
    tpu.vector_store %arg8[%swap3A_738, %swap3A_739, %swap3A_740], %swap3A_743 {strides = array<i32>} : memref<14x256x128xf32, #tpu.memory_space<vmem>>, vector<1x8x128xf32>,
    %slice3A_744 = vector.extract_strided_slice %dot_general3A_687 {offsets = [64, 0], sizes = [8, 128], strides = [1, 1]} : vector<112x128xf32> to vector<8x128xf32>
    %swap3A_745 = arith.constant 8 : index
    %swap3A_746 = arith.constant 48 : index
    %swap3A_747 = arith.constant 0 : index
    %swap3A_748 = vector.load %arg8[%swap3A_745, %swap3A_746, %swap3A_747] : memref<14x256x128xf32, #tpu.memory_space<vmem>>, vector<1x8x128xf32>
    %swap3A_749 = vector.shape_cast %swap3A_748 : vector<1x8x128xf32> to vector<8x128xf32>
    %swap3A_750 = vector.shape_cast %slice3A_744 : vector<8x128xf32> to vector<1x8x128xf32>
    tpu.vector_store %arg8[%swap3A_745, %swap3A_746, %swap3A_747], %swap3A_750 {strides = array<i32>} : memref<14x256x128xf32, #tpu.memory_space<vmem>>, vector<1x8x128xf32>,
    %slice3A_751 = vector.extract_strided_slice %dot_general3A_687 {offsets = [72, 0], sizes = [8, 128], strides = [1, 1]} : vector<112x128xf32> to vector<8x128xf32>
    %swap3A_752 = arith.constant 9 : index
    %swap3A_753 = arith.constant 48 : index
    %swap3A_754 = arith.constant 0 : index
    %swap3A_755 = vector.load %arg8[%swap3A_752, %swap3A_753, %swap3A_754] : memref<14x256x128xf32, #tpu.memory_space<vmem>>, vector<1x8x128xf32>
    %swap3A_756 = vector.shape_cast %swap3A_755 : vector<1x8x128xf32> to vector<8x128xf32>
    %swap3A_757 = vector.shape_cast %slice3A_751 : vector<8x128xf32> to vector<1x8x128xf32>
    tpu.vector_store %arg8[%swap3A_752, %swap3A_753, %swap3A_754], %swap3A_757 {strides = array<i32>} : memref<14x256x128xf32, #tpu.memory_space<vmem>>, vector<1x8x128xf32>,
    %slice3A_758 = vector.extract_strided_slice %dot_general3A_687 {offsets = [80, 0], sizes = [8, 128], strides = [1, 1]} : vector<112x128xf32> to vector<8x128xf32>
    %swap3A_759 = arith.constant 10 : index
    %swap3A_760 = arith.constant 48 : index
    %swap3A_761 = arith.constant 0 : index
    %swap3A_762 = vector.load %arg8[%swap3A_759, %swap3A_760, %swap3A_761] : memref<14x256x128xf32, #tpu.memory_space<vmem>>, vector<1x8x128xf32>
    %swap3A_763 = vector.shape_cast %swap3A_762 : vector<1x8x128xf32> to vector<8x128xf32>
    %swap3A_764 = vector.shape_cast %slice3A_758 : vector<8x128xf32> to vector<1x8x128xf32>
    tpu.vector_store %arg8[%swap3A_759, %swap3A_760, %swap3A_761], %swap3A_764 {strides = array<i32>} : memref<14x256x128xf32, #tpu.memory_space<vmem>>, vector<1x8x128xf32>,
    %slice3A_765 = vector.extract_strided_slice %dot_general3A_687 {offsets = [88, 0], sizes = [8, 128], strides = [1, 1]} : vector<112x128xf32> to vector<8x128xf32>
    %swap3A_766 = arith.constant 11 : index
    %swap3A_767 = arith.constant 48 : index
    %swap3A_768 = arith.constant 0 : index
    %swap3A_769 = vector.load %arg8[%swap3A_766, %swap3A_767, %swap3A_768] : memref<14x256x128xf32, #tpu.memory_space<vmem>>, vector<1x8x128xf32>
    %swap3A_770 = vector.shape_cast %swap3A_769 : vector<1x8x128xf32> to vector<8x128xf32>
    %swap3A_771 = vector.shape_cast %slice3A_765 : vector<8x128xf32> to vector<1x8x128xf32>
    tpu.vector_store %arg8[%swap3A_766, %swap3A_767, %swap3A_768], %swap3A_771 {strides = array<i32>} : memref<14x256x128xf32, #tpu.memory_space<vmem>>, vector<1x8x128xf32>,
    %slice3A_772 = vector.extract_strided_slice %dot_general3A_687 {offsets = [96, 0], sizes = [8, 128], strides = [1, 1]} : vector<112x128xf32> to vector<8x128xf32>
    %swap3A_773 = arith.constant 12 : index
    %swap3A_774 = arith.constant 48 : index
    %swap3A_775 = arith.constant 0 : index
    %swap3A_776 = vector.load %arg8[%swap3A_773, %swap3A_774, %swap3A_775] : memref<14x256x128xf32, #tpu.memory_space<vmem>>, vector<1x8x128xf32>
    %swap3A_777 = vector.shape_cast %swap3A_776 : vector<1x8x128xf32> to vector<8x128xf32>
    %swap3A_778 = vector.shape_cast %slice3A_772 : vector<8x128xf32> to vector<1x8x128xf32>
    tpu.vector_store %arg8[%swap3A_773, %swap3A_774, %swap3A_775], %swap3A_778 {strides = array<i32>} : memref<14x256x128xf32, #tpu.memory_space<vmem>>, vector<1x8x128xf32>,
    %slice3A_779 = vector.extract_strided_slice %dot_general3A_687 {offsets = [104, 0], sizes = [8, 128], strides = [1, 1]} : vector<112x128xf32> to vector<8x128xf32>
    %swap3A_780 = arith.constant 13 : index
    %swap3A_781 = arith.constant 48 : index
    %swap3A_782 = arith.constant 0 : index
    %swap3A_783 = vector.load %arg8[%swap3A_780, %swap3A_781, %swap3A_782] : memref<14x256x128xf32, #tpu.memory_space<vmem>>, vector<1x8x128xf32>
    %swap3A_784 = vector.shape_cast %swap3A_783 : vector<1x8x128xf32> to vector<8x128xf32>
    %swap3A_785 = vector.shape_cast %slice3A_779 : vector<8x128xf32> to vector<1x8x128xf32>
    tpu.vector_store %arg8[%swap3A_780, %swap3A_781, %swap3A_782], %swap3A_785 {strides = array<i32>} : memref<14x256x128xf32, #tpu.memory_space<vmem>>, vector<1x8x128xf32>,
    %get3A_786 = arith.constant 1792 : index
    %get3A_787 = arith.constant 0 : index
    %get3A_788 = vector.load %arg1[%get3A_786, %get3A_787] : memref<8192x128xf32, #tpu.memory_space<vmem>>, vector<256x128xf32>
    %convert_element_type3A_789 = arith.truncf %get3A_788 : vector<256x128xf32> to vector<256x128xbf16>
    %get3A_790 = arith.constant 7 : index
    %get3A_791 = arith.constant 0 : index
    %get3A_792 = arith.constant 0 : index
    %get3A_793 = arith.constant 0 : index
    %get3A_794 = vector.load %arg2[%get3A_790, %get3A_791, %get3A_792, %get3A_793] : memref<32x14x8x32xbf16, #tpu.memory_space<vmem>>, vector<1x14x8x32xbf16>
    %get3A_795 = vector.shape_cast %get3A_794 : vector<1x14x8x32xbf16> to vector<14x8x32xbf16>
    %reshape3A_796 = vector.shape_cast %get3A_795 : vector<14x8x32xbf16> to vector<112x32xbf16>
    %concatenate3A_797 = tpu.concatenate %reshape3A_796, %reshape3A_796, %reshape3A_796, %reshape3A_796, %reshape3A_796, %reshape3A_796, %reshape3A_796, %reshape3A_796 in 1 : vector<112x32xbf16>, vector<112x32xbf16>, vector<112x32xbf16>, vector<112x32xbf16>, vector<112x32xbf16>, vector<112x32xbf16>, vector<112x32xbf16>, vector<112x32xbf16> -> vector<112x256xbf16>
    %mul3A_798 = arith.mulf %concatenate3A_797, %get3A_1 : vector<112x256xbf16>
    %dot_general3A_799 = arith.constant dense<0.000000e+00> : vector<112x128xf32>
    %dot_general3A_800 = tpu.matmul %mul3A_798, %convert_element_type3A_789, %dot_general3A_799 {dimension_numbers = #tpu.dot_dimension_numbers<[1], [0], [0], [1], [0, 0, 1, 1], [], []>, transpose_lhs_hint = false} : vector<112x256xbf16>, vector<256x128xbf16>, vector<112x128xf32> -> vector<112x128xf32>
    %slice3A_801 = vector.extract_strided_slice %dot_general3A_800 {offsets = [0, 0], sizes = [8, 128], strides = [1, 1]} : vector<112x128xf32> to vector<8x128xf32>
    %swap3A_802 = arith.constant 0 : index
    %swap3A_803 = arith.constant 56 : index
    %swap3A_804 = arith.constant 0 : index
    %swap3A_805 = vector.load %arg8[%swap3A_802, %swap3A_803, %swap3A_804] : memref<14x256x128xf32, #tpu.memory_space<vmem>>, vector<1x8x128xf32>
    %swap3A_806 = vector.shape_cast %swap3A_805 : vector<1x8x128xf32> to vector<8x128xf32>
    %swap3A_807 = vector.shape_cast %slice3A_801 : vector<8x128xf32> to vector<1x8x128xf32>
    tpu.vector_store %arg8[%swap3A_802, %swap3A_803, %swap3A_804], %swap3A_807 {strides = array<i32>} : memref<14x256x128xf32, #tpu.memory_space<vmem>>, vector<1x8x128xf32>,
    %slice3A_808 = vector.extract_strided_slice %dot_general3A_800 {offsets = [8, 0], sizes = [8, 128], strides = [1, 1]} : vector<112x128xf32> to vector<8x128xf32>
    %swap3A_809 = arith.constant 1 : index
    %swap3A_810 = arith.constant 56 : index
    %swap3A_811 = arith.constant 0 : index
    %swap3A_812 = vector.load %arg8[%swap3A_809, %swap3A_810, %swap3A_811] : memref<14x256x128xf32, #tpu.memory_space<vmem>>, vector<1x8x128xf32>
    %swap3A_813 = vector.shape_cast %swap3A_812 : vector<1x8x128xf32> to vector<8x128xf32>
    %swap3A_814 = vector.shape_cast %slice3A_808 : vector<8x128xf32> to vector<1x8x128xf32>
    tpu.vector_store %arg8[%swap3A_809, %swap3A_810, %swap3A_811], %swap3A_814 {strides = array<i32>} : memref<14x256x128xf32, #tpu.memory_space<vmem>>, vector<1x8x128xf32>,
    %slice3A_815 = vector.extract_strided_slice %dot_general3A_800 {offsets = [16, 0], sizes = [8, 128], strides = [1, 1]} : vector<112x128xf32> to vector<8x128xf32>
    %swap3A_816 = arith.constant 2 : index
    %swap3A_817 = arith.constant 56 : index
    %swap3A_818 = arith.constant 0 : index
    %swap3A_819 = vector.load %arg8[%swap3A_816, %swap3A_817, %swap3A_818] : memref<14x256x128xf32, #tpu.memory_space<vmem>>, vector<1x8x128xf32>
    %swap3A_820 = vector.shape_cast %swap3A_819 : vector<1x8x128xf32> to vector<8x128xf32>
    %swap3A_821 = vector.shape_cast %slice3A_815 : vector<8x128xf32> to vector<1x8x128xf32>
    tpu.vector_store %arg8[%swap3A_816, %swap3A_817, %swap3A_818], %swap3A_821 {strides = array<i32>} : memref<14x256x128xf32, #tpu.memory_space<vmem>>, vector<1x8x128xf32>,
    %slice3A_822 = vector.extract_strided_slice %dot_general3A_800 {offsets = [24, 0], sizes = [8, 128], strides = [1, 1]} : vector<112x128xf32> to vector<8x128xf32>
    %swap3A_823 = arith.constant 3 : index
    %swap3A_824 = arith.constant 56 : index
    %swap3A_825 = arith.constant 0 : index
    %swap3A_826 = vector.load %arg8[%swap3A_823, %swap3A_824, %swap3A_825] : memref<14x256x128xf32, #tpu.memory_space<vmem>>, vector<1x8x128xf32>
    %swap3A_827 = vector.shape_cast %swap3A_826 : vector<1x8x128xf32> to vector<8x128xf32>
    %swap3A_828 = vector.shape_cast %slice3A_822 : vector<8x128xf32> to vector<1x8x128xf32>
    tpu.vector_store %arg8[%swap3A_823, %swap3A_824, %swap3A_825], %swap3A_828 {strides = array<i32>} : memref<14x256x128xf32, #tpu.memory_space<vmem>>, vector<1x8x128xf32>,
    %slice3A_829 = vector.extract_strided_slice %dot_general3A_800 {offsets = [32, 0], sizes = [8, 128], strides = [1, 1]} : vector<112x128xf32> to vector<8x128xf32>
    %swap3A_830 = arith.constant 4 : index
    %swap3A_831 = arith.constant 56 : index
    %swap3A_832 = arith.constant 0 : index
    %swap3A_833 = vector.load %arg8[%swap3A_830, %swap3A_831, %swap3A_832] : memref<14x256x128xf32, #tpu.memory_space<vmem>>, vector<1x8x128xf32>
    %swap3A_834 = vector.shape_cast %swap3A_833 : vector<1x8x128xf32> to vector<8x128xf32>
    %swap3A_835 = vector.shape_cast %slice3A_829 : vector<8x128xf32> to vector<1x8x128xf32>
    tpu.vector_store %arg8[%swap3A_830, %swap3A_831, %swap3A_832], %swap3A_835 {strides = array<i32>} : memref<14x256x128xf32, #tpu.memory_space<vmem>>, vector<1x8x128xf32>,
    %slice3A_836 = vector.extract_strided_slice %dot_general3A_800 {offsets = [40, 0], sizes = [8, 128], strides = [1, 1]} : vector<112x128xf32> to vector<8x128xf32>
    %swap3A_837 = arith.constant 5 : index
    %swap3A_838 = arith.constant 56 : index
    %swap3A_839 = arith.constant 0 : index
    %swap3A_840 = vector.load %arg8[%swap3A_837, %swap3A_838, %swap3A_839] : memref<14x256x128xf32, #tpu.memory_space<vmem>>, vector<1x8x128xf32>
    %swap3A_841 = vector.shape_cast %swap3A_840 : vector<1x8x128xf32> to vector<8x128xf32>
    %swap3A_842 = vector.shape_cast %slice3A_836 : vector<8x128xf32> to vector<1x8x128xf32>
    tpu.vector_store %arg8[%swap3A_837, %swap3A_838, %swap3A_839], %swap3A_842 {strides = array<i32>} : memref<14x256x128xf32, #tpu.memory_space<vmem>>, vector<1x8x128xf32>,
    %slice3A_843 = vector.extract_strided_slice %dot_general3A_800 {offsets = [48, 0], sizes = [8, 128], strides = [1, 1]} : vector<112x128xf32> to vector<8x128xf32>
    %swap3A_844 = arith.constant 6 : index
    %swap3A_845 = arith.constant 56 : index
    %swap3A_846 = arith.constant 0 : index
    %swap3A_847 = vector.load %arg8[%swap3A_844, %swap3A_845, %swap3A_846] : memref<14x256x128xf32, #tpu.memory_space<vmem>>, vector<1x8x128xf32>
    %swap3A_848 = vector.shape_cast %swap3A_847 : vector<1x8x128xf32> to vector<8x128xf32>
    %swap3A_849 = vector.shape_cast %slice3A_843 : vector<8x128xf32> to vector<1x8x128xf32>
    tpu.vector_store %arg8[%swap3A_844, %swap3A_845, %swap3A_846], %swap3A_849 {strides = array<i32>} : memref<14x256x128xf32, #tpu.memory_space<vmem>>, vector<1x8x128xf32>,
    %slice3A_850 = vector.extract_strided_slice %dot_general3A_800 {offsets = [56, 0], sizes = [8, 128], strides = [1, 1]} : vector<112x128xf32> to vector<8x128xf32>
    %swap3A_851 = arith.constant 7 : index
    %swap3A_852 = arith.constant 56 : index
    %swap3A_853 = arith.constant 0 : index
    %swap3A_854 = vector.load %arg8[%swap3A_851, %swap3A_852, %swap3A_853] : memref<14x256x128xf32, #tpu.memory_space<vmem>>, vector<1x8x128xf32>
    %swap3A_855 = vector.shape_cast %swap3A_854 : vector<1x8x128xf32> to vector<8x128xf32>
    %swap3A_856 = vector.shape_cast %slice3A_850 : vector<8x128xf32> to vector<1x8x128xf32>
    tpu.vector_store %arg8[%swap3A_851, %swap3A_852, %swap3A_853], %swap3A_856 {strides = array<i32>} : memref<14x256x128xf32, #tpu.memory_space<vmem>>, vector<1x8x128xf32>,
    %slice3A_857 = vector.extract_strided_slice %dot_general3A_800 {offsets = [64, 0], sizes = [8, 128], strides = [1, 1]} : vector<112x128xf32> to vector<8x128xf32>
    %swap3A_858 = arith.constant 8 : index
    %swap3A_859 = arith.constant 56 : index
    %swap3A_860 = arith.constant 0 : index
    %swap3A_861 = vector.load %arg8[%swap3A_858, %swap3A_859, %swap3A_860] : memref<14x256x128xf32, #tpu.memory_space<vmem>>, vector<1x8x128xf32>
    %swap3A_862 = vector.shape_cast %swap3A_861 : vector<1x8x128xf32> to vector<8x128xf32>
    %swap3A_863 = vector.shape_cast %slice3A_857 : vector<8x128xf32> to vector<1x8x128xf32>
    tpu.vector_store %arg8[%swap3A_858, %swap3A_859, %swap3A_860], %swap3A_863 {strides = array<i32>} : memref<14x256x128xf32, #tpu.memory_space<vmem>>, vector<1x8x128xf32>,
    %slice3A_864 = vector.extract_strided_slice %dot_general3A_800 {offsets = [72, 0], sizes = [8, 128], strides = [1, 1]} : vector<112x128xf32> to vector<8x128xf32>
    %swap3A_865 = arith.constant 9 : index
    %swap3A_866 = arith.constant 56 : index
    %swap3A_867 = arith.constant 0 : index
    %swap3A_868 = vector.load %arg8[%swap3A_865, %swap3A_866, %swap3A_867] : memref<14x256x128xf32, #tpu.memory_space<vmem>>, vector<1x8x128xf32>
    %swap3A_869 = vector.shape_cast %swap3A_868 : vector<1x8x128xf32> to vector<8x128xf32>
    %swap3A_870 = vector.shape_cast %slice3A_864 : vector<8x128xf32> to vector<1x8x128xf32>
    tpu.vector_store %arg8[%swap3A_865, %swap3A_866, %swap3A_867], %swap3A_870 {strides = array<i32>} : memref<14x256x128xf32, #tpu.memory_space<vmem>>, vector<1x8x128xf32>,
    %slice3A_871 = vector.extract_strided_slice %dot_general3A_800 {offsets = [80, 0], sizes = [8, 128], strides = [1, 1]} : vector<112x128xf32> to vector<8x128xf32>
    %swap3A_872 = arith.constant 10 : index
    %swap3A_873 = arith.constant 56 : index
    %swap3A_874 = arith.constant 0 : index
    %swap3A_875 = vector.load %arg8[%swap3A_872, %swap3A_873, %swap3A_874] : memref<14x256x128xf32, #tpu.memory_space<vmem>>, vector<1x8x128xf32>
    %swap3A_876 = vector.shape_cast %swap3A_875 : vector<1x8x128xf32> to vector<8x128xf32>
    %swap3A_877 = vector.shape_cast %slice3A_871 : vector<8x128xf32> to vector<1x8x128xf32>
    tpu.vector_store %arg8[%swap3A_872, %swap3A_873, %swap3A_874], %swap3A_877 {strides = array<i32>} : memref<14x256x128xf32, #tpu.memory_space<vmem>>, vector<1x8x128xf32>,
    %slice3A_878 = vector.extract_strided_slice %dot_general3A_800 {offsets = [88, 0], sizes = [8, 128], strides = [1, 1]} : vector<112x128xf32> to vector<8x128xf32>
    %swap3A_879 = arith.constant 11 : index
    %swap3A_880 = arith.constant 56 : index
    %swap3A_881 = arith.constant 0 : index
    %swap3A_882 = vector.load %arg8[%swap3A_879, %swap3A_880, %swap3A_881] : memref<14x256x128xf32, #tpu.memory_space<vmem>>, vector<1x8x128xf32>
    %swap3A_883 = vector.shape_cast %swap3A_882 : vector<1x8x128xf32> to vector<8x128xf32>
    %swap3A_884 = vector.shape_cast %slice3A_878 : vector<8x128xf32> to vector<1x8x128xf32>
    tpu.vector_store %arg8[%swap3A_879, %swap3A_880, %swap3A_881], %swap3A_884 {strides = array<i32>} : memref<14x256x128xf32, #tpu.memory_space<vmem>>, vector<1x8x128xf32>,
    %slice3A_885 = vector.extract_strided_slice %dot_general3A_800 {offsets = [96, 0], sizes = [8, 128], strides = [1, 1]} : vector<112x128xf32> to vector<8x128xf32>
    %swap3A_886 = arith.constant 12 : index
    %swap3A_887 = arith.constant 56 : index
    %swap3A_888 = arith.constant 0 : index
    %swap3A_889 = vector.load %arg8[%swap3A_886, %swap3A_887, %swap3A_888] : memref<14x256x128xf32, #tpu.memory_space<vmem>>, vector<1x8x128xf32>
    %swap3A_890 = vector.shape_cast %swap3A_889 : vector<1x8x128xf32> to vector<8x128xf32>
    %swap3A_891 = vector.shape_cast %slice3A_885 : vector<8x128xf32> to vector<1x8x128xf32>
    tpu.vector_store %arg8[%swap3A_886, %swap3A_887, %swap3A_888], %swap3A_891 {strides = array<i32>} : memref<14x256x128xf32, #tpu.memory_space<vmem>>, vector<1x8x128xf32>,
    %slice3A_892 = vector.extract_strided_slice %dot_general3A_800 {offsets = [104, 0], sizes = [8, 128], strides = [1, 1]} : vector<112x128xf32> to vector<8x128xf32>
    %swap3A_893 = arith.constant 13 : index
    %swap3A_894 = arith.constant 56 : index
    %swap3A_895 = arith.constant 0 : index
    %swap3A_896 = vector.load %arg8[%swap3A_893, %swap3A_894, %swap3A_895] : memref<14x256x128xf32, #tpu.memory_space<vmem>>, vector<1x8x128xf32>
    %swap3A_897 = vector.shape_cast %swap3A_896 : vector<1x8x128xf32> to vector<8x128xf32>
    %swap3A_898 = vector.shape_cast %slice3A_892 : vector<8x128xf32> to vector<1x8x128xf32>
    tpu.vector_store %arg8[%swap3A_893, %swap3A_894, %swap3A_895], %swap3A_898 {strides = array<i32>} : memref<14x256x128xf32, #tpu.memory_space<vmem>>, vector<1x8x128xf32>,
    %get3A_899 = arith.constant 2048 : index
    %get3A_900 = arith.constant 0 : index
    %get3A_901 = vector.load %arg1[%get3A_899, %get3A_900] : memref<8192x128xf32, #tpu.memory_space<vmem>>, vector<256x128xf32>
    %convert_element_type3A_902 = arith.truncf %get3A_901 : vector<256x128xf32> to vector<256x128xbf16>
    %get3A_903 = arith.constant 8 : index
    %get3A_904 = arith.constant 0 : index
    %get3A_905 = arith.constant 0 : index
    %get3A_906 = arith.constant 0 : index
    %get3A_907 = vector.load %arg2[%get3A_903, %get3A_904, %get3A_905, %get3A_906] : memref<32x14x8x32xbf16, #tpu.memory_space<vmem>>, vector<1x14x8x32xbf16>
    %get3A_908 = vector.shape_cast %get3A_907 : vector<1x14x8x32xbf16> to vector<14x8x32xbf16>
    %reshape3A_909 = vector.shape_cast %get3A_908 : vector<14x8x32xbf16> to vector<112x32xbf16>
    %concatenate3A_910 = tpu.concatenate %reshape3A_909, %reshape3A_909, %reshape3A_909, %reshape3A_909, %reshape3A_909, %reshape3A_909, %reshape3A_909, %reshape3A_909 in 1 : vector<112x32xbf16>, vector<112x32xbf16>, vector<112x32xbf16>, vector<112x32xbf16>, vector<112x32xbf16>, vector<112x32xbf16>, vector<112x32xbf16>, vector<112x32xbf16> -> vector<112x256xbf16>
    %mul3A_911 = arith.mulf %concatenate3A_910, %get3A_1 : vector<112x256xbf16>
    %dot_general3A_912 = arith.constant dense<0.000000e+00> : vector<112x128xf32>
    %dot_general3A_913 = tpu.matmul %mul3A_911, %convert_element_type3A_902, %dot_general3A_912 {dimension_numbers = #tpu.dot_dimension_numbers<[1], [0], [0], [1], [0, 0, 1, 1], [], []>, transpose_lhs_hint = false} : vector<112x256xbf16>, vector<256x128xbf16>, vector<112x128xf32> -> vector<112x128xf32>
    %slice3A_914 = vector.extract_strided_slice %dot_general3A_913 {offsets = [0, 0], sizes = [8, 128], strides = [1, 1]} : vector<112x128xf32> to vector<8x128xf32>
    %swap3A_915 = arith.constant 0 : index
    %swap3A_916 = arith.constant 64 : index
    %swap3A_917 = arith.constant 0 : index
    %swap3A_918 = vector.load %arg8[%swap3A_915, %swap3A_916, %swap3A_917] : memref<14x256x128xf32, #tpu.memory_space<vmem>>, vector<1x8x128xf32>
    %swap3A_919 = vector.shape_cast %swap3A_918 : vector<1x8x128xf32> to vector<8x128xf32>
    %swap3A_920 = vector.shape_cast %slice3A_914 : vector<8x128xf32> to vector<1x8x128xf32>
    tpu.vector_store %arg8[%swap3A_915, %swap3A_916, %swap3A_917], %swap3A_920 {strides = array<i32>} : memref<14x256x128xf32, #tpu.memory_space<vmem>>, vector<1x8x128xf32>,
    %slice3A_921 = vector.extract_strided_slice %dot_general3A_913 {offsets = [8, 0], sizes = [8, 128], strides = [1, 1]} : vector<112x128xf32> to vector<8x128xf32>
    %swap3A_922 = arith.constant 1 : index
    %swap3A_923 = arith.constant 64 : index
    %swap3A_924 = arith.constant 0 : index
    %swap3A_925 = vector.load %arg8[%swap3A_922, %swap3A_923, %swap3A_924] : memref<14x256x128xf32, #tpu.memory_space<vmem>>, vector<1x8x128xf32>
    %swap3A_926 = vector.shape_cast %swap3A_925 : vector<1x8x128xf32> to vector<8x128xf32>
    %swap3A_927 = vector.shape_cast %slice3A_921 : vector<8x128xf32> to vector<1x8x128xf32>
    tpu.vector_store %arg8[%swap3A_922, %swap3A_923, %swap3A_924], %swap3A_927 {strides = array<i32>} : memref<14x256x128xf32, #tpu.memory_space<vmem>>, vector<1x8x128xf32>,
    %slice3A_928 = vector.extract_strided_slice %dot_general3A_913 {offsets = [16, 0], sizes = [8, 128], strides = [1, 1]} : vector<112x128xf32> to vector<8x128xf32>
    %swap3A_929 = arith.constant 2 : index
    %swap3A_930 = arith.constant 64 : index
    %swap3A_931 = arith.constant 0 : index
    %swap3A_932 = vector.load %arg8[%swap3A_929, %swap3A_930, %swap3A_931] : memref<14x256x128xf32, #tpu.memory_space<vmem>>, vector<1x8x128xf32>
    %swap3A_933 = vector.shape_cast %swap3A_932 : vector<1x8x128xf32> to vector<8x128xf32>
    %swap3A_934 = vector.shape_cast %slice3A_928 : vector<8x128xf32> to vector<1x8x128xf32>
    tpu.vector_store %arg8[%swap3A_929, %swap3A_930, %swap3A_931], %swap3A_934 {strides = array<i32>} : memref<14x256x128xf32, #tpu.memory_space<vmem>>, vector<1x8x128xf32>,
    %slice3A_935 = vector.extract_strided_slice %dot_general3A_913 {offsets = [24, 0], sizes = [8, 128], strides = [1, 1]} : vector<112x128xf32> to vector<8x128xf32>
    %swap3A_936 = arith.constant 3 : index
    %swap3A_937 = arith.constant 64 : index
    %swap3A_938 = arith.constant 0 : index
    %swap3A_939 = vector.load %arg8[%swap3A_936, %swap3A_937, %swap3A_938] : memref<14x256x128xf32, #tpu.memory_space<vmem>>, vector<1x8x128xf32>
    %swap3A_940 = vector.shape_cast %swap3A_939 : vector<1x8x128xf32> to vector<8x128xf32>
    %swap3A_941 = vector.shape_cast %slice3A_935 : vector<8x128xf32> to vector<1x8x128xf32>
    tpu.vector_store %arg8[%swap3A_936, %swap3A_937, %swap3A_938], %swap3A_941 {strides = array<i32>} : memref<14x256x128xf32, #tpu.memory_space<vmem>>, vector<1x8x128xf32>,
    %slice3A_942 = vector.extract_strided_slice %dot_general3A_913 {offsets = [32, 0], sizes = [8, 128], strides = [1, 1]} : vector<112x128xf32> to vector<8x128xf32>
    %swap3A_943 = arith.constant 4 : index
    %swap3A_944 = arith.constant 64 : index
    %swap3A_945 = arith.constant 0 : index
    %swap3A_946 = vector.load %arg8[%swap3A_943, %swap3A_944, %swap3A_945] : memref<14x256x128xf32, #tpu.memory_space<vmem>>, vector<1x8x128xf32>
    %swap3A_947 = vector.shape_cast %swap3A_946 : vector<1x8x128xf32> to vector<8x128xf32>
    %swap3A_948 = vector.shape_cast %slice3A_942 : vector<8x128xf32> to vector<1x8x128xf32>
    tpu.vector_store %arg8[%swap3A_943, %swap3A_944, %swap3A_945], %swap3A_948 {strides = array<i32>} : memref<14x256x128xf32, #tpu.memory_space<vmem>>, vector<1x8x128xf32>,
    %slice3A_949 = vector.extract_strided_slice %dot_general3A_913 {offsets = [40, 0], sizes = [8, 128], strides = [1, 1]} : vector<112x128xf32> to vector<8x128xf32>
    %swap3A_950 = arith.constant 5 : index
    %swap3A_951 = arith.constant 64 : index
    %swap3A_952 = arith.constant 0 : index
    %swap3A_953 = vector.load %arg8[%swap3A_950, %swap3A_951, %swap3A_952] : memref<14x256x128xf32, #tpu.memory_space<vmem>>, vector<1x8x128xf32>
    %swap3A_954 = vector.shape_cast %swap3A_953 : vector<1x8x128xf32> to vector<8x128xf32>
    %swap3A_955 = vector.shape_cast %slice3A_949 : vector<8x128xf32> to vector<1x8x128xf32>
    tpu.vector_store %arg8[%swap3A_950, %swap3A_951, %swap3A_952], %swap3A_955 {strides = array<i32>} : memref<14x256x128xf32, #tpu.memory_space<vmem>>, vector<1x8x128xf32>,
    %slice3A_956 = vector.extract_strided_slice %dot_general3A_913 {offsets = [48, 0], sizes = [8, 128], strides = [1, 1]} : vector<112x128xf32> to vector<8x128xf32>
    %swap3A_957 = arith.constant 6 : index
    %swap3A_958 = arith.constant 64 : index
    %swap3A_959 = arith.constant 0 : index
    %swap3A_960 = vector.load %arg8[%swap3A_957, %swap3A_958, %swap3A_959] : memref<14x256x128xf32, #tpu.memory_space<vmem>>, vector<1x8x128xf32>
    %swap3A_961 = vector.shape_cast %swap3A_960 : vector<1x8x128xf32> to vector<8x128xf32>
    %swap3A_962 = vector.shape_cast %slice3A_956 : vector<8x128xf32> to vector<1x8x128xf32>
    tpu.vector_store %arg8[%swap3A_957, %swap3A_958, %swap3A_959], %swap3A_962 {strides = array<i32>} : memref<14x256x128xf32, #tpu.memory_space<vmem>>, vector<1x8x128xf32>,
    %slice3A_963 = vector.extract_strided_slice %dot_general3A_913 {offsets = [56, 0], sizes = [8, 128], strides = [1, 1]} : vector<112x128xf32> to vector<8x128xf32>
    %swap3A_964 = arith.constant 7 : index
    %swap3A_965 = arith.constant 64 : index
    %swap3A_966 = arith.constant 0 : index
    %swap3A_967 = vector.load %arg8[%swap3A_964, %swap3A_965, %swap3A_966] : memref<14x256x128xf32, #tpu.memory_space<vmem>>, vector<1x8x128xf32>
    %swap3A_968 = vector.shape_cast %swap3A_967 : vector<1x8x128xf32> to vector<8x128xf32>
    %swap3A_969 = vector.shape_cast %slice3A_963 : vector<8x128xf32> to vector<1x8x128xf32>
    tpu.vector_store %arg8[%swap3A_964, %swap3A_965, %swap3A_966], %swap3A_969 {strides = array<i32>} : memref<14x256x128xf32, #tpu.memory_space<vmem>>, vector<1x8x128xf32>,
    %slice3A_970 = vector.extract_strided_slice %dot_general3A_913 {offsets = [64, 0], sizes = [8, 128], strides = [1, 1]} : vector<112x128xf32> to vector<8x128xf32>
    %swap3A_971 = arith.constant 8 : index
    %swap3A_972 = arith.constant 64 : index
    %swap3A_973 = arith.constant 0 : index
    %swap3A_974 = vector.load %arg8[%swap3A_971, %swap3A_972, %swap3A_973] : memref<14x256x128xf32, #tpu.memory_space<vmem>>, vector<1x8x128xf32>
    %swap3A_975 = vector.shape_cast %swap3A_974 : vector<1x8x128xf32> to vector<8x128xf32>
    %swap3A_976 = vector.shape_cast %slice3A_970 : vector<8x128xf32> to vector<1x8x128xf32>
    tpu.vector_store %arg8[%swap3A_971, %swap3A_972, %swap3A_973], %swap3A_976 {strides = array<i32>} : memref<14x256x128xf32, #tpu.memory_space<vmem>>, vector<1x8x128xf32>,
    %slice3A_977 = vector.extract_strided_slice %dot_general3A_913 {offsets = [72, 0], sizes = [8, 128], strides = [1, 1]} : vector<112x128xf32> to vector<8x128xf32>
    %swap3A_978 = arith.constant 9 : index
    %swap3A_979 = arith.constant 64 : index
    %swap3A_980 = arith.constant 0 : index
    %swap3A_981 = vector.load %arg8[%swap3A_978, %swap3A_979, %swap3A_980] : memref<14x256x128xf32, #tpu.memory_space<vmem>>, vector<1x8x128xf32>
    %swap3A_982 = vector.shape_cast %swap3A_981 : vector<1x8x128xf32> to vector<8x128xf32>
    %swap3A_983 = vector.shape_cast %slice3A_977 : vector<8x128xf32> to vector<1x8x128xf32>
    tpu.vector_store %arg8[%swap3A_978, %swap3A_979, %swap3A_980], %swap3A_983 {strides = array<i32>} : memref<14x256x128xf32, #tpu.memory_space<vmem>>, vector<1x8x128xf32>,
    %slice3A_984 = vector.extract_strided_slice %dot_general3A_913 {offsets = [80, 0], sizes = [8, 128], strides = [1, 1]} : vector<112x128xf32> to vector<8x128xf32>
    %swap3A_985 = arith.constant 10 : index
    %swap3A_986 = arith.constant 64 : index
    %swap3A_987 = arith.constant 0 : index
    %swap3A_988 = vector.load %arg8[%swap3A_985, %swap3A_986, %swap3A_987] : memref<14x256x128xf32, #tpu.memory_space<vmem>>, vector<1x8x128xf32>
    %swap3A_989 = vector.shape_cast %swap3A_988 : vector<1x8x128xf32> to vector<8x128xf32>
    %swap3A_990 = vector.shape_cast %slice3A_984 : vector<8x128xf32> to vector<1x8x128xf32>
    tpu.vector_store %arg8[%swap3A_985, %swap3A_986, %swap3A_987], %swap3A_990 {strides = array<i32>} : memref<14x256x128xf32, #tpu.memory_space<vmem>>, vector<1x8x128xf32>,
    %slice3A_991 = vector.extract_strided_slice %dot_general3A_913 {offsets = [88, 0], sizes = [8, 128], strides = [1, 1]} : vector<112x128xf32> to vector<8x128xf32>
    %swap3A_992 = arith.constant 11 : index
    %swap3A_993 = arith.constant 64 : index
    %swap3A_994 = arith.constant 0 : index
    %swap3A_995 = vector.load %arg8[%swap3A_992, %swap3A_993, %swap3A_994] : memref<14x256x128xf32, #tpu.memory_space<vmem>>, vector<1x8x128xf32>
    %swap3A_996 = vector.shape_cast %swap3A_995 : vector<1x8x128xf32> to vector<8x128xf32>
    %swap3A_997 = vector.shape_cast %slice3A_991 : vector<8x128xf32> to vector<1x8x128xf32>
    tpu.vector_store %arg8[%swap3A_992, %swap3A_993, %swap3A_994], %swap3A_997 {strides = array<i32>} : memref<14x256x128xf32, #tpu.memory_space<vmem>>, vector<1x8x128xf32>,
    %slice3A_998 = vector.extract_strided_slice %dot_general3A_913 {offsets = [96, 0], sizes = [8, 128], strides = [1, 1]} : vector<112x128xf32> to vector<8x128xf32>
    %swap3A_999 = arith.constant 12 : index
    %swap3A_1000 = arith.constant 64 : index
    %swap3A_1001 = arith.constant 0 : index
    %swap3A_1002 = vector.load %arg8[%swap3A_999, %swap3A_1000, %swap3A_1001] : memref<14x256x128xf32, #tpu.memory_space<vmem>>, vector<1x8x128xf32>
    %swap3A_1003 = vector.shape_cast %swap3A_1002 : vector<1x8x128xf32> to vector<8x128xf32>
    %swap3A_1004 = vector.shape_cast %slice3A_998 : vector<8x128xf32> to vector<1x8x128xf32>
    tpu.vector_store %arg8[%swap3A_999, %swap3A_1000, %swap3A_1001], %swap3A_1004 {strides = array<i32>} : memref<14x256x128xf32, #tpu.memory_space<vmem>>, vector<1x8x128xf32>,
    %slice3A_1005 = vector.extract_strided_slice %dot_general3A_913 {offsets = [104, 0], sizes = [8, 128], strides = [1, 1]} : vector<112x128xf32> to vector<8x128xf32>
    %swap3A_1006 = arith.constant 13 : index
    %swap3A_1007 = arith.constant 64 : index
    %swap3A_1008 = arith.constant 0 : index
    %swap3A_1009 = vector.load %arg8[%swap3A_1006, %swap3A_1007, %swap3A_1008] : memref<14x256x128xf32, #tpu.memory_space<vmem>>, vector<1x8x128xf32>
    %swap3A_1010 = vector.shape_cast %swap3A_1009 : vector<1x8x128xf32> to vector<8x128xf32>
    %swap3A_1011 = vector.shape_cast %slice3A_1005 : vector<8x128xf32> to vector<1x8x128xf32>
    tpu.vector_store %arg8[%swap3A_1006, %swap3A_1007, %swap3A_1008], %swap3A_1011 {strides = array<i32>} : memref<14x256x128xf32, #tpu.memory_space<vmem>>, vector<1x8x128xf32>,
    %get3A_1012 = arith.constant 2304 : index
    %get3A_1013 = arith.constant 0 : index
    %get3A_1014 = vector.load %arg1[%get3A_1012, %get3A_1013] : memref<8192x128xf32, #tpu.memory_space<vmem>>, vector<256x128xf32>
    %convert_element_type3A_1015 = arith.truncf %get3A_1014 : vector<256x128xf32> to vector<256x128xbf16>
    %get3A_1016 = arith.constant 9 : index
    %get3A_1017 = arith.constant 0 : index
    %get3A_1018 = arith.constant 0 : index
    %get3A_1019 = arith.constant 0 : index
    %get3A_1020 = vector.load %arg2[%get3A_1016, %get3A_1017, %get3A_1018, %get3A_1019] : memref<32x14x8x32xbf16, #tpu.memory_space<vmem>>, vector<1x14x8x32xbf16>
    %get3A_1021 = vector.shape_cast %get3A_1020 : vector<1x14x8x32xbf16> to vector<14x8x32xbf16>
    %reshape3A_1022 = vector.shape_cast %get3A_1021 : vector<14x8x32xbf16> to vector<112x32xbf16>
    %concatenate3A_1023 = tpu.concatenate %reshape3A_1022, %reshape3A_1022, %reshape3A_1022, %reshape3A_1022, %reshape3A_1022, %reshape3A_1022, %reshape3A_1022, %reshape3A_1022 in 1 : vector<112x32xbf16>, vector<112x32xbf16>, vector<112x32xbf16>, vector<112x32xbf16>, vector<112x32xbf16>, vector<112x32xbf16>, vector<112x32xbf16>, vector<112x32xbf16> -> vector<112x256xbf16>
    %mul3A_1024 = arith.mulf %concatenate3A_1023, %get3A_1 : vector<112x256xbf16>
    %dot_general3A_1025 = arith.constant dense<0.000000e+00> : vector<112x128xf32>
    %dot_general3A_1026 = tpu.matmul %mul3A_1024, %convert_element_type3A_1015, %dot_general3A_1025 {dimension_numbers = #tpu.dot_dimension_numbers<[1], [0], [0], [1], [0, 0, 1, 1], [], []>, transpose_lhs_hint = false} : vector<112x256xbf16>, vector<256x128xbf16>, vector<112x128xf32> -> vector<112x128xf32>
    %slice3A_1027 = vector.extract_strided_slice %dot_general3A_1026 {offsets = [0, 0], sizes = [8, 128], strides = [1, 1]} : vector<112x128xf32> to vector<8x128xf32>
    %swap3A_1028 = arith.constant 0 : index
    %swap3A_1029 = arith.constant 72 : index
    %swap3A_1030 = arith.constant 0 : index
    %swap3A_1031 = vector.load %arg8[%swap3A_1028, %swap3A_1029, %swap3A_1030] : memref<14x256x128xf32, #tpu.memory_space<vmem>>, vector<1x8x128xf32>
    %swap3A_1032 = vector.shape_cast %swap3A_1031 : vector<1x8x128xf32> to vector<8x128xf32>
    %swap3A_1033 = vector.shape_cast %slice3A_1027 : vector<8x128xf32> to vector<1x8x128xf32>
    tpu.vector_store %arg8[%swap3A_1028, %swap3A_1029, %swap3A_1030], %swap3A_1033 {strides = array<i32>} : memref<14x256x128xf32, #tpu.memory_space<vmem>>, vector<1x8x128xf32>,
    %slice3A_1034 = vector.extract_strided_slice %dot_general3A_1026 {offsets = [8, 0], sizes = [8, 128], strides = [1, 1]} : vector<112x128xf32> to vector<8x128xf32>
    %swap3A_1035 = arith.constant 1 : index
    %swap3A_1036 = arith.constant 72 : index
    %swap3A_1037 = arith.constant 0 : index
    %swap3A_1038 = vector.load %arg8[%swap3A_1035, %swap3A_1036, %swap3A_1037] : memref<14x256x128xf32, #tpu.memory_space<vmem>>, vector<1x8x128xf32>
    %swap3A_1039 = vector.shape_cast %swap3A_1038 : vector<1x8x128xf32> to vector<8x128xf32>
    %swap3A_1040 = vector.shape_cast %slice3A_1034 : vector<8x128xf32> to vector<1x8x128xf32>
    tpu.vector_store %arg8[%swap3A_1035, %swap3A_1036, %swap3A_1037], %swap3A_1040 {strides = array<i32>} : memref<14x256x128xf32, #tpu.memory_space<vmem>>, vector<1x8x128xf32>,
    %slice3A_1041 = vector.extract_strided_slice %dot_general3A_1026 {offsets = [16, 0], sizes = [8, 128], strides = [1, 1]} : vector<112x128xf32> to vector<8x128xf32>
    %swap3A_1042 = arith.constant 2 : index
    %swap3A_1043 = arith.constant 72 : index
    %swap3A_1044 = arith.constant 0 : index
    %swap3A_1045 = vector.load %arg8[%swap3A_1042, %swap3A_1043, %swap3A_1044] : memref<14x256x128xf32, #tpu.memory_space<vmem>>, vector<1x8x128xf32>
    %swap3A_1046 = vector.shape_cast %swap3A_1045 : vector<1x8x128xf32> to vector<8x128xf32>
    %swap3A_1047 = vector.shape_cast %slice3A_1041 : vector<8x128xf32> to vector<1x8x128xf32>
    tpu.vector_store %arg8[%swap3A_1042, %swap3A_1043, %swap3A_1044], %swap3A_1047 {strides = array<i32>} : memref<14x256x128xf32, #tpu.memory_space<vmem>>, vector<1x8x128xf32>,
    %slice3A_1048 = vector.extract_strided_slice %dot_general3A_1026 {offsets = [24, 0], sizes = [8, 128], strides = [1, 1]} : vector<112x128xf32> to vector<8x128xf32>
    %swap3A_1049 = arith.constant 3 : index
    %swap3A_1050 = arith.constant 72 : index
    %swap3A_1051 = arith.constant 0 : index
    %swap3A_1052 = vector.load %arg8[%swap3A_1049, %swap3A_1050, %swap3A_1051] : memref<14x256x128xf32, #tpu.memory_space<vmem>>, vector<1x8x128xf32>
    %swap3A_1053 = vector.shape_cast %swap3A_1052 : vector<1x8x128xf32> to vector<8x128xf32>
    %swap3A_1054 = vector.shape_cast %slice3A_1048 : vector<8x128xf32> to vector<1x8x128xf32>
    tpu.vector_store %arg8[%swap3A_1049, %swap3A_1050, %swap3A_1051], %swap3A_1054 {strides = array<i32>} : memref<14x256x128xf32, #tpu.memory_space<vmem>>, vector<1x8x128xf32>,
    %slice3A_1055 = vector.extract_strided_slice %dot_general3A_1026 {offsets = [32, 0], sizes = [8, 128], strides = [1, 1]} : vector<112x128xf32> to vector<8x128xf32>
    %swap3A_1056 = arith.constant 4 : index
    %swap3A_1057 = arith.constant 72 : index
    %swap3A_1058 = arith.constant 0 : index
    %swap3A_1059 = vector.load %arg8[%swap3A_1056, %swap3A_1057, %swap3A_1058] : memref<14x256x128xf32, #tpu.memory_space<vmem>>, vector<1x8x128xf32>
    %swap3A_1060 = vector.shape_cast %swap3A_1059 : vector<1x8x128xf32> to vector<8x128xf32>
    %swap3A_1061 = vector.shape_cast %slice3A_1055 : vector<8x128xf32> to vector<1x8x128xf32>
    tpu.vector_store %arg8[%swap3A_1056, %swap3A_1057, %swap3A_1058], %swap3A_1061 {strides = array<i32>} : memref<14x256x128xf32, #tpu.memory_space<vmem>>, vector<1x8x128xf32>,
    %slice3A_1062 = vector.extract_strided_slice %dot_general3A_1026 {offsets = [40, 0], sizes = [8, 128], strides = [1, 1]} : vector<112x128xf32> to vector<8x128xf32>
    %swap3A_1063 = arith.constant 5 : index
    %swap3A_1064 = arith.constant 72 : index
    %swap3A_1065 = arith.constant 0 : index
    %swap3A_1066 = vector.load %arg8[%swap3A_1063, %swap3A_1064, %swap3A_1065] : memref<14x256x128xf32, #tpu.memory_space<vmem>>, vector<1x8x128xf32>
    %swap3A_1067 = vector.shape_cast %swap3A_1066 : vector<1x8x128xf32> to vector<8x128xf32>
    %swap3A_1068 = vector.shape_cast %slice3A_1062 : vector<8x128xf32> to vector<1x8x128xf32>
    tpu.vector_store %arg8[%swap3A_1063, %swap3A_1064, %swap3A_1065], %swap3A_1068 {strides = array<i32>} : memref<14x256x128xf32, #tpu.memory_space<vmem>>, vector<1x8x128xf32>,
    %slice3A_1069 = vector.extract_strided_slice %dot_general3A_1026 {offsets = [48, 0], sizes = [8, 128], strides = [1, 1]} : vector<112x128xf32> to vector<8x128xf32>
    %swap3A_1070 = arith.constant 6 : index
    %swap3A_1071 = arith.constant 72 : index
    %swap3A_1072 = arith.constant 0 : index
    %swap3A_1073 = vector.load %arg8[%swap3A_1070, %swap3A_1071, %swap3A_1072] : memref<14x256x128xf32, #tpu.memory_space<vmem>>, vector<1x8x128xf32>
    %swap3A_1074 = vector.shape_cast %swap3A_1073 : vector<1x8x128xf32> to vector<8x128xf32>
    %swap3A_1075 = vector.shape_cast %slice3A_1069 : vector<8x128xf32> to vector<1x8x128xf32>
    tpu.vector_store %arg8[%swap3A_1070, %swap3A_1071, %swap3A_1072], %swap3A_1075 {strides = array<i32>} : memref<14x256x128xf32, #tpu.memory_space<vmem>>, vector<1x8x128xf32>,
    %slice3A_1076 = vector.extract_strided_slice %dot_general3A_1026 {offsets = [56, 0], sizes = [8, 128], strides = [1, 1]} : vector<112x128xf32> to vector<8x128xf32>
    %swap3A_1077 = arith.constant 7 : index
    %swap3A_1078 = arith.constant 72 : index
    %swap3A_1079 = arith.constant 0 : index
    %swap3A_1080 = vector.load %arg8[%swap3A_1077, %swap3A_1078, %swap3A_1079] : memref<14x256x128xf32, #tpu.memory_space<vmem>>, vector<1x8x128xf32>
    %swap3A_1081 = vector.shape_cast %swap3A_1080 : vector<1x8x128xf32> to vector<8x128xf32>
    %swap3A_1082 = vector.shape_cast %slice3A_1076 : vector<8x128xf32> to vector<1x8x128xf32>
    tpu.vector_store %arg8[%swap3A_1077, %swap3A_1078, %swap3A_1079], %swap3A_1082 {strides = array<i32>} : memref<14x256x128xf32, #tpu.memory_space<vmem>>, vector<1x8x128xf32>,
    %slice3A_1083 = vector.extract_strided_slice %dot_general3A_1026 {offsets = [64, 0], sizes = [8, 128], strides = [1, 1]} : vector<112x128xf32> to vector<8x128xf32>
    %swap3A_1084 = arith.constant 8 : index
    %swap3A_1085 = arith.constant 72 : index
    %swap3A_1086 = arith.constant 0 : index
    %swap3A_1087 = vector.load %arg8[%swap3A_1084, %swap3A_1085, %swap3A_1086] : memref<14x256x128xf32, #tpu.memory_space<vmem>>, vector<1x8x128xf32>
    %swap3A_1088 = vector.shape_cast %swap3A_1087 : vector<1x8x128xf32> to vector<8x128xf32>
    %swap3A_1089 = vector.shape_cast %slice3A_1083 : vector<8x128xf32> to vector<1x8x128xf32>
    tpu.vector_store %arg8[%swap3A_1084, %swap3A_1085, %swap3A_1086], %swap3A_1089 {strides = array<i32>} : memref<14x256x128xf32, #tpu.memory_space<vmem>>, vector<1x8x128xf32>,
    %slice3A_1090 = vector.extract_strided_slice %dot_general3A_1026 {offsets = [72, 0], sizes = [8, 128], strides = [1, 1]} : vector<112x128xf32> to vector<8x128xf32>
    %swap3A_1091 = arith.constant 9 : index
    %swap3A_1092 = arith.constant 72 : index
    %swap3A_1093 = arith.constant 0 : index
    %swap3A_1094 = vector.load %arg8[%swap3A_1091, %swap3A_1092, %swap3A_1093] : memref<14x256x128xf32, #tpu.memory_space<vmem>>, vector<1x8x128xf32>
    %swap3A_1095 = vector.shape_cast %swap3A_1094 : vector<1x8x128xf32> to vector<8x128xf32>
    %swap3A_1096 = vector.shape_cast %slice3A_1090 : vector<8x128xf32> to vector<1x8x128xf32>
    tpu.vector_store %arg8[%swap3A_1091, %swap3A_1092, %swap3A_1093], %swap3A_1096 {strides = array<i32>} : memref<14x256x128xf32, #tpu.memory_space<vmem>>, vector<1x8x128xf32>,
    %slice3A_1097 = vector.extract_strided_slice %dot_general3A_1026 {offsets = [80, 0], sizes = [8, 128], strides = [1, 1]} : vector<112x128xf32> to vector<8x128xf32>
    %swap3A_1098 = arith.constant 10 : index
    %swap3A_1099 = arith.constant 72 : index
    %swap3A_1100 = arith.constant 0 : index
    %swap3A_1101 = vector.load %arg8[%swap3A_1098, %swap3A_1099, %swap3A_1100] : memref<14x256x128xf32, #tpu.memory_space<vmem>>, vector<1x8x128xf32>
    %swap3A_1102 = vector.shape_cast %swap3A_1101 : vector<1x8x128xf32> to vector<8x128xf32>
    %swap3A_1103 = vector.shape_cast %slice3A_1097 : vector<8x128xf32> to vector<1x8x128xf32>
    tpu.vector_store %arg8[%swap3A_1098, %swap3A_1099, %swap3A_1100], %swap3A_1103 {strides = array<i32>} : memref<14x256x128xf32, #tpu.memory_space<vmem>>, vector<1x8x128xf32>,
    %slice3A_1104 = vector.extract_strided_slice %dot_general3A_1026 {offsets = [88, 0], sizes = [8, 128], strides = [1, 1]} : vector<112x128xf32> to vector<8x128xf32>
    %swap3A_1105 = arith.constant 11 : index
    %swap3A_1106 = arith.constant 72 : index
    %swap3A_1107 = arith.constant 0 : index
    %swap3A_1108 = vector.load %arg8[%swap3A_1105, %swap3A_1106, %swap3A_1107] : memref<14x256x128xf32, #tpu.memory_space<vmem>>, vector<1x8x128xf32>
    %swap3A_1109 = vector.shape_cast %swap3A_1108 : vector<1x8x128xf32> to vector<8x128xf32>
    %swap3A_1110 = vector.shape_cast %slice3A_1104 : vector<8x128xf32> to vector<1x8x128xf32>
    tpu.vector_store %arg8[%swap3A_1105, %swap3A_1106, %swap3A_1107], %swap3A_1110 {strides = array<i32>} : memref<14x256x128xf32, #tpu.memory_space<vmem>>, vector<1x8x128xf32>,
    %slice3A_1111 = vector.extract_strided_slice %dot_general3A_1026 {offsets = [96, 0], sizes = [8, 128], strides = [1, 1]} : vector<112x128xf32> to vector<8x128xf32>
    %swap3A_1112 = arith.constant 12 : index
    %swap3A_1113 = arith.constant 72 : index
    %swap3A_1114 = arith.constant 0 : index
    %swap3A_1115 = vector.load %arg8[%swap3A_1112, %swap3A_1113, %swap3A_1114] : memref<14x256x128xf32, #tpu.memory_space<vmem>>, vector<1x8x128xf32>
    %swap3A_1116 = vector.shape_cast %swap3A_1115 : vector<1x8x128xf32> to vector<8x128xf32>
    %swap3A_1117 = vector.shape_cast %slice3A_1111 : vector<8x128xf32> to vector<1x8x128xf32>
    tpu.vector_store %arg8[%swap3A_1112, %swap3A_1113, %swap3A_1114], %swap3A_1117 {strides = array<i32>} : memref<14x256x128xf32, #tpu.memory_space<vmem>>, vector<1x8x128xf32>,
    %slice3A_1118 = vector.extract_strided_slice %dot_general3A_1026 {offsets = [104, 0], sizes = [8, 128], strides = [1, 1]} : vector<112x128xf32> to vector<8x128xf32>
    %swap3A_1119 = arith.constant 13 : index
    %swap3A_1120 = arith.constant 72 : index
    %swap3A_1121 = arith.constant 0 : index
    %swap3A_1122 = vector.load %arg8[%swap3A_1119, %swap3A_1120, %swap3A_1121] : memref<14x256x128xf32, #tpu.memory_space<vmem>>, vector<1x8x128xf32>
    %swap3A_1123 = vector.shape_cast %swap3A_1122 : vector<1x8x128xf32> to vector<8x128xf32>
    %swap3A_1124 = vector.shape_cast %slice3A_1118 : vector<8x128xf32> to vector<1x8x128xf32>
    tpu.vector_store %arg8[%swap3A_1119, %swap3A_1120, %swap3A_1121], %swap3A_1124 {strides = array<i32>} : memref<14x256x128xf32, #tpu.memory_space<vmem>>, vector<1x8x128xf32>,
    %get3A_1125 = arith.constant 2560 : index
    %get3A_1126 = arith.constant 0 : index
    %get3A_1127 = vector.load %arg1[%get3A_1125, %get3A_1126] : memref<8192x128xf32, #tpu.memory_space<vmem>>, vector<256x128xf32>
    %convert_element_type3A_1128 = arith.truncf %get3A_1127 : vector<256x128xf32> to vector<256x128xbf16>
    %get3A_1129 = arith.constant 10 : index
    %get3A_1130 = arith.constant 0 : index
    %get3A_1131 = arith.constant 0 : index
    %get3A_1132 = arith.constant 0 : index
    %get3A_1133 = vector.load %arg2[%get3A_1129, %get3A_1130, %get3A_1131, %get3A_1132] : memref<32x14x8x32xbf16, #tpu.memory_space<vmem>>, vector<1x14x8x32xbf16>
    %get3A_1134 = vector.shape_cast %get3A_1133 : vector<1x14x8x32xbf16> to vector<14x8x32xbf16>
    %reshape3A_1135 = vector.shape_cast %get3A_1134 : vector<14x8x32xbf16> to vector<112x32xbf16>
    %concatenate3A_1136 = tpu.concatenate %reshape3A_1135, %reshape3A_1135, %reshape3A_1135, %reshape3A_1135, %reshape3A_1135, %reshape3A_1135, %reshape3A_1135, %reshape3A_1135 in 1 : vector<112x32xbf16>, vector<112x32xbf16>, vector<112x32xbf16>, vector<112x32xbf16>, vector<112x32xbf16>, vector<112x32xbf16>, vector<112x32xbf16>, vector<112x32xbf16> -> vector<112x256xbf16>
    %mul3A_1137 = arith.mulf %concatenate3A_1136, %get3A_1 : vector<112x256xbf16>
    %dot_general3A_1138 = arith.constant dense<0.000000e+00> : vector<112x128xf32>
    %dot_general3A_1139 = tpu.matmul %mul3A_1137, %convert_element_type3A_1128, %dot_general3A_1138 {dimension_numbers = #tpu.dot_dimension_numbers<[1], [0], [0], [1], [0, 0, 1, 1], [], []>, transpose_lhs_hint = false} : vector<112x256xbf16>, vector<256x128xbf16>, vector<112x128xf32> -> vector<112x128xf32>
    %slice3A_1140 = vector.extract_strided_slice %dot_general3A_1139 {offsets = [0, 0], sizes = [8, 128], strides = [1, 1]} : vector<112x128xf32> to vector<8x128xf32>
    %swap3A_1141 = arith.constant 0 : index
    %swap3A_1142 = arith.constant 80 : index
    %swap3A_1143 = arith.constant 0 : index
    %swap3A_1144 = vector.load %arg8[%swap3A_1141, %swap3A_1142, %swap3A_1143] : memref<14x256x128xf32, #tpu.memory_space<vmem>>, vector<1x8x128xf32>
    %swap3A_1145 = vector.shape_cast %swap3A_1144 : vector<1x8x128xf32> to vector<8x128xf32>
    %swap3A_1146 = vector.shape_cast %slice3A_1140 : vector<8x128xf32> to vector<1x8x128xf32>
    tpu.vector_store %arg8[%swap3A_1141, %swap3A_1142, %swap3A_1143], %swap3A_1146 {strides = array<i32>} : memref<14x256x128xf32, #tpu.memory_space<vmem>>, vector<1x8x128xf32>,
    %slice3A_1147 = vector.extract_strided_slice %dot_general3A_1139 {offsets = [8, 0], sizes = [8, 128], strides = [1, 1]} : vector<112x128xf32> to vector<8x128xf32>
    %swap3A_1148 = arith.constant 1 : index
    %swap3A_1149 = arith.constant 80 : index
    %swap3A_1150 = arith.constant 0 : index
    %swap3A_1151 = vector.load %arg8[%swap3A_1148, %swap3A_1149, %swap3A_1150] : memref<14x256x128xf32, #tpu.memory_space<vmem>>, vector<1x8x128xf32>
    %swap3A_1152 = vector.shape_cast %swap3A_1151 : vector<1x8x128xf32> to vector<8x128xf32>
    %swap3A_1153 = vector.shape_cast %slice3A_1147 : vector<8x128xf32> to vector<1x8x128xf32>
    tpu.vector_store %arg8[%swap3A_1148, %swap3A_1149, %swap3A_1150], %swap3A_1153 {strides = array<i32>} : memref<14x256x128xf32, #tpu.memory_space<vmem>>, vector<1x8x128xf32>,
    %slice3A_1154 = vector.extract_strided_slice %dot_general3A_1139 {offsets = [16, 0], sizes = [8, 128], strides = [1, 1]} : vector<112x128xf32> to vector<8x128xf32>
    %swap3A_1155 = arith.constant 2 : index
    %swap3A_1156 = arith.constant 80 : index
    %swap3A_1157 = arith.constant 0 : index
    %swap3A_1158 = vector.load %arg8[%swap3A_1155, %swap3A_1156, %swap3A_1157] : memref<14x256x128xf32, #tpu.memory_space<vmem>>, vector<1x8x128xf32>
    %swap3A_1159 = vector.shape_cast %swap3A_1158 : vector<1x8x128xf32> to vector<8x128xf32>
    %swap3A_1160 = vector.shape_cast %slice3A_1154 : vector<8x128xf32> to vector<1x8x128xf32>
    tpu.vector_store %arg8[%swap3A_1155, %swap3A_1156, %swap3A_1157], %swap3A_1160 {strides = array<i32>} : memref<14x256x128xf32, #tpu.memory_space<vmem>>, vector<1x8x128xf32>,
    %slice3A_1161 = vector.extract_strided_slice %dot_general3A_1139 {offsets = [24, 0], sizes = [8, 128], strides = [1, 1]} : vector<112x128xf32> to vector<8x128xf32>
    %swap3A_1162 = arith.constant 3 : index
    %swap3A_1163 = arith.constant 80 : index
    %swap3A_1164 = arith.constant 0 : index
    %swap3A_1165 = vector.load %arg8[%swap3A_1162, %swap3A_1163, %swap3A_1164] : memref<14x256x128xf32, #tpu.memory_space<vmem>>, vector<1x8x128xf32>
    %swap3A_1166 = vector.shape_cast %swap3A_1165 : vector<1x8x128xf32> to vector<8x128xf32>
    %swap3A_1167 = vector.shape_cast %slice3A_1161 : vector<8x128xf32> to vector<1x8x128xf32>
    tpu.vector_store %arg8[%swap3A_1162, %swap3A_1163, %swap3A_1164], %swap3A_1167 {strides = array<i32>} : memref<14x256x128xf32, #tpu.memory_space<vmem>>, vector<1x8x128xf32>,
    %slice3A_1168 = vector.extract_strided_slice %dot_general3A_1139 {offsets = [32, 0], sizes = [8, 128], strides = [1, 1]} : vector<112x128xf32> to vector<8x128xf32>
    %swap3A_1169 = arith.constant 4 : index
    %swap3A_1170 = arith.constant 80 : index
    %swap3A_1171 = arith.constant 0 : index
    %swap3A_1172 = vector.load %arg8[%swap3A_1169, %swap3A_1170, %swap3A_1171] : memref<14x256x128xf32, #tpu.memory_space<vmem>>, vector<1x8x128xf32>
    %swap3A_1173 = vector.shape_cast %swap3A_1172 : vector<1x8x128xf32> to vector<8x128xf32>
    %swap3A_1174 = vector.shape_cast %slice3A_1168 : vector<8x128xf32> to vector<1x8x128xf32>
    tpu.vector_store %arg8[%swap3A_1169, %swap3A_1170, %swap3A_1171], %swap3A_1174 {strides = array<i32>} : memref<14x256x128xf32, #tpu.memory_space<vmem>>, vector<1x8x128xf32>,
    %slice3A_1175 = vector.extract_strided_slice %dot_general3A_1139 {offsets = [40, 0], sizes = [8, 128], strides = [1, 1]} : vector<112x128xf32> to vector<8x128xf32>
    %swap3A_1176 = arith.constant 5 : index
    %swap3A_1177 = arith.constant 80 : index
    %swap3A_1178 = arith.constant 0 : index
    %swap3A_1179 = vector.load %arg8[%swap3A_1176, %swap3A_1177, %swap3A_1178] : memref<14x256x128xf32, #tpu.memory_space<vmem>>, vector<1x8x128xf32>
    %swap3A_1180 = vector.shape_cast %swap3A_1179 : vector<1x8x128xf32> to vector<8x128xf32>
    %swap3A_1181 = vector.shape_cast %slice3A_1175 : vector<8x128xf32> to vector<1x8x128xf32>
    tpu.vector_store %arg8[%swap3A_1176, %swap3A_1177, %swap3A_1178], %swap3A_1181 {strides = array<i32>} : memref<14x256x128xf32, #tpu.memory_space<vmem>>, vector<1x8x128xf32>,
    %slice3A_1182 = vector.extract_strided_slice %dot_general3A_1139 {offsets = [48, 0], sizes = [8, 128], strides = [1, 1]} : vector<112x128xf32> to vector<8x128xf32>
    %swap3A_1183 = arith.constant 6 : index
    %swap3A_1184 = arith.constant 80 : index
    %swap3A_1185 = arith.constant 0 : index
    %swap3A_1186 = vector.load %arg8[%swap3A_1183, %swap3A_1184, %swap3A_1185] : memref<14x256x128xf32, #tpu.memory_space<vmem>>, vector<1x8x128xf32>
    %swap3A_1187 = vector.shape_cast %swap3A_1186 : vector<1x8x128xf32> to vector<8x128xf32>
    %swap3A_1188 = vector.shape_cast %slice3A_1182 : vector<8x128xf32> to vector<1x8x128xf32>
    tpu.vector_store %arg8[%swap3A_1183, %swap3A_1184, %swap3A_1185], %swap3A_1188 {strides = array<i32>} : memref<14x256x128xf32, #tpu.memory_space<vmem>>, vector<1x8x128xf32>,
    %slice3A_1189 = vector.extract_strided_slice %dot_general3A_1139 {offsets = [56, 0], sizes = [8, 128], strides = [1, 1]} : vector<112x128xf32> to vector<8x128xf32>
    %swap3A_1190 = arith.constant 7 : index
    %swap3A_1191 = arith.constant 80 : index
    %swap3A_1192 = arith.constant 0 : index
    %swap3A_1193 = vector.load %arg8[%swap3A_1190, %swap3A_1191, %swap3A_1192] : memref<14x256x128xf32, #tpu.memory_space<vmem>>, vector<1x8x128xf32>
    %swap3A_1194 = vector.shape_cast %swap3A_1193 : vector<1x8x128xf32> to vector<8x128xf32>
    %swap3A_1195 = vector.shape_cast %slice3A_1189 : vector<8x128xf32> to vector<1x8x128xf32>
    tpu.vector_store %arg8[%swap3A_1190, %swap3A_1191, %swap3A_1192], %swap3A_1195 {strides = array<i32>} : memref<14x256x128xf32, #tpu.memory_space<vmem>>, vector<1x8x128xf32>,
    %slice3A_1196 = vector.extract_strided_slice %dot_general3A_1139 {offsets = [64, 0], sizes = [8, 128], strides = [1, 1]} : vector<112x128xf32> to vector<8x128xf32>
    %swap3A_1197 = arith.constant 8 : index
    %swap3A_1198 = arith.constant 80 : index
    %swap3A_1199 = arith.constant 0 : index
    %swap3A_1200 = vector.load %arg8[%swap3A_1197, %swap3A_1198, %swap3A_1199] : memref<14x256x128xf32, #tpu.memory_space<vmem>>, vector<1x8x128xf32>
    %swap3A_1201 = vector.shape_cast %swap3A_1200 : vector<1x8x128xf32> to vector<8x128xf32>
    %swap3A_1202 = vector.shape_cast %slice3A_1196 : vector<8x128xf32> to vector<1x8x128xf32>
    tpu.vector_store %arg8[%swap3A_1197, %swap3A_1198, %swap3A_1199], %swap3A_1202 {strides = array<i32>} : memref<14x256x128xf32, #tpu.memory_space<vmem>>, vector<1x8x128xf32>,
    %slice3A_1203 = vector.extract_strided_slice %dot_general3A_1139 {offsets = [72, 0], sizes = [8, 128], strides = [1, 1]} : vector<112x128xf32> to vector<8x128xf32>
    %swap3A_1204 = arith.constant 9 : index
    %swap3A_1205 = arith.constant 80 : index
    %swap3A_1206 = arith.constant 0 : index
    %swap3A_1207 = vector.load %arg8[%swap3A_1204, %swap3A_1205, %swap3A_1206] : memref<14x256x128xf32, #tpu.memory_space<vmem>>, vector<1x8x128xf32>
    %swap3A_1208 = vector.shape_cast %swap3A_1207 : vector<1x8x128xf32> to vector<8x128xf32>
    %swap3A_1209 = vector.shape_cast %slice3A_1203 : vector<8x128xf32> to vector<1x8x128xf32>
    tpu.vector_store %arg8[%swap3A_1204, %swap3A_1205, %swap3A_1206], %swap3A_1209 {strides = array<i32>} : memref<14x256x128xf32, #tpu.memory_space<vmem>>, vector<1x8x128xf32>,
    %slice3A_1210 = vector.extract_strided_slice %dot_general3A_1139 {offsets = [80, 0], sizes = [8, 128], strides = [1, 1]} : vector<112x128xf32> to vector<8x128xf32>
    %swap3A_1211 = arith.constant 10 : index
    %swap3A_1212 = arith.constant 80 : index
    %swap3A_1213 = arith.constant 0 : index
    %swap3A_1214 = vector.load %arg8[%swap3A_1211, %swap3A_1212, %swap3A_1213] : memref<14x256x128xf32, #tpu.memory_space<vmem>>, vector<1x8x128xf32>
    %swap3A_1215 = vector.shape_cast %swap3A_1214 : vector<1x8x128xf32> to vector<8x128xf32>
    %swap3A_1216 = vector.shape_cast %slice3A_1210 : vector<8x128xf32> to vector<1x8x128xf32>
    tpu.vector_store %arg8[%swap3A_1211, %swap3A_1212, %swap3A_1213], %swap3A_1216 {strides = array<i32>} : memref<14x256x128xf32, #tpu.memory_space<vmem>>, vector<1x8x128xf32>,
    %slice3A_1217 = vector.extract_strided_slice %dot_general3A_1139 {offsets = [88, 0], sizes = [8, 128], strides = [1, 1]} : vector<112x128xf32> to vector<8x128xf32>
    %swap3A_1218 = arith.constant 11 : index
    %swap3A_1219 = arith.constant 80 : index
    %swap3A_1220 = arith.constant 0 : index
    %swap3A_1221 = vector.load %arg8[%swap3A_1218, %swap3A_1219, %swap3A_1220] : memref<14x256x128xf32, #tpu.memory_space<vmem>>, vector<1x8x128xf32>
    %swap3A_1222 = vector.shape_cast %swap3A_1221 : vector<1x8x128xf32> to vector<8x128xf32>
    %swap3A_1223 = vector.shape_cast %slice3A_1217 : vector<8x128xf32> to vector<1x8x128xf32>
    tpu.vector_store %arg8[%swap3A_1218, %swap3A_1219, %swap3A_1220], %swap3A_1223 {strides = array<i32>} : memref<14x256x128xf32, #tpu.memory_space<vmem>>, vector<1x8x128xf32>,
    %slice3A_1224 = vector.extract_strided_slice %dot_general3A_1139 {offsets = [96, 0], sizes = [8, 128], strides = [1, 1]} : vector<112x128xf32> to vector<8x128xf32>
    %swap3A_1225 = arith.constant 12 : index
    %swap3A_1226 = arith.constant 80 : index
    %swap3A_1227 = arith.constant 0 : index
    %swap3A_1228 = vector.load %arg8[%swap3A_1225, %swap3A_1226, %swap3A_1227] : memref<14x256x128xf32, #tpu.memory_space<vmem>>, vector<1x8x128xf32>
    %swap3A_1229 = vector.shape_cast %swap3A_1228 : vector<1x8x128xf32> to vector<8x128xf32>
    %swap3A_1230 = vector.shape_cast %slice3A_1224 : vector<8x128xf32> to vector<1x8x128xf32>
    tpu.vector_store %arg8[%swap3A_1225, %swap3A_1226, %swap3A_1227], %swap3A_1230 {strides = array<i32>} : memref<14x256x128xf32, #tpu.memory_space<vmem>>, vector<1x8x128xf32>,
    %slice3A_1231 = vector.extract_strided_slice %dot_general3A_1139 {offsets = [104, 0], sizes = [8, 128], strides = [1, 1]} : vector<112x128xf32> to vector<8x128xf32>
    %swap3A_1232 = arith.constant 13 : index
    %swap3A_1233 = arith.constant 80 : index
    %swap3A_1234 = arith.constant 0 : index
    %swap3A_1235 = vector.load %arg8[%swap3A_1232, %swap3A_1233, %swap3A_1234] : memref<14x256x128xf32, #tpu.memory_space<vmem>>, vector<1x8x128xf32>
    %swap3A_1236 = vector.shape_cast %swap3A_1235 : vector<1x8x128xf32> to vector<8x128xf32>
    %swap3A_1237 = vector.shape_cast %slice3A_1231 : vector<8x128xf32> to vector<1x8x128xf32>
    tpu.vector_store %arg8[%swap3A_1232, %swap3A_1233, %swap3A_1234], %swap3A_1237 {strides = array<i32>} : memref<14x256x128xf32, #tpu.memory_space<vmem>>, vector<1x8x128xf32>,
    %get3A_1238 = arith.constant 2816 : index
    %get3A_1239 = arith.constant 0 : index
    %get3A_1240 = vector.load %arg1[%get3A_1238, %get3A_1239] : memref<8192x128xf32, #tpu.memory_space<vmem>>, vector<256x128xf32>
    %convert_element_type3A_1241 = arith.truncf %get3A_1240 : vector<256x128xf32> to vector<256x128xbf16>
    %get3A_1242 = arith.constant 11 : index
    %get3A_1243 = arith.constant 0 : index
    %get3A_1244 = arith.constant 0 : index
    %get3A_1245 = arith.constant 0 : index
    %get3A_1246 = vector.load %arg2[%get3A_1242, %get3A_1243, %get3A_1244, %get3A_1245] : memref<32x14x8x32xbf16, #tpu.memory_space<vmem>>, vector<1x14x8x32xbf16>
    %get3A_1247 = vector.shape_cast %get3A_1246 : vector<1x14x8x32xbf16> to vector<14x8x32xbf16>
    %reshape3A_1248 = vector.shape_cast %get3A_1247 : vector<14x8x32xbf16> to vector<112x32xbf16>
    %concatenate3A_1249 = tpu.concatenate %reshape3A_1248, %reshape3A_1248, %reshape3A_1248, %reshape3A_1248, %reshape3A_1248, %reshape3A_1248, %reshape3A_1248, %reshape3A_1248 in 1 : vector<112x32xbf16>, vector<112x32xbf16>, vector<112x32xbf16>, vector<112x32xbf16>, vector<112x32xbf16>, vector<112x32xbf16>, vector<112x32xbf16>, vector<112x32xbf16> -> vector<112x256xbf16>
    %mul3A_1250 = arith.mulf %concatenate3A_1249, %get3A_1 : vector<112x256xbf16>
    %dot_general3A_1251 = arith.constant dense<0.000000e+00> : vector<112x128xf32>
    %dot_general3A_1252 = tpu.matmul %mul3A_1250, %convert_element_type3A_1241, %dot_general3A_1251 {dimension_numbers = #tpu.dot_dimension_numbers<[1], [0], [0], [1], [0, 0, 1, 1], [], []>, transpose_lhs_hint = false} : vector<112x256xbf16>, vector<256x128xbf16>, vector<112x128xf32> -> vector<112x128xf32>
    %slice3A_1253 = vector.extract_strided_slice %dot_general3A_1252 {offsets = [0, 0], sizes = [8, 128], strides = [1, 1]} : vector<112x128xf32> to vector<8x128xf32>
    %swap3A_1254 = arith.constant 0 : index
    %swap3A_1255 = arith.constant 88 : index
    %swap3A_1256 = arith.constant 0 : index
    %swap3A_1257 = vector.load %arg8[%swap3A_1254, %swap3A_1255, %swap3A_1256] : memref<14x256x128xf32, #tpu.memory_space<vmem>>, vector<1x8x128xf32>
    %swap3A_1258 = vector.shape_cast %swap3A_1257 : vector<1x8x128xf32> to vector<8x128xf32>
    %swap3A_1259 = vector.shape_cast %slice3A_1253 : vector<8x128xf32> to vector<1x8x128xf32>
    tpu.vector_store %arg8[%swap3A_1254, %swap3A_1255, %swap3A_1256], %swap3A_1259 {strides = array<i32>} : memref<14x256x128xf32, #tpu.memory_space<vmem>>, vector<1x8x128xf32>,
    %slice3A_1260 = vector.extract_strided_slice %dot_general3A_1252 {offsets = [8, 0], sizes = [8, 128], strides = [1, 1]} : vector<112x128xf32> to vector<8x128xf32>
    %swap3A_1261 = arith.constant 1 : index
    %swap3A_1262 = arith.constant 88 : index
    %swap3A_1263 = arith.constant 0 : index
    %swap3A_1264 = vector.load %arg8[%swap3A_1261, %swap3A_1262, %swap3A_1263] : memref<14x256x128xf32, #tpu.memory_space<vmem>>, vector<1x8x128xf32>
    %swap3A_1265 = vector.shape_cast %swap3A_1264 : vector<1x8x128xf32> to vector<8x128xf32>
    %swap3A_1266 = vector.shape_cast %slice3A_1260 : vector<8x128xf32> to vector<1x8x128xf32>
    tpu.vector_store %arg8[%swap3A_1261, %swap3A_1262, %swap3A_1263], %swap3A_1266 {strides = array<i32>} : memref<14x256x128xf32, #tpu.memory_space<vmem>>, vector<1x8x128xf32>,
    %slice3A_1267 = vector.extract_strided_slice %dot_general3A_1252 {offsets = [16, 0], sizes = [8, 128], strides = [1, 1]} : vector<112x128xf32> to vector<8x128xf32>
    %swap3A_1268 = arith.constant 2 : index
    %swap3A_1269 = arith.constant 88 : index
    %swap3A_1270 = arith.constant 0 : index
    %swap3A_1271 = vector.load %arg8[%swap3A_1268, %swap3A_1269, %swap3A_1270] : memref<14x256x128xf32, #tpu.memory_space<vmem>>, vector<1x8x128xf32>
    %swap3A_1272 = vector.shape_cast %swap3A_1271 : vector<1x8x128xf32> to vector<8x128xf32>
    %swap3A_1273 = vector.shape_cast %slice3A_1267 : vector<8x128xf32> to vector<1x8x128xf32>
    tpu.vector_store %arg8[%swap3A_1268, %swap3A_1269, %swap3A_1270], %swap3A_1273 {strides = array<i32>} : memref<14x256x128xf32, #tpu.memory_space<vmem>>, vector<1x8x128xf32>,
    %slice3A_1274 = vector.extract_strided_slice %dot_general3A_1252 {offsets = [24, 0], sizes = [8, 128], strides = [1, 1]} : vector<112x128xf32> to vector<8x128xf32>
    %swap3A_1275 = arith.constant 3 : index
    %swap3A_1276 = arith.constant 88 : index
    %swap3A_1277 = arith.constant 0 : index
    %swap3A_1278 = vector.load %arg8[%swap3A_1275, %swap3A_1276, %swap3A_1277] : memref<14x256x128xf32, #tpu.memory_space<vmem>>, vector<1x8x128xf32>
    %swap3A_1279 = vector.shape_cast %swap3A_1278 : vector<1x8x128xf32> to vector<8x128xf32>
    %swap3A_1280 = vector.shape_cast %slice3A_1274 : vector<8x128xf32> to vector<1x8x128xf32>
    tpu.vector_store %arg8[%swap3A_1275, %swap3A_1276, %swap3A_1277], %swap3A_1280 {strides = array<i32>} : memref<14x256x128xf32, #tpu.memory_space<vmem>>, vector<1x8x128xf32>,
    %slice3A_1281 = vector.extract_strided_slice %dot_general3A_1252 {offsets = [32, 0], sizes = [8, 128], strides = [1, 1]} : vector<112x128xf32> to vector<8x128xf32>
    %swap3A_1282 = arith.constant 4 : index
    %swap3A_1283 = arith.constant 88 : index
    %swap3A_1284 = arith.constant 0 : index
    %swap3A_1285 = vector.load %arg8[%swap3A_1282, %swap3A_1283, %swap3A_1284] : memref<14x256x128xf32, #tpu.memory_space<vmem>>, vector<1x8x128xf32>
    %swap3A_1286 = vector.shape_cast %swap3A_1285 : vector<1x8x128xf32> to vector<8x128xf32>
    %swap3A_1287 = vector.shape_cast %slice3A_1281 : vector<8x128xf32> to vector<1x8x128xf32>
    tpu.vector_store %arg8[%swap3A_1282, %swap3A_1283, %swap3A_1284], %swap3A_1287 {strides = array<i32>} : memref<14x256x128xf32, #tpu.memory_space<vmem>>, vector<1x8x128xf32>,
    %slice3A_1288 = vector.extract_strided_slice %dot_general3A_1252 {offsets = [40, 0], sizes = [8, 128], strides = [1, 1]} : vector<112x128xf32> to vector<8x128xf32>
    %swap3A_1289 = arith.constant 5 : index
    %swap3A_1290 = arith.constant 88 : index
    %swap3A_1291 = arith.constant 0 : index
    %swap3A_1292 = vector.load %arg8[%swap3A_1289, %swap3A_1290, %swap3A_1291] : memref<14x256x128xf32, #tpu.memory_space<vmem>>, vector<1x8x128xf32>
    %swap3A_1293 = vector.shape_cast %swap3A_1292 : vector<1x8x128xf32> to vector<8x128xf32>
    %swap3A_1294 = vector.shape_cast %slice3A_1288 : vector<8x128xf32> to vector<1x8x128xf32>
    tpu.vector_store %arg8[%swap3A_1289, %swap3A_1290, %swap3A_1291], %swap3A_1294 {strides = array<i32>} : memref<14x256x128xf32, #tpu.memory_space<vmem>>, vector<1x8x128xf32>,
    %slice3A_1295 = vector.extract_strided_slice %dot_general3A_1252 {offsets = [48, 0], sizes = [8, 128], strides = [1, 1]} : vector<112x128xf32> to vector<8x128xf32>
    %swap3A_1296 = arith.constant 6 : index
    %swap3A_1297 = arith.constant 88 : index
    %swap3A_1298 = arith.constant 0 : index
    %swap3A_1299 = vector.load %arg8[%swap3A_1296, %swap3A_1297, %swap3A_1298] : memref<14x256x128xf32, #tpu.memory_space<vmem>>, vector<1x8x128xf32>
    %swap3A_1300 = vector.shape_cast %swap3A_1299 : vector<1x8x128xf32> to vector<8x128xf32>
    %swap3A_1301 = vector.shape_cast %slice3A_1295 : vector<8x128xf32> to vector<1x8x128xf32>
    tpu.vector_store %arg8[%swap3A_1296, %swap3A_1297, %swap3A_1298], %swap3A_1301 {strides = array<i32>} : memref<14x256x128xf32, #tpu.memory_space<vmem>>, vector<1x8x128xf32>,
    %slice3A_1302 = vector.extract_strided_slice %dot_general3A_1252 {offsets = [56, 0], sizes = [8, 128], strides = [1, 1]} : vector<112x128xf32> to vector<8x128xf32>
    %swap3A_1303 = arith.constant 7 : index
    %swap3A_1304 = arith.constant 88 : index
    %swap3A_1305 = arith.constant 0 : index
    %swap3A_1306 = vector.load %arg8[%swap3A_1303, %swap3A_1304, %swap3A_1305] : memref<14x256x128xf32, #tpu.memory_space<vmem>>, vector<1x8x128xf32>
    %swap3A_1307 = vector.shape_cast %swap3A_1306 : vector<1x8x128xf32> to vector<8x128xf32>
    %swap3A_1308 = vector.shape_cast %slice3A_1302 : vector<8x128xf32> to vector<1x8x128xf32>
    tpu.vector_store %arg8[%swap3A_1303, %swap3A_1304, %swap3A_1305], %swap3A_1308 {strides = array<i32>} : memref<14x256x128xf32, #tpu.memory_space<vmem>>, vector<1x8x128xf32>,
    %slice3A_1309 = vector.extract_strided_slice %dot_general3A_1252 {offsets = [64, 0], sizes = [8, 128], strides = [1, 1]} : vector<112x128xf32> to vector<8x128xf32>
    %swap3A_1310 = arith.constant 8 : index
    %swap3A_1311 = arith.constant 88 : index
    %swap3A_1312 = arith.constant 0 : index
    %swap3A_1313 = vector.load %arg8[%swap3A_1310, %swap3A_1311, %swap3A_1312] : memref<14x256x128xf32, #tpu.memory_space<vmem>>, vector<1x8x128xf32>
    %swap3A_1314 = vector.shape_cast %swap3A_1313 : vector<1x8x128xf32> to vector<8x128xf32>
    %swap3A_1315 = vector.shape_cast %slice3A_1309 : vector<8x128xf32> to vector<1x8x128xf32>
    tpu.vector_store %arg8[%swap3A_1310, %swap3A_1311, %swap3A_1312], %swap3A_1315 {strides = array<i32>} : memref<14x256x128xf32, #tpu.memory_space<vmem>>, vector<1x8x128xf32>,
    %slice3A_1316 = vector.extract_strided_slice %dot_general3A_1252 {offsets = [72, 0], sizes = [8, 128], strides = [1, 1]} : vector<112x128xf32> to vector<8x128xf32>
    %swap3A_1317 = arith.constant 9 : index
    %swap3A_1318 = arith.constant 88 : index
    %swap3A_1319 = arith.constant 0 : index
    %swap3A_1320 = vector.load %arg8[%swap3A_1317, %swap3A_1318, %swap3A_1319] : memref<14x256x128xf32, #tpu.memory_space<vmem>>, vector<1x8x128xf32>
    %swap3A_1321 = vector.shape_cast %swap3A_1320 : vector<1x8x128xf32> to vector<8x128xf32>
    %swap3A_1322 = vector.shape_cast %slice3A_1316 : vector<8x128xf32> to vector<1x8x128xf32>
    tpu.vector_store %arg8[%swap3A_1317, %swap3A_1318, %swap3A_1319], %swap3A_1322 {strides = array<i32>} : memref<14x256x128xf32, #tpu.memory_space<vmem>>, vector<1x8x128xf32>,
    %slice3A_1323 = vector.extract_strided_slice %dot_general3A_1252 {offsets = [80, 0], sizes = [8, 128], strides = [1, 1]} : vector<112x128xf32> to vector<8x128xf32>
    %swap3A_1324 = arith.constant 10 : index
    %swap3A_1325 = arith.constant 88 : index
    %swap3A_1326 = arith.constant 0 : index
    %swap3A_1327 = vector.load %arg8[%swap3A_1324, %swap3A_1325, %swap3A_1326] : memref<14x256x128xf32, #tpu.memory_space<vmem>>, vector<1x8x128xf32>
    %swap3A_1328 = vector.shape_cast %swap3A_1327 : vector<1x8x128xf32> to vector<8x128xf32>
    %swap3A_1329 = vector.shape_cast %slice3A_1323 : vector<8x128xf32> to vector<1x8x128xf32>
    tpu.vector_store %arg8[%swap3A_1324, %swap3A_1325, %swap3A_1326], %swap3A_1329 {strides = array<i32>} : memref<14x256x128xf32, #tpu.memory_space<vmem>>, vector<1x8x128xf32>,
    %slice3A_1330 = vector.extract_strided_slice %dot_general3A_1252 {offsets = [88, 0], sizes = [8, 128], strides = [1, 1]} : vector<112x128xf32> to vector<8x128xf32>
    %swap3A_1331 = arith.constant 11 : index
    %swap3A_1332 = arith.constant 88 : index
    %swap3A_1333 = arith.constant 0 : index
    %swap3A_1334 = vector.load %arg8[%swap3A_1331, %swap3A_1332, %swap3A_1333] : memref<14x256x128xf32, #tpu.memory_space<vmem>>, vector<1x8x128xf32>
    %swap3A_1335 = vector.shape_cast %swap3A_1334 : vector<1x8x128xf32> to vector<8x128xf32>
    %swap3A_1336 = vector.shape_cast %slice3A_1330 : vector<8x128xf32> to vector<1x8x128xf32>
    tpu.vector_store %arg8[%swap3A_1331, %swap3A_1332, %swap3A_1333], %swap3A_1336 {strides = array<i32>} : memref<14x256x128xf32, #tpu.memory_space<vmem>>, vector<1x8x128xf32>,
    %slice3A_1337 = vector.extract_strided_slice %dot_general3A_1252 {offsets = [96, 0], sizes = [8, 128], strides = [1, 1]} : vector<112x128xf32> to vector<8x128xf32>
    %swap3A_1338 = arith.constant 12 : index
    %swap3A_1339 = arith.constant 88 : index
    %swap3A_1340 = arith.constant 0 : index
    %swap3A_1341 = vector.load %arg8[%swap3A_1338, %swap3A_1339, %swap3A_1340] : memref<14x256x128xf32, #tpu.memory_space<vmem>>, vector<1x8x128xf32>
    %swap3A_1342 = vector.shape_cast %swap3A_1341 : vector<1x8x128xf32> to vector<8x128xf32>
    %swap3A_1343 = vector.shape_cast %slice3A_1337 : vector<8x128xf32> to vector<1x8x128xf32>
    tpu.vector_store %arg8[%swap3A_1338, %swap3A_1339, %swap3A_1340], %swap3A_1343 {strides = array<i32>} : memref<14x256x128xf32, #tpu.memory_space<vmem>>, vector<1x8x128xf32>,
    %slice3A_1344 = vector.extract_strided_slice %dot_general3A_1252 {offsets = [104, 0], sizes = [8, 128], strides = [1, 1]} : vector<112x128xf32> to vector<8x128xf32>
    %swap3A_1345 = arith.constant 13 : index
    %swap3A_1346 = arith.constant 88 : index
    %swap3A_1347 = arith.constant 0 : index
    %swap3A_1348 = vector.load %arg8[%swap3A_1345, %swap3A_1346, %swap3A_1347] : memref<14x256x128xf32, #tpu.memory_space<vmem>>, vector<1x8x128xf32>
    %swap3A_1349 = vector.shape_cast %swap3A_1348 : vector<1x8x128xf32> to vector<8x128xf32>
    %swap3A_1350 = vector.shape_cast %slice3A_1344 : vector<8x128xf32> to vector<1x8x128xf32>
    tpu.vector_store %arg8[%swap3A_1345, %swap3A_1346, %swap3A_1347], %swap3A_1350 {strides = array<i32>} : memref<14x256x128xf32, #tpu.memory_space<vmem>>, vector<1x8x128xf32>,
    %get3A_1351 = arith.constant 3072 : index
    %get3A_1352 = arith.constant 0 : index
    %get3A_1353 = vector.load %arg1[%get3A_1351, %get3A_1352] : memref<8192x128xf32, #tpu.memory_space<vmem>>, vector<256x128xf32>
    %convert_element_type3A_1354 = arith.truncf %get3A_1353 : vector<256x128xf32> to vector<256x128xbf16>
    %get3A_1355 = arith.constant 12 : index
    %get3A_1356 = arith.constant 0 : index
    %get3A_1357 = arith.constant 0 : index
    %get3A_1358 = arith.constant 0 : index
    %get3A_1359 = vector.load %arg2[%get3A_1355, %get3A_1356, %get3A_1357, %get3A_1358] : memref<32x14x8x32xbf16, #tpu.memory_space<vmem>>, vector<1x14x8x32xbf16>
    %get3A_1360 = vector.shape_cast %get3A_1359 : vector<1x14x8x32xbf16> to vector<14x8x32xbf16>
    %reshape3A_1361 = vector.shape_cast %get3A_1360 : vector<14x8x32xbf16> to vector<112x32xbf16>
    %concatenate3A_1362 = tpu.concatenate %reshape3A_1361, %reshape3A_1361, %reshape3A_1361, %reshape3A_1361, %reshape3A_1361, %reshape3A_1361, %reshape3A_1361, %reshape3A_1361 in 1 : vector<112x32xbf16>, vector<112x32xbf16>, vector<112x32xbf16>, vector<112x32xbf16>, vector<112x32xbf16>, vector<112x32xbf16>, vector<112x32xbf16>, vector<112x32xbf16> -> vector<112x256xbf16>
    %mul3A_1363 = arith.mulf %concatenate3A_1362, %get3A_1 : vector<112x256xbf16>
    %dot_general3A_1364 = arith.constant dense<0.000000e+00> : vector<112x128xf32>
    %dot_general3A_1365 = tpu.matmul %mul3A_1363, %convert_element_type3A_1354, %dot_general3A_1364 {dimension_numbers = #tpu.dot_dimension_numbers<[1], [0], [0], [1], [0, 0, 1, 1], [], []>, transpose_lhs_hint = false} : vector<112x256xbf16>, vector<256x128xbf16>, vector<112x128xf32> -> vector<112x128xf32>
    %slice3A_1366 = vector.extract_strided_slice %dot_general3A_1365 {offsets = [0, 0], sizes = [8, 128], strides = [1, 1]} : vector<112x128xf32> to vector<8x128xf32>
    %swap3A_1367 = arith.constant 0 : index
    %swap3A_1368 = arith.constant 96 : index
    %swap3A_1369 = arith.constant 0 : index
    %swap3A_1370 = vector.load %arg8[%swap3A_1367, %swap3A_1368, %swap3A_1369] : memref<14x256x128xf32, #tpu.memory_space<vmem>>, vector<1x8x128xf32>
    %swap3A_1371 = vector.shape_cast %swap3A_1370 : vector<1x8x128xf32> to vector<8x128xf32>
    %swap3A_1372 = vector.shape_cast %slice3A_1366 : vector<8x128xf32> to vector<1x8x128xf32>
    tpu.vector_store %arg8[%swap3A_1367, %swap3A_1368, %swap3A_1369], %swap3A_1372 {strides = array<i32>} : memref<14x256x128xf32, #tpu.memory_space<vmem>>, vector<1x8x128xf32>,
    %slice3A_1373 = vector.extract_strided_slice %dot_general3A_1365 {offsets = [8, 0], sizes = [8, 128], strides = [1, 1]} : vector<112x128xf32> to vector<8x128xf32>
    %swap3A_1374 = arith.constant 1 : index
    %swap3A_1375 = arith.constant 96 : index
    %swap3A_1376 = arith.constant 0 : index
    %swap3A_1377 = vector.load %arg8[%swap3A_1374, %swap3A_1375, %swap3A_1376] : memref<14x256x128xf32, #tpu.memory_space<vmem>>, vector<1x8x128xf32>
    %swap3A_1378 = vector.shape_cast %swap3A_1377 : vector<1x8x128xf32> to vector<8x128xf32>
    %swap3A_1379 = vector.shape_cast %slice3A_1373 : vector<8x128xf32> to vector<1x8x128xf32>
    tpu.vector_store %arg8[%swap3A_1374, %swap3A_1375, %swap3A_1376], %swap3A_1379 {strides = array<i32>} : memref<14x256x128xf32, #tpu.memory_space<vmem>>, vector<1x8x128xf32>,
    %slice3A_1380 = vector.extract_strided_slice %dot_general3A_1365 {offsets = [16, 0], sizes = [8, 128], strides = [1, 1]} : vector<112x128xf32> to vector<8x128xf32>
    %swap3A_1381 = arith.constant 2 : index
    %swap3A_1382 = arith.constant 96 : index
    %swap3A_1383 = arith.constant 0 : index
    %swap3A_1384 = vector.load %arg8[%swap3A_1381, %swap3A_1382, %swap3A_1383] : memref<14x256x128xf32, #tpu.memory_space<vmem>>, vector<1x8x128xf32>
    %swap3A_1385 = vector.shape_cast %swap3A_1384 : vector<1x8x128xf32> to vector<8x128xf32>
    %swap3A_1386 = vector.shape_cast %slice3A_1380 : vector<8x128xf32> to vector<1x8x128xf32>
    tpu.vector_store %arg8[%swap3A_1381, %swap3A_1382, %swap3A_1383], %swap3A_1386 {strides = array<i32>} : memref<14x256x128xf32, #tpu.memory_space<vmem>>, vector<1x8x128xf32>,
    %slice3A_1387 = vector.extract_strided_slice %dot_general3A_1365 {offsets = [24, 0], sizes = [8, 128], strides = [1, 1]} : vector<112x128xf32> to vector<8x128xf32>
    %swap3A_1388 = arith.constant 3 : index
    %swap3A_1389 = arith.constant 96 : index
    %swap3A_1390 = arith.constant 0 : index
    %swap3A_1391 = vector.load %arg8[%swap3A_1388, %swap3A_1389, %swap3A_1390] : memref<14x256x128xf32, #tpu.memory_space<vmem>>, vector<1x8x128xf32>
    %swap3A_1392 = vector.shape_cast %swap3A_1391 : vector<1x8x128xf32> to vector<8x128xf32>
    %swap3A_1393 = vector.shape_cast %slice3A_1387 : vector<8x128xf32> to vector<1x8x128xf32>
    tpu.vector_store %arg8[%swap3A_1388, %swap3A_1389, %swap3A_1390], %swap3A_1393 {strides = array<i32>} : memref<14x256x128xf32, #tpu.memory_space<vmem>>, vector<1x8x128xf32>,
    %slice3A_1394 = vector.extract_strided_slice %dot_general3A_1365 {offsets = [32, 0], sizes = [8, 128], strides = [1, 1]} : vector<112x128xf32> to vector<8x128xf32>
    %swap3A_1395 = arith.constant 4 : index
    %swap3A_1396 = arith.constant 96 : index
    %swap3A_1397 = arith.constant 0 : index
    %swap3A_1398 = vector.load %arg8[%swap3A_1395, %swap3A_1396, %swap3A_1397] : memref<14x256x128xf32, #tpu.memory_space<vmem>>, vector<1x8x128xf32>
    %swap3A_1399 = vector.shape_cast %swap3A_1398 : vector<1x8x128xf32> to vector<8x128xf32>
    %swap3A_1400 = vector.shape_cast %slice3A_1394 : vector<8x128xf32> to vector<1x8x128xf32>
    tpu.vector_store %arg8[%swap3A_1395, %swap3A_1396, %swap3A_1397], %swap3A_1400 {strides = array<i32>} : memref<14x256x128xf32, #tpu.memory_space<vmem>>, vector<1x8x128xf32>,
    %slice3A_1401 = vector.extract_strided_slice %dot_general3A_1365 {offsets = [40, 0], sizes = [8, 128], strides = [1, 1]} : vector<112x128xf32> to vector<8x128xf32>
    %swap3A_1402 = arith.constant 5 : index
    %swap3A_1403 = arith.constant 96 : index
    %swap3A_1404 = arith.constant 0 : index
    %swap3A_1405 = vector.load %arg8[%swap3A_1402, %swap3A_1403, %swap3A_1404] : memref<14x256x128xf32, #tpu.memory_space<vmem>>, vector<1x8x128xf32>
    %swap3A_1406 = vector.shape_cast %swap3A_1405 : vector<1x8x128xf32> to vector<8x128xf32>
    %swap3A_1407 = vector.shape_cast %slice3A_1401 : vector<8x128xf32> to vector<1x8x128xf32>
    tpu.vector_store %arg8[%swap3A_1402, %swap3A_1403, %swap3A_1404], %swap3A_1407 {strides = array<i32>} : memref<14x256x128xf32, #tpu.memory_space<vmem>>, vector<1x8x128xf32>,
    %slice3A_1408 = vector.extract_strided_slice %dot_general3A_1365 {offsets = [48, 0], sizes = [8, 128], strides = [1, 1]} : vector<112x128xf32> to vector<8x128xf32>
    %swap3A_1409 = arith.constant 6 : index
    %swap3A_1410 = arith.constant 96 : index
    %swap3A_1411 = arith.constant 0 : index
    %swap3A_1412 = vector.load %arg8[%swap3A_1409, %swap3A_1410, %swap3A_1411] : memref<14x256x128xf32, #tpu.memory_space<vmem>>, vector<1x8x128xf32>
    %swap3A_1413 = vector.shape_cast %swap3A_1412 : vector<1x8x128xf32> to vector<8x128xf32>
    %swap3A_1414 = vector.shape_cast %slice3A_1408 : vector<8x128xf32> to vector<1x8x128xf32>
    tpu.vector_store %arg8[%swap3A_1409, %swap3A_1410, %swap3A_1411], %swap3A_1414 {strides = array<i32>} : memref<14x256x128xf32, #tpu.memory_space<vmem>>, vector<1x8x128xf32>,
    %slice3A_1415 = vector.extract_strided_slice %dot_general3A_1365 {offsets = [56, 0], sizes = [8, 128], strides = [1, 1]} : vector<112x128xf32> to vector<8x128xf32>
    %swap3A_1416 = arith.constant 7 : index
    %swap3A_1417 = arith.constant 96 : index
    %swap3A_1418 = arith.constant 0 : index
    %swap3A_1419 = vector.load %arg8[%swap3A_1416, %swap3A_1417, %swap3A_1418] : memref<14x256x128xf32, #tpu.memory_space<vmem>>, vector<1x8x128xf32>
    %swap3A_1420 = vector.shape_cast %swap3A_1419 : vector<1x8x128xf32> to vector<8x128xf32>
    %swap3A_1421 = vector.shape_cast %slice3A_1415 : vector<8x128xf32> to vector<1x8x128xf32>
    tpu.vector_store %arg8[%swap3A_1416, %swap3A_1417, %swap3A_1418], %swap3A_1421 {strides = array<i32>} : memref<14x256x128xf32, #tpu.memory_space<vmem>>, vector<1x8x128xf32>,
    %slice3A_1422 = vector.extract_strided_slice %dot_general3A_1365 {offsets = [64, 0], sizes = [8, 128], strides = [1, 1]} : vector<112x128xf32> to vector<8x128xf32>
    %swap3A_1423 = arith.constant 8 : index
    %swap3A_1424 = arith.constant 96 : index
    %swap3A_1425 = arith.constant 0 : index
    %swap3A_1426 = vector.load %arg8[%swap3A_1423, %swap3A_1424, %swap3A_1425] : memref<14x256x128xf32, #tpu.memory_space<vmem>>, vector<1x8x128xf32>
    %swap3A_1427 = vector.shape_cast %swap3A_1426 : vector<1x8x128xf32> to vector<8x128xf32>
    %swap3A_1428 = vector.shape_cast %slice3A_1422 : vector<8x128xf32> to vector<1x8x128xf32>
    tpu.vector_store %arg8[%swap3A_1423, %swap3A_1424, %swap3A_1425], %swap3A_1428 {strides = array<i32>} : memref<14x256x128xf32, #tpu.memory_space<vmem>>, vector<1x8x128xf32>,
    %slice3A_1429 = vector.extract_strided_slice %dot_general3A_1365 {offsets = [72, 0], sizes = [8, 128], strides = [1, 1]} : vector<112x128xf32> to vector<8x128xf32>
    %swap3A_1430 = arith.constant 9 : index
    %swap3A_1431 = arith.constant 96 : index
    %swap3A_1432 = arith.constant 0 : index
    %swap3A_1433 = vector.load %arg8[%swap3A_1430, %swap3A_1431, %swap3A_1432] : memref<14x256x128xf32, #tpu.memory_space<vmem>>, vector<1x8x128xf32>
    %swap3A_1434 = vector.shape_cast %swap3A_1433 : vector<1x8x128xf32> to vector<8x128xf32>
    %swap3A_1435 = vector.shape_cast %slice3A_1429 : vector<8x128xf32> to vector<1x8x128xf32>
    tpu.vector_store %arg8[%swap3A_1430, %swap3A_1431, %swap3A_1432], %swap3A_1435 {strides = array<i32>} : memref<14x256x128xf32, #tpu.memory_space<vmem>>, vector<1x8x128xf32>,
    %slice3A_1436 = vector.extract_strided_slice %dot_general3A_1365 {offsets = [80, 0], sizes = [8, 128], strides = [1, 1]} : vector<112x128xf32> to vector<8x128xf32>
    %swap3A_1437 = arith.constant 10 : index
    %swap3A_1438 = arith.constant 96 : index
    %swap3A_1439 = arith.constant 0 : index
    %swap3A_1440 = vector.load %arg8[%swap3A_1437, %swap3A_1438, %swap3A_1439] : memref<14x256x128xf32, #tpu.memory_space<vmem>>, vector<1x8x128xf32>
    %swap3A_1441 = vector.shape_cast %swap3A_1440 : vector<1x8x128xf32> to vector<8x128xf32>
    %swap3A_1442 = vector.shape_cast %slice3A_1436 : vector<8x128xf32> to vector<1x8x128xf32>
    tpu.vector_store %arg8[%swap3A_1437, %swap3A_1438, %swap3A_1439], %swap3A_1442 {strides = array<i32>} : memref<14x256x128xf32, #tpu.memory_space<vmem>>, vector<1x8x128xf32>,
    %slice3A_1443 = vector.extract_strided_slice %dot_general3A_1365 {offsets = [88, 0], sizes = [8, 128], strides = [1, 1]} : vector<112x128xf32> to vector<8x128xf32>
    %swap3A_1444 = arith.constant 11 : index
    %swap3A_1445 = arith.constant 96 : index
    %swap3A_1446 = arith.constant 0 : index
    %swap3A_1447 = vector.load %arg8[%swap3A_1444, %swap3A_1445, %swap3A_1446] : memref<14x256x128xf32, #tpu.memory_space<vmem>>, vector<1x8x128xf32>
    %swap3A_1448 = vector.shape_cast %swap3A_1447 : vector<1x8x128xf32> to vector<8x128xf32>
    %swap3A_1449 = vector.shape_cast %slice3A_1443 : vector<8x128xf32> to vector<1x8x128xf32>
    tpu.vector_store %arg8[%swap3A_1444, %swap3A_1445, %swap3A_1446], %swap3A_1449 {strides = array<i32>} : memref<14x256x128xf32, #tpu.memory_space<vmem>>, vector<1x8x128xf32>,
    %slice3A_1450 = vector.extract_strided_slice %dot_general3A_1365 {offsets = [96, 0], sizes = [8, 128], strides = [1, 1]} : vector<112x128xf32> to vector<8x128xf32>
    %swap3A_1451 = arith.constant 12 : index
    %swap3A_1452 = arith.constant 96 : index
    %swap3A_1453 = arith.constant 0 : index
    %swap3A_1454 = vector.load %arg8[%swap3A_1451, %swap3A_1452, %swap3A_1453] : memref<14x256x128xf32, #tpu.memory_space<vmem>>, vector<1x8x128xf32>
    %swap3A_1455 = vector.shape_cast %swap3A_1454 : vector<1x8x128xf32> to vector<8x128xf32>
    %swap3A_1456 = vector.shape_cast %slice3A_1450 : vector<8x128xf32> to vector<1x8x128xf32>
    tpu.vector_store %arg8[%swap3A_1451, %swap3A_1452, %swap3A_1453], %swap3A_1456 {strides = array<i32>} : memref<14x256x128xf32, #tpu.memory_space<vmem>>, vector<1x8x128xf32>,
    %slice3A_1457 = vector.extract_strided_slice %dot_general3A_1365 {offsets = [104, 0], sizes = [8, 128], strides = [1, 1]} : vector<112x128xf32> to vector<8x128xf32>
    %swap3A_1458 = arith.constant 13 : index
    %swap3A_1459 = arith.constant 96 : index
    %swap3A_1460 = arith.constant 0 : index
    %swap3A_1461 = vector.load %arg8[%swap3A_1458, %swap3A_1459, %swap3A_1460] : memref<14x256x128xf32, #tpu.memory_space<vmem>>, vector<1x8x128xf32>
    %swap3A_1462 = vector.shape_cast %swap3A_1461 : vector<1x8x128xf32> to vector<8x128xf32>
    %swap3A_1463 = vector.shape_cast %slice3A_1457 : vector<8x128xf32> to vector<1x8x128xf32>
    tpu.vector_store %arg8[%swap3A_1458, %swap3A_1459, %swap3A_1460], %swap3A_1463 {strides = array<i32>} : memref<14x256x128xf32, #tpu.memory_space<vmem>>, vector<1x8x128xf32>,
    %get3A_1464 = arith.constant 3328 : index
    %get3A_1465 = arith.constant 0 : index
    %get3A_1466 = vector.load %arg1[%get3A_1464, %get3A_1465] : memref<8192x128xf32, #tpu.memory_space<vmem>>, vector<256x128xf32>
    %convert_element_type3A_1467 = arith.truncf %get3A_1466 : vector<256x128xf32> to vector<256x128xbf16>
    %get3A_1468 = arith.constant 13 : index
    %get3A_1469 = arith.constant 0 : index
    %get3A_1470 = arith.constant 0 : index
    %get3A_1471 = arith.constant 0 : index
    %get3A_1472 = vector.load %arg2[%get3A_1468, %get3A_1469, %get3A_1470, %get3A_1471] : memref<32x14x8x32xbf16, #tpu.memory_space<vmem>>, vector<1x14x8x32xbf16>
    %get3A_1473 = vector.shape_cast %get3A_1472 : vector<1x14x8x32xbf16> to vector<14x8x32xbf16>
    %reshape3A_1474 = vector.shape_cast %get3A_1473 : vector<14x8x32xbf16> to vector<112x32xbf16>
    %concatenate3A_1475 = tpu.concatenate %reshape3A_1474, %reshape3A_1474, %reshape3A_1474, %reshape3A_1474, %reshape3A_1474, %reshape3A_1474, %reshape3A_1474, %reshape3A_1474 in 1 : vector<112x32xbf16>, vector<112x32xbf16>, vector<112x32xbf16>, vector<112x32xbf16>, vector<112x32xbf16>, vector<112x32xbf16>, vector<112x32xbf16>, vector<112x32xbf16> -> vector<112x256xbf16>
    %mul3A_1476 = arith.mulf %concatenate3A_1475, %get3A_1 : vector<112x256xbf16>
    %dot_general3A_1477 = arith.constant dense<0.000000e+00> : vector<112x128xf32>
    %dot_general3A_1478 = tpu.matmul %mul3A_1476, %convert_element_type3A_1467, %dot_general3A_1477 {dimension_numbers = #tpu.dot_dimension_numbers<[1], [0], [0], [1], [0, 0, 1, 1], [], []>, transpose_lhs_hint = false} : vector<112x256xbf16>, vector<256x128xbf16>, vector<112x128xf32> -> vector<112x128xf32>
    %slice3A_1479 = vector.extract_strided_slice %dot_general3A_1478 {offsets = [0, 0], sizes = [8, 128], strides = [1, 1]} : vector<112x128xf32> to vector<8x128xf32>
    %swap3A_1480 = arith.constant 0 : index
    %swap3A_1481 = arith.constant 104 : index
    %swap3A_1482 = arith.constant 0 : index
    %swap3A_1483 = vector.load %arg8[%swap3A_1480, %swap3A_1481, %swap3A_1482] : memref<14x256x128xf32, #tpu.memory_space<vmem>>, vector<1x8x128xf32>
    %swap3A_1484 = vector.shape_cast %swap3A_1483 : vector<1x8x128xf32> to vector<8x128xf32>
    %swap3A_1485 = vector.shape_cast %slice3A_1479 : vector<8x128xf32> to vector<1x8x128xf32>
    tpu.vector_store %arg8[%swap3A_1480, %swap3A_1481, %swap3A_1482], %swap3A_1485 {strides = array<i32>} : memref<14x256x128xf32, #tpu.memory_space<vmem>>, vector<1x8x128xf32>,
    %slice3A_1486 = vector.extract_strided_slice %dot_general3A_1478 {offsets = [8, 0], sizes = [8, 128], strides = [1, 1]} : vector<112x128xf32> to vector<8x128xf32>
    %swap3A_1487 = arith.constant 1 : index
    %swap3A_1488 = arith.constant 104 : index
    %swap3A_1489 = arith.constant 0 : index
    %swap3A_1490 = vector.load %arg8[%swap3A_1487, %swap3A_1488, %swap3A_1489] : memref<14x256x128xf32, #tpu.memory_space<vmem>>, vector<1x8x128xf32>
    %swap3A_1491 = vector.shape_cast %swap3A_1490 : vector<1x8x128xf32> to vector<8x128xf32>
    %swap3A_1492 = vector.shape_cast %slice3A_1486 : vector<8x128xf32> to vector<1x8x128xf32>
    tpu.vector_store %arg8[%swap3A_1487, %swap3A_1488, %swap3A_1489], %swap3A_1492 {strides = array<i32>} : memref<14x256x128xf32, #tpu.memory_space<vmem>>, vector<1x8x128xf32>,
    %slice3A_1493 = vector.extract_strided_slice %dot_general3A_1478 {offsets = [16, 0], sizes = [8, 128], strides = [1, 1]} : vector<112x128xf32> to vector<8x128xf32>
    %swap3A_1494 = arith.constant 2 : index
    %swap3A_1495 = arith.constant 104 : index
    %swap3A_1496 = arith.constant 0 : index
    %swap3A_1497 = vector.load %arg8[%swap3A_1494, %swap3A_1495, %swap3A_1496] : memref<14x256x128xf32, #tpu.memory_space<vmem>>, vector<1x8x128xf32>
    %swap3A_1498 = vector.shape_cast %swap3A_1497 : vector<1x8x128xf32> to vector<8x128xf32>
    %swap3A_1499 = vector.shape_cast %slice3A_1493 : vector<8x128xf32> to vector<1x8x128xf32>
    tpu.vector_store %arg8[%swap3A_1494, %swap3A_1495, %swap3A_1496], %swap3A_1499 {strides = array<i32>} : memref<14x256x128xf32, #tpu.memory_space<vmem>>, vector<1x8x128xf32>,
    %slice3A_1500 = vector.extract_strided_slice %dot_general3A_1478 {offsets = [24, 0], sizes = [8, 128], strides = [1, 1]} : vector<112x128xf32> to vector<8x128xf32>
    %swap3A_1501 = arith.constant 3 : index
    %swap3A_1502 = arith.constant 104 : index
    %swap3A_1503 = arith.constant 0 : index
    %swap3A_1504 = vector.load %arg8[%swap3A_1501, %swap3A_1502, %swap3A_1503] : memref<14x256x128xf32, #tpu.memory_space<vmem>>, vector<1x8x128xf32>
    %swap3A_1505 = vector.shape_cast %swap3A_1504 : vector<1x8x128xf32> to vector<8x128xf32>
    %swap3A_1506 = vector.shape_cast %slice3A_1500 : vector<8x128xf32> to vector<1x8x128xf32>
    tpu.vector_store %arg8[%swap3A_1501, %swap3A_1502, %swap3A_1503], %swap3A_1506 {strides = array<i32>} : memref<14x256x128xf32, #tpu.memory_space<vmem>>, vector<1x8x128xf32>,
    %slice3A_1507 = vector.extract_strided_slice %dot_general3A_1478 {offsets = [32, 0], sizes = [8, 128], strides = [1, 1]} : vector<112x128xf32> to vector<8x128xf32>
    %swap3A_1508 = arith.constant 4 : index
    %swap3A_1509 = arith.constant 104 : index
    %swap3A_1510 = arith.constant 0 : index
    %swap3A_1511 = vector.load %arg8[%swap3A_1508, %swap3A_1509, %swap3A_1510] : memref<14x256x128xf32, #tpu.memory_space<vmem>>, vector<1x8x128xf32>
    %swap3A_1512 = vector.shape_cast %swap3A_1511 : vector<1x8x128xf32> to vector<8x128xf32>
    %swap3A_1513 = vector.shape_cast %slice3A_1507 : vector<8x128xf32> to vector<1x8x128xf32>
    tpu.vector_store %arg8[%swap3A_1508, %swap3A_1509, %swap3A_1510], %swap3A_1513 {strides = array<i32>} : memref<14x256x128xf32, #tpu.memory_space<vmem>>, vector<1x8x128xf32>,
    %slice3A_1514 = vector.extract_strided_slice %dot_general3A_1478 {offsets = [40, 0], sizes = [8, 128], strides = [1, 1]} : vector<112x128xf32> to vector<8x128xf32>
    %swap3A_1515 = arith.constant 5 : index
    %swap3A_1516 = arith.constant 104 : index
    %swap3A_1517 = arith.constant 0 : index
    %swap3A_1518 = vector.load %arg8[%swap3A_1515, %swap3A_1516, %swap3A_1517] : memref<14x256x128xf32, #tpu.memory_space<vmem>>, vector<1x8x128xf32>
    %swap3A_1519 = vector.shape_cast %swap3A_1518 : vector<1x8x128xf32> to vector<8x128xf32>
    %swap3A_1520 = vector.shape_cast %slice3A_1514 : vector<8x128xf32> to vector<1x8x128xf32>
    tpu.vector_store %arg8[%swap3A_1515, %swap3A_1516, %swap3A_1517], %swap3A_1520 {strides = array<i32>} : memref<14x256x128xf32, #tpu.memory_space<vmem>>, vector<1x8x128xf32>,
    %slice3A_1521 = vector.extract_strided_slice %dot_general3A_1478 {offsets = [48, 0], sizes = [8, 128], strides = [1, 1]} : vector<112x128xf32> to vector<8x128xf32>
    %swap3A_1522 = arith.constant 6 : index
    %swap3A_1523 = arith.constant 104 : index
    %swap3A_1524 = arith.constant 0 : index
    %swap3A_1525 = vector.load %arg8[%swap3A_1522, %swap3A_1523, %swap3A_1524] : memref<14x256x128xf32, #tpu.memory_space<vmem>>, vector<1x8x128xf32>
    %swap3A_1526 = vector.shape_cast %swap3A_1525 : vector<1x8x128xf32> to vector<8x128xf32>
    %swap3A_1527 = vector.shape_cast %slice3A_1521 : vector<8x128xf32> to vector<1x8x128xf32>
    tpu.vector_store %arg8[%swap3A_1522, %swap3A_1523, %swap3A_1524], %swap3A_1527 {strides = array<i32>} : memref<14x256x128xf32, #tpu.memory_space<vmem>>, vector<1x8x128xf32>,
    %slice3A_1528 = vector.extract_strided_slice %dot_general3A_1478 {offsets = [56, 0], sizes = [8, 128], strides = [1, 1]} : vector<112x128xf32> to vector<8x128xf32>
    %swap3A_1529 = arith.constant 7 : index
    %swap3A_1530 = arith.constant 104 : index
    %swap3A_1531 = arith.constant 0 : index
    %swap3A_1532 = vector.load %arg8[%swap3A_1529, %swap3A_1530, %swap3A_1531] : memref<14x256x128xf32, #tpu.memory_space<vmem>>, vector<1x8x128xf32>
    %swap3A_1533 = vector.shape_cast %swap3A_1532 : vector<1x8x128xf32> to vector<8x128xf32>
    %swap3A_1534 = vector.shape_cast %slice3A_1528 : vector<8x128xf32> to vector<1x8x128xf32>
    tpu.vector_store %arg8[%swap3A_1529, %swap3A_1530, %swap3A_1531], %swap3A_1534 {strides = array<i32>} : memref<14x256x128xf32, #tpu.memory_space<vmem>>, vector<1x8x128xf32>,
    %slice3A_1535 = vector.extract_strided_slice %dot_general3A_1478 {offsets = [64, 0], sizes = [8, 128], strides = [1, 1]} : vector<112x128xf32> to vector<8x128xf32>
    %swap3A_1536 = arith.constant 8 : index
    %swap3A_1537 = arith.constant 104 : index
    %swap3A_1538 = arith.constant 0 : index
    %swap3A_1539 = vector.load %arg8[%swap3A_1536, %swap3A_1537, %swap3A_1538] : memref<14x256x128xf32, #tpu.memory_space<vmem>>, vector<1x8x128xf32>
    %swap3A_1540 = vector.shape_cast %swap3A_1539 : vector<1x8x128xf32> to vector<8x128xf32>
    %swap3A_1541 = vector.shape_cast %slice3A_1535 : vector<8x128xf32> to vector<1x8x128xf32>
    tpu.vector_store %arg8[%swap3A_1536, %swap3A_1537, %swap3A_1538], %swap3A_1541 {strides = array<i32>} : memref<14x256x128xf32, #tpu.memory_space<vmem>>, vector<1x8x128xf32>,
    %slice3A_1542 = vector.extract_strided_slice %dot_general3A_1478 {offsets = [72, 0], sizes = [8, 128], strides = [1, 1]} : vector<112x128xf32> to vector<8x128xf32>
    %swap3A_1543 = arith.constant 9 : index
    %swap3A_1544 = arith.constant 104 : index
    %swap3A_1545 = arith.constant 0 : index
    %swap3A_1546 = vector.load %arg8[%swap3A_1543, %swap3A_1544, %swap3A_1545] : memref<14x256x128xf32, #tpu.memory_space<vmem>>, vector<1x8x128xf32>
    %swap3A_1547 = vector.shape_cast %swap3A_1546 : vector<1x8x128xf32> to vector<8x128xf32>
    %swap3A_1548 = vector.shape_cast %slice3A_1542 : vector<8x128xf32> to vector<1x8x128xf32>
    tpu.vector_store %arg8[%swap3A_1543, %swap3A_1544, %swap3A_1545], %swap3A_1548 {strides = array<i32>} : memref<14x256x128xf32, #tpu.memory_space<vmem>>, vector<1x8x128xf32>,
    %slice3A_1549 = vector.extract_strided_slice %dot_general3A_1478 {offsets = [80, 0], sizes = [8, 128], strides = [1, 1]} : vector<112x128xf32> to vector<8x128xf32>
    %swap3A_1550 = arith.constant 10 : index
    %swap3A_1551 = arith.constant 104 : index
    %swap3A_1552 = arith.constant 0 : index
    %swap3A_1553 = vector.load %arg8[%swap3A_1550, %swap3A_1551, %swap3A_1552] : memref<14x256x128xf32, #tpu.memory_space<vmem>>, vector<1x8x128xf32>
    %swap3A_1554 = vector.shape_cast %swap3A_1553 : vector<1x8x128xf32> to vector<8x128xf32>
    %swap3A_1555 = vector.shape_cast %slice3A_1549 : vector<8x128xf32> to vector<1x8x128xf32>
    tpu.vector_store %arg8[%swap3A_1550, %swap3A_1551, %swap3A_1552], %swap3A_1555 {strides = array<i32>} : memref<14x256x128xf32, #tpu.memory_space<vmem>>, vector<1x8x128xf32>,
    %slice3A_1556 = vector.extract_strided_slice %dot_general3A_1478 {offsets = [88, 0], sizes = [8, 128], strides = [1, 1]} : vector<112x128xf32> to vector<8x128xf32>
    %swap3A_1557 = arith.constant 11 : index
    %swap3A_1558 = arith.constant 104 : index
    %swap3A_1559 = arith.constant 0 : index
    %swap3A_1560 = vector.load %arg8[%swap3A_1557, %swap3A_1558, %swap3A_1559] : memref<14x256x128xf32, #tpu.memory_space<vmem>>, vector<1x8x128xf32>
    %swap3A_1561 = vector.shape_cast %swap3A_1560 : vector<1x8x128xf32> to vector<8x128xf32>
    %swap3A_1562 = vector.shape_cast %slice3A_1556 : vector<8x128xf32> to vector<1x8x128xf32>
    tpu.vector_store %arg8[%swap3A_1557, %swap3A_1558, %swap3A_1559], %swap3A_1562 {strides = array<i32>} : memref<14x256x128xf32, #tpu.memory_space<vmem>>, vector<1x8x128xf32>,
    %slice3A_1563 = vector.extract_strided_slice %dot_general3A_1478 {offsets = [96, 0], sizes = [8, 128], strides = [1, 1]} : vector<112x128xf32> to vector<8x128xf32>
    %swap3A_1564 = arith.constant 12 : index
    %swap3A_1565 = arith.constant 104 : index
    %swap3A_1566 = arith.constant 0 : index
    %swap3A_1567 = vector.load %arg8[%swap3A_1564, %swap3A_1565, %swap3A_1566] : memref<14x256x128xf32, #tpu.memory_space<vmem>>, vector<1x8x128xf32>
    %swap3A_1568 = vector.shape_cast %swap3A_1567 : vector<1x8x128xf32> to vector<8x128xf32>
    %swap3A_1569 = vector.shape_cast %slice3A_1563 : vector<8x128xf32> to vector<1x8x128xf32>
    tpu.vector_store %arg8[%swap3A_1564, %swap3A_1565, %swap3A_1566], %swap3A_1569 {strides = array<i32>} : memref<14x256x128xf32, #tpu.memory_space<vmem>>, vector<1x8x128xf32>,
    %slice3A_1570 = vector.extract_strided_slice %dot_general3A_1478 {offsets = [104, 0], sizes = [8, 128], strides = [1, 1]} : vector<112x128xf32> to vector<8x128xf32>
    %swap3A_1571 = arith.constant 13 : index
    %swap3A_1572 = arith.constant 104 : index
    %swap3A_1573 = arith.constant 0 : index
    %swap3A_1574 = vector.load %arg8[%swap3A_1571, %swap3A_1572, %swap3A_1573] : memref<14x256x128xf32, #tpu.memory_space<vmem>>, vector<1x8x128xf32>
    %swap3A_1575 = vector.shape_cast %swap3A_1574 : vector<1x8x128xf32> to vector<8x128xf32>
    %swap3A_1576 = vector.shape_cast %slice3A_1570 : vector<8x128xf32> to vector<1x8x128xf32>
    tpu.vector_store %arg8[%swap3A_1571, %swap3A_1572, %swap3A_1573], %swap3A_1576 {strides = array<i32>} : memref<14x256x128xf32, #tpu.memory_space<vmem>>, vector<1x8x128xf32>,
    %get3A_1577 = arith.constant 3584 : index
    %get3A_1578 = arith.constant 0 : index
    %get3A_1579 = vector.load %arg1[%get3A_1577, %get3A_1578] : memref<8192x128xf32, #tpu.memory_space<vmem>>, vector<256x128xf32>
    %convert_element_type3A_1580 = arith.truncf %get3A_1579 : vector<256x128xf32> to vector<256x128xbf16>
    %get3A_1581 = arith.constant 14 : index
    %get3A_1582 = arith.constant 0 : index
    %get3A_1583 = arith.constant 0 : index
    %get3A_1584 = arith.constant 0 : index
    %get3A_1585 = vector.load %arg2[%get3A_1581, %get3A_1582, %get3A_1583, %get3A_1584] : memref<32x14x8x32xbf16, #tpu.memory_space<vmem>>, vector<1x14x8x32xbf16>
    %get3A_1586 = vector.shape_cast %get3A_1585 : vector<1x14x8x32xbf16> to vector<14x8x32xbf16>
    %reshape3A_1587 = vector.shape_cast %get3A_1586 : vector<14x8x32xbf16> to vector<112x32xbf16>
    %concatenate3A_1588 = tpu.concatenate %reshape3A_1587, %reshape3A_1587, %reshape3A_1587, %reshape3A_1587, %reshape3A_1587, %reshape3A_1587, %reshape3A_1587, %reshape3A_1587 in 1 : vector<112x32xbf16>, vector<112x32xbf16>, vector<112x32xbf16>, vector<112x32xbf16>, vector<112x32xbf16>, vector<112x32xbf16>, vector<112x32xbf16>, vector<112x32xbf16> -> vector<112x256xbf16>
    %mul3A_1589 = arith.mulf %concatenate3A_1588, %get3A_1 : vector<112x256xbf16>
    %dot_general3A_1590 = arith.constant dense<0.000000e+00> : vector<112x128xf32>
    %dot_general3A_1591 = tpu.matmul %mul3A_1589, %convert_element_type3A_1580, %dot_general3A_1590 {dimension_numbers = #tpu.dot_dimension_numbers<[1], [0], [0], [1], [0, 0, 1, 1], [], []>, transpose_lhs_hint = false} : vector<112x256xbf16>, vector<256x128xbf16>, vector<112x128xf32> -> vector<112x128xf32>
    %slice3A_1592 = vector.extract_strided_slice %dot_general3A_1591 {offsets = [0, 0], sizes = [8, 128], strides = [1, 1]} : vector<112x128xf32> to vector<8x128xf32>
    %swap3A_1593 = arith.constant 0 : index
    %swap3A_1594 = arith.constant 112 : index
    %swap3A_1595 = arith.constant 0 : index
    %swap3A_1596 = vector.load %arg8[%swap3A_1593, %swap3A_1594, %swap3A_1595] : memref<14x256x128xf32, #tpu.memory_space<vmem>>, vector<1x8x128xf32>
    %swap3A_1597 = vector.shape_cast %swap3A_1596 : vector<1x8x128xf32> to vector<8x128xf32>
    %swap3A_1598 = vector.shape_cast %slice3A_1592 : vector<8x128xf32> to vector<1x8x128xf32>
    tpu.vector_store %arg8[%swap3A_1593, %swap3A_1594, %swap3A_1595], %swap3A_1598 {strides = array<i32>} : memref<14x256x128xf32, #tpu.memory_space<vmem>>, vector<1x8x128xf32>,
    %slice3A_1599 = vector.extract_strided_slice %dot_general3A_1591 {offsets = [8, 0], sizes = [8, 128], strides = [1, 1]} : vector<112x128xf32> to vector<8x128xf32>
    %swap3A_1600 = arith.constant 1 : index
    %swap3A_1601 = arith.constant 112 : index
    %swap3A_1602 = arith.constant 0 : index
    %swap3A_1603 = vector.load %arg8[%swap3A_1600, %swap3A_1601, %swap3A_1602] : memref<14x256x128xf32, #tpu.memory_space<vmem>>, vector<1x8x128xf32>
    %swap3A_1604 = vector.shape_cast %swap3A_1603 : vector<1x8x128xf32> to vector<8x128xf32>
    %swap3A_1605 = vector.shape_cast %slice3A_1599 : vector<8x128xf32> to vector<1x8x128xf32>
    tpu.vector_store %arg8[%swap3A_1600, %swap3A_1601, %swap3A_1602], %swap3A_1605 {strides = array<i32>} : memref<14x256x128xf32, #tpu.memory_space<vmem>>, vector<1x8x128xf32>,
    %slice3A_1606 = vector.extract_strided_slice %dot_general3A_1591 {offsets = [16, 0], sizes = [8, 128], strides = [1, 1]} : vector<112x128xf32> to vector<8x128xf32>
    %swap3A_1607 = arith.constant 2 : index
    %swap3A_1608 = arith.constant 112 : index
    %swap3A_1609 = arith.constant 0 : index
    %swap3A_1610 = vector.load %arg8[%swap3A_1607, %swap3A_1608, %swap3A_1609] : memref<14x256x128xf32, #tpu.memory_space<vmem>>, vector<1x8x128xf32>
    %swap3A_1611 = vector.shape_cast %swap3A_1610 : vector<1x8x128xf32> to vector<8x128xf32>
    %swap3A_1612 = vector.shape_cast %slice3A_1606 : vector<8x128xf32> to vector<1x8x128xf32>
    tpu.vector_store %arg8[%swap3A_1607, %swap3A_1608, %swap3A_1609], %swap3A_1612 {strides = array<i32>} : memref<14x256x128xf32, #tpu.memory_space<vmem>>, vector<1x8x128xf32>,
    %slice3A_1613 = vector.extract_strided_slice %dot_general3A_1591 {offsets = [24, 0], sizes = [8, 128], strides = [1, 1]} : vector<112x128xf32> to vector<8x128xf32>
    %swap3A_1614 = arith.constant 3 : index
    %swap3A_1615 = arith.constant 112 : index
    %swap3A_1616 = arith.constant 0 : index
    %swap3A_1617 = vector.load %arg8[%swap3A_1614, %swap3A_1615, %swap3A_1616] : memref<14x256x128xf32, #tpu.memory_space<vmem>>, vector<1x8x128xf32>
    %swap3A_1618 = vector.shape_cast %swap3A_1617 : vector<1x8x128xf32> to vector<8x128xf32>
    %swap3A_1619 = vector.shape_cast %slice3A_1613 : vector<8x128xf32> to vector<1x8x128xf32>
    tpu.vector_store %arg8[%swap3A_1614, %swap3A_1615, %swap3A_1616], %swap3A_1619 {strides = array<i32>} : memref<14x256x128xf32, #tpu.memory_space<vmem>>, vector<1x8x128xf32>,
    %slice3A_1620 = vector.extract_strided_slice %dot_general3A_1591 {offsets = [32, 0], sizes = [8, 128], strides = [1, 1]} : vector<112x128xf32> to vector<8x128xf32>
    %swap3A_1621 = arith.constant 4 : index
    %swap3A_1622 = arith.constant 112 : index
    %swap3A_1623 = arith.constant 0 : index
    %swap3A_1624 = vector.load %arg8[%swap3A_1621, %swap3A_1622, %swap3A_1623] : memref<14x256x128xf32, #tpu.memory_space<vmem>>, vector<1x8x128xf32>
    %swap3A_1625 = vector.shape_cast %swap3A_1624 : vector<1x8x128xf32> to vector<8x128xf32>
    %swap3A_1626 = vector.shape_cast %slice3A_1620 : vector<8x128xf32> to vector<1x8x128xf32>
    tpu.vector_store %arg8[%swap3A_1621, %swap3A_1622, %swap3A_1623], %swap3A_1626 {strides = array<i32>} : memref<14x256x128xf32, #tpu.memory_space<vmem>>, vector<1x8x128xf32>,
    %slice3A_1627 = vector.extract_strided_slice %dot_general3A_1591 {offsets = [40, 0], sizes = [8, 128], strides = [1, 1]} : vector<112x128xf32> to vector<8x128xf32>
    %swap3A_1628 = arith.constant 5 : index
    %swap3A_1629 = arith.constant 112 : index
    %swap3A_1630 = arith.constant 0 : index
    %swap3A_1631 = vector.load %arg8[%swap3A_1628, %swap3A_1629, %swap3A_1630] : memref<14x256x128xf32, #tpu.memory_space<vmem>>, vector<1x8x128xf32>
    %swap3A_1632 = vector.shape_cast %swap3A_1631 : vector<1x8x128xf32> to vector<8x128xf32>
    %swap3A_1633 = vector.shape_cast %slice3A_1627 : vector<8x128xf32> to vector<1x8x128xf32>
    tpu.vector_store %arg8[%swap3A_1628, %swap3A_1629, %swap3A_1630], %swap3A_1633 {strides = array<i32>} : memref<14x256x128xf32, #tpu.memory_space<vmem>>, vector<1x8x128xf32>,
    %slice3A_1634 = vector.extract_strided_slice %dot_general3A_1591 {offsets = [48, 0], sizes = [8, 128], strides = [1, 1]} : vector<112x128xf32> to vector<8x128xf32>
    %swap3A_1635 = arith.constant 6 : index
    %swap3A_1636 = arith.constant 112 : index
    %swap3A_1637 = arith.constant 0 : index
    %swap3A_1638 = vector.load %arg8[%swap3A_1635, %swap3A_1636, %swap3A_1637] : memref<14x256x128xf32, #tpu.memory_space<vmem>>, vector<1x8x128xf32>
    %swap3A_1639 = vector.shape_cast %swap3A_1638 : vector<1x8x128xf32> to vector<8x128xf32>
    %swap3A_1640 = vector.shape_cast %slice3A_1634 : vector<8x128xf32> to vector<1x8x128xf32>
    tpu.vector_store %arg8[%swap3A_1635, %swap3A_1636, %swap3A_1637], %swap3A_1640 {strides = array<i32>} : memref<14x256x128xf32, #tpu.memory_space<vmem>>, vector<1x8x128xf32>,
    %slice3A_1641 = vector.extract_strided_slice %dot_general3A_1591 {offsets = [56, 0], sizes = [8, 128], strides = [1, 1]} : vector<112x128xf32> to vector<8x128xf32>
    %swap3A_1642 = arith.constant 7 : index
    %swap3A_1643 = arith.constant 112 : index
    %swap3A_1644 = arith.constant 0 : index
    %swap3A_1645 = vector.load %arg8[%swap3A_1642, %swap3A_1643, %swap3A_1644] : memref<14x256x128xf32, #tpu.memory_space<vmem>>, vector<1x8x128xf32>
    %swap3A_1646 = vector.shape_cast %swap3A_1645 : vector<1x8x128xf32> to vector<8x128xf32>
    %swap3A_1647 = vector.shape_cast %slice3A_1641 : vector<8x128xf32> to vector<1x8x128xf32>
    tpu.vector_store %arg8[%swap3A_1642, %swap3A_1643, %swap3A_1644], %swap3A_1647 {strides = array<i32>} : memref<14x256x128xf32, #tpu.memory_space<vmem>>, vector<1x8x128xf32>,
    %slice3A_1648 = vector.extract_strided_slice %dot_general3A_1591 {offsets = [64, 0], sizes = [8, 128], strides = [1, 1]} : vector<112x128xf32> to vector<8x128xf32>
    %swap3A_1649 = arith.constant 8 : index
    %swap3A_1650 = arith.constant 112 : index
    %swap3A_1651 = arith.constant 0 : index
    %swap3A_1652 = vector.load %arg8[%swap3A_1649, %swap3A_1650, %swap3A_1651] : memref<14x256x128xf32, #tpu.memory_space<vmem>>, vector<1x8x128xf32>
    %swap3A_1653 = vector.shape_cast %swap3A_1652 : vector<1x8x128xf32> to vector<8x128xf32>
    %swap3A_1654 = vector.shape_cast %slice3A_1648 : vector<8x128xf32> to vector<1x8x128xf32>
    tpu.vector_store %arg8[%swap3A_1649, %swap3A_1650, %swap3A_1651], %swap3A_1654 {strides = array<i32>} : memref<14x256x128xf32, #tpu.memory_space<vmem>>, vector<1x8x128xf32>,
    %slice3A_1655 = vector.extract_strided_slice %dot_general3A_1591 {offsets = [72, 0], sizes = [8, 128], strides = [1, 1]} : vector<112x128xf32> to vector<8x128xf32>
    %swap3A_1656 = arith.constant 9 : index
    %swap3A_1657 = arith.constant 112 : index
    %swap3A_1658 = arith.constant 0 : index
    %swap3A_1659 = vector.load %arg8[%swap3A_1656, %swap3A_1657, %swap3A_1658] : memref<14x256x128xf32, #tpu.memory_space<vmem>>, vector<1x8x128xf32>
    %swap3A_1660 = vector.shape_cast %swap3A_1659 : vector<1x8x128xf32> to vector<8x128xf32>
    %swap3A_1661 = vector.shape_cast %slice3A_1655 : vector<8x128xf32> to vector<1x8x128xf32>
    tpu.vector_store %arg8[%swap3A_1656, %swap3A_1657, %swap3A_1658], %swap3A_1661 {strides = array<i32>} : memref<14x256x128xf32, #tpu.memory_space<vmem>>, vector<1x8x128xf32>,
    %slice3A_1662 = vector.extract_strided_slice %dot_general3A_1591 {offsets = [80, 0], sizes = [8, 128], strides = [1, 1]} : vector<112x128xf32> to vector<8x128xf32>
    %swap3A_1663 = arith.constant 10 : index
    %swap3A_1664 = arith.constant 112 : index
    %swap3A_1665 = arith.constant 0 : index
    %swap3A_1666 = vector.load %arg8[%swap3A_1663, %swap3A_1664, %swap3A_1665] : memref<14x256x128xf32, #tpu.memory_space<vmem>>, vector<1x8x128xf32>
    %swap3A_1667 = vector.shape_cast %swap3A_1666 : vector<1x8x128xf32> to vector<8x128xf32>
    %swap3A_1668 = vector.shape_cast %slice3A_1662 : vector<8x128xf32> to vector<1x8x128xf32>
    tpu.vector_store %arg8[%swap3A_1663, %swap3A_1664, %swap3A_1665], %swap3A_1668 {strides = array<i32>} : memref<14x256x128xf32, #tpu.memory_space<vmem>>, vector<1x8x128xf32>,
    %slice3A_1669 = vector.extract_strided_slice %dot_general3A_1591 {offsets = [88, 0], sizes = [8, 128], strides = [1, 1]} : vector<112x128xf32> to vector<8x128xf32>
    %swap3A_1670 = arith.constant 11 : index
    %swap3A_1671 = arith.constant 112 : index
    %swap3A_1672 = arith.constant 0 : index
    %swap3A_1673 = vector.load %arg8[%swap3A_1670, %swap3A_1671, %swap3A_1672] : memref<14x256x128xf32, #tpu.memory_space<vmem>>, vector<1x8x128xf32>
    %swap3A_1674 = vector.shape_cast %swap3A_1673 : vector<1x8x128xf32> to vector<8x128xf32>
    %swap3A_1675 = vector.shape_cast %slice3A_1669 : vector<8x128xf32> to vector<1x8x128xf32>
    tpu.vector_store %arg8[%swap3A_1670, %swap3A_1671, %swap3A_1672], %swap3A_1675 {strides = array<i32>} : memref<14x256x128xf32, #tpu.memory_space<vmem>>, vector<1x8x128xf32>,
    %slice3A_1676 = vector.extract_strided_slice %dot_general3A_1591 {offsets = [96, 0], sizes = [8, 128], strides = [1, 1]} : vector<112x128xf32> to vector<8x128xf32>
    %swap3A_1677 = arith.constant 12 : index
    %swap3A_1678 = arith.constant 112 : index
    %swap3A_1679 = arith.constant 0 : index
    %swap3A_1680 = vector.load %arg8[%swap3A_1677, %swap3A_1678, %swap3A_1679] : memref<14x256x128xf32, #tpu.memory_space<vmem>>, vector<1x8x128xf32>
    %swap3A_1681 = vector.shape_cast %swap3A_1680 : vector<1x8x128xf32> to vector<8x128xf32>
    %swap3A_1682 = vector.shape_cast %slice3A_1676 : vector<8x128xf32> to vector<1x8x128xf32>
    tpu.vector_store %arg8[%swap3A_1677, %swap3A_1678, %swap3A_1679], %swap3A_1682 {strides = array<i32>} : memref<14x256x128xf32, #tpu.memory_space<vmem>>, vector<1x8x128xf32>,
    %slice3A_1683 = vector.extract_strided_slice %dot_general3A_1591 {offsets = [104, 0], sizes = [8, 128], strides = [1, 1]} : vector<112x128xf32> to vector<8x128xf32>
    %swap3A_1684 = arith.constant 13 : index
    %swap3A_1685 = arith.constant 112 : index
    %swap3A_1686 = arith.constant 0 : index
    %swap3A_1687 = vector.load %arg8[%swap3A_1684, %swap3A_1685, %swap3A_1686] : memref<14x256x128xf32, #tpu.memory_space<vmem>>, vector<1x8x128xf32>
    %swap3A_1688 = vector.shape_cast %swap3A_1687 : vector<1x8x128xf32> to vector<8x128xf32>
    %swap3A_1689 = vector.shape_cast %slice3A_1683 : vector<8x128xf32> to vector<1x8x128xf32>
    tpu.vector_store %arg8[%swap3A_1684, %swap3A_1685, %swap3A_1686], %swap3A_1689 {strides = array<i32>} : memref<14x256x128xf32, #tpu.memory_space<vmem>>, vector<1x8x128xf32>,
    %get3A_1690 = arith.constant 3840 : index
    %get3A_1691 = arith.constant 0 : index
    %get3A_1692 = vector.load %arg1[%get3A_1690, %get3A_1691] : memref<8192x128xf32, #tpu.memory_space<vmem>>, vector<256x128xf32>
    %convert_element_type3A_1693 = arith.truncf %get3A_1692 : vector<256x128xf32> to vector<256x128xbf16>
    %get3A_1694 = arith.constant 15 : index
    %get3A_1695 = arith.constant 0 : index
    %get3A_1696 = arith.constant 0 : index
    %get3A_1697 = arith.constant 0 : index
    %get3A_1698 = vector.load %arg2[%get3A_1694, %get3A_1695, %get3A_1696, %get3A_1697] : memref<32x14x8x32xbf16, #tpu.memory_space<vmem>>, vector<1x14x8x32xbf16>
    %get3A_1699 = vector.shape_cast %get3A_1698 : vector<1x14x8x32xbf16> to vector<14x8x32xbf16>
    %reshape3A_1700 = vector.shape_cast %get3A_1699 : vector<14x8x32xbf16> to vector<112x32xbf16>
    %concatenate3A_1701 = tpu.concatenate %reshape3A_1700, %reshape3A_1700, %reshape3A_1700, %reshape3A_1700, %reshape3A_1700, %reshape3A_1700, %reshape3A_1700, %reshape3A_1700 in 1 : vector<112x32xbf16>, vector<112x32xbf16>, vector<112x32xbf16>, vector<112x32xbf16>, vector<112x32xbf16>, vector<112x32xbf16>, vector<112x32xbf16>, vector<112x32xbf16> -> vector<112x256xbf16>
    %mul3A_1702 = arith.mulf %concatenate3A_1701, %get3A_1 : vector<112x256xbf16>
    %dot_general3A_1703 = arith.constant dense<0.000000e+00> : vector<112x128xf32>
    %dot_general3A_1704 = tpu.matmul %mul3A_1702, %convert_element_type3A_1693, %dot_general3A_1703 {dimension_numbers = #tpu.dot_dimension_numbers<[1], [0], [0], [1], [0, 0, 1, 1], [], []>, transpose_lhs_hint = false} : vector<112x256xbf16>, vector<256x128xbf16>, vector<112x128xf32> -> vector<112x128xf32>
    %slice3A_1705 = vector.extract_strided_slice %dot_general3A_1704 {offsets = [0, 0], sizes = [8, 128], strides = [1, 1]} : vector<112x128xf32> to vector<8x128xf32>
    %swap3A_1706 = arith.constant 0 : index
    %swap3A_1707 = arith.constant 120 : index
    %swap3A_1708 = arith.constant 0 : index
    %swap3A_1709 = vector.load %arg8[%swap3A_1706, %swap3A_1707, %swap3A_1708] : memref<14x256x128xf32, #tpu.memory_space<vmem>>, vector<1x8x128xf32>
    %swap3A_1710 = vector.shape_cast %swap3A_1709 : vector<1x8x128xf32> to vector<8x128xf32>
    %swap3A_1711 = vector.shape_cast %slice3A_1705 : vector<8x128xf32> to vector<1x8x128xf32>
    tpu.vector_store %arg8[%swap3A_1706, %swap3A_1707, %swap3A_1708], %swap3A_1711 {strides = array<i32>} : memref<14x256x128xf32, #tpu.memory_space<vmem>>, vector<1x8x128xf32>,
    %slice3A_1712 = vector.extract_strided_slice %dot_general3A_1704 {offsets = [8, 0], sizes = [8, 128], strides = [1, 1]} : vector<112x128xf32> to vector<8x128xf32>
    %swap3A_1713 = arith.constant 1 : index
    %swap3A_1714 = arith.constant 120 : index
    %swap3A_1715 = arith.constant 0 : index
    %swap3A_1716 = vector.load %arg8[%swap3A_1713, %swap3A_1714, %swap3A_1715] : memref<14x256x128xf32, #tpu.memory_space<vmem>>, vector<1x8x128xf32>
    %swap3A_1717 = vector.shape_cast %swap3A_1716 : vector<1x8x128xf32> to vector<8x128xf32>
    %swap3A_1718 = vector.shape_cast %slice3A_1712 : vector<8x128xf32> to vector<1x8x128xf32>
    tpu.vector_store %arg8[%swap3A_1713, %swap3A_1714, %swap3A_1715], %swap3A_1718 {strides = array<i32>} : memref<14x256x128xf32, #tpu.memory_space<vmem>>, vector<1x8x128xf32>,
    %slice3A_1719 = vector.extract_strided_slice %dot_general3A_1704 {offsets = [16, 0], sizes = [8, 128], strides = [1, 1]} : vector<112x128xf32> to vector<8x128xf32>
    %swap3A_1720 = arith.constant 2 : index
    %swap3A_1721 = arith.constant 120 : index
    %swap3A_1722 = arith.constant 0 : index
    %swap3A_1723 = vector.load %arg8[%swap3A_1720, %swap3A_1721, %swap3A_1722] : memref<14x256x128xf32, #tpu.memory_space<vmem>>, vector<1x8x128xf32>
    %swap3A_1724 = vector.shape_cast %swap3A_1723 : vector<1x8x128xf32> to vector<8x128xf32>
    %swap3A_1725 = vector.shape_cast %slice3A_1719 : vector<8x128xf32> to vector<1x8x128xf32>
    tpu.vector_store %arg8[%swap3A_1720, %swap3A_1721, %swap3A_1722], %swap3A_1725 {strides = array<i32>} : memref<14x256x128xf32, #tpu.memory_space<vmem>>, vector<1x8x128xf32>,
    %slice3A_1726 = vector.extract_strided_slice %dot_general3A_1704 {offsets = [24, 0], sizes = [8, 128], strides = [1, 1]} : vector<112x128xf32> to vector<8x128xf32>
    %swap3A_1727 = arith.constant 3 : index
    %swap3A_1728 = arith.constant 120 : index
    %swap3A_1729 = arith.constant 0 : index
    %swap3A_1730 = vector.load %arg8[%swap3A_1727, %swap3A_1728, %swap3A_1729] : memref<14x256x128xf32, #tpu.memory_space<vmem>>, vector<1x8x128xf32>
    %swap3A_1731 = vector.shape_cast %swap3A_1730 : vector<1x8x128xf32> to vector<8x128xf32>
    %swap3A_1732 = vector.shape_cast %slice3A_1726 : vector<8x128xf32> to vector<1x8x128xf32>
    tpu.vector_store %arg8[%swap3A_1727, %swap3A_1728, %swap3A_1729], %swap3A_1732 {strides = array<i32>} : memref<14x256x128xf32, #tpu.memory_space<vmem>>, vector<1x8x128xf32>,
    %slice3A_1733 = vector.extract_strided_slice %dot_general3A_1704 {offsets = [32, 0], sizes = [8, 128], strides = [1, 1]} : vector<112x128xf32> to vector<8x128xf32>
    %swap3A_1734 = arith.constant 4 : index
    %swap3A_1735 = arith.constant 120 : index
    %swap3A_1736 = arith.constant 0 : index
    %swap3A_1737 = vector.load %arg8[%swap3A_1734, %swap3A_1735, %swap3A_1736] : memref<14x256x128xf32, #tpu.memory_space<vmem>>, vector<1x8x128xf32>
    %swap3A_1738 = vector.shape_cast %swap3A_1737 : vector<1x8x128xf32> to vector<8x128xf32>
    %swap3A_1739 = vector.shape_cast %slice3A_1733 : vector<8x128xf32> to vector<1x8x128xf32>
    tpu.vector_store %arg8[%swap3A_1734, %swap3A_1735, %swap3A_1736], %swap3A_1739 {strides = array<i32>} : memref<14x256x128xf32, #tpu.memory_space<vmem>>, vector<1x8x128xf32>,
    %slice3A_1740 = vector.extract_strided_slice %dot_general3A_1704 {offsets = [40, 0], sizes = [8, 128], strides = [1, 1]} : vector<112x128xf32> to vector<8x128xf32>
    %swap3A_1741 = arith.constant 5 : index
    %swap3A_1742 = arith.constant 120 : index
    %swap3A_1743 = arith.constant 0 : index
    %swap3A_1744 = vector.load %arg8[%swap3A_1741, %swap3A_1742, %swap3A_1743] : memref<14x256x128xf32, #tpu.memory_space<vmem>>, vector<1x8x128xf32>
    %swap3A_1745 = vector.shape_cast %swap3A_1744 : vector<1x8x128xf32> to vector<8x128xf32>
    %swap3A_1746 = vector.shape_cast %slice3A_1740 : vector<8x128xf32> to vector<1x8x128xf32>
    tpu.vector_store %arg8[%swap3A_1741, %swap3A_1742, %swap3A_1743], %swap3A_1746 {strides = array<i32>} : memref<14x256x128xf32, #tpu.memory_space<vmem>>, vector<1x8x128xf32>,
    %slice3A_1747 = vector.extract_strided_slice %dot_general3A_1704 {offsets = [48, 0], sizes = [8, 128], strides = [1, 1]} : vector<112x128xf32> to vector<8x128xf32>
    %swap3A_1748 = arith.constant 6 : index
    %swap3A_1749 = arith.constant 120 : index
    %swap3A_1750 = arith.constant 0 : index
    %swap3A_1751 = vector.load %arg8[%swap3A_1748, %swap3A_1749, %swap3A_1750] : memref<14x256x128xf32, #tpu.memory_space<vmem>>, vector<1x8x128xf32>
    %swap3A_1752 = vector.shape_cast %swap3A_1751 : vector<1x8x128xf32> to vector<8x128xf32>
    %swap3A_1753 = vector.shape_cast %slice3A_1747 : vector<8x128xf32> to vector<1x8x128xf32>
    tpu.vector_store %arg8[%swap3A_1748, %swap3A_1749, %swap3A_1750], %swap3A_1753 {strides = array<i32>} : memref<14x256x128xf32, #tpu.memory_space<vmem>>, vector<1x8x128xf32>,
    %slice3A_1754 = vector.extract_strided_slice %dot_general3A_1704 {offsets = [56, 0], sizes = [8, 128], strides = [1, 1]} : vector<112x128xf32> to vector<8x128xf32>
    %swap3A_1755 = arith.constant 7 : index
    %swap3A_1756 = arith.constant 120 : index
    %swap3A_1757 = arith.constant 0 : index
    %swap3A_1758 = vector.load %arg8[%swap3A_1755, %swap3A_1756, %swap3A_1757] : memref<14x256x128xf32, #tpu.memory_space<vmem>>, vector<1x8x128xf32>
    %swap3A_1759 = vector.shape_cast %swap3A_1758 : vector<1x8x128xf32> to vector<8x128xf32>
    %swap3A_1760 = vector.shape_cast %slice3A_1754 : vector<8x128xf32> to vector<1x8x128xf32>
    tpu.vector_store %arg8[%swap3A_1755, %swap3A_1756, %swap3A_1757], %swap3A_1760 {strides = array<i32>} : memref<14x256x128xf32, #tpu.memory_space<vmem>>, vector<1x8x128xf32>,
    %slice3A_1761 = vector.extract_strided_slice %dot_general3A_1704 {offsets = [64, 0], sizes = [8, 128], strides = [1, 1]} : vector<112x128xf32> to vector<8x128xf32>
    %swap3A_1762 = arith.constant 8 : index
    %swap3A_1763 = arith.constant 120 : index
    %swap3A_1764 = arith.constant 0 : index
    %swap3A_1765 = vector.load %arg8[%swap3A_1762, %swap3A_1763, %swap3A_1764] : memref<14x256x128xf32, #tpu.memory_space<vmem>>, vector<1x8x128xf32>
    %swap3A_1766 = vector.shape_cast %swap3A_1765 : vector<1x8x128xf32> to vector<8x128xf32>
    %swap3A_1767 = vector.shape_cast %slice3A_1761 : vector<8x128xf32> to vector<1x8x128xf32>
    tpu.vector_store %arg8[%swap3A_1762, %swap3A_1763, %swap3A_1764], %swap3A_1767 {strides = array<i32>} : memref<14x256x128xf32, #tpu.memory_space<vmem>>, vector<1x8x128xf32>,
    %slice3A_1768 = vector.extract_strided_slice %dot_general3A_1704 {offsets = [72, 0], sizes = [8, 128], strides = [1, 1]} : vector<112x128xf32> to vector<8x128xf32>
    %swap3A_1769 = arith.constant 9 : index
    %swap3A_1770 = arith.constant 120 : index
    %swap3A_1771 = arith.constant 0 : index
    %swap3A_1772 = vector.load %arg8[%swap3A_1769, %swap3A_1770, %swap3A_1771] : memref<14x256x128xf32, #tpu.memory_space<vmem>>, vector<1x8x128xf32>
    %swap3A_1773 = vector.shape_cast %swap3A_1772 : vector<1x8x128xf32> to vector<8x128xf32>
    %swap3A_1774 = vector.shape_cast %slice3A_1768 : vector<8x128xf32> to vector<1x8x128xf32>
    tpu.vector_store %arg8[%swap3A_1769, %swap3A_1770, %swap3A_1771], %swap3A_1774 {strides = array<i32>} : memref<14x256x128xf32, #tpu.memory_space<vmem>>, vector<1x8x128xf32>,
    %slice3A_1775 = vector.extract_strided_slice %dot_general3A_1704 {offsets = [80, 0], sizes = [8, 128], strides = [1, 1]} : vector<112x128xf32> to vector<8x128xf32>
    %swap3A_1776 = arith.constant 10 : index
    %swap3A_1777 = arith.constant 120 : index
    %swap3A_1778 = arith.constant 0 : index
    %swap3A_1779 = vector.load %arg8[%swap3A_1776, %swap3A_1777, %swap3A_1778] : memref<14x256x128xf32, #tpu.memory_space<vmem>>, vector<1x8x128xf32>
    %swap3A_1780 = vector.shape_cast %swap3A_1779 : vector<1x8x128xf32> to vector<8x128xf32>
    %swap3A_1781 = vector.shape_cast %slice3A_1775 : vector<8x128xf32> to vector<1x8x128xf32>
    tpu.vector_store %arg8[%swap3A_1776, %swap3A_1777, %swap3A_1778], %swap3A_1781 {strides = array<i32>} : memref<14x256x128xf32, #tpu.memory_space<vmem>>, vector<1x8x128xf32>,
    %slice3A_1782 = vector.extract_strided_slice %dot_general3A_1704 {offsets = [88, 0], sizes = [8, 128], strides = [1, 1]} : vector<112x128xf32> to vector<8x128xf32>
    %swap3A_1783 = arith.constant 11 : index
    %swap3A_1784 = arith.constant 120 : index
    %swap3A_1785 = arith.constant 0 : index
    %swap3A_1786 = vector.load %arg8[%swap3A_1783, %swap3A_1784, %swap3A_1785] : memref<14x256x128xf32, #tpu.memory_space<vmem>>, vector<1x8x128xf32>
    %swap3A_1787 = vector.shape_cast %swap3A_1786 : vector<1x8x128xf32> to vector<8x128xf32>
    %swap3A_1788 = vector.shape_cast %slice3A_1782 : vector<8x128xf32> to vector<1x8x128xf32>
    tpu.vector_store %arg8[%swap3A_1783, %swap3A_1784, %swap3A_1785], %swap3A_1788 {strides = array<i32>} : memref<14x256x128xf32, #tpu.memory_space<vmem>>, vector<1x8x128xf32>,
    %slice3A_1789 = vector.extract_strided_slice %dot_general3A_1704 {offsets = [96, 0], sizes = [8, 128], strides = [1, 1]} : vector<112x128xf32> to vector<8x128xf32>
    %swap3A_1790 = arith.constant 12 : index
    %swap3A_1791 = arith.constant 120 : index
    %swap3A_1792 = arith.constant 0 : index
    %swap3A_1793 = vector.load %arg8[%swap3A_1790, %swap3A_1791, %swap3A_1792] : memref<14x256x128xf32, #tpu.memory_space<vmem>>, vector<1x8x128xf32>
    %swap3A_1794 = vector.shape_cast %swap3A_1793 : vector<1x8x128xf32> to vector<8x128xf32>
    %swap3A_1795 = vector.shape_cast %slice3A_1789 : vector<8x128xf32> to vector<1x8x128xf32>
    tpu.vector_store %arg8[%swap3A_1790, %swap3A_1791, %swap3A_1792], %swap3A_1795 {strides = array<i32>} : memref<14x256x128xf32, #tpu.memory_space<vmem>>, vector<1x8x128xf32>,
    %slice3A_1796 = vector.extract_strided_slice %dot_general3A_1704 {offsets = [104, 0], sizes = [8, 128], strides = [1, 1]} : vector<112x128xf32> to vector<8x128xf32>
    %swap3A_1797 = arith.constant 13 : index
    %swap3A_1798 = arith.constant 120 : index
    %swap3A_1799 = arith.constant 0 : index
    %swap3A_1800 = vector.load %arg8[%swap3A_1797, %swap3A_1798, %swap3A_1799] : memref<14x256x128xf32, #tpu.memory_space<vmem>>, vector<1x8x128xf32>
    %swap3A_1801 = vector.shape_cast %swap3A_1800 : vector<1x8x128xf32> to vector<8x128xf32>
    %swap3A_1802 = vector.shape_cast %slice3A_1796 : vector<8x128xf32> to vector<1x8x128xf32>
    tpu.vector_store %arg8[%swap3A_1797, %swap3A_1798, %swap3A_1799], %swap3A_1802 {strides = array<i32>} : memref<14x256x128xf32, #tpu.memory_space<vmem>>, vector<1x8x128xf32>,
    %get3A_1803 = arith.constant 4096 : index
    %get3A_1804 = arith.constant 0 : index
    %get3A_1805 = vector.load %arg1[%get3A_1803, %get3A_1804] : memref<8192x128xf32, #tpu.memory_space<vmem>>, vector<256x128xf32>
    %convert_element_type3A_1806 = arith.truncf %get3A_1805 : vector<256x128xf32> to vector<256x128xbf16>
    %get3A_1807 = arith.constant 16 : index
    %get3A_1808 = arith.constant 0 : index
    %get3A_1809 = arith.constant 0 : index
    %get3A_1810 = arith.constant 0 : index
    %get3A_1811 = vector.load %arg2[%get3A_1807, %get3A_1808, %get3A_1809, %get3A_1810] : memref<32x14x8x32xbf16, #tpu.memory_space<vmem>>, vector<1x14x8x32xbf16>
    %get3A_1812 = vector.shape_cast %get3A_1811 : vector<1x14x8x32xbf16> to vector<14x8x32xbf16>
    %reshape3A_1813 = vector.shape_cast %get3A_1812 : vector<14x8x32xbf16> to vector<112x32xbf16>
    %concatenate3A_1814 = tpu.concatenate %reshape3A_1813, %reshape3A_1813, %reshape3A_1813, %reshape3A_1813, %reshape3A_1813, %reshape3A_1813, %reshape3A_1813, %reshape3A_1813 in 1 : vector<112x32xbf16>, vector<112x32xbf16>, vector<112x32xbf16>, vector<112x32xbf16>, vector<112x32xbf16>, vector<112x32xbf16>, vector<112x32xbf16>, vector<112x32xbf16> -> vector<112x256xbf16>
    %mul3A_1815 = arith.mulf %concatenate3A_1814, %get3A_1 : vector<112x256xbf16>
    %dot_general3A_1816 = arith.constant dense<0.000000e+00> : vector<112x128xf32>
    %dot_general3A_1817 = tpu.matmul %mul3A_1815, %convert_element_type3A_1806, %dot_general3A_1816 {dimension_numbers = #tpu.dot_dimension_numbers<[1], [0], [0], [1], [0, 0, 1, 1], [], []>, transpose_lhs_hint = false} : vector<112x256xbf16>, vector<256x128xbf16>, vector<112x128xf32> -> vector<112x128xf32>
    %slice3A_1818 = vector.extract_strided_slice %dot_general3A_1817 {offsets = [0, 0], sizes = [8, 128], strides = [1, 1]} : vector<112x128xf32> to vector<8x128xf32>
    %swap3A_1819 = arith.constant 0 : index
    %swap3A_1820 = arith.constant 128 : index
    %swap3A_1821 = arith.constant 0 : index
    %swap3A_1822 = vector.load %arg8[%swap3A_1819, %swap3A_1820, %swap3A_1821] : memref<14x256x128xf32, #tpu.memory_space<vmem>>, vector<1x8x128xf32>
    %swap3A_1823 = vector.shape_cast %swap3A_1822 : vector<1x8x128xf32> to vector<8x128xf32>
    %swap3A_1824 = vector.shape_cast %slice3A_1818 : vector<8x128xf32> to vector<1x8x128xf32>
    tpu.vector_store %arg8[%swap3A_1819, %swap3A_1820, %swap3A_1821], %swap3A_1824 {strides = array<i32>} : memref<14x256x128xf32, #tpu.memory_space<vmem>>, vector<1x8x128xf32>,
    %slice3A_1825 = vector.extract_strided_slice %dot_general3A_1817 {offsets = [8, 0], sizes = [8, 128], strides = [1, 1]} : vector<112x128xf32> to vector<8x128xf32>
    %swap3A_1826 = arith.constant 1 : index
    %swap3A_1827 = arith.constant 128 : index
    %swap3A_1828 = arith.constant 0 : index
    %swap3A_1829 = vector.load %arg8[%swap3A_1826, %swap3A_1827, %swap3A_1828] : memref<14x256x128xf32, #tpu.memory_space<vmem>>, vector<1x8x128xf32>
    %swap3A_1830 = vector.shape_cast %swap3A_1829 : vector<1x8x128xf32> to vector<8x128xf32>
    %swap3A_1831 = vector.shape_cast %slice3A_1825 : vector<8x128xf32> to vector<1x8x128xf32>
    tpu.vector_store %arg8[%swap3A_1826, %swap3A_1827, %swap3A_1828], %swap3A_1831 {strides = array<i32>} : memref<14x256x128xf32, #tpu.memory_space<vmem>>, vector<1x8x128xf32>,
    %slice3A_1832 = vector.extract_strided_slice %dot_general3A_1817 {offsets = [16, 0], sizes = [8, 128], strides = [1, 1]} : vector<112x128xf32> to vector<8x128xf32>
    %swap3A_1833 = arith.constant 2 : index
    %swap3A_1834 = arith.constant 128 : index
    %swap3A_1835 = arith.constant 0 : index
    %swap3A_1836 = vector.load %arg8[%swap3A_1833, %swap3A_1834, %swap3A_1835] : memref<14x256x128xf32, #tpu.memory_space<vmem>>, vector<1x8x128xf32>
    %swap3A_1837 = vector.shape_cast %swap3A_1836 : vector<1x8x128xf32> to vector<8x128xf32>
    %swap3A_1838 = vector.shape_cast %slice3A_1832 : vector<8x128xf32> to vector<1x8x128xf32>
    tpu.vector_store %arg8[%swap3A_1833, %swap3A_1834, %swap3A_1835], %swap3A_1838 {strides = array<i32>} : memref<14x256x128xf32, #tpu.memory_space<vmem>>, vector<1x8x128xf32>,
    %slice3A_1839 = vector.extract_strided_slice %dot_general3A_1817 {offsets = [24, 0], sizes = [8, 128], strides = [1, 1]} : vector<112x128xf32> to vector<8x128xf32>
    %swap3A_1840 = arith.constant 3 : index
    %swap3A_1841 = arith.constant 128 : index
    %swap3A_1842 = arith.constant 0 : index
    %swap3A_1843 = vector.load %arg8[%swap3A_1840, %swap3A_1841, %swap3A_1842] : memref<14x256x128xf32, #tpu.memory_space<vmem>>, vector<1x8x128xf32>
    %swap3A_1844 = vector.shape_cast %swap3A_1843 : vector<1x8x128xf32> to vector<8x128xf32>
    %swap3A_1845 = vector.shape_cast %slice3A_1839 : vector<8x128xf32> to vector<1x8x128xf32>
    tpu.vector_store %arg8[%swap3A_1840, %swap3A_1841, %swap3A_1842], %swap3A_1845 {strides = array<i32>} : memref<14x256x128xf32, #tpu.memory_space<vmem>>, vector<1x8x128xf32>,
    %slice3A_1846 = vector.extract_strided_slice %dot_general3A_1817 {offsets = [32, 0], sizes = [8, 128], strides = [1, 1]} : vector<112x128xf32> to vector<8x128xf32>
    %swap3A_1847 = arith.constant 4 : index
    %swap3A_1848 = arith.constant 128 : index
    %swap3A_1849 = arith.constant 0 : index
    %swap3A_1850 = vector.load %arg8[%swap3A_1847, %swap3A_1848, %swap3A_1849] : memref<14x256x128xf32, #tpu.memory_space<vmem>>, vector<1x8x128xf32>
    %swap3A_1851 = vector.shape_cast %swap3A_1850 : vector<1x8x128xf32> to vector<8x128xf32>
    %swap3A_1852 = vector.shape_cast %slice3A_1846 : vector<8x128xf32> to vector<1x8x128xf32>
    tpu.vector_store %arg8[%swap3A_1847, %swap3A_1848, %swap3A_1849], %swap3A_1852 {strides = array<i32>} : memref<14x256x128xf32, #tpu.memory_space<vmem>>, vector<1x8x128xf32>,
    %slice3A_1853 = vector.extract_strided_slice %dot_general3A_1817 {offsets = [40, 0], sizes = [8, 128], strides = [1, 1]} : vector<112x128xf32> to vector<8x128xf32>
    %swap3A_1854 = arith.constant 5 : index
    %swap3A_1855 = arith.constant 128 : index
    %swap3A_1856 = arith.constant 0 : index
    %swap3A_1857 = vector.load %arg8[%swap3A_1854, %swap3A_1855, %swap3A_1856] : memref<14x256x128xf32, #tpu.memory_space<vmem>>, vector<1x8x128xf32>
    %swap3A_1858 = vector.shape_cast %swap3A_1857 : vector<1x8x128xf32> to vector<8x128xf32>
    %swap3A_1859 = vector.shape_cast %slice3A_1853 : vector<8x128xf32> to vector<1x8x128xf32>
    tpu.vector_store %arg8[%swap3A_1854, %swap3A_1855, %swap3A_1856], %swap3A_1859 {strides = array<i32>} : memref<14x256x128xf32, #tpu.memory_space<vmem>>, vector<1x8x128xf32>,
    %slice3A_1860 = vector.extract_strided_slice %dot_general3A_1817 {offsets = [48, 0], sizes = [8, 128], strides = [1, 1]} : vector<112x128xf32> to vector<8x128xf32>
    %swap3A_1861 = arith.constant 6 : index
    %swap3A_1862 = arith.constant 128 : index
    %swap3A_1863 = arith.constant 0 : index
    %swap3A_1864 = vector.load %arg8[%swap3A_1861, %swap3A_1862, %swap3A_1863] : memref<14x256x128xf32, #tpu.memory_space<vmem>>, vector<1x8x128xf32>
    %swap3A_1865 = vector.shape_cast %swap3A_1864 : vector<1x8x128xf32> to vector<8x128xf32>
    %swap3A_1866 = vector.shape_cast %slice3A_1860 : vector<8x128xf32> to vector<1x8x128xf32>
    tpu.vector_store %arg8[%swap3A_1861, %swap3A_1862, %swap3A_1863], %swap3A_1866 {strides = array<i32>} : memref<14x256x128xf32, #tpu.memory_space<vmem>>, vector<1x8x128xf32>,
    %slice3A_1867 = vector.extract_strided_slice %dot_general3A_1817 {offsets = [56, 0], sizes = [8, 128], strides = [1, 1]} : vector<112x128xf32> to vector<8x128xf32>
    %swap3A_1868 = arith.constant 7 : index
    %swap3A_1869 = arith.constant 128 : index
    %swap3A_1870 = arith.constant 0 : index
    %swap3A_1871 = vector.load %arg8[%swap3A_1868, %swap3A_1869, %swap3A_1870] : memref<14x256x128xf32, #tpu.memory_space<vmem>>, vector<1x8x128xf32>
    %swap3A_1872 = vector.shape_cast %swap3A_1871 : vector<1x8x128xf32> to vector<8x128xf32>
    %swap3A_1873 = vector.shape_cast %slice3A_1867 : vector<8x128xf32> to vector<1x8x128xf32>
    tpu.vector_store %arg8[%swap3A_1868, %swap3A_1869, %swap3A_1870], %swap3A_1873 {strides = array<i32>} : memref<14x256x128xf32, #tpu.memory_space<vmem>>, vector<1x8x128xf32>,
    %slice3A_1874 = vector.extract_strided_slice %dot_general3A_1817 {offsets = [64, 0], sizes = [8, 128], strides = [1, 1]} : vector<112x128xf32> to vector<8x128xf32>
    %swap3A_1875 = arith.constant 8 : index
    %swap3A_1876 = arith.constant 128 : index
    %swap3A_1877 = arith.constant 0 : index
    %swap3A_1878 = vector.load %arg8[%swap3A_1875, %swap3A_1876, %swap3A_1877] : memref<14x256x128xf32, #tpu.memory_space<vmem>>, vector<1x8x128xf32>
    %swap3A_1879 = vector.shape_cast %swap3A_1878 : vector<1x8x128xf32> to vector<8x128xf32>
    %swap3A_1880 = vector.shape_cast %slice3A_1874 : vector<8x128xf32> to vector<1x8x128xf32>
    tpu.vector_store %arg8[%swap3A_1875, %swap3A_1876, %swap3A_1877], %swap3A_1880 {strides = array<i32>} : memref<14x256x128xf32, #tpu.memory_space<vmem>>, vector<1x8x128xf32>,
    %slice3A_1881 = vector.extract_strided_slice %dot_general3A_1817 {offsets = [72, 0], sizes = [8, 128], strides = [1, 1]} : vector<112x128xf32> to vector<8x128xf32>
    %swap3A_1882 = arith.constant 9 : index
    %swap3A_1883 = arith.constant 128 : index
    %swap3A_1884 = arith.constant 0 : index
    %swap3A_1885 = vector.load %arg8[%swap3A_1882, %swap3A_1883, %swap3A_1884] : memref<14x256x128xf32, #tpu.memory_space<vmem>>, vector<1x8x128xf32>
    %swap3A_1886 = vector.shape_cast %swap3A_1885 : vector<1x8x128xf32> to vector<8x128xf32>
    %swap3A_1887 = vector.shape_cast %slice3A_1881 : vector<8x128xf32> to vector<1x8x128xf32>
    tpu.vector_store %arg8[%swap3A_1882, %swap3A_1883, %swap3A_1884], %swap3A_1887 {strides = array<i32>} : memref<14x256x128xf32, #tpu.memory_space<vmem>>, vector<1x8x128xf32>,
    %slice3A_1888 = vector.extract_strided_slice %dot_general3A_1817 {offsets = [80, 0], sizes = [8, 128], strides = [1, 1]} : vector<112x128xf32> to vector<8x128xf32>
    %swap3A_1889 = arith.constant 10 : index
    %swap3A_1890 = arith.constant 128 : index
    %swap3A_1891 = arith.constant 0 : index
    %swap3A_1892 = vector.load %arg8[%swap3A_1889, %swap3A_1890, %swap3A_1891] : memref<14x256x128xf32, #tpu.memory_space<vmem>>, vector<1x8x128xf32>
    %swap3A_1893 = vector.shape_cast %swap3A_1892 : vector<1x8x128xf32> to vector<8x128xf32>
    %swap3A_1894 = vector.shape_cast %slice3A_1888 : vector<8x128xf32> to vector<1x8x128xf32>
    tpu.vector_store %arg8[%swap3A_1889, %swap3A_1890, %swap3A_1891], %swap3A_1894 {strides = array<i32>} : memref<14x256x128xf32, #tpu.memory_space<vmem>>, vector<1x8x128xf32>,
    %slice3A_1895 = vector.extract_strided_slice %dot_general3A_1817 {offsets = [88, 0], sizes = [8, 128], strides = [1, 1]} : vector<112x128xf32> to vector<8x128xf32>
    %swap3A_1896 = arith.constant 11 : index
    %swap3A_1897 = arith.constant 128 : index
    %swap3A_1898 = arith.constant 0 : index
    %swap3A_1899 = vector.load %arg8[%swap3A_1896, %swap3A_1897, %swap3A_1898] : memref<14x256x128xf32, #tpu.memory_space<vmem>>, vector<1x8x128xf32>
    %swap3A_1900 = vector.shape_cast %swap3A_1899 : vector<1x8x128xf32> to vector<8x128xf32>
    %swap3A_1901 = vector.shape_cast %slice3A_1895 : vector<8x128xf32> to vector<1x8x128xf32>
    tpu.vector_store %arg8[%swap3A_1896, %swap3A_1897, %swap3A_1898], %swap3A_1901 {strides = array<i32>} : memref<14x256x128xf32, #tpu.memory_space<vmem>>, vector<1x8x128xf32>,
    %slice3A_1902 = vector.extract_strided_slice %dot_general3A_1817 {offsets = [96, 0], sizes = [8, 128], strides = [1, 1]} : vector<112x128xf32> to vector<8x128xf32>
    %swap3A_1903 = arith.constant 12 : index
    %swap3A_1904 = arith.constant 128 : index
    %swap3A_1905 = arith.constant 0 : index
    %swap3A_1906 = vector.load %arg8[%swap3A_1903, %swap3A_1904, %swap3A_1905] : memref<14x256x128xf32, #tpu.memory_space<vmem>>, vector<1x8x128xf32>
    %swap3A_1907 = vector.shape_cast %swap3A_1906 : vector<1x8x128xf32> to vector<8x128xf32>
    %swap3A_1908 = vector.shape_cast %slice3A_1902 : vector<8x128xf32> to vector<1x8x128xf32>
    tpu.vector_store %arg8[%swap3A_1903, %swap3A_1904, %swap3A_1905], %swap3A_1908 {strides = array<i32>} : memref<14x256x128xf32, #tpu.memory_space<vmem>>, vector<1x8x128xf32>,
    %slice3A_1909 = vector.extract_strided_slice %dot_general3A_1817 {offsets = [104, 0], sizes = [8, 128], strides = [1, 1]} : vector<112x128xf32> to vector<8x128xf32>
    %swap3A_1910 = arith.constant 13 : index
    %swap3A_1911 = arith.constant 128 : index
    %swap3A_1912 = arith.constant 0 : index
    %swap3A_1913 = vector.load %arg8[%swap3A_1910, %swap3A_1911, %swap3A_1912] : memref<14x256x128xf32, #tpu.memory_space<vmem>>, vector<1x8x128xf32>
    %swap3A_1914 = vector.shape_cast %swap3A_1913 : vector<1x8x128xf32> to vector<8x128xf32>
    %swap3A_1915 = vector.shape_cast %slice3A_1909 : vector<8x128xf32> to vector<1x8x128xf32>
    tpu.vector_store %arg8[%swap3A_1910, %swap3A_1911, %swap3A_1912], %swap3A_1915 {strides = array<i32>} : memref<14x256x128xf32, #tpu.memory_space<vmem>>, vector<1x8x128xf32>,
    %get3A_1916 = arith.constant 4352 : index
    %get3A_1917 = arith.constant 0 : index
    %get3A_1918 = vector.load %arg1[%get3A_1916, %get3A_1917] : memref<8192x128xf32, #tpu.memory_space<vmem>>, vector<256x128xf32>
    %convert_element_type3A_1919 = arith.truncf %get3A_1918 : vector<256x128xf32> to vector<256x128xbf16>
    %get3A_1920 = arith.constant 17 : index
    %get3A_1921 = arith.constant 0 : index
    %get3A_1922 = arith.constant 0 : index
    %get3A_1923 = arith.constant 0 : index
    %get3A_1924 = vector.load %arg2[%get3A_1920, %get3A_1921, %get3A_1922, %get3A_1923] : memref<32x14x8x32xbf16, #tpu.memory_space<vmem>>, vector<1x14x8x32xbf16>
    %get3A_1925 = vector.shape_cast %get3A_1924 : vector<1x14x8x32xbf16> to vector<14x8x32xbf16>
    %reshape3A_1926 = vector.shape_cast %get3A_1925 : vector<14x8x32xbf16> to vector<112x32xbf16>
    %concatenate3A_1927 = tpu.concatenate %reshape3A_1926, %reshape3A_1926, %reshape3A_1926, %reshape3A_1926, %reshape3A_1926, %reshape3A_1926, %reshape3A_1926, %reshape3A_1926 in 1 : vector<112x32xbf16>, vector<112x32xbf16>, vector<112x32xbf16>, vector<112x32xbf16>, vector<112x32xbf16>, vector<112x32xbf16>, vector<112x32xbf16>, vector<112x32xbf16> -> vector<112x256xbf16>
    %mul3A_1928 = arith.mulf %concatenate3A_1927, %get3A_1 : vector<112x256xbf16>
    %dot_general3A_1929 = arith.constant dense<0.000000e+00> : vector<112x128xf32>
    %dot_general3A_1930 = tpu.matmul %mul3A_1928, %convert_element_type3A_1919, %dot_general3A_1929 {dimension_numbers = #tpu.dot_dimension_numbers<[1], [0], [0], [1], [0, 0, 1, 1], [], []>, transpose_lhs_hint = false} : vector<112x256xbf16>, vector<256x128xbf16>, vector<112x128xf32> -> vector<112x128xf32>
    %slice3A_1931 = vector.extract_strided_slice %dot_general3A_1930 {offsets = [0, 0], sizes = [8, 128], strides = [1, 1]} : vector<112x128xf32> to vector<8x128xf32>
    %swap3A_1932 = arith.constant 0 : index
    %swap3A_1933 = arith.constant 136 : index
    %swap3A_1934 = arith.constant 0 : index
    %swap3A_1935 = vector.load %arg8[%swap3A_1932, %swap3A_1933, %swap3A_1934] : memref<14x256x128xf32, #tpu.memory_space<vmem>>, vector<1x8x128xf32>
    %swap3A_1936 = vector.shape_cast %swap3A_1935 : vector<1x8x128xf32> to vector<8x128xf32>
    %swap3A_1937 = vector.shape_cast %slice3A_1931 : vector<8x128xf32> to vector<1x8x128xf32>
    tpu.vector_store %arg8[%swap3A_1932, %swap3A_1933, %swap3A_1934], %swap3A_1937 {strides = array<i32>} : memref<14x256x128xf32, #tpu.memory_space<vmem>>, vector<1x8x128xf32>,
    %slice3A_1938 = vector.extract_strided_slice %dot_general3A_1930 {offsets = [8, 0], sizes = [8, 128], strides = [1, 1]} : vector<112x128xf32> to vector<8x128xf32>
    %swap3A_1939 = arith.constant 1 : index
    %swap3A_1940 = arith.constant 136 : index
    %swap3A_1941 = arith.constant 0 : index
    %swap3A_1942 = vector.load %arg8[%swap3A_1939, %swap3A_1940, %swap3A_1941] : memref<14x256x128xf32, #tpu.memory_space<vmem>>, vector<1x8x128xf32>
    %swap3A_1943 = vector.shape_cast %swap3A_1942 : vector<1x8x128xf32> to vector<8x128xf32>
    %swap3A_1944 = vector.shape_cast %slice3A_1938 : vector<8x128xf32> to vector<1x8x128xf32>
    tpu.vector_store %arg8[%swap3A_1939, %swap3A_1940, %swap3A_1941], %swap3A_1944 {strides = array<i32>} : memref<14x256x128xf32, #tpu.memory_space<vmem>>, vector<1x8x128xf32>,
    %slice3A_1945 = vector.extract_strided_slice %dot_general3A_1930 {offsets = [16, 0], sizes = [8, 128], strides = [1, 1]} : vector<112x128xf32> to vector<8x128xf32>
    %swap3A_1946 = arith.constant 2 : index
    %swap3A_1947 = arith.constant 136 : index
    %swap3A_1948 = arith.constant 0 : index
    %swap3A_1949 = vector.load %arg8[%swap3A_1946, %swap3A_1947, %swap3A_1948] : memref<14x256x128xf32, #tpu.memory_space<vmem>>, vector<1x8x128xf32>
    %swap3A_1950 = vector.shape_cast %swap3A_1949 : vector<1x8x128xf32> to vector<8x128xf32>
    %swap3A_1951 = vector.shape_cast %slice3A_1945 : vector<8x128xf32> to vector<1x8x128xf32>
    tpu.vector_store %arg8[%swap3A_1946, %swap3A_1947, %swap3A_1948], %swap3A_1951 {strides = array<i32>} : memref<14x256x128xf32, #tpu.memory_space<vmem>>, vector<1x8x128xf32>,
    %slice3A_1952 = vector.extract_strided_slice %dot_general3A_1930 {offsets = [24, 0], sizes = [8, 128], strides = [1, 1]} : vector<112x128xf32> to vector<8x128xf32>
    %swap3A_1953 = arith.constant 3 : index
    %swap3A_1954 = arith.constant 136 : index
    %swap3A_1955 = arith.constant 0 : index
    %swap3A_1956 = vector.load %arg8[%swap3A_1953, %swap3A_1954, %swap3A_1955] : memref<14x256x128xf32, #tpu.memory_space<vmem>>, vector<1x8x128xf32>
    %swap3A_1957 = vector.shape_cast %swap3A_1956 : vector<1x8x128xf32> to vector<8x128xf32>
    %swap3A_1958 = vector.shape_cast %slice3A_1952 : vector<8x128xf32> to vector<1x8x128xf32>
    tpu.vector_store %arg8[%swap3A_1953, %swap3A_1954, %swap3A_1955], %swap3A_1958 {strides = array<i32>} : memref<14x256x128xf32, #tpu.memory_space<vmem>>, vector<1x8x128xf32>,
    %slice3A_1959 = vector.extract_strided_slice %dot_general3A_1930 {offsets = [32, 0], sizes = [8, 128], strides = [1, 1]} : vector<112x128xf32> to vector<8x128xf32>
    %swap3A_1960 = arith.constant 4 : index
    %swap3A_1961 = arith.constant 136 : index
    %swap3A_1962 = arith.constant 0 : index
    %swap3A_1963 = vector.load %arg8[%swap3A_1960, %swap3A_1961, %swap3A_1962] : memref<14x256x128xf32, #tpu.memory_space<vmem>>, vector<1x8x128xf32>
    %swap3A_1964 = vector.shape_cast %swap3A_1963 : vector<1x8x128xf32> to vector<8x128xf32>
    %swap3A_1965 = vector.shape_cast %slice3A_1959 : vector<8x128xf32> to vector<1x8x128xf32>
    tpu.vector_store %arg8[%swap3A_1960, %swap3A_1961, %swap3A_1962], %swap3A_1965 {strides = array<i32>} : memref<14x256x128xf32, #tpu.memory_space<vmem>>, vector<1x8x128xf32>,
    %slice3A_1966 = vector.extract_strided_slice %dot_general3A_1930 {offsets = [40, 0], sizes = [8, 128], strides = [1, 1]} : vector<112x128xf32> to vector<8x128xf32>
    %swap3A_1967 = arith.constant 5 : index
    %swap3A_1968 = arith.constant 136 : index
    %swap3A_1969 = arith.constant 0 : index
    %swap3A_1970 = vector.load %arg8[%swap3A_1967, %swap3A_1968, %swap3A_1969] : memref<14x256x128xf32, #tpu.memory_space<vmem>>, vector<1x8x128xf32>
    %swap3A_1971 = vector.shape_cast %swap3A_1970 : vector<1x8x128xf32> to vector<8x128xf32>
    %swap3A_1972 = vector.shape_cast %slice3A_1966 : vector<8x128xf32> to vector<1x8x128xf32>
    tpu.vector_store %arg8[%swap3A_1967, %swap3A_1968, %swap3A_1969], %swap3A_1972 {strides = array<i32>} : memref<14x256x128xf32, #tpu.memory_space<vmem>>, vector<1x8x128xf32>,
    %slice3A_1973 = vector.extract_strided_slice %dot_general3A_1930 {offsets = [48, 0], sizes = [8, 128], strides = [1, 1]} : vector<112x128xf32> to vector<8x128xf32>
    %swap3A_1974 = arith.constant 6 : index
    %swap3A_1975 = arith.constant 136 : index
    %swap3A_1976 = arith.constant 0 : index
    %swap3A_1977 = vector.load %arg8[%swap3A_1974, %swap3A_1975, %swap3A_1976] : memref<14x256x128xf32, #tpu.memory_space<vmem>>, vector<1x8x128xf32>
    %swap3A_1978 = vector.shape_cast %swap3A_1977 : vector<1x8x128xf32> to vector<8x128xf32>
    %swap3A_1979 = vector.shape_cast %slice3A_1973 : vector<8x128xf32> to vector<1x8x128xf32>
    tpu.vector_store %arg8[%swap3A_1974, %swap3A_1975, %swap3A_1976], %swap3A_1979 {strides = array<i32>} : memref<14x256x128xf32, #tpu.memory_space<vmem>>, vector<1x8x128xf32>,
    %slice3A_1980 = vector.extract_strided_slice %dot_general3A_1930 {offsets = [56, 0], sizes = [8, 128], strides = [1, 1]} : vector<112x128xf32> to vector<8x128xf32>
    %swap3A_1981 = arith.constant 7 : index
    %swap3A_1982 = arith.constant 136 : index
    %swap3A_1983 = arith.constant 0 : index
    %swap3A_1984 = vector.load %arg8[%swap3A_1981, %swap3A_1982, %swap3A_1983] : memref<14x256x128xf32, #tpu.memory_space<vmem>>, vector<1x8x128xf32>
    %swap3A_1985 = vector.shape_cast %swap3A_1984 : vector<1x8x128xf32> to vector<8x128xf32>
    %swap3A_1986 = vector.shape_cast %slice3A_1980 : vector<8x128xf32> to vector<1x8x128xf32>
    tpu.vector_store %arg8[%swap3A_1981, %swap3A_1982, %swap3A_1983], %swap3A_1986 {strides = array<i32>} : memref<14x256x128xf32, #tpu.memory_space<vmem>>, vector<1x8x128xf32>,
    %slice3A_1987 = vector.extract_strided_slice %dot_general3A_1930 {offsets = [64, 0], sizes = [8, 128], strides = [1, 1]} : vector<112x128xf32> to vector<8x128xf32>
    %swap3A_1988 = arith.constant 8 : index
    %swap3A_1989 = arith.constant 136 : index
    %swap3A_1990 = arith.constant 0 : index
    %swap3A_1991 = vector.load %arg8[%swap3A_1988, %swap3A_1989, %swap3A_1990] : memref<14x256x128xf32, #tpu.memory_space<vmem>>, vector<1x8x128xf32>
    %swap3A_1992 = vector.shape_cast %swap3A_1991 : vector<1x8x128xf32> to vector<8x128xf32>
    %swap3A_1993 = vector.shape_cast %slice3A_1987 : vector<8x128xf32> to vector<1x8x128xf32>
    tpu.vector_store %arg8[%swap3A_1988, %swap3A_1989, %swap3A_1990], %swap3A_1993 {strides = array<i32>} : memref<14x256x128xf32, #tpu.memory_space<vmem>>, vector<1x8x128xf32>,
    %slice3A_1994 = vector.extract_strided_slice %dot_general3A_1930 {offsets = [72, 0], sizes = [8, 128], strides = [1, 1]} : vector<112x128xf32> to vector<8x128xf32>
    %swap3A_1995 = arith.constant 9 : index
    %swap3A_1996 = arith.constant 136 : index
    %swap3A_1997 = arith.constant 0 : index
    %swap3A_1998 = vector.load %arg8[%swap3A_1995, %swap3A_1996, %swap3A_1997] : memref<14x256x128xf32, #tpu.memory_space<vmem>>, vector<1x8x128xf32>
    %swap3A_1999 = vector.shape_cast %swap3A_1998 : vector<1x8x128xf32> to vector<8x128xf32>
    %swap3A_2000 = vector.shape_cast %slice3A_1994 : vector<8x128xf32> to vector<1x8x128xf32>
    tpu.vector_store %arg8[%swap3A_1995, %swap3A_1996, %swap3A_1997], %swap3A_2000 {strides = array<i32>} : memref<14x256x128xf32, #tpu.memory_space<vmem>>, vector<1x8x128xf32>,
    %slice3A_2001 = vector.extract_strided_slice %dot_general3A_1930 {offsets = [80, 0], sizes = [8, 128], strides = [1, 1]} : vector<112x128xf32> to vector<8x128xf32>
    %swap3A_2002 = arith.constant 10 : index
    %swap3A_2003 = arith.constant 136 : index
    %swap3A_2004 = arith.constant 0 : index
    %swap3A_2005 = vector.load %arg8[%swap3A_2002, %swap3A_2003, %swap3A_2004] : memref<14x256x128xf32, #tpu.memory_space<vmem>>, vector<1x8x128xf32>
    %swap3A_2006 = vector.shape_cast %swap3A_2005 : vector<1x8x128xf32> to vector<8x128xf32>
    %swap3A_2007 = vector.shape_cast %slice3A_2001 : vector<8x128xf32> to vector<1x8x128xf32>
    tpu.vector_store %arg8[%swap3A_2002, %swap3A_2003, %swap3A_2004], %swap3A_2007 {strides = array<i32>} : memref<14x256x128xf32, #tpu.memory_space<vmem>>, vector<1x8x128xf32>,
    %slice3A_2008 = vector.extract_strided_slice %dot_general3A_1930 {offsets = [88, 0], sizes = [8, 128], strides = [1, 1]} : vector<112x128xf32> to vector<8x128xf32>
    %swap3A_2009 = arith.constant 11 : index
    %swap3A_2010 = arith.constant 136 : index
    %swap3A_2011 = arith.constant 0 : index
    %swap3A_2012 = vector.load %arg8[%swap3A_2009, %swap3A_2010, %swap3A_2011] : memref<14x256x128xf32, #tpu.memory_space<vmem>>, vector<1x8x128xf32>
    %swap3A_2013 = vector.shape_cast %swap3A_2012 : vector<1x8x128xf32> to vector<8x128xf32>
    %swap3A_2014 = vector.shape_cast %slice3A_2008 : vector<8x128xf32> to vector<1x8x128xf32>
    tpu.vector_store %arg8[%swap3A_2009, %swap3A_2010, %swap3A_2011], %swap3A_2014 {strides = array<i32>} : memref<14x256x128xf32, #tpu.memory_space<vmem>>, vector<1x8x128xf32>,
    %slice3A_2015 = vector.extract_strided_slice %dot_general3A_1930 {offsets = [96, 0], sizes = [8, 128], strides = [1, 1]} : vector<112x128xf32> to vector<8x128xf32>
    %swap3A_2016 = arith.constant 12 : index
    %swap3A_2017 = arith.constant 136 : index
    %swap3A_2018 = arith.constant 0 : index
    %swap3A_2019 = vector.load %arg8[%swap3A_2016, %swap3A_2017, %swap3A_2018] : memref<14x256x128xf32, #tpu.memory_space<vmem>>, vector<1x8x128xf32>
    %swap3A_2020 = vector.shape_cast %swap3A_2019 : vector<1x8x128xf32> to vector<8x128xf32>
    %swap3A_2021 = vector.shape_cast %slice3A_2015 : vector<8x128xf32> to vector<1x8x128xf32>
    tpu.vector_store %arg8[%swap3A_2016, %swap3A_2017, %swap3A_2018], %swap3A_2021 {strides = array<i32>} : memref<14x256x128xf32, #tpu.memory_space<vmem>>, vector<1x8x128xf32>,
    %slice3A_2022 = vector.extract_strided_slice %dot_general3A_1930 {offsets = [104, 0], sizes = [8, 128], strides = [1, 1]} : vector<112x128xf32> to vector<8x128xf32>
    %swap3A_2023 = arith.constant 13 : index
    %swap3A_2024 = arith.constant 136 : index
    %swap3A_2025 = arith.constant 0 : index
    %swap3A_2026 = vector.load %arg8[%swap3A_2023, %swap3A_2024, %swap3A_2025] : memref<14x256x128xf32, #tpu.memory_space<vmem>>, vector<1x8x128xf32>
    %swap3A_2027 = vector.shape_cast %swap3A_2026 : vector<1x8x128xf32> to vector<8x128xf32>
    %swap3A_2028 = vector.shape_cast %slice3A_2022 : vector<8x128xf32> to vector<1x8x128xf32>
    tpu.vector_store %arg8[%swap3A_2023, %swap3A_2024, %swap3A_2025], %swap3A_2028 {strides = array<i32>} : memref<14x256x128xf32, #tpu.memory_space<vmem>>, vector<1x8x128xf32>,
    %get3A_2029 = arith.constant 4608 : index
    %get3A_2030 = arith.constant 0 : index
    %get3A_2031 = vector.load %arg1[%get3A_2029, %get3A_2030] : memref<8192x128xf32, #tpu.memory_space<vmem>>, vector<256x128xf32>
    %convert_element_type3A_2032 = arith.truncf %get3A_2031 : vector<256x128xf32> to vector<256x128xbf16>
    %get3A_2033 = arith.constant 18 : index
    %get3A_2034 = arith.constant 0 : index
    %get3A_2035 = arith.constant 0 : index
    %get3A_2036 = arith.constant 0 : index
    %get3A_2037 = vector.load %arg2[%get3A_2033, %get3A_2034, %get3A_2035, %get3A_2036] : memref<32x14x8x32xbf16, #tpu.memory_space<vmem>>, vector<1x14x8x32xbf16>
    %get3A_2038 = vector.shape_cast %get3A_2037 : vector<1x14x8x32xbf16> to vector<14x8x32xbf16>
    %reshape3A_2039 = vector.shape_cast %get3A_2038 : vector<14x8x32xbf16> to vector<112x32xbf16>
    %concatenate3A_2040 = tpu.concatenate %reshape3A_2039, %reshape3A_2039, %reshape3A_2039, %reshape3A_2039, %reshape3A_2039, %reshape3A_2039, %reshape3A_2039, %reshape3A_2039 in 1 : vector<112x32xbf16>, vector<112x32xbf16>, vector<112x32xbf16>, vector<112x32xbf16>, vector<112x32xbf16>, vector<112x32xbf16>, vector<112x32xbf16>, vector<112x32xbf16> -> vector<112x256xbf16>
    %mul3A_2041 = arith.mulf %concatenate3A_2040, %get3A_1 : vector<112x256xbf16>
    %dot_general3A_2042 = arith.constant dense<0.000000e+00> : vector<112x128xf32>
    %dot_general3A_2043 = tpu.matmul %mul3A_2041, %convert_element_type3A_2032, %dot_general3A_2042 {dimension_numbers = #tpu.dot_dimension_numbers<[1], [0], [0], [1], [0, 0, 1, 1], [], []>, transpose_lhs_hint = false} : vector<112x256xbf16>, vector<256x128xbf16>, vector<112x128xf32> -> vector<112x128xf32>
    %slice3A_2044 = vector.extract_strided_slice %dot_general3A_2043 {offsets = [0, 0], sizes = [8, 128], strides = [1, 1]} : vector<112x128xf32> to vector<8x128xf32>
    %swap3A_2045 = arith.constant 0 : index
    %swap3A_2046 = arith.constant 144 : index
    %swap3A_2047 = arith.constant 0 : index
    %swap3A_2048 = vector.load %arg8[%swap3A_2045, %swap3A_2046, %swap3A_2047] : memref<14x256x128xf32, #tpu.memory_space<vmem>>, vector<1x8x128xf32>
    %swap3A_2049 = vector.shape_cast %swap3A_2048 : vector<1x8x128xf32> to vector<8x128xf32>
    %swap3A_2050 = vector.shape_cast %slice3A_2044 : vector<8x128xf32> to vector<1x8x128xf32>
    tpu.vector_store %arg8[%swap3A_2045, %swap3A_2046, %swap3A_2047], %swap3A_2050 {strides = array<i32>} : memref<14x256x128xf32, #tpu.memory_space<vmem>>, vector<1x8x128xf32>,
    %slice3A_2051 = vector.extract_strided_slice %dot_general3A_2043 {offsets = [8, 0], sizes = [8, 128], strides = [1, 1]} : vector<112x128xf32> to vector<8x128xf32>
    %swap3A_2052 = arith.constant 1 : index
    %swap3A_2053 = arith.constant 144 : index
    %swap3A_2054 = arith.constant 0 : index
    %swap3A_2055 = vector.load %arg8[%swap3A_2052, %swap3A_2053, %swap3A_2054] : memref<14x256x128xf32, #tpu.memory_space<vmem>>, vector<1x8x128xf32>
    %swap3A_2056 = vector.shape_cast %swap3A_2055 : vector<1x8x128xf32> to vector<8x128xf32>
    %swap3A_2057 = vector.shape_cast %slice3A_2051 : vector<8x128xf32> to vector<1x8x128xf32>
    tpu.vector_store %arg8[%swap3A_2052, %swap3A_2053, %swap3A_2054], %swap3A_2057 {strides = array<i32>} : memref<14x256x128xf32, #tpu.memory_space<vmem>>, vector<1x8x128xf32>,
    %slice3A_2058 = vector.extract_strided_slice %dot_general3A_2043 {offsets = [16, 0], sizes = [8, 128], strides = [1, 1]} : vector<112x128xf32> to vector<8x128xf32>
    %swap3A_2059 = arith.constant 2 : index
    %swap3A_2060 = arith.constant 144 : index
    %swap3A_2061 = arith.constant 0 : index
    %swap3A_2062 = vector.load %arg8[%swap3A_2059, %swap3A_2060, %swap3A_2061] : memref<14x256x128xf32, #tpu.memory_space<vmem>>, vector<1x8x128xf32>
    %swap3A_2063 = vector.shape_cast %swap3A_2062 : vector<1x8x128xf32> to vector<8x128xf32>
    %swap3A_2064 = vector.shape_cast %slice3A_2058 : vector<8x128xf32> to vector<1x8x128xf32>
    tpu.vector_store %arg8[%swap3A_2059, %swap3A_2060, %swap3A_2061], %swap3A_2064 {strides = array<i32>} : memref<14x256x128xf32, #tpu.memory_space<vmem>>, vector<1x8x128xf32>,
    %slice3A_2065 = vector.extract_strided_slice %dot_general3A_2043 {offsets = [24, 0], sizes = [8, 128], strides = [1, 1]} : vector<112x128xf32> to vector<8x128xf32>
    %swap3A_2066 = arith.constant 3 : index
    %swap3A_2067 = arith.constant 144 : index
    %swap3A_2068 = arith.constant 0 : index
    %swap3A_2069 = vector.load %arg8[%swap3A_2066, %swap3A_2067, %swap3A_2068] : memref<14x256x128xf32, #tpu.memory_space<vmem>>, vector<1x8x128xf32>
    %swap3A_2070 = vector.shape_cast %swap3A_2069 : vector<1x8x128xf32> to vector<8x128xf32>
    %swap3A_2071 = vector.shape_cast %slice3A_2065 : vector<8x128xf32> to vector<1x8x128xf32>
    tpu.vector_store %arg8[%swap3A_2066, %swap3A_2067, %swap3A_2068], %swap3A_2071 {strides = array<i32>} : memref<14x256x128xf32, #tpu.memory_space<vmem>>, vector<1x8x128xf32>,
    %slice3A_2072 = vector.extract_strided_slice %dot_general3A_2043 {offsets = [32, 0], sizes = [8, 128], strides = [1, 1]} : vector<112x128xf32> to vector<8x128xf32>
    %swap3A_2073 = arith.constant 4 : index
    %swap3A_2074 = arith.constant 144 : index
    %swap3A_2075 = arith.constant 0 : index
    %swap3A_2076 = vector.load %arg8[%swap3A_2073, %swap3A_2074, %swap3A_2075] : memref<14x256x128xf32, #tpu.memory_space<vmem>>, vector<1x8x128xf32>
    %swap3A_2077 = vector.shape_cast %swap3A_2076 : vector<1x8x128xf32> to vector<8x128xf32>
    %swap3A_2078 = vector.shape_cast %slice3A_2072 : vector<8x128xf32> to vector<1x8x128xf32>
    tpu.vector_store %arg8[%swap3A_2073, %swap3A_2074, %swap3A_2075], %swap3A_2078 {strides = array<i32>} : memref<14x256x128xf32, #tpu.memory_space<vmem>>, vector<1x8x128xf32>,
    %slice3A_2079 = vector.extract_strided_slice %dot_general3A_2043 {offsets = [40, 0], sizes = [8, 128], strides = [1, 1]} : vector<112x128xf32> to vector<8x128xf32>
    %swap3A_2080 = arith.constant 5 : index
    %swap3A_2081 = arith.constant 144 : index
    %swap3A_2082 = arith.constant 0 : index
    %swap3A_2083 = vector.load %arg8[%swap3A_2080, %swap3A_2081, %swap3A_2082] : memref<14x256x128xf32, #tpu.memory_space<vmem>>, vector<1x8x128xf32>
    %swap3A_2084 = vector.shape_cast %swap3A_2083 : vector<1x8x128xf32> to vector<8x128xf32>
    %swap3A_2085 = vector.shape_cast %slice3A_2079 : vector<8x128xf32> to vector<1x8x128xf32>
    tpu.vector_store %arg8[%swap3A_2080, %swap3A_2081, %swap3A_2082], %swap3A_2085 {strides = array<i32>} : memref<14x256x128xf32, #tpu.memory_space<vmem>>, vector<1x8x128xf32>,
    %slice3A_2086 = vector.extract_strided_slice %dot_general3A_2043 {offsets = [48, 0], sizes = [8, 128], strides = [1, 1]} : vector<112x128xf32> to vector<8x128xf32>
    %swap3A_2087 = arith.constant 6 : index
    %swap3A_2088 = arith.constant 144 : index
    %swap3A_2089 = arith.constant 0 : index
    %swap3A_2090 = vector.load %arg8[%swap3A_2087, %swap3A_2088, %swap3A_2089] : memref<14x256x128xf32, #tpu.memory_space<vmem>>, vector<1x8x128xf32>
    %swap3A_2091 = vector.shape_cast %swap3A_2090 : vector<1x8x128xf32> to vector<8x128xf32>
    %swap3A_2092 = vector.shape_cast %slice3A_2086 : vector<8x128xf32> to vector<1x8x128xf32>
    tpu.vector_store %arg8[%swap3A_2087, %swap3A_2088, %swap3A_2089], %swap3A_2092 {strides = array<i32>} : memref<14x256x128xf32, #tpu.memory_space<vmem>>, vector<1x8x128xf32>,
    %slice3A_2093 = vector.extract_strided_slice %dot_general3A_2043 {offsets = [56, 0], sizes = [8, 128], strides = [1, 1]} : vector<112x128xf32> to vector<8x128xf32>
    %swap3A_2094 = arith.constant 7 : index
    %swap3A_2095 = arith.constant 144 : index
    %swap3A_2096 = arith.constant 0 : index
    %swap3A_2097 = vector.load %arg8[%swap3A_2094, %swap3A_2095, %swap3A_2096] : memref<14x256x128xf32, #tpu.memory_space<vmem>>, vector<1x8x128xf32>
    %swap3A_2098 = vector.shape_cast %swap3A_2097 : vector<1x8x128xf32> to vector<8x128xf32>
    %swap3A_2099 = vector.shape_cast %slice3A_2093 : vector<8x128xf32> to vector<1x8x128xf32>
    tpu.vector_store %arg8[%swap3A_2094, %swap3A_2095, %swap3A_2096], %swap3A_2099 {strides = array<i32>} : memref<14x256x128xf32, #tpu.memory_space<vmem>>, vector<1x8x128xf32>,
    %slice3A_2100 = vector.extract_strided_slice %dot_general3A_2043 {offsets = [64, 0], sizes = [8, 128], strides = [1, 1]} : vector<112x128xf32> to vector<8x128xf32>
    %swap3A_2101 = arith.constant 8 : index
    %swap3A_2102 = arith.constant 144 : index
    %swap3A_2103 = arith.constant 0 : index
    %swap3A_2104 = vector.load %arg8[%swap3A_2101, %swap3A_2102, %swap3A_2103] : memref<14x256x128xf32, #tpu.memory_space<vmem>>, vector<1x8x128xf32>
    %swap3A_2105 = vector.shape_cast %swap3A_2104 : vector<1x8x128xf32> to vector<8x128xf32>
    %swap3A_2106 = vector.shape_cast %slice3A_2100 : vector<8x128xf32> to vector<1x8x128xf32>
    tpu.vector_store %arg8[%swap3A_2101, %swap3A_2102, %swap3A_2103], %swap3A_2106 {strides = array<i32>} : memref<14x256x128xf32, #tpu.memory_space<vmem>>, vector<1x8x128xf32>,
    %slice3A_2107 = vector.extract_strided_slice %dot_general3A_2043 {offsets = [72, 0], sizes = [8, 128], strides = [1, 1]} : vector<112x128xf32> to vector<8x128xf32>
    %swap3A_2108 = arith.constant 9 : index
    %swap3A_2109 = arith.constant 144 : index
    %swap3A_2110 = arith.constant 0 : index
    %swap3A_2111 = vector.load %arg8[%swap3A_2108, %swap3A_2109, %swap3A_2110] : memref<14x256x128xf32, #tpu.memory_space<vmem>>, vector<1x8x128xf32>
    %swap3A_2112 = vector.shape_cast %swap3A_2111 : vector<1x8x128xf32> to vector<8x128xf32>
    %swap3A_2113 = vector.shape_cast %slice3A_2107 : vector<8x128xf32> to vector<1x8x128xf32>
    tpu.vector_store %arg8[%swap3A_2108, %swap3A_2109, %swap3A_2110], %swap3A_2113 {strides = array<i32>} : memref<14x256x128xf32, #tpu.memory_space<vmem>>, vector<1x8x128xf32>,
    %slice3A_2114 = vector.extract_strided_slice %dot_general3A_2043 {offsets = [80, 0], sizes = [8, 128], strides = [1, 1]} : vector<112x128xf32> to vector<8x128xf32>
    %swap3A_2115 = arith.constant 10 : index
    %swap3A_2116 = arith.constant 144 : index
    %swap3A_2117 = arith.constant 0 : index
    %swap3A_2118 = vector.load %arg8[%swap3A_2115, %swap3A_2116, %swap3A_2117] : memref<14x256x128xf32, #tpu.memory_space<vmem>>, vector<1x8x128xf32>
    %swap3A_2119 = vector.shape_cast %swap3A_2118 : vector<1x8x128xf32> to vector<8x128xf32>
    %swap3A_2120 = vector.shape_cast %slice3A_2114 : vector<8x128xf32> to vector<1x8x128xf32>
    tpu.vector_store %arg8[%swap3A_2115, %swap3A_2116, %swap3A_2117], %swap3A_2120 {strides = array<i32>} : memref<14x256x128xf32, #tpu.memory_space<vmem>>, vector<1x8x128xf32>,
    %slice3A_2121 = vector.extract_strided_slice %dot_general3A_2043 {offsets = [88, 0], sizes = [8, 128], strides = [1, 1]} : vector<112x128xf32> to vector<8x128xf32>
    %swap3A_2122 = arith.constant 11 : index
    %swap3A_2123 = arith.constant 144 : index
    %swap3A_2124 = arith.constant 0 : index
    %swap3A_2125 = vector.load %arg8[%swap3A_2122, %swap3A_2123, %swap3A_2124] : memref<14x256x128xf32, #tpu.memory_space<vmem>>, vector<1x8x128xf32>
    %swap3A_2126 = vector.shape_cast %swap3A_2125 : vector<1x8x128xf32> to vector<8x128xf32>
    %swap3A_2127 = vector.shape_cast %slice3A_2121 : vector<8x128xf32> to vector<1x8x128xf32>
    tpu.vector_store %arg8[%swap3A_2122, %swap3A_2123, %swap3A_2124], %swap3A_2127 {strides = array<i32>} : memref<14x256x128xf32, #tpu.memory_space<vmem>>, vector<1x8x128xf32>,
    %slice3A_2128 = vector.extract_strided_slice %dot_general3A_2043 {offsets = [96, 0], sizes = [8, 128], strides = [1, 1]} : vector<112x128xf32> to vector<8x128xf32>
    %swap3A_2129 = arith.constant 12 : index
    %swap3A_2130 = arith.constant 144 : index
    %swap3A_2131 = arith.constant 0 : index
    %swap3A_2132 = vector.load %arg8[%swap3A_2129, %swap3A_2130, %swap3A_2131] : memref<14x256x128xf32, #tpu.memory_space<vmem>>, vector<1x8x128xf32>
    %swap3A_2133 = vector.shape_cast %swap3A_2132 : vector<1x8x128xf32> to vector<8x128xf32>
    %swap3A_2134 = vector.shape_cast %slice3A_2128 : vector<8x128xf32> to vector<1x8x128xf32>
    tpu.vector_store %arg8[%swap3A_2129, %swap3A_2130, %swap3A_2131], %swap3A_2134 {strides = array<i32>} : memref<14x256x128xf32, #tpu.memory_space<vmem>>, vector<1x8x128xf32>,
    %slice3A_2135 = vector.extract_strided_slice %dot_general3A_2043 {offsets = [104, 0], sizes = [8, 128], strides = [1, 1]} : vector<112x128xf32> to vector<8x128xf32>
    %swap3A_2136 = arith.constant 13 : index
    %swap3A_2137 = arith.constant 144 : index
    %swap3A_2138 = arith.constant 0 : index
    %swap3A_2139 = vector.load %arg8[%swap3A_2136, %swap3A_2137, %swap3A_2138] : memref<14x256x128xf32, #tpu.memory_space<vmem>>, vector<1x8x128xf32>
    %swap3A_2140 = vector.shape_cast %swap3A_2139 : vector<1x8x128xf32> to vector<8x128xf32>
    %swap3A_2141 = vector.shape_cast %slice3A_2135 : vector<8x128xf32> to vector<1x8x128xf32>
    tpu.vector_store %arg8[%swap3A_2136, %swap3A_2137, %swap3A_2138], %swap3A_2141 {strides = array<i32>} : memref<14x256x128xf32, #tpu.memory_space<vmem>>, vector<1x8x128xf32>,
    %get3A_2142 = arith.constant 4864 : index
    %get3A_2143 = arith.constant 0 : index
    %get3A_2144 = vector.load %arg1[%get3A_2142, %get3A_2143] : memref<8192x128xf32, #tpu.memory_space<vmem>>, vector<256x128xf32>
    %convert_element_type3A_2145 = arith.truncf %get3A_2144 : vector<256x128xf32> to vector<256x128xbf16>
    %get3A_2146 = arith.constant 19 : index
    %get3A_2147 = arith.constant 0 : index
    %get3A_2148 = arith.constant 0 : index
    %get3A_2149 = arith.constant 0 : index
    %get3A_2150 = vector.load %arg2[%get3A_2146, %get3A_2147, %get3A_2148, %get3A_2149] : memref<32x14x8x32xbf16, #tpu.memory_space<vmem>>, vector<1x14x8x32xbf16>
    %get3A_2151 = vector.shape_cast %get3A_2150 : vector<1x14x8x32xbf16> to vector<14x8x32xbf16>
    %reshape3A_2152 = vector.shape_cast %get3A_2151 : vector<14x8x32xbf16> to vector<112x32xbf16>
    %concatenate3A_2153 = tpu.concatenate %reshape3A_2152, %reshape3A_2152, %reshape3A_2152, %reshape3A_2152, %reshape3A_2152, %reshape3A_2152, %reshape3A_2152, %reshape3A_2152 in 1 : vector<112x32xbf16>, vector<112x32xbf16>, vector<112x32xbf16>, vector<112x32xbf16>, vector<112x32xbf16>, vector<112x32xbf16>, vector<112x32xbf16>, vector<112x32xbf16> -> vector<112x256xbf16>
    %mul3A_2154 = arith.mulf %concatenate3A_2153, %get3A_1 : vector<112x256xbf16>
    %dot_general3A_2155 = arith.constant dense<0.000000e+00> : vector<112x128xf32>
    %dot_general3A_2156 = tpu.matmul %mul3A_2154, %convert_element_type3A_2145, %dot_general3A_2155 {dimension_numbers = #tpu.dot_dimension_numbers<[1], [0], [0], [1], [0, 0, 1, 1], [], []>, transpose_lhs_hint = false} : vector<112x256xbf16>, vector<256x128xbf16>, vector<112x128xf32> -> vector<112x128xf32>
    %slice3A_2157 = vector.extract_strided_slice %dot_general3A_2156 {offsets = [0, 0], sizes = [8, 128], strides = [1, 1]} : vector<112x128xf32> to vector<8x128xf32>
    %swap3A_2158 = arith.constant 0 : index
    %swap3A_2159 = arith.constant 152 : index
    %swap3A_2160 = arith.constant 0 : index
    %swap3A_2161 = vector.load %arg8[%swap3A_2158, %swap3A_2159, %swap3A_2160] : memref<14x256x128xf32, #tpu.memory_space<vmem>>, vector<1x8x128xf32>
    %swap3A_2162 = vector.shape_cast %swap3A_2161 : vector<1x8x128xf32> to vector<8x128xf32>
    %swap3A_2163 = vector.shape_cast %slice3A_2157 : vector<8x128xf32> to vector<1x8x128xf32>
    tpu.vector_store %arg8[%swap3A_2158, %swap3A_2159, %swap3A_2160], %swap3A_2163 {strides = array<i32>} : memref<14x256x128xf32, #tpu.memory_space<vmem>>, vector<1x8x128xf32>,
    %slice3A_2164 = vector.extract_strided_slice %dot_general3A_2156 {offsets = [8, 0], sizes = [8, 128], strides = [1, 1]} : vector<112x128xf32> to vector<8x128xf32>
    %swap3A_2165 = arith.constant 1 : index
    %swap3A_2166 = arith.constant 152 : index
    %swap3A_2167 = arith.constant 0 : index
    %swap3A_2168 = vector.load %arg8[%swap3A_2165, %swap3A_2166, %swap3A_2167] : memref<14x256x128xf32, #tpu.memory_space<vmem>>, vector<1x8x128xf32>
    %swap3A_2169 = vector.shape_cast %swap3A_2168 : vector<1x8x128xf32> to vector<8x128xf32>
    %swap3A_2170 = vector.shape_cast %slice3A_2164 : vector<8x128xf32> to vector<1x8x128xf32>
    tpu.vector_store %arg8[%swap3A_2165, %swap3A_2166, %swap3A_2167], %swap3A_2170 {strides = array<i32>} : memref<14x256x128xf32, #tpu.memory_space<vmem>>, vector<1x8x128xf32>,
    %slice3A_2171 = vector.extract_strided_slice %dot_general3A_2156 {offsets = [16, 0], sizes = [8, 128], strides = [1, 1]} : vector<112x128xf32> to vector<8x128xf32>
    %swap3A_2172 = arith.constant 2 : index
    %swap3A_2173 = arith.constant 152 : index
    %swap3A_2174 = arith.constant 0 : index
    %swap3A_2175 = vector.load %arg8[%swap3A_2172, %swap3A_2173, %swap3A_2174] : memref<14x256x128xf32, #tpu.memory_space<vmem>>, vector<1x8x128xf32>
    %swap3A_2176 = vector.shape_cast %swap3A_2175 : vector<1x8x128xf32> to vector<8x128xf32>
    %swap3A_2177 = vector.shape_cast %slice3A_2171 : vector<8x128xf32> to vector<1x8x128xf32>
    tpu.vector_store %arg8[%swap3A_2172, %swap3A_2173, %swap3A_2174], %swap3A_2177 {strides = array<i32>} : memref<14x256x128xf32, #tpu.memory_space<vmem>>, vector<1x8x128xf32>,
    %slice3A_2178 = vector.extract_strided_slice %dot_general3A_2156 {offsets = [24, 0], sizes = [8, 128], strides = [1, 1]} : vector<112x128xf32> to vector<8x128xf32>
    %swap3A_2179 = arith.constant 3 : index
    %swap3A_2180 = arith.constant 152 : index
    %swap3A_2181 = arith.constant 0 : index
    %swap3A_2182 = vector.load %arg8[%swap3A_2179, %swap3A_2180, %swap3A_2181] : memref<14x256x128xf32, #tpu.memory_space<vmem>>, vector<1x8x128xf32>
    %swap3A_2183 = vector.shape_cast %swap3A_2182 : vector<1x8x128xf32> to vector<8x128xf32>
    %swap3A_2184 = vector.shape_cast %slice3A_2178 : vector<8x128xf32> to vector<1x8x128xf32>
    tpu.vector_store %arg8[%swap3A_2179, %swap3A_2180, %swap3A_2181], %swap3A_2184 {strides = array<i32>} : memref<14x256x128xf32, #tpu.memory_space<vmem>>, vector<1x8x128xf32>,
    %slice3A_2185 = vector.extract_strided_slice %dot_general3A_2156 {offsets = [32, 0], sizes = [8, 128], strides = [1, 1]} : vector<112x128xf32> to vector<8x128xf32>
    %swap3A_2186 = arith.constant 4 : index
    %swap3A_2187 = arith.constant 152 : index
    %swap3A_2188 = arith.constant 0 : index
    %swap3A_2189 = vector.load %arg8[%swap3A_2186, %swap3A_2187, %swap3A_2188] : memref<14x256x128xf32, #tpu.memory_space<vmem>>, vector<1x8x128xf32>
    %swap3A_2190 = vector.shape_cast %swap3A_2189 : vector<1x8x128xf32> to vector<8x128xf32>
    %swap3A_2191 = vector.shape_cast %slice3A_2185 : vector<8x128xf32> to vector<1x8x128xf32>
    tpu.vector_store %arg8[%swap3A_2186, %swap3A_2187, %swap3A_2188], %swap3A_2191 {strides = array<i32>} : memref<14x256x128xf32, #tpu.memory_space<vmem>>, vector<1x8x128xf32>,
    %slice3A_2192 = vector.extract_strided_slice %dot_general3A_2156 {offsets = [40, 0], sizes = [8, 128], strides = [1, 1]} : vector<112x128xf32> to vector<8x128xf32>
    %swap3A_2193 = arith.constant 5 : index
    %swap3A_2194 = arith.constant 152 : index
    %swap3A_2195 = arith.constant 0 : index
    %swap3A_2196 = vector.load %arg8[%swap3A_2193, %swap3A_2194, %swap3A_2195] : memref<14x256x128xf32, #tpu.memory_space<vmem>>, vector<1x8x128xf32>
    %swap3A_2197 = vector.shape_cast %swap3A_2196 : vector<1x8x128xf32> to vector<8x128xf32>
    %swap3A_2198 = vector.shape_cast %slice3A_2192 : vector<8x128xf32> to vector<1x8x128xf32>
    tpu.vector_store %arg8[%swap3A_2193, %swap3A_2194, %swap3A_2195], %swap3A_2198 {strides = array<i32>} : memref<14x256x128xf32, #tpu.memory_space<vmem>>, vector<1x8x128xf32>,
    %slice3A_2199 = vector.extract_strided_slice %dot_general3A_2156 {offsets = [48, 0], sizes = [8, 128], strides = [1, 1]} : vector<112x128xf32> to vector<8x128xf32>
    %swap3A_2200 = arith.constant 6 : index
    %swap3A_2201 = arith.constant 152 : index
    %swap3A_2202 = arith.constant 0 : index
    %swap3A_2203 = vector.load %arg8[%swap3A_2200, %swap3A_2201, %swap3A_2202] : memref<14x256x128xf32, #tpu.memory_space<vmem>>, vector<1x8x128xf32>
    %swap3A_2204 = vector.shape_cast %swap3A_2203 : vector<1x8x128xf32> to vector<8x128xf32>
    %swap3A_2205 = vector.shape_cast %slice3A_2199 : vector<8x128xf32> to vector<1x8x128xf32>
    tpu.vector_store %arg8[%swap3A_2200, %swap3A_2201, %swap3A_2202], %swap3A_2205 {strides = array<i32>} : memref<14x256x128xf32, #tpu.memory_space<vmem>>, vector<1x8x128xf32>,
    %slice3A_2206 = vector.extract_strided_slice %dot_general3A_2156 {offsets = [56, 0], sizes = [8, 128], strides = [1, 1]} : vector<112x128xf32> to vector<8x128xf32>
    %swap3A_2207 = arith.constant 7 : index
    %swap3A_2208 = arith.constant 152 : index
    %swap3A_2209 = arith.constant 0 : index
    %swap3A_2210 = vector.load %arg8[%swap3A_2207, %swap3A_2208, %swap3A_2209] : memref<14x256x128xf32, #tpu.memory_space<vmem>>, vector<1x8x128xf32>
    %swap3A_2211 = vector.shape_cast %swap3A_2210 : vector<1x8x128xf32> to vector<8x128xf32>
    %swap3A_2212 = vector.shape_cast %slice3A_2206 : vector<8x128xf32> to vector<1x8x128xf32>
    tpu.vector_store %arg8[%swap3A_2207, %swap3A_2208, %swap3A_2209], %swap3A_2212 {strides = array<i32>} : memref<14x256x128xf32, #tpu.memory_space<vmem>>, vector<1x8x128xf32>,
    %slice3A_2213 = vector.extract_strided_slice %dot_general3A_2156 {offsets = [64, 0], sizes = [8, 128], strides = [1, 1]} : vector<112x128xf32> to vector<8x128xf32>
    %swap3A_2214 = arith.constant 8 : index
    %swap3A_2215 = arith.constant 152 : index
    %swap3A_2216 = arith.constant 0 : index
    %swap3A_2217 = vector.load %arg8[%swap3A_2214, %swap3A_2215, %swap3A_2216] : memref<14x256x128xf32, #tpu.memory_space<vmem>>, vector<1x8x128xf32>
    %swap3A_2218 = vector.shape_cast %swap3A_2217 : vector<1x8x128xf32> to vector<8x128xf32>
    %swap3A_2219 = vector.shape_cast %slice3A_2213 : vector<8x128xf32> to vector<1x8x128xf32>
    tpu.vector_store %arg8[%swap3A_2214, %swap3A_2215, %swap3A_2216], %swap3A_2219 {strides = array<i32>} : memref<14x256x128xf32, #tpu.memory_space<vmem>>, vector<1x8x128xf32>,
    %slice3A_2220 = vector.extract_strided_slice %dot_general3A_2156 {offsets = [72, 0], sizes = [8, 128], strides = [1, 1]} : vector<112x128xf32> to vector<8x128xf32>
    %swap3A_2221 = arith.constant 9 : index
    %swap3A_2222 = arith.constant 152 : index
    %swap3A_2223 = arith.constant 0 : index
    %swap3A_2224 = vector.load %arg8[%swap3A_2221, %swap3A_2222, %swap3A_2223] : memref<14x256x128xf32, #tpu.memory_space<vmem>>, vector<1x8x128xf32>
    %swap3A_2225 = vector.shape_cast %swap3A_2224 : vector<1x8x128xf32> to vector<8x128xf32>
    %swap3A_2226 = vector.shape_cast %slice3A_2220 : vector<8x128xf32> to vector<1x8x128xf32>
    tpu.vector_store %arg8[%swap3A_2221, %swap3A_2222, %swap3A_2223], %swap3A_2226 {strides = array<i32>} : memref<14x256x128xf32, #tpu.memory_space<vmem>>, vector<1x8x128xf32>,
    %slice3A_2227 = vector.extract_strided_slice %dot_general3A_2156 {offsets = [80, 0], sizes = [8, 128], strides = [1, 1]} : vector<112x128xf32> to vector<8x128xf32>
    %swap3A_2228 = arith.constant 10 : index
    %swap3A_2229 = arith.constant 152 : index
    %swap3A_2230 = arith.constant 0 : index
    %swap3A_2231 = vector.load %arg8[%swap3A_2228, %swap3A_2229, %swap3A_2230] : memref<14x256x128xf32, #tpu.memory_space<vmem>>, vector<1x8x128xf32>
    %swap3A_2232 = vector.shape_cast %swap3A_2231 : vector<1x8x128xf32> to vector<8x128xf32>
    %swap3A_2233 = vector.shape_cast %slice3A_2227 : vector<8x128xf32> to vector<1x8x128xf32>
    tpu.vector_store %arg8[%swap3A_2228, %swap3A_2229, %swap3A_2230], %swap3A_2233 {strides = array<i32>} : memref<14x256x128xf32, #tpu.memory_space<vmem>>, vector<1x8x128xf32>,
    %slice3A_2234 = vector.extract_strided_slice %dot_general3A_2156 {offsets = [88, 0], sizes = [8, 128], strides = [1, 1]} : vector<112x128xf32> to vector<8x128xf32>
    %swap3A_2235 = arith.constant 11 : index
    %swap3A_2236 = arith.constant 152 : index
    %swap3A_2237 = arith.constant 0 : index
    %swap3A_2238 = vector.load %arg8[%swap3A_2235, %swap3A_2236, %swap3A_2237] : memref<14x256x128xf32, #tpu.memory_space<vmem>>, vector<1x8x128xf32>
    %swap3A_2239 = vector.shape_cast %swap3A_2238 : vector<1x8x128xf32> to vector<8x128xf32>
    %swap3A_2240 = vector.shape_cast %slice3A_2234 : vector<8x128xf32> to vector<1x8x128xf32>
    tpu.vector_store %arg8[%swap3A_2235, %swap3A_2236, %swap3A_2237], %swap3A_2240 {strides = array<i32>} : memref<14x256x128xf32, #tpu.memory_space<vmem>>, vector<1x8x128xf32>,
    %slice3A_2241 = vector.extract_strided_slice %dot_general3A_2156 {offsets = [96, 0], sizes = [8, 128], strides = [1, 1]} : vector<112x128xf32> to vector<8x128xf32>
    %swap3A_2242 = arith.constant 12 : index
    %swap3A_2243 = arith.constant 152 : index
    %swap3A_2244 = arith.constant 0 : index
    %swap3A_2245 = vector.load %arg8[%swap3A_2242, %swap3A_2243, %swap3A_2244] : memref<14x256x128xf32, #tpu.memory_space<vmem>>, vector<1x8x128xf32>
    %swap3A_2246 = vector.shape_cast %swap3A_2245 : vector<1x8x128xf32> to vector<8x128xf32>
    %swap3A_2247 = vector.shape_cast %slice3A_2241 : vector<8x128xf32> to vector<1x8x128xf32>
    tpu.vector_store %arg8[%swap3A_2242, %swap3A_2243, %swap3A_2244], %swap3A_2247 {strides = array<i32>} : memref<14x256x128xf32, #tpu.memory_space<vmem>>, vector<1x8x128xf32>,
    %slice3A_2248 = vector.extract_strided_slice %dot_general3A_2156 {offsets = [104, 0], sizes = [8, 128], strides = [1, 1]} : vector<112x128xf32> to vector<8x128xf32>
    %swap3A_2249 = arith.constant 13 : index
    %swap3A_2250 = arith.constant 152 : index
    %swap3A_2251 = arith.constant 0 : index
    %swap3A_2252 = vector.load %arg8[%swap3A_2249, %swap3A_2250, %swap3A_2251] : memref<14x256x128xf32, #tpu.memory_space<vmem>>, vector<1x8x128xf32>
    %swap3A_2253 = vector.shape_cast %swap3A_2252 : vector<1x8x128xf32> to vector<8x128xf32>
    %swap3A_2254 = vector.shape_cast %slice3A_2248 : vector<8x128xf32> to vector<1x8x128xf32>
    tpu.vector_store %arg8[%swap3A_2249, %swap3A_2250, %swap3A_2251], %swap3A_2254 {strides = array<i32>} : memref<14x256x128xf32, #tpu.memory_space<vmem>>, vector<1x8x128xf32>,
    %get3A_2255 = arith.constant 5120 : index
    %get3A_2256 = arith.constant 0 : index
    %get3A_2257 = vector.load %arg1[%get3A_2255, %get3A_2256] : memref<8192x128xf32, #tpu.memory_space<vmem>>, vector<256x128xf32>
    %convert_element_type3A_2258 = arith.truncf %get3A_2257 : vector<256x128xf32> to vector<256x128xbf16>
    %get3A_2259 = arith.constant 20 : index
    %get3A_2260 = arith.constant 0 : index
    %get3A_2261 = arith.constant 0 : index
    %get3A_2262 = arith.constant 0 : index
    %get3A_2263 = vector.load %arg2[%get3A_2259, %get3A_2260, %get3A_2261, %get3A_2262] : memref<32x14x8x32xbf16, #tpu.memory_space<vmem>>, vector<1x14x8x32xbf16>
    %get3A_2264 = vector.shape_cast %get3A_2263 : vector<1x14x8x32xbf16> to vector<14x8x32xbf16>
    %reshape3A_2265 = vector.shape_cast %get3A_2264 : vector<14x8x32xbf16> to vector<112x32xbf16>
    %concatenate3A_2266 = tpu.concatenate %reshape3A_2265, %reshape3A_2265, %reshape3A_2265, %reshape3A_2265, %reshape3A_2265, %reshape3A_2265, %reshape3A_2265, %reshape3A_2265 in 1 : vector<112x32xbf16>, vector<112x32xbf16>, vector<112x32xbf16>, vector<112x32xbf16>, vector<112x32xbf16>, vector<112x32xbf16>, vector<112x32xbf16>, vector<112x32xbf16> -> vector<112x256xbf16>
    %mul3A_2267 = arith.mulf %concatenate3A_2266, %get3A_1 : vector<112x256xbf16>
    %dot_general3A_2268 = arith.constant dense<0.000000e+00> : vector<112x128xf32>
    %dot_general3A_2269 = tpu.matmul %mul3A_2267, %convert_element_type3A_2258, %dot_general3A_2268 {dimension_numbers = #tpu.dot_dimension_numbers<[1], [0], [0], [1], [0, 0, 1, 1], [], []>, transpose_lhs_hint = false} : vector<112x256xbf16>, vector<256x128xbf16>, vector<112x128xf32> -> vector<112x128xf32>
    %slice3A_2270 = vector.extract_strided_slice %dot_general3A_2269 {offsets = [0, 0], sizes = [8, 128], strides = [1, 1]} : vector<112x128xf32> to vector<8x128xf32>
    %swap3A_2271 = arith.constant 0 : index
    %swap3A_2272 = arith.constant 160 : index
    %swap3A_2273 = arith.constant 0 : index
    %swap3A_2274 = vector.load %arg8[%swap3A_2271, %swap3A_2272, %swap3A_2273] : memref<14x256x128xf32, #tpu.memory_space<vmem>>, vector<1x8x128xf32>
    %swap3A_2275 = vector.shape_cast %swap3A_2274 : vector<1x8x128xf32> to vector<8x128xf32>
    %swap3A_2276 = vector.shape_cast %slice3A_2270 : vector<8x128xf32> to vector<1x8x128xf32>
    tpu.vector_store %arg8[%swap3A_2271, %swap3A_2272, %swap3A_2273], %swap3A_2276 {strides = array<i32>} : memref<14x256x128xf32, #tpu.memory_space<vmem>>, vector<1x8x128xf32>,
    %slice3A_2277 = vector.extract_strided_slice %dot_general3A_2269 {offsets = [8, 0], sizes = [8, 128], strides = [1, 1]} : vector<112x128xf32> to vector<8x128xf32>
    %swap3A_2278 = arith.constant 1 : index
    %swap3A_2279 = arith.constant 160 : index
    %swap3A_2280 = arith.constant 0 : index
    %swap3A_2281 = vector.load %arg8[%swap3A_2278, %swap3A_2279, %swap3A_2280] : memref<14x256x128xf32, #tpu.memory_space<vmem>>, vector<1x8x128xf32>
    %swap3A_2282 = vector.shape_cast %swap3A_2281 : vector<1x8x128xf32> to vector<8x128xf32>
    %swap3A_2283 = vector.shape_cast %slice3A_2277 : vector<8x128xf32> to vector<1x8x128xf32>
    tpu.vector_store %arg8[%swap3A_2278, %swap3A_2279, %swap3A_2280], %swap3A_2283 {strides = array<i32>} : memref<14x256x128xf32, #tpu.memory_space<vmem>>, vector<1x8x128xf32>,
    %slice3A_2284 = vector.extract_strided_slice %dot_general3A_2269 {offsets = [16, 0], sizes = [8, 128], strides = [1, 1]} : vector<112x128xf32> to vector<8x128xf32>
    %swap3A_2285 = arith.constant 2 : index
    %swap3A_2286 = arith.constant 160 : index
    %swap3A_2287 = arith.constant 0 : index
    %swap3A_2288 = vector.load %arg8[%swap3A_2285, %swap3A_2286, %swap3A_2287] : memref<14x256x128xf32, #tpu.memory_space<vmem>>, vector<1x8x128xf32>
    %swap3A_2289 = vector.shape_cast %swap3A_2288 : vector<1x8x128xf32> to vector<8x128xf32>
    %swap3A_2290 = vector.shape_cast %slice3A_2284 : vector<8x128xf32> to vector<1x8x128xf32>
    tpu.vector_store %arg8[%swap3A_2285, %swap3A_2286, %swap3A_2287], %swap3A_2290 {strides = array<i32>} : memref<14x256x128xf32, #tpu.memory_space<vmem>>, vector<1x8x128xf32>,
    %slice3A_2291 = vector.extract_strided_slice %dot_general3A_2269 {offsets = [24, 0], sizes = [8, 128], strides = [1, 1]} : vector<112x128xf32> to vector<8x128xf32>
    %swap3A_2292 = arith.constant 3 : index
    %swap3A_2293 = arith.constant 160 : index
    %swap3A_2294 = arith.constant 0 : index
    %swap3A_2295 = vector.load %arg8[%swap3A_2292, %swap3A_2293, %swap3A_2294] : memref<14x256x128xf32, #tpu.memory_space<vmem>>, vector<1x8x128xf32>
    %swap3A_2296 = vector.shape_cast %swap3A_2295 : vector<1x8x128xf32> to vector<8x128xf32>
    %swap3A_2297 = vector.shape_cast %slice3A_2291 : vector<8x128xf32> to vector<1x8x128xf32>
    tpu.vector_store %arg8[%swap3A_2292, %swap3A_2293, %swap3A_2294], %swap3A_2297 {strides = array<i32>} : memref<14x256x128xf32, #tpu.memory_space<vmem>>, vector<1x8x128xf32>,
    %slice3A_2298 = vector.extract_strided_slice %dot_general3A_2269 {offsets = [32, 0], sizes = [8, 128], strides = [1, 1]} : vector<112x128xf32> to vector<8x128xf32>
    %swap3A_2299 = arith.constant 4 : index
    %swap3A_2300 = arith.constant 160 : index
    %swap3A_2301 = arith.constant 0 : index
    %swap3A_2302 = vector.load %arg8[%swap3A_2299, %swap3A_2300, %swap3A_2301] : memref<14x256x128xf32, #tpu.memory_space<vmem>>, vector<1x8x128xf32>
    %swap3A_2303 = vector.shape_cast %swap3A_2302 : vector<1x8x128xf32> to vector<8x128xf32>
    %swap3A_2304 = vector.shape_cast %slice3A_2298 : vector<8x128xf32> to vector<1x8x128xf32>
    tpu.vector_store %arg8[%swap3A_2299, %swap3A_2300, %swap3A_2301], %swap3A_2304 {strides = array<i32>} : memref<14x256x128xf32, #tpu.memory_space<vmem>>, vector<1x8x128xf32>,
    %slice3A_2305 = vector.extract_strided_slice %dot_general3A_2269 {offsets = [40, 0], sizes = [8, 128], strides = [1, 1]} : vector<112x128xf32> to vector<8x128xf32>
    %swap3A_2306 = arith.constant 5 : index
    %swap3A_2307 = arith.constant 160 : index
    %swap3A_2308 = arith.constant 0 : index
    %swap3A_2309 = vector.load %arg8[%swap3A_2306, %swap3A_2307, %swap3A_2308] : memref<14x256x128xf32, #tpu.memory_space<vmem>>, vector<1x8x128xf32>
    %swap3A_2310 = vector.shape_cast %swap3A_2309 : vector<1x8x128xf32> to vector<8x128xf32>
    %swap3A_2311 = vector.shape_cast %slice3A_2305 : vector<8x128xf32> to vector<1x8x128xf32>
    tpu.vector_store %arg8[%swap3A_2306, %swap3A_2307, %swap3A_2308], %swap3A_2311 {strides = array<i32>} : memref<14x256x128xf32, #tpu.memory_space<vmem>>, vector<1x8x128xf32>,
    %slice3A_2312 = vector.extract_strided_slice %dot_general3A_2269 {offsets = [48, 0], sizes = [8, 128], strides = [1, 1]} : vector<112x128xf32> to vector<8x128xf32>
    %swap3A_2313 = arith.constant 6 : index
    %swap3A_2314 = arith.constant 160 : index
    %swap3A_2315 = arith.constant 0 : index
    %swap3A_2316 = vector.load %arg8[%swap3A_2313, %swap3A_2314, %swap3A_2315] : memref<14x256x128xf32, #tpu.memory_space<vmem>>, vector<1x8x128xf32>
    %swap3A_2317 = vector.shape_cast %swap3A_2316 : vector<1x8x128xf32> to vector<8x128xf32>
    %swap3A_2318 = vector.shape_cast %slice3A_2312 : vector<8x128xf32> to vector<1x8x128xf32>
    tpu.vector_store %arg8[%swap3A_2313, %swap3A_2314, %swap3A_2315], %swap3A_2318 {strides = array<i32>} : memref<14x256x128xf32, #tpu.memory_space<vmem>>, vector<1x8x128xf32>,
    %slice3A_2319 = vector.extract_strided_slice %dot_general3A_2269 {offsets = [56, 0], sizes = [8, 128], strides = [1, 1]} : vector<112x128xf32> to vector<8x128xf32>
    %swap3A_2320 = arith.constant 7 : index
    %swap3A_2321 = arith.constant 160 : index
    %swap3A_2322 = arith.constant 0 : index
    %swap3A_2323 = vector.load %arg8[%swap3A_2320, %swap3A_2321, %swap3A_2322] : memref<14x256x128xf32, #tpu.memory_space<vmem>>, vector<1x8x128xf32>
    %swap3A_2324 = vector.shape_cast %swap3A_2323 : vector<1x8x128xf32> to vector<8x128xf32>
    %swap3A_2325 = vector.shape_cast %slice3A_2319 : vector<8x128xf32> to vector<1x8x128xf32>
    tpu.vector_store %arg8[%swap3A_2320, %swap3A_2321, %swap3A_2322], %swap3A_2325 {strides = array<i32>} : memref<14x256x128xf32, #tpu.memory_space<vmem>>, vector<1x8x128xf32>,
    %slice3A_2326 = vector.extract_strided_slice %dot_general3A_2269 {offsets = [64, 0], sizes = [8, 128], strides = [1, 1]} : vector<112x128xf32> to vector<8x128xf32>
    %swap3A_2327 = arith.constant 8 : index
    %swap3A_2328 = arith.constant 160 : index
    %swap3A_2329 = arith.constant 0 : index
    %swap3A_2330 = vector.load %arg8[%swap3A_2327, %swap3A_2328, %swap3A_2329] : memref<14x256x128xf32, #tpu.memory_space<vmem>>, vector<1x8x128xf32>
    %swap3A_2331 = vector.shape_cast %swap3A_2330 : vector<1x8x128xf32> to vector<8x128xf32>
    %swap3A_2332 = vector.shape_cast %slice3A_2326 : vector<8x128xf32> to vector<1x8x128xf32>
    tpu.vector_store %arg8[%swap3A_2327, %swap3A_2328, %swap3A_2329], %swap3A_2332 {strides = array<i32>} : memref<14x256x128xf32, #tpu.memory_space<vmem>>, vector<1x8x128xf32>,
    %slice3A_2333 = vector.extract_strided_slice %dot_general3A_2269 {offsets = [72, 0], sizes = [8, 128], strides = [1, 1]} : vector<112x128xf32> to vector<8x128xf32>
    %swap3A_2334 = arith.constant 9 : index
    %swap3A_2335 = arith.constant 160 : index
    %swap3A_2336 = arith.constant 0 : index
    %swap3A_2337 = vector.load %arg8[%swap3A_2334, %swap3A_2335, %swap3A_2336] : memref<14x256x128xf32, #tpu.memory_space<vmem>>, vector<1x8x128xf32>
    %swap3A_2338 = vector.shape_cast %swap3A_2337 : vector<1x8x128xf32> to vector<8x128xf32>
    %swap3A_2339 = vector.shape_cast %slice3A_2333 : vector<8x128xf32> to vector<1x8x128xf32>
    tpu.vector_store %arg8[%swap3A_2334, %swap3A_2335, %swap3A_2336], %swap3A_2339 {strides = array<i32>} : memref<14x256x128xf32, #tpu.memory_space<vmem>>, vector<1x8x128xf32>,
    %slice3A_2340 = vector.extract_strided_slice %dot_general3A_2269 {offsets = [80, 0], sizes = [8, 128], strides = [1, 1]} : vector<112x128xf32> to vector<8x128xf32>
    %swap3A_2341 = arith.constant 10 : index
    %swap3A_2342 = arith.constant 160 : index
    %swap3A_2343 = arith.constant 0 : index
    %swap3A_2344 = vector.load %arg8[%swap3A_2341, %swap3A_2342, %swap3A_2343] : memref<14x256x128xf32, #tpu.memory_space<vmem>>, vector<1x8x128xf32>
    %swap3A_2345 = vector.shape_cast %swap3A_2344 : vector<1x8x128xf32> to vector<8x128xf32>
    %swap3A_2346 = vector.shape_cast %slice3A_2340 : vector<8x128xf32> to vector<1x8x128xf32>
    tpu.vector_store %arg8[%swap3A_2341, %swap3A_2342, %swap3A_2343], %swap3A_2346 {strides = array<i32>} : memref<14x256x128xf32, #tpu.memory_space<vmem>>, vector<1x8x128xf32>,
    %slice3A_2347 = vector.extract_strided_slice %dot_general3A_2269 {offsets = [88, 0], sizes = [8, 128], strides = [1, 1]} : vector<112x128xf32> to vector<8x128xf32>
    %swap3A_2348 = arith.constant 11 : index
    %swap3A_2349 = arith.constant 160 : index
    %swap3A_2350 = arith.constant 0 : index
    %swap3A_2351 = vector.load %arg8[%swap3A_2348, %swap3A_2349, %swap3A_2350] : memref<14x256x128xf32, #tpu.memory_space<vmem>>, vector<1x8x128xf32>
    %swap3A_2352 = vector.shape_cast %swap3A_2351 : vector<1x8x128xf32> to vector<8x128xf32>
    %swap3A_2353 = vector.shape_cast %slice3A_2347 : vector<8x128xf32> to vector<1x8x128xf32>
    tpu.vector_store %arg8[%swap3A_2348, %swap3A_2349, %swap3A_2350], %swap3A_2353 {strides = array<i32>} : memref<14x256x128xf32, #tpu.memory_space<vmem>>, vector<1x8x128xf32>,
    %slice3A_2354 = vector.extract_strided_slice %dot_general3A_2269 {offsets = [96, 0], sizes = [8, 128], strides = [1, 1]} : vector<112x128xf32> to vector<8x128xf32>
    %swap3A_2355 = arith.constant 12 : index
    %swap3A_2356 = arith.constant 160 : index
    %swap3A_2357 = arith.constant 0 : index
    %swap3A_2358 = vector.load %arg8[%swap3A_2355, %swap3A_2356, %swap3A_2357] : memref<14x256x128xf32, #tpu.memory_space<vmem>>, vector<1x8x128xf32>
    %swap3A_2359 = vector.shape_cast %swap3A_2358 : vector<1x8x128xf32> to vector<8x128xf32>
    %swap3A_2360 = vector.shape_cast %slice3A_2354 : vector<8x128xf32> to vector<1x8x128xf32>
    tpu.vector_store %arg8[%swap3A_2355, %swap3A_2356, %swap3A_2357], %swap3A_2360 {strides = array<i32>} : memref<14x256x128xf32, #tpu.memory_space<vmem>>, vector<1x8x128xf32>,
    %slice3A_2361 = vector.extract_strided_slice %dot_general3A_2269 {offsets = [104, 0], sizes = [8, 128], strides = [1, 1]} : vector<112x128xf32> to vector<8x128xf32>
    %swap3A_2362 = arith.constant 13 : index
    %swap3A_2363 = arith.constant 160 : index
    %swap3A_2364 = arith.constant 0 : index
    %swap3A_2365 = vector.load %arg8[%swap3A_2362, %swap3A_2363, %swap3A_2364] : memref<14x256x128xf32, #tpu.memory_space<vmem>>, vector<1x8x128xf32>
    %swap3A_2366 = vector.shape_cast %swap3A_2365 : vector<1x8x128xf32> to vector<8x128xf32>
    %swap3A_2367 = vector.shape_cast %slice3A_2361 : vector<8x128xf32> to vector<1x8x128xf32>
    tpu.vector_store %arg8[%swap3A_2362, %swap3A_2363, %swap3A_2364], %swap3A_2367 {strides = array<i32>} : memref<14x256x128xf32, #tpu.memory_space<vmem>>, vector<1x8x128xf32>,
    %get3A_2368 = arith.constant 5376 : index
    %get3A_2369 = arith.constant 0 : index
    %get3A_2370 = vector.load %arg1[%get3A_2368, %get3A_2369] : memref<8192x128xf32, #tpu.memory_space<vmem>>, vector<256x128xf32>
    %convert_element_type3A_2371 = arith.truncf %get3A_2370 : vector<256x128xf32> to vector<256x128xbf16>
    %get3A_2372 = arith.constant 21 : index
    %get3A_2373 = arith.constant 0 : index
    %get3A_2374 = arith.constant 0 : index
    %get3A_2375 = arith.constant 0 : index
    %get3A_2376 = vector.load %arg2[%get3A_2372, %get3A_2373, %get3A_2374, %get3A_2375] : memref<32x14x8x32xbf16, #tpu.memory_space<vmem>>, vector<1x14x8x32xbf16>
    %get3A_2377 = vector.shape_cast %get3A_2376 : vector<1x14x8x32xbf16> to vector<14x8x32xbf16>
    %reshape3A_2378 = vector.shape_cast %get3A_2377 : vector<14x8x32xbf16> to vector<112x32xbf16>
    %concatenate3A_2379 = tpu.concatenate %reshape3A_2378, %reshape3A_2378, %reshape3A_2378, %reshape3A_2378, %reshape3A_2378, %reshape3A_2378, %reshape3A_2378, %reshape3A_2378 in 1 : vector<112x32xbf16>, vector<112x32xbf16>, vector<112x32xbf16>, vector<112x32xbf16>, vector<112x32xbf16>, vector<112x32xbf16>, vector<112x32xbf16>, vector<112x32xbf16> -> vector<112x256xbf16>
    %mul3A_2380 = arith.mulf %concatenate3A_2379, %get3A_1 : vector<112x256xbf16>
    %dot_general3A_2381 = arith.constant dense<0.000000e+00> : vector<112x128xf32>
    %dot_general3A_2382 = tpu.matmul %mul3A_2380, %convert_element_type3A_2371, %dot_general3A_2381 {dimension_numbers = #tpu.dot_dimension_numbers<[1], [0], [0], [1], [0, 0, 1, 1], [], []>, transpose_lhs_hint = false} : vector<112x256xbf16>, vector<256x128xbf16>, vector<112x128xf32> -> vector<112x128xf32>
    %slice3A_2383 = vector.extract_strided_slice %dot_general3A_2382 {offsets = [0, 0], sizes = [8, 128], strides = [1, 1]} : vector<112x128xf32> to vector<8x128xf32>
    %swap3A_2384 = arith.constant 0 : index
    %swap3A_2385 = arith.constant 168 : index
    %swap3A_2386 = arith.constant 0 : index
    %swap3A_2387 = vector.load %arg8[%swap3A_2384, %swap3A_2385, %swap3A_2386] : memref<14x256x128xf32, #tpu.memory_space<vmem>>, vector<1x8x128xf32>
    %swap3A_2388 = vector.shape_cast %swap3A_2387 : vector<1x8x128xf32> to vector<8x128xf32>
    %swap3A_2389 = vector.shape_cast %slice3A_2383 : vector<8x128xf32> to vector<1x8x128xf32>
    tpu.vector_store %arg8[%swap3A_2384, %swap3A_2385, %swap3A_2386], %swap3A_2389 {strides = array<i32>} : memref<14x256x128xf32, #tpu.memory_space<vmem>>, vector<1x8x128xf32>,
    %slice3A_2390 = vector.extract_strided_slice %dot_general3A_2382 {offsets = [8, 0], sizes = [8, 128], strides = [1, 1]} : vector<112x128xf32> to vector<8x128xf32>
    %swap3A_2391 = arith.constant 1 : index
    %swap3A_2392 = arith.constant 168 : index
    %swap3A_2393 = arith.constant 0 : index
    %swap3A_2394 = vector.load %arg8[%swap3A_2391, %swap3A_2392, %swap3A_2393] : memref<14x256x128xf32, #tpu.memory_space<vmem>>, vector<1x8x128xf32>
    %swap3A_2395 = vector.shape_cast %swap3A_2394 : vector<1x8x128xf32> to vector<8x128xf32>
    %swap3A_2396 = vector.shape_cast %slice3A_2390 : vector<8x128xf32> to vector<1x8x128xf32>
    tpu.vector_store %arg8[%swap3A_2391, %swap3A_2392, %swap3A_2393], %swap3A_2396 {strides = array<i32>} : memref<14x256x128xf32, #tpu.memory_space<vmem>>, vector<1x8x128xf32>,
    %slice3A_2397 = vector.extract_strided_slice %dot_general3A_2382 {offsets = [16, 0], sizes = [8, 128], strides = [1, 1]} : vector<112x128xf32> to vector<8x128xf32>
    %swap3A_2398 = arith.constant 2 : index
    %swap3A_2399 = arith.constant 168 : index
    %swap3A_2400 = arith.constant 0 : index
    %swap3A_2401 = vector.load %arg8[%swap3A_2398, %swap3A_2399, %swap3A_2400] : memref<14x256x128xf32, #tpu.memory_space<vmem>>, vector<1x8x128xf32>
    %swap3A_2402 = vector.shape_cast %swap3A_2401 : vector<1x8x128xf32> to vector<8x128xf32>
    %swap3A_2403 = vector.shape_cast %slice3A_2397 : vector<8x128xf32> to vector<1x8x128xf32>
    tpu.vector_store %arg8[%swap3A_2398, %swap3A_2399, %swap3A_2400], %swap3A_2403 {strides = array<i32>} : memref<14x256x128xf32, #tpu.memory_space<vmem>>, vector<1x8x128xf32>,
    %slice3A_2404 = vector.extract_strided_slice %dot_general3A_2382 {offsets = [24, 0], sizes = [8, 128], strides = [1, 1]} : vector<112x128xf32> to vector<8x128xf32>
    %swap3A_2405 = arith.constant 3 : index
    %swap3A_2406 = arith.constant 168 : index
    %swap3A_2407 = arith.constant 0 : index
    %swap3A_2408 = vector.load %arg8[%swap3A_2405, %swap3A_2406, %swap3A_2407] : memref<14x256x128xf32, #tpu.memory_space<vmem>>, vector<1x8x128xf32>
    %swap3A_2409 = vector.shape_cast %swap3A_2408 : vector<1x8x128xf32> to vector<8x128xf32>
    %swap3A_2410 = vector.shape_cast %slice3A_2404 : vector<8x128xf32> to vector<1x8x128xf32>
    tpu.vector_store %arg8[%swap3A_2405, %swap3A_2406, %swap3A_2407], %swap3A_2410 {strides = array<i32>} : memref<14x256x128xf32, #tpu.memory_space<vmem>>, vector<1x8x128xf32>,
    %slice3A_2411 = vector.extract_strided_slice %dot_general3A_2382 {offsets = [32, 0], sizes = [8, 128], strides = [1, 1]} : vector<112x128xf32> to vector<8x128xf32>
    %swap3A_2412 = arith.constant 4 : index
    %swap3A_2413 = arith.constant 168 : index
    %swap3A_2414 = arith.constant 0 : index
    %swap3A_2415 = vector.load %arg8[%swap3A_2412, %swap3A_2413, %swap3A_2414] : memref<14x256x128xf32, #tpu.memory_space<vmem>>, vector<1x8x128xf32>
    %swap3A_2416 = vector.shape_cast %swap3A_2415 : vector<1x8x128xf32> to vector<8x128xf32>
    %swap3A_2417 = vector.shape_cast %slice3A_2411 : vector<8x128xf32> to vector<1x8x128xf32>
    tpu.vector_store %arg8[%swap3A_2412, %swap3A_2413, %swap3A_2414], %swap3A_2417 {strides = array<i32>} : memref<14x256x128xf32, #tpu.memory_space<vmem>>, vector<1x8x128xf32>,
    %slice3A_2418 = vector.extract_strided_slice %dot_general3A_2382 {offsets = [40, 0], sizes = [8, 128], strides = [1, 1]} : vector<112x128xf32> to vector<8x128xf32>
    %swap3A_2419 = arith.constant 5 : index
    %swap3A_2420 = arith.constant 168 : index
    %swap3A_2421 = arith.constant 0 : index
    %swap3A_2422 = vector.load %arg8[%swap3A_2419, %swap3A_2420, %swap3A_2421] : memref<14x256x128xf32, #tpu.memory_space<vmem>>, vector<1x8x128xf32>
    %swap3A_2423 = vector.shape_cast %swap3A_2422 : vector<1x8x128xf32> to vector<8x128xf32>
    %swap3A_2424 = vector.shape_cast %slice3A_2418 : vector<8x128xf32> to vector<1x8x128xf32>
    tpu.vector_store %arg8[%swap3A_2419, %swap3A_2420, %swap3A_2421], %swap3A_2424 {strides = array<i32>} : memref<14x256x128xf32, #tpu.memory_space<vmem>>, vector<1x8x128xf32>,
    %slice3A_2425 = vector.extract_strided_slice %dot_general3A_2382 {offsets = [48, 0], sizes = [8, 128], strides = [1, 1]} : vector<112x128xf32> to vector<8x128xf32>
    %swap3A_2426 = arith.constant 6 : index
    %swap3A_2427 = arith.constant 168 : index
    %swap3A_2428 = arith.constant 0 : index
    %swap3A_2429 = vector.load %arg8[%swap3A_2426, %swap3A_2427, %swap3A_2428] : memref<14x256x128xf32, #tpu.memory_space<vmem>>, vector<1x8x128xf32>
    %swap3A_2430 = vector.shape_cast %swap3A_2429 : vector<1x8x128xf32> to vector<8x128xf32>
    %swap3A_2431 = vector.shape_cast %slice3A_2425 : vector<8x128xf32> to vector<1x8x128xf32>
    tpu.vector_store %arg8[%swap3A_2426, %swap3A_2427, %swap3A_2428], %swap3A_2431 {strides = array<i32>} : memref<14x256x128xf32, #tpu.memory_space<vmem>>, vector<1x8x128xf32>,
    %slice3A_2432 = vector.extract_strided_slice %dot_general3A_2382 {offsets = [56, 0], sizes = [8, 128], strides = [1, 1]} : vector<112x128xf32> to vector<8x128xf32>
    %swap3A_2433 = arith.constant 7 : index
    %swap3A_2434 = arith.constant 168 : index
    %swap3A_2435 = arith.constant 0 : index
    %swap3A_2436 = vector.load %arg8[%swap3A_2433, %swap3A_2434, %swap3A_2435] : memref<14x256x128xf32, #tpu.memory_space<vmem>>, vector<1x8x128xf32>
    %swap3A_2437 = vector.shape_cast %swap3A_2436 : vector<1x8x128xf32> to vector<8x128xf32>
    %swap3A_2438 = vector.shape_cast %slice3A_2432 : vector<8x128xf32> to vector<1x8x128xf32>
    tpu.vector_store %arg8[%swap3A_2433, %swap3A_2434, %swap3A_2435], %swap3A_2438 {strides = array<i32>} : memref<14x256x128xf32, #tpu.memory_space<vmem>>, vector<1x8x128xf32>,
    %slice3A_2439 = vector.extract_strided_slice %dot_general3A_2382 {offsets = [64, 0], sizes = [8, 128], strides = [1, 1]} : vector<112x128xf32> to vector<8x128xf32>
    %swap3A_2440 = arith.constant 8 : index
    %swap3A_2441 = arith.constant 168 : index
    %swap3A_2442 = arith.constant 0 : index
    %swap3A_2443 = vector.load %arg8[%swap3A_2440, %swap3A_2441, %swap3A_2442] : memref<14x256x128xf32, #tpu.memory_space<vmem>>, vector<1x8x128xf32>
    %swap3A_2444 = vector.shape_cast %swap3A_2443 : vector<1x8x128xf32> to vector<8x128xf32>
    %swap3A_2445 = vector.shape_cast %slice3A_2439 : vector<8x128xf32> to vector<1x8x128xf32>
    tpu.vector_store %arg8[%swap3A_2440, %swap3A_2441, %swap3A_2442], %swap3A_2445 {strides = array<i32>} : memref<14x256x128xf32, #tpu.memory_space<vmem>>, vector<1x8x128xf32>,
    %slice3A_2446 = vector.extract_strided_slice %dot_general3A_2382 {offsets = [72, 0], sizes = [8, 128], strides = [1, 1]} : vector<112x128xf32> to vector<8x128xf32>
    %swap3A_2447 = arith.constant 9 : index
    %swap3A_2448 = arith.constant 168 : index
    %swap3A_2449 = arith.constant 0 : index
    %swap3A_2450 = vector.load %arg8[%swap3A_2447, %swap3A_2448, %swap3A_2449] : memref<14x256x128xf32, #tpu.memory_space<vmem>>, vector<1x8x128xf32>
    %swap3A_2451 = vector.shape_cast %swap3A_2450 : vector<1x8x128xf32> to vector<8x128xf32>
    %swap3A_2452 = vector.shape_cast %slice3A_2446 : vector<8x128xf32> to vector<1x8x128xf32>
    tpu.vector_store %arg8[%swap3A_2447, %swap3A_2448, %swap3A_2449], %swap3A_2452 {strides = array<i32>} : memref<14x256x128xf32, #tpu.memory_space<vmem>>, vector<1x8x128xf32>,
    %slice3A_2453 = vector.extract_strided_slice %dot_general3A_2382 {offsets = [80, 0], sizes = [8, 128], strides = [1, 1]} : vector<112x128xf32> to vector<8x128xf32>
    %swap3A_2454 = arith.constant 10 : index
    %swap3A_2455 = arith.constant 168 : index
    %swap3A_2456 = arith.constant 0 : index
    %swap3A_2457 = vector.load %arg8[%swap3A_2454, %swap3A_2455, %swap3A_2456] : memref<14x256x128xf32, #tpu.memory_space<vmem>>, vector<1x8x128xf32>
    %swap3A_2458 = vector.shape_cast %swap3A_2457 : vector<1x8x128xf32> to vector<8x128xf32>
    %swap3A_2459 = vector.shape_cast %slice3A_2453 : vector<8x128xf32> to vector<1x8x128xf32>
    tpu.vector_store %arg8[%swap3A_2454, %swap3A_2455, %swap3A_2456], %swap3A_2459 {strides = array<i32>} : memref<14x256x128xf32, #tpu.memory_space<vmem>>, vector<1x8x128xf32>,
    %slice3A_2460 = vector.extract_strided_slice %dot_general3A_2382 {offsets = [88, 0], sizes = [8, 128], strides = [1, 1]} : vector<112x128xf32> to vector<8x128xf32>
    %swap3A_2461 = arith.constant 11 : index
    %swap3A_2462 = arith.constant 168 : index
    %swap3A_2463 = arith.constant 0 : index
    %swap3A_2464 = vector.load %arg8[%swap3A_2461, %swap3A_2462, %swap3A_2463] : memref<14x256x128xf32, #tpu.memory_space<vmem>>, vector<1x8x128xf32>
    %swap3A_2465 = vector.shape_cast %swap3A_2464 : vector<1x8x128xf32> to vector<8x128xf32>
    %swap3A_2466 = vector.shape_cast %slice3A_2460 : vector<8x128xf32> to vector<1x8x128xf32>
    tpu.vector_store %arg8[%swap3A_2461, %swap3A_2462, %swap3A_2463], %swap3A_2466 {strides = array<i32>} : memref<14x256x128xf32, #tpu.memory_space<vmem>>, vector<1x8x128xf32>,
    %slice3A_2467 = vector.extract_strided_slice %dot_general3A_2382 {offsets = [96, 0], sizes = [8, 128], strides = [1, 1]} : vector<112x128xf32> to vector<8x128xf32>
    %swap3A_2468 = arith.constant 12 : index
    %swap3A_2469 = arith.constant 168 : index
    %swap3A_2470 = arith.constant 0 : index
    %swap3A_2471 = vector.load %arg8[%swap3A_2468, %swap3A_2469, %swap3A_2470] : memref<14x256x128xf32, #tpu.memory_space<vmem>>, vector<1x8x128xf32>
    %swap3A_2472 = vector.shape_cast %swap3A_2471 : vector<1x8x128xf32> to vector<8x128xf32>
    %swap3A_2473 = vector.shape_cast %slice3A_2467 : vector<8x128xf32> to vector<1x8x128xf32>
    tpu.vector_store %arg8[%swap3A_2468, %swap3A_2469, %swap3A_2470], %swap3A_2473 {strides = array<i32>} : memref<14x256x128xf32, #tpu.memory_space<vmem>>, vector<1x8x128xf32>,
    %slice3A_2474 = vector.extract_strided_slice %dot_general3A_2382 {offsets = [104, 0], sizes = [8, 128], strides = [1, 1]} : vector<112x128xf32> to vector<8x128xf32>
    %swap3A_2475 = arith.constant 13 : index
    %swap3A_2476 = arith.constant 168 : index
    %swap3A_2477 = arith.constant 0 : index
    %swap3A_2478 = vector.load %arg8[%swap3A_2475, %swap3A_2476, %swap3A_2477] : memref<14x256x128xf32, #tpu.memory_space<vmem>>, vector<1x8x128xf32>
    %swap3A_2479 = vector.shape_cast %swap3A_2478 : vector<1x8x128xf32> to vector<8x128xf32>
    %swap3A_2480 = vector.shape_cast %slice3A_2474 : vector<8x128xf32> to vector<1x8x128xf32>
    tpu.vector_store %arg8[%swap3A_2475, %swap3A_2476, %swap3A_2477], %swap3A_2480 {strides = array<i32>} : memref<14x256x128xf32, #tpu.memory_space<vmem>>, vector<1x8x128xf32>,
    %get3A_2481 = arith.constant 5632 : index
    %get3A_2482 = arith.constant 0 : index
    %get3A_2483 = vector.load %arg1[%get3A_2481, %get3A_2482] : memref<8192x128xf32, #tpu.memory_space<vmem>>, vector<256x128xf32>
    %convert_element_type3A_2484 = arith.truncf %get3A_2483 : vector<256x128xf32> to vector<256x128xbf16>
    %get3A_2485 = arith.constant 22 : index
    %get3A_2486 = arith.constant 0 : index
    %get3A_2487 = arith.constant 0 : index
    %get3A_2488 = arith.constant 0 : index
    %get3A_2489 = vector.load %arg2[%get3A_2485, %get3A_2486, %get3A_2487, %get3A_2488] : memref<32x14x8x32xbf16, #tpu.memory_space<vmem>>, vector<1x14x8x32xbf16>
    %get3A_2490 = vector.shape_cast %get3A_2489 : vector<1x14x8x32xbf16> to vector<14x8x32xbf16>
    %reshape3A_2491 = vector.shape_cast %get3A_2490 : vector<14x8x32xbf16> to vector<112x32xbf16>
    %concatenate3A_2492 = tpu.concatenate %reshape3A_2491, %reshape3A_2491, %reshape3A_2491, %reshape3A_2491, %reshape3A_2491, %reshape3A_2491, %reshape3A_2491, %reshape3A_2491 in 1 : vector<112x32xbf16>, vector<112x32xbf16>, vector<112x32xbf16>, vector<112x32xbf16>, vector<112x32xbf16>, vector<112x32xbf16>, vector<112x32xbf16>, vector<112x32xbf16> -> vector<112x256xbf16>
    %mul3A_2493 = arith.mulf %concatenate3A_2492, %get3A_1 : vector<112x256xbf16>
    %dot_general3A_2494 = arith.constant dense<0.000000e+00> : vector<112x128xf32>
    %dot_general3A_2495 = tpu.matmul %mul3A_2493, %convert_element_type3A_2484, %dot_general3A_2494 {dimension_numbers = #tpu.dot_dimension_numbers<[1], [0], [0], [1], [0, 0, 1, 1], [], []>, transpose_lhs_hint = false} : vector<112x256xbf16>, vector<256x128xbf16>, vector<112x128xf32> -> vector<112x128xf32>
    %slice3A_2496 = vector.extract_strided_slice %dot_general3A_2495 {offsets = [0, 0], sizes = [8, 128], strides = [1, 1]} : vector<112x128xf32> to vector<8x128xf32>
    %swap3A_2497 = arith.constant 0 : index
    %swap3A_2498 = arith.constant 176 : index
    %swap3A_2499 = arith.constant 0 : index
    %swap3A_2500 = vector.load %arg8[%swap3A_2497, %swap3A_2498, %swap3A_2499] : memref<14x256x128xf32, #tpu.memory_space<vmem>>, vector<1x8x128xf32>
    %swap3A_2501 = vector.shape_cast %swap3A_2500 : vector<1x8x128xf32> to vector<8x128xf32>
    %swap3A_2502 = vector.shape_cast %slice3A_2496 : vector<8x128xf32> to vector<1x8x128xf32>
    tpu.vector_store %arg8[%swap3A_2497, %swap3A_2498, %swap3A_2499], %swap3A_2502 {strides = array<i32>} : memref<14x256x128xf32, #tpu.memory_space<vmem>>, vector<1x8x128xf32>,
    %slice3A_2503 = vector.extract_strided_slice %dot_general3A_2495 {offsets = [8, 0], sizes = [8, 128], strides = [1, 1]} : vector<112x128xf32> to vector<8x128xf32>
    %swap3A_2504 = arith.constant 1 : index
    %swap3A_2505 = arith.constant 176 : index
    %swap3A_2506 = arith.constant 0 : index
    %swap3A_2507 = vector.load %arg8[%swap3A_2504, %swap3A_2505, %swap3A_2506] : memref<14x256x128xf32, #tpu.memory_space<vmem>>, vector<1x8x128xf32>
    %swap3A_2508 = vector.shape_cast %swap3A_2507 : vector<1x8x128xf32> to vector<8x128xf32>
    %swap3A_2509 = vector.shape_cast %slice3A_2503 : vector<8x128xf32> to vector<1x8x128xf32>
    tpu.vector_store %arg8[%swap3A_2504, %swap3A_2505, %swap3A_2506], %swap3A_2509 {strides = array<i32>} : memref<14x256x128xf32, #tpu.memory_space<vmem>>, vector<1x8x128xf32>,
    %slice3A_2510 = vector.extract_strided_slice %dot_general3A_2495 {offsets = [16, 0], sizes = [8, 128], strides = [1, 1]} : vector<112x128xf32> to vector<8x128xf32>
    %swap3A_2511 = arith.constant 2 : index
    %swap3A_2512 = arith.constant 176 : index
    %swap3A_2513 = arith.constant 0 : index
    %swap3A_2514 = vector.load %arg8[%swap3A_2511, %swap3A_2512, %swap3A_2513] : memref<14x256x128xf32, #tpu.memory_space<vmem>>, vector<1x8x128xf32>
    %swap3A_2515 = vector.shape_cast %swap3A_2514 : vector<1x8x128xf32> to vector<8x128xf32>
    %swap3A_2516 = vector.shape_cast %slice3A_2510 : vector<8x128xf32> to vector<1x8x128xf32>
    tpu.vector_store %arg8[%swap3A_2511, %swap3A_2512, %swap3A_2513], %swap3A_2516 {strides = array<i32>} : memref<14x256x128xf32, #tpu.memory_space<vmem>>, vector<1x8x128xf32>,
    %slice3A_2517 = vector.extract_strided_slice %dot_general3A_2495 {offsets = [24, 0], sizes = [8, 128], strides = [1, 1]} : vector<112x128xf32> to vector<8x128xf32>
    %swap3A_2518 = arith.constant 3 : index
    %swap3A_2519 = arith.constant 176 : index
    %swap3A_2520 = arith.constant 0 : index
    %swap3A_2521 = vector.load %arg8[%swap3A_2518, %swap3A_2519, %swap3A_2520] : memref<14x256x128xf32, #tpu.memory_space<vmem>>, vector<1x8x128xf32>
    %swap3A_2522 = vector.shape_cast %swap3A_2521 : vector<1x8x128xf32> to vector<8x128xf32>
    %swap3A_2523 = vector.shape_cast %slice3A_2517 : vector<8x128xf32> to vector<1x8x128xf32>
    tpu.vector_store %arg8[%swap3A_2518, %swap3A_2519, %swap3A_2520], %swap3A_2523 {strides = array<i32>} : memref<14x256x128xf32, #tpu.memory_space<vmem>>, vector<1x8x128xf32>,
    %slice3A_2524 = vector.extract_strided_slice %dot_general3A_2495 {offsets = [32, 0], sizes = [8, 128], strides = [1, 1]} : vector<112x128xf32> to vector<8x128xf32>
    %swap3A_2525 = arith.constant 4 : index
    %swap3A_2526 = arith.constant 176 : index
    %swap3A_2527 = arith.constant 0 : index
    %swap3A_2528 = vector.load %arg8[%swap3A_2525, %swap3A_2526, %swap3A_2527] : memref<14x256x128xf32, #tpu.memory_space<vmem>>, vector<1x8x128xf32>
    %swap3A_2529 = vector.shape_cast %swap3A_2528 : vector<1x8x128xf32> to vector<8x128xf32>
    %swap3A_2530 = vector.shape_cast %slice3A_2524 : vector<8x128xf32> to vector<1x8x128xf32>
    tpu.vector_store %arg8[%swap3A_2525, %swap3A_2526, %swap3A_2527], %swap3A_2530 {strides = array<i32>} : memref<14x256x128xf32, #tpu.memory_space<vmem>>, vector<1x8x128xf32>,
    %slice3A_2531 = vector.extract_strided_slice %dot_general3A_2495 {offsets = [40, 0], sizes = [8, 128], strides = [1, 1]} : vector<112x128xf32> to vector<8x128xf32>
    %swap3A_2532 = arith.constant 5 : index
    %swap3A_2533 = arith.constant 176 : index
    %swap3A_2534 = arith.constant 0 : index
    %swap3A_2535 = vector.load %arg8[%swap3A_2532, %swap3A_2533, %swap3A_2534] : memref<14x256x128xf32, #tpu.memory_space<vmem>>, vector<1x8x128xf32>
    %swap3A_2536 = vector.shape_cast %swap3A_2535 : vector<1x8x128xf32> to vector<8x128xf32>
    %swap3A_2537 = vector.shape_cast %slice3A_2531 : vector<8x128xf32> to vector<1x8x128xf32>
    tpu.vector_store %arg8[%swap3A_2532, %swap3A_2533, %swap3A_2534], %swap3A_2537 {strides = array<i32>} : memref<14x256x128xf32, #tpu.memory_space<vmem>>, vector<1x8x128xf32>,
    %slice3A_2538 = vector.extract_strided_slice %dot_general3A_2495 {offsets = [48, 0], sizes = [8, 128], strides = [1, 1]} : vector<112x128xf32> to vector<8x128xf32>
    %swap3A_2539 = arith.constant 6 : index
    %swap3A_2540 = arith.constant 176 : index
    %swap3A_2541 = arith.constant 0 : index
    %swap3A_2542 = vector.load %arg8[%swap3A_2539, %swap3A_2540, %swap3A_2541] : memref<14x256x128xf32, #tpu.memory_space<vmem>>, vector<1x8x128xf32>
    %swap3A_2543 = vector.shape_cast %swap3A_2542 : vector<1x8x128xf32> to vector<8x128xf32>
    %swap3A_2544 = vector.shape_cast %slice3A_2538 : vector<8x128xf32> to vector<1x8x128xf32>
    tpu.vector_store %arg8[%swap3A_2539, %swap3A_2540, %swap3A_2541], %swap3A_2544 {strides = array<i32>} : memref<14x256x128xf32, #tpu.memory_space<vmem>>, vector<1x8x128xf32>,
    %slice3A_2545 = vector.extract_strided_slice %dot_general3A_2495 {offsets = [56, 0], sizes = [8, 128], strides = [1, 1]} : vector<112x128xf32> to vector<8x128xf32>
    %swap3A_2546 = arith.constant 7 : index
    %swap3A_2547 = arith.constant 176 : index
    %swap3A_2548 = arith.constant 0 : index
    %swap3A_2549 = vector.load %arg8[%swap3A_2546, %swap3A_2547, %swap3A_2548] : memref<14x256x128xf32, #tpu.memory_space<vmem>>, vector<1x8x128xf32>
    %swap3A_2550 = vector.shape_cast %swap3A_2549 : vector<1x8x128xf32> to vector<8x128xf32>
    %swap3A_2551 = vector.shape_cast %slice3A_2545 : vector<8x128xf32> to vector<1x8x128xf32>
    tpu.vector_store %arg8[%swap3A_2546, %swap3A_2547, %swap3A_2548], %swap3A_2551 {strides = array<i32>} : memref<14x256x128xf32, #tpu.memory_space<vmem>>, vector<1x8x128xf32>,
    %slice3A_2552 = vector.extract_strided_slice %dot_general3A_2495 {offsets = [64, 0], sizes = [8, 128], strides = [1, 1]} : vector<112x128xf32> to vector<8x128xf32>
    %swap3A_2553 = arith.constant 8 : index
    %swap3A_2554 = arith.constant 176 : index
    %swap3A_2555 = arith.constant 0 : index
    %swap3A_2556 = vector.load %arg8[%swap3A_2553, %swap3A_2554, %swap3A_2555] : memref<14x256x128xf32, #tpu.memory_space<vmem>>, vector<1x8x128xf32>
    %swap3A_2557 = vector.shape_cast %swap3A_2556 : vector<1x8x128xf32> to vector<8x128xf32>
    %swap3A_2558 = vector.shape_cast %slice3A_2552 : vector<8x128xf32> to vector<1x8x128xf32>
    tpu.vector_store %arg8[%swap3A_2553, %swap3A_2554, %swap3A_2555], %swap3A_2558 {strides = array<i32>} : memref<14x256x128xf32, #tpu.memory_space<vmem>>, vector<1x8x128xf32>,
    %slice3A_2559 = vector.extract_strided_slice %dot_general3A_2495 {offsets = [72, 0], sizes = [8, 128], strides = [1, 1]} : vector<112x128xf32> to vector<8x128xf32>
    %swap3A_2560 = arith.constant 9 : index
    %swap3A_2561 = arith.constant 176 : index
    %swap3A_2562 = arith.constant 0 : index
    %swap3A_2563 = vector.load %arg8[%swap3A_2560, %swap3A_2561, %swap3A_2562] : memref<14x256x128xf32, #tpu.memory_space<vmem>>, vector<1x8x128xf32>
    %swap3A_2564 = vector.shape_cast %swap3A_2563 : vector<1x8x128xf32> to vector<8x128xf32>
    %swap3A_2565 = vector.shape_cast %slice3A_2559 : vector<8x128xf32> to vector<1x8x128xf32>
    tpu.vector_store %arg8[%swap3A_2560, %swap3A_2561, %swap3A_2562], %swap3A_2565 {strides = array<i32>} : memref<14x256x128xf32, #tpu.memory_space<vmem>>, vector<1x8x128xf32>,
    %slice3A_2566 = vector.extract_strided_slice %dot_general3A_2495 {offsets = [80, 0], sizes = [8, 128], strides = [1, 1]} : vector<112x128xf32> to vector<8x128xf32>
    %swap3A_2567 = arith.constant 10 : index
    %swap3A_2568 = arith.constant 176 : index
    %swap3A_2569 = arith.constant 0 : index
    %swap3A_2570 = vector.load %arg8[%swap3A_2567, %swap3A_2568, %swap3A_2569] : memref<14x256x128xf32, #tpu.memory_space<vmem>>, vector<1x8x128xf32>
    %swap3A_2571 = vector.shape_cast %swap3A_2570 : vector<1x8x128xf32> to vector<8x128xf32>
    %swap3A_2572 = vector.shape_cast %slice3A_2566 : vector<8x128xf32> to vector<1x8x128xf32>
    tpu.vector_store %arg8[%swap3A_2567, %swap3A_2568, %swap3A_2569], %swap3A_2572 {strides = array<i32>} : memref<14x256x128xf32, #tpu.memory_space<vmem>>, vector<1x8x128xf32>,
    %slice3A_2573 = vector.extract_strided_slice %dot_general3A_2495 {offsets = [88, 0], sizes = [8, 128], strides = [1, 1]} : vector<112x128xf32> to vector<8x128xf32>
    %swap3A_2574 = arith.constant 11 : index
    %swap3A_2575 = arith.constant 176 : index
    %swap3A_2576 = arith.constant 0 : index
    %swap3A_2577 = vector.load %arg8[%swap3A_2574, %swap3A_2575, %swap3A_2576] : memref<14x256x128xf32, #tpu.memory_space<vmem>>, vector<1x8x128xf32>
    %swap3A_2578 = vector.shape_cast %swap3A_2577 : vector<1x8x128xf32> to vector<8x128xf32>
    %swap3A_2579 = vector.shape_cast %slice3A_2573 : vector<8x128xf32> to vector<1x8x128xf32>
    tpu.vector_store %arg8[%swap3A_2574, %swap3A_2575, %swap3A_2576], %swap3A_2579 {strides = array<i32>} : memref<14x256x128xf32, #tpu.memory_space<vmem>>, vector<1x8x128xf32>,
    %slice3A_2580 = vector.extract_strided_slice %dot_general3A_2495 {offsets = [96, 0], sizes = [8, 128], strides = [1, 1]} : vector<112x128xf32> to vector<8x128xf32>
    %swap3A_2581 = arith.constant 12 : index
    %swap3A_2582 = arith.constant 176 : index
    %swap3A_2583 = arith.constant 0 : index
    %swap3A_2584 = vector.load %arg8[%swap3A_2581, %swap3A_2582, %swap3A_2583] : memref<14x256x128xf32, #tpu.memory_space<vmem>>, vector<1x8x128xf32>
    %swap3A_2585 = vector.shape_cast %swap3A_2584 : vector<1x8x128xf32> to vector<8x128xf32>
    %swap3A_2586 = vector.shape_cast %slice3A_2580 : vector<8x128xf32> to vector<1x8x128xf32>
    tpu.vector_store %arg8[%swap3A_2581, %swap3A_2582, %swap3A_2583], %swap3A_2586 {strides = array<i32>} : memref<14x256x128xf32, #tpu.memory_space<vmem>>, vector<1x8x128xf32>,
    %slice3A_2587 = vector.extract_strided_slice %dot_general3A_2495 {offsets = [104, 0], sizes = [8, 128], strides = [1, 1]} : vector<112x128xf32> to vector<8x128xf32>
    %swap3A_2588 = arith.constant 13 : index
    %swap3A_2589 = arith.constant 176 : index
    %swap3A_2590 = arith.constant 0 : index
    %swap3A_2591 = vector.load %arg8[%swap3A_2588, %swap3A_2589, %swap3A_2590] : memref<14x256x128xf32, #tpu.memory_space<vmem>>, vector<1x8x128xf32>
    %swap3A_2592 = vector.shape_cast %swap3A_2591 : vector<1x8x128xf32> to vector<8x128xf32>
    %swap3A_2593 = vector.shape_cast %slice3A_2587 : vector<8x128xf32> to vector<1x8x128xf32>
    tpu.vector_store %arg8[%swap3A_2588, %swap3A_2589, %swap3A_2590], %swap3A_2593 {strides = array<i32>} : memref<14x256x128xf32, #tpu.memory_space<vmem>>, vector<1x8x128xf32>,
    %get3A_2594 = arith.constant 5888 : index
    %get3A_2595 = arith.constant 0 : index
    %get3A_2596 = vector.load %arg1[%get3A_2594, %get3A_2595] : memref<8192x128xf32, #tpu.memory_space<vmem>>, vector<256x128xf32>
    %convert_element_type3A_2597 = arith.truncf %get3A_2596 : vector<256x128xf32> to vector<256x128xbf16>
    %get3A_2598 = arith.constant 23 : index
    %get3A_2599 = arith.constant 0 : index
    %get3A_2600 = arith.constant 0 : index
    %get3A_2601 = arith.constant 0 : index
    %get3A_2602 = vector.load %arg2[%get3A_2598, %get3A_2599, %get3A_2600, %get3A_2601] : memref<32x14x8x32xbf16, #tpu.memory_space<vmem>>, vector<1x14x8x32xbf16>
    %get3A_2603 = vector.shape_cast %get3A_2602 : vector<1x14x8x32xbf16> to vector<14x8x32xbf16>
    %reshape3A_2604 = vector.shape_cast %get3A_2603 : vector<14x8x32xbf16> to vector<112x32xbf16>
    %concatenate3A_2605 = tpu.concatenate %reshape3A_2604, %reshape3A_2604, %reshape3A_2604, %reshape3A_2604, %reshape3A_2604, %reshape3A_2604, %reshape3A_2604, %reshape3A_2604 in 1 : vector<112x32xbf16>, vector<112x32xbf16>, vector<112x32xbf16>, vector<112x32xbf16>, vector<112x32xbf16>, vector<112x32xbf16>, vector<112x32xbf16>, vector<112x32xbf16> -> vector<112x256xbf16>
    %mul3A_2606 = arith.mulf %concatenate3A_2605, %get3A_1 : vector<112x256xbf16>
    %dot_general3A_2607 = arith.constant dense<0.000000e+00> : vector<112x128xf32>
    %dot_general3A_2608 = tpu.matmul %mul3A_2606, %convert_element_type3A_2597, %dot_general3A_2607 {dimension_numbers = #tpu.dot_dimension_numbers<[1], [0], [0], [1], [0, 0, 1, 1], [], []>, transpose_lhs_hint = false} : vector<112x256xbf16>, vector<256x128xbf16>, vector<112x128xf32> -> vector<112x128xf32>
    %slice3A_2609 = vector.extract_strided_slice %dot_general3A_2608 {offsets = [0, 0], sizes = [8, 128], strides = [1, 1]} : vector<112x128xf32> to vector<8x128xf32>
    %swap3A_2610 = arith.constant 0 : index
    %swap3A_2611 = arith.constant 184 : index
    %swap3A_2612 = arith.constant 0 : index
    %swap3A_2613 = vector.load %arg8[%swap3A_2610, %swap3A_2611, %swap3A_2612] : memref<14x256x128xf32, #tpu.memory_space<vmem>>, vector<1x8x128xf32>
    %swap3A_2614 = vector.shape_cast %swap3A_2613 : vector<1x8x128xf32> to vector<8x128xf32>
    %swap3A_2615 = vector.shape_cast %slice3A_2609 : vector<8x128xf32> to vector<1x8x128xf32>
    tpu.vector_store %arg8[%swap3A_2610, %swap3A_2611, %swap3A_2612], %swap3A_2615 {strides = array<i32>} : memref<14x256x128xf32, #tpu.memory_space<vmem>>, vector<1x8x128xf32>,
    %slice3A_2616 = vector.extract_strided_slice %dot_general3A_2608 {offsets = [8, 0], sizes = [8, 128], strides = [1, 1]} : vector<112x128xf32> to vector<8x128xf32>
    %swap3A_2617 = arith.constant 1 : index
    %swap3A_2618 = arith.constant 184 : index
    %swap3A_2619 = arith.constant 0 : index
    %swap3A_2620 = vector.load %arg8[%swap3A_2617, %swap3A_2618, %swap3A_2619] : memref<14x256x128xf32, #tpu.memory_space<vmem>>, vector<1x8x128xf32>
    %swap3A_2621 = vector.shape_cast %swap3A_2620 : vector<1x8x128xf32> to vector<8x128xf32>
    %swap3A_2622 = vector.shape_cast %slice3A_2616 : vector<8x128xf32> to vector<1x8x128xf32>
    tpu.vector_store %arg8[%swap3A_2617, %swap3A_2618, %swap3A_2619], %swap3A_2622 {strides = array<i32>} : memref<14x256x128xf32, #tpu.memory_space<vmem>>, vector<1x8x128xf32>,
    %slice3A_2623 = vector.extract_strided_slice %dot_general3A_2608 {offsets = [16, 0], sizes = [8, 128], strides = [1, 1]} : vector<112x128xf32> to vector<8x128xf32>
    %swap3A_2624 = arith.constant 2 : index
    %swap3A_2625 = arith.constant 184 : index
    %swap3A_2626 = arith.constant 0 : index
    %swap3A_2627 = vector.load %arg8[%swap3A_2624, %swap3A_2625, %swap3A_2626] : memref<14x256x128xf32, #tpu.memory_space<vmem>>, vector<1x8x128xf32>
    %swap3A_2628 = vector.shape_cast %swap3A_2627 : vector<1x8x128xf32> to vector<8x128xf32>
    %swap3A_2629 = vector.shape_cast %slice3A_2623 : vector<8x128xf32> to vector<1x8x128xf32>
    tpu.vector_store %arg8[%swap3A_2624, %swap3A_2625, %swap3A_2626], %swap3A_2629 {strides = array<i32>} : memref<14x256x128xf32, #tpu.memory_space<vmem>>, vector<1x8x128xf32>,
    %slice3A_2630 = vector.extract_strided_slice %dot_general3A_2608 {offsets = [24, 0], sizes = [8, 128], strides = [1, 1]} : vector<112x128xf32> to vector<8x128xf32>
    %swap3A_2631 = arith.constant 3 : index
    %swap3A_2632 = arith.constant 184 : index
    %swap3A_2633 = arith.constant 0 : index
    %swap3A_2634 = vector.load %arg8[%swap3A_2631, %swap3A_2632, %swap3A_2633] : memref<14x256x128xf32, #tpu.memory_space<vmem>>, vector<1x8x128xf32>
    %swap3A_2635 = vector.shape_cast %swap3A_2634 : vector<1x8x128xf32> to vector<8x128xf32>
    %swap3A_2636 = vector.shape_cast %slice3A_2630 : vector<8x128xf32> to vector<1x8x128xf32>
    tpu.vector_store %arg8[%swap3A_2631, %swap3A_2632, %swap3A_2633], %swap3A_2636 {strides = array<i32>} : memref<14x256x128xf32, #tpu.memory_space<vmem>>, vector<1x8x128xf32>,
    %slice3A_2637 = vector.extract_strided_slice %dot_general3A_2608 {offsets = [32, 0], sizes = [8, 128], strides = [1, 1]} : vector<112x128xf32> to vector<8x128xf32>
    %swap3A_2638 = arith.constant 4 : index
    %swap3A_2639 = arith.constant 184 : index
    %swap3A_2640 = arith.constant 0 : index
    %swap3A_2641 = vector.load %arg8[%swap3A_2638, %swap3A_2639, %swap3A_2640] : memref<14x256x128xf32, #tpu.memory_space<vmem>>, vector<1x8x128xf32>
    %swap3A_2642 = vector.shape_cast %swap3A_2641 : vector<1x8x128xf32> to vector<8x128xf32>
    %swap3A_2643 = vector.shape_cast %slice3A_2637 : vector<8x128xf32> to vector<1x8x128xf32>
    tpu.vector_store %arg8[%swap3A_2638, %swap3A_2639, %swap3A_2640], %swap3A_2643 {strides = array<i32>} : memref<14x256x128xf32, #tpu.memory_space<vmem>>, vector<1x8x128xf32>,
    %slice3A_2644 = vector.extract_strided_slice %dot_general3A_2608 {offsets = [40, 0], sizes = [8, 128], strides = [1, 1]} : vector<112x128xf32> to vector<8x128xf32>
    %swap3A_2645 = arith.constant 5 : index
    %swap3A_2646 = arith.constant 184 : index
    %swap3A_2647 = arith.constant 0 : index
    %swap3A_2648 = vector.load %arg8[%swap3A_2645, %swap3A_2646, %swap3A_2647] : memref<14x256x128xf32, #tpu.memory_space<vmem>>, vector<1x8x128xf32>
    %swap3A_2649 = vector.shape_cast %swap3A_2648 : vector<1x8x128xf32> to vector<8x128xf32>
    %swap3A_2650 = vector.shape_cast %slice3A_2644 : vector<8x128xf32> to vector<1x8x128xf32>
    tpu.vector_store %arg8[%swap3A_2645, %swap3A_2646, %swap3A_2647], %swap3A_2650 {strides = array<i32>} : memref<14x256x128xf32, #tpu.memory_space<vmem>>, vector<1x8x128xf32>,
    %slice3A_2651 = vector.extract_strided_slice %dot_general3A_2608 {offsets = [48, 0], sizes = [8, 128], strides = [1, 1]} : vector<112x128xf32> to vector<8x128xf32>
    %swap3A_2652 = arith.constant 6 : index
    %swap3A_2653 = arith.constant 184 : index
    %swap3A_2654 = arith.constant 0 : index
    %swap3A_2655 = vector.load %arg8[%swap3A_2652, %swap3A_2653, %swap3A_2654] : memref<14x256x128xf32, #tpu.memory_space<vmem>>, vector<1x8x128xf32>
    %swap3A_2656 = vector.shape_cast %swap3A_2655 : vector<1x8x128xf32> to vector<8x128xf32>
    %swap3A_2657 = vector.shape_cast %slice3A_2651 : vector<8x128xf32> to vector<1x8x128xf32>
    tpu.vector_store %arg8[%swap3A_2652, %swap3A_2653, %swap3A_2654], %swap3A_2657 {strides = array<i32>} : memref<14x256x128xf32, #tpu.memory_space<vmem>>, vector<1x8x128xf32>,
    %slice3A_2658 = vector.extract_strided_slice %dot_general3A_2608 {offsets = [56, 0], sizes = [8, 128], strides = [1, 1]} : vector<112x128xf32> to vector<8x128xf32>
    %swap3A_2659 = arith.constant 7 : index
    %swap3A_2660 = arith.constant 184 : index
    %swap3A_2661 = arith.constant 0 : index
    %swap3A_2662 = vector.load %arg8[%swap3A_2659, %swap3A_2660, %swap3A_2661] : memref<14x256x128xf32, #tpu.memory_space<vmem>>, vector<1x8x128xf32>
    %swap3A_2663 = vector.shape_cast %swap3A_2662 : vector<1x8x128xf32> to vector<8x128xf32>
    %swap3A_2664 = vector.shape_cast %slice3A_2658 : vector<8x128xf32> to vector<1x8x128xf32>
    tpu.vector_store %arg8[%swap3A_2659, %swap3A_2660, %swap3A_2661], %swap3A_2664 {strides = array<i32>} : memref<14x256x128xf32, #tpu.memory_space<vmem>>, vector<1x8x128xf32>,
    %slice3A_2665 = vector.extract_strided_slice %dot_general3A_2608 {offsets = [64, 0], sizes = [8, 128], strides = [1, 1]} : vector<112x128xf32> to vector<8x128xf32>
    %swap3A_2666 = arith.constant 8 : index
    %swap3A_2667 = arith.constant 184 : index
    %swap3A_2668 = arith.constant 0 : index
    %swap3A_2669 = vector.load %arg8[%swap3A_2666, %swap3A_2667, %swap3A_2668] : memref<14x256x128xf32, #tpu.memory_space<vmem>>, vector<1x8x128xf32>
    %swap3A_2670 = vector.shape_cast %swap3A_2669 : vector<1x8x128xf32> to vector<8x128xf32>
    %swap3A_2671 = vector.shape_cast %slice3A_2665 : vector<8x128xf32> to vector<1x8x128xf32>
    tpu.vector_store %arg8[%swap3A_2666, %swap3A_2667, %swap3A_2668], %swap3A_2671 {strides = array<i32>} : memref<14x256x128xf32, #tpu.memory_space<vmem>>, vector<1x8x128xf32>,
    %slice3A_2672 = vector.extract_strided_slice %dot_general3A_2608 {offsets = [72, 0], sizes = [8, 128], strides = [1, 1]} : vector<112x128xf32> to vector<8x128xf32>
    %swap3A_2673 = arith.constant 9 : index
    %swap3A_2674 = arith.constant 184 : index
    %swap3A_2675 = arith.constant 0 : index
    %swap3A_2676 = vector.load %arg8[%swap3A_2673, %swap3A_2674, %swap3A_2675] : memref<14x256x128xf32, #tpu.memory_space<vmem>>, vector<1x8x128xf32>
    %swap3A_2677 = vector.shape_cast %swap3A_2676 : vector<1x8x128xf32> to vector<8x128xf32>
    %swap3A_2678 = vector.shape_cast %slice3A_2672 : vector<8x128xf32> to vector<1x8x128xf32>
    tpu.vector_store %arg8[%swap3A_2673, %swap3A_2674, %swap3A_2675], %swap3A_2678 {strides = array<i32>} : memref<14x256x128xf32, #tpu.memory_space<vmem>>, vector<1x8x128xf32>,
    %slice3A_2679 = vector.extract_strided_slice %dot_general3A_2608 {offsets = [80, 0], sizes = [8, 128], strides = [1, 1]} : vector<112x128xf32> to vector<8x128xf32>
    %swap3A_2680 = arith.constant 10 : index
    %swap3A_2681 = arith.constant 184 : index
    %swap3A_2682 = arith.constant 0 : index
    %swap3A_2683 = vector.load %arg8[%swap3A_2680, %swap3A_2681, %swap3A_2682] : memref<14x256x128xf32, #tpu.memory_space<vmem>>, vector<1x8x128xf32>
    %swap3A_2684 = vector.shape_cast %swap3A_2683 : vector<1x8x128xf32> to vector<8x128xf32>
    %swap3A_2685 = vector.shape_cast %slice3A_2679 : vector<8x128xf32> to vector<1x8x128xf32>
    tpu.vector_store %arg8[%swap3A_2680, %swap3A_2681, %swap3A_2682], %swap3A_2685 {strides = array<i32>} : memref<14x256x128xf32, #tpu.memory_space<vmem>>, vector<1x8x128xf32>,
    %slice3A_2686 = vector.extract_strided_slice %dot_general3A_2608 {offsets = [88, 0], sizes = [8, 128], strides = [1, 1]} : vector<112x128xf32> to vector<8x128xf32>
    %swap3A_2687 = arith.constant 11 : index
    %swap3A_2688 = arith.constant 184 : index
    %swap3A_2689 = arith.constant 0 : index
    %swap3A_2690 = vector.load %arg8[%swap3A_2687, %swap3A_2688, %swap3A_2689] : memref<14x256x128xf32, #tpu.memory_space<vmem>>, vector<1x8x128xf32>
    %swap3A_2691 = vector.shape_cast %swap3A_2690 : vector<1x8x128xf32> to vector<8x128xf32>
    %swap3A_2692 = vector.shape_cast %slice3A_2686 : vector<8x128xf32> to vector<1x8x128xf32>
    tpu.vector_store %arg8[%swap3A_2687, %swap3A_2688, %swap3A_2689], %swap3A_2692 {strides = array<i32>} : memref<14x256x128xf32, #tpu.memory_space<vmem>>, vector<1x8x128xf32>,
    %slice3A_2693 = vector.extract_strided_slice %dot_general3A_2608 {offsets = [96, 0], sizes = [8, 128], strides = [1, 1]} : vector<112x128xf32> to vector<8x128xf32>
    %swap3A_2694 = arith.constant 12 : index
    %swap3A_2695 = arith.constant 184 : index
    %swap3A_2696 = arith.constant 0 : index
    %swap3A_2697 = vector.load %arg8[%swap3A_2694, %swap3A_2695, %swap3A_2696] : memref<14x256x128xf32, #tpu.memory_space<vmem>>, vector<1x8x128xf32>
    %swap3A_2698 = vector.shape_cast %swap3A_2697 : vector<1x8x128xf32> to vector<8x128xf32>
    %swap3A_2699 = vector.shape_cast %slice3A_2693 : vector<8x128xf32> to vector<1x8x128xf32>
    tpu.vector_store %arg8[%swap3A_2694, %swap3A_2695, %swap3A_2696], %swap3A_2699 {strides = array<i32>} : memref<14x256x128xf32, #tpu.memory_space<vmem>>, vector<1x8x128xf32>,
    %slice3A_2700 = vector.extract_strided_slice %dot_general3A_2608 {offsets = [104, 0], sizes = [8, 128], strides = [1, 1]} : vector<112x128xf32> to vector<8x128xf32>
    %swap3A_2701 = arith.constant 13 : index
    %swap3A_2702 = arith.constant 184 : index
    %swap3A_2703 = arith.constant 0 : index
    %swap3A_2704 = vector.load %arg8[%swap3A_2701, %swap3A_2702, %swap3A_2703] : memref<14x256x128xf32, #tpu.memory_space<vmem>>, vector<1x8x128xf32>
    %swap3A_2705 = vector.shape_cast %swap3A_2704 : vector<1x8x128xf32> to vector<8x128xf32>
    %swap3A_2706 = vector.shape_cast %slice3A_2700 : vector<8x128xf32> to vector<1x8x128xf32>
    tpu.vector_store %arg8[%swap3A_2701, %swap3A_2702, %swap3A_2703], %swap3A_2706 {strides = array<i32>} : memref<14x256x128xf32, #tpu.memory_space<vmem>>, vector<1x8x128xf32>,
    %get3A_2707 = arith.constant 6144 : index
    %get3A_2708 = arith.constant 0 : index
    %get3A_2709 = vector.load %arg1[%get3A_2707, %get3A_2708] : memref<8192x128xf32, #tpu.memory_space<vmem>>, vector<256x128xf32>
    %convert_element_type3A_2710 = arith.truncf %get3A_2709 : vector<256x128xf32> to vector<256x128xbf16>
    %get3A_2711 = arith.constant 24 : index
    %get3A_2712 = arith.constant 0 : index
    %get3A_2713 = arith.constant 0 : index
    %get3A_2714 = arith.constant 0 : index
    %get3A_2715 = vector.load %arg2[%get3A_2711, %get3A_2712, %get3A_2713, %get3A_2714] : memref<32x14x8x32xbf16, #tpu.memory_space<vmem>>, vector<1x14x8x32xbf16>
    %get3A_2716 = vector.shape_cast %get3A_2715 : vector<1x14x8x32xbf16> to vector<14x8x32xbf16>
    %reshape3A_2717 = vector.shape_cast %get3A_2716 : vector<14x8x32xbf16> to vector<112x32xbf16>
    %concatenate3A_2718 = tpu.concatenate %reshape3A_2717, %reshape3A_2717, %reshape3A_2717, %reshape3A_2717, %reshape3A_2717, %reshape3A_2717, %reshape3A_2717, %reshape3A_2717 in 1 : vector<112x32xbf16>, vector<112x32xbf16>, vector<112x32xbf16>, vector<112x32xbf16>, vector<112x32xbf16>, vector<112x32xbf16>, vector<112x32xbf16>, vector<112x32xbf16> -> vector<112x256xbf16>
    %mul3A_2719 = arith.mulf %concatenate3A_2718, %get3A_1 : vector<112x256xbf16>
    %dot_general3A_2720 = arith.constant dense<0.000000e+00> : vector<112x128xf32>
    %dot_general3A_2721 = tpu.matmul %mul3A_2719, %convert_element_type3A_2710, %dot_general3A_2720 {dimension_numbers = #tpu.dot_dimension_numbers<[1], [0], [0], [1], [0, 0, 1, 1], [], []>, transpose_lhs_hint = false} : vector<112x256xbf16>, vector<256x128xbf16>, vector<112x128xf32> -> vector<112x128xf32>
    %slice3A_2722 = vector.extract_strided_slice %dot_general3A_2721 {offsets = [0, 0], sizes = [8, 128], strides = [1, 1]} : vector<112x128xf32> to vector<8x128xf32>
    %swap3A_2723 = arith.constant 0 : index
    %swap3A_2724 = arith.constant 192 : index
    %swap3A_2725 = arith.constant 0 : index
    %swap3A_2726 = vector.load %arg8[%swap3A_2723, %swap3A_2724, %swap3A_2725] : memref<14x256x128xf32, #tpu.memory_space<vmem>>, vector<1x8x128xf32>
    %swap3A_2727 = vector.shape_cast %swap3A_2726 : vector<1x8x128xf32> to vector<8x128xf32>
    %swap3A_2728 = vector.shape_cast %slice3A_2722 : vector<8x128xf32> to vector<1x8x128xf32>
    tpu.vector_store %arg8[%swap3A_2723, %swap3A_2724, %swap3A_2725], %swap3A_2728 {strides = array<i32>} : memref<14x256x128xf32, #tpu.memory_space<vmem>>, vector<1x8x128xf32>,
    %slice3A_2729 = vector.extract_strided_slice %dot_general3A_2721 {offsets = [8, 0], sizes = [8, 128], strides = [1, 1]} : vector<112x128xf32> to vector<8x128xf32>
    %swap3A_2730 = arith.constant 1 : index
    %swap3A_2731 = arith.constant 192 : index
    %swap3A_2732 = arith.constant 0 : index
    %swap3A_2733 = vector.load %arg8[%swap3A_2730, %swap3A_2731, %swap3A_2732] : memref<14x256x128xf32, #tpu.memory_space<vmem>>, vector<1x8x128xf32>
    %swap3A_2734 = vector.shape_cast %swap3A_2733 : vector<1x8x128xf32> to vector<8x128xf32>
    %swap3A_2735 = vector.shape_cast %slice3A_2729 : vector<8x128xf32> to vector<1x8x128xf32>
    tpu.vector_store %arg8[%swap3A_2730, %swap3A_2731, %swap3A_2732], %swap3A_2735 {strides = array<i32>} : memref<14x256x128xf32, #tpu.memory_space<vmem>>, vector<1x8x128xf32>,
    %slice3A_2736 = vector.extract_strided_slice %dot_general3A_2721 {offsets = [16, 0], sizes = [8, 128], strides = [1, 1]} : vector<112x128xf32> to vector<8x128xf32>
    %swap3A_2737 = arith.constant 2 : index
    %swap3A_2738 = arith.constant 192 : index
    %swap3A_2739 = arith.constant 0 : index
    %swap3A_2740 = vector.load %arg8[%swap3A_2737, %swap3A_2738, %swap3A_2739] : memref<14x256x128xf32, #tpu.memory_space<vmem>>, vector<1x8x128xf32>
    %swap3A_2741 = vector.shape_cast %swap3A_2740 : vector<1x8x128xf32> to vector<8x128xf32>
    %swap3A_2742 = vector.shape_cast %slice3A_2736 : vector<8x128xf32> to vector<1x8x128xf32>
    tpu.vector_store %arg8[%swap3A_2737, %swap3A_2738, %swap3A_2739], %swap3A_2742 {strides = array<i32>} : memref<14x256x128xf32, #tpu.memory_space<vmem>>, vector<1x8x128xf32>,
    %slice3A_2743 = vector.extract_strided_slice %dot_general3A_2721 {offsets = [24, 0], sizes = [8, 128], strides = [1, 1]} : vector<112x128xf32> to vector<8x128xf32>
    %swap3A_2744 = arith.constant 3 : index
    %swap3A_2745 = arith.constant 192 : index
    %swap3A_2746 = arith.constant 0 : index
    %swap3A_2747 = vector.load %arg8[%swap3A_2744, %swap3A_2745, %swap3A_2746] : memref<14x256x128xf32, #tpu.memory_space<vmem>>, vector<1x8x128xf32>
    %swap3A_2748 = vector.shape_cast %swap3A_2747 : vector<1x8x128xf32> to vector<8x128xf32>
    %swap3A_2749 = vector.shape_cast %slice3A_2743 : vector<8x128xf32> to vector<1x8x128xf32>
    tpu.vector_store %arg8[%swap3A_2744, %swap3A_2745, %swap3A_2746], %swap3A_2749 {strides = array<i32>} : memref<14x256x128xf32, #tpu.memory_space<vmem>>, vector<1x8x128xf32>,
    %slice3A_2750 = vector.extract_strided_slice %dot_general3A_2721 {offsets = [32, 0], sizes = [8, 128], strides = [1, 1]} : vector<112x128xf32> to vector<8x128xf32>
    %swap3A_2751 = arith.constant 4 : index
    %swap3A_2752 = arith.constant 192 : index
    %swap3A_2753 = arith.constant 0 : index
    %swap3A_2754 = vector.load %arg8[%swap3A_2751, %swap3A_2752, %swap3A_2753] : memref<14x256x128xf32, #tpu.memory_space<vmem>>, vector<1x8x128xf32>
    %swap3A_2755 = vector.shape_cast %swap3A_2754 : vector<1x8x128xf32> to vector<8x128xf32>
    %swap3A_2756 = vector.shape_cast %slice3A_2750 : vector<8x128xf32> to vector<1x8x128xf32>
    tpu.vector_store %arg8[%swap3A_2751, %swap3A_2752, %swap3A_2753], %swap3A_2756 {strides = array<i32>} : memref<14x256x128xf32, #tpu.memory_space<vmem>>, vector<1x8x128xf32>,
    %slice3A_2757 = vector.extract_strided_slice %dot_general3A_2721 {offsets = [40, 0], sizes = [8, 128], strides = [1, 1]} : vector<112x128xf32> to vector<8x128xf32>
    %swap3A_2758 = arith.constant 5 : index
    %swap3A_2759 = arith.constant 192 : index
    %swap3A_2760 = arith.constant 0 : index
    %swap3A_2761 = vector.load %arg8[%swap3A_2758, %swap3A_2759, %swap3A_2760] : memref<14x256x128xf32, #tpu.memory_space<vmem>>, vector<1x8x128xf32>
    %swap3A_2762 = vector.shape_cast %swap3A_2761 : vector<1x8x128xf32> to vector<8x128xf32>
    %swap3A_2763 = vector.shape_cast %slice3A_2757 : vector<8x128xf32> to vector<1x8x128xf32>
    tpu.vector_store %arg8[%swap3A_2758, %swap3A_2759, %swap3A_2760], %swap3A_2763 {strides = array<i32>} : memref<14x256x128xf32, #tpu.memory_space<vmem>>, vector<1x8x128xf32>,
    %slice3A_2764 = vector.extract_strided_slice %dot_general3A_2721 {offsets = [48, 0], sizes = [8, 128], strides = [1, 1]} : vector<112x128xf32> to vector<8x128xf32>
    %swap3A_2765 = arith.constant 6 : index
    %swap3A_2766 = arith.constant 192 : index
    %swap3A_2767 = arith.constant 0 : index
    %swap3A_2768 = vector.load %arg8[%swap3A_2765, %swap3A_2766, %swap3A_2767] : memref<14x256x128xf32, #tpu.memory_space<vmem>>, vector<1x8x128xf32>
    %swap3A_2769 = vector.shape_cast %swap3A_2768 : vector<1x8x128xf32> to vector<8x128xf32>
    %swap3A_2770 = vector.shape_cast %slice3A_2764 : vector<8x128xf32> to vector<1x8x128xf32>
    tpu.vector_store %arg8[%swap3A_2765, %swap3A_2766, %swap3A_2767], %swap3A_2770 {strides = array<i32>} : memref<14x256x128xf32, #tpu.memory_space<vmem>>, vector<1x8x128xf32>,
    %slice3A_2771 = vector.extract_strided_slice %dot_general3A_2721 {offsets = [56, 0], sizes = [8, 128], strides = [1, 1]} : vector<112x128xf32> to vector<8x128xf32>
    %swap3A_2772 = arith.constant 7 : index
    %swap3A_2773 = arith.constant 192 : index
    %swap3A_2774 = arith.constant 0 : index
    %swap3A_2775 = vector.load %arg8[%swap3A_2772, %swap3A_2773, %swap3A_2774] : memref<14x256x128xf32, #tpu.memory_space<vmem>>, vector<1x8x128xf32>
    %swap3A_2776 = vector.shape_cast %swap3A_2775 : vector<1x8x128xf32> to vector<8x128xf32>
    %swap3A_2777 = vector.shape_cast %slice3A_2771 : vector<8x128xf32> to vector<1x8x128xf32>
    tpu.vector_store %arg8[%swap3A_2772, %swap3A_2773, %swap3A_2774], %swap3A_2777 {strides = array<i32>} : memref<14x256x128xf32, #tpu.memory_space<vmem>>, vector<1x8x128xf32>,
    %slice3A_2778 = vector.extract_strided_slice %dot_general3A_2721 {offsets = [64, 0], sizes = [8, 128], strides = [1, 1]} : vector<112x128xf32> to vector<8x128xf32>
    %swap3A_2779 = arith.constant 8 : index
    %swap3A_2780 = arith.constant 192 : index
    %swap3A_2781 = arith.constant 0 : index
    %swap3A_2782 = vector.load %arg8[%swap3A_2779, %swap3A_2780, %swap3A_2781] : memref<14x256x128xf32, #tpu.memory_space<vmem>>, vector<1x8x128xf32>
    %swap3A_2783 = vector.shape_cast %swap3A_2782 : vector<1x8x128xf32> to vector<8x128xf32>
    %swap3A_2784 = vector.shape_cast %slice3A_2778 : vector<8x128xf32> to vector<1x8x128xf32>
    tpu.vector_store %arg8[%swap3A_2779, %swap3A_2780, %swap3A_2781], %swap3A_2784 {strides = array<i32>} : memref<14x256x128xf32, #tpu.memory_space<vmem>>, vector<1x8x128xf32>,
    %slice3A_2785 = vector.extract_strided_slice %dot_general3A_2721 {offsets = [72, 0], sizes = [8, 128], strides = [1, 1]} : vector<112x128xf32> to vector<8x128xf32>
    %swap3A_2786 = arith.constant 9 : index
    %swap3A_2787 = arith.constant 192 : index
    %swap3A_2788 = arith.constant 0 : index
    %swap3A_2789 = vector.load %arg8[%swap3A_2786, %swap3A_2787, %swap3A_2788] : memref<14x256x128xf32, #tpu.memory_space<vmem>>, vector<1x8x128xf32>
    %swap3A_2790 = vector.shape_cast %swap3A_2789 : vector<1x8x128xf32> to vector<8x128xf32>
    %swap3A_2791 = vector.shape_cast %slice3A_2785 : vector<8x128xf32> to vector<1x8x128xf32>
    tpu.vector_store %arg8[%swap3A_2786, %swap3A_2787, %swap3A_2788], %swap3A_2791 {strides = array<i32>} : memref<14x256x128xf32, #tpu.memory_space<vmem>>, vector<1x8x128xf32>,
    %slice3A_2792 = vector.extract_strided_slice %dot_general3A_2721 {offsets = [80, 0], sizes = [8, 128], strides = [1, 1]} : vector<112x128xf32> to vector<8x128xf32>
    %swap3A_2793 = arith.constant 10 : index
    %swap3A_2794 = arith.constant 192 : index
    %swap3A_2795 = arith.constant 0 : index
    %swap3A_2796 = vector.load %arg8[%swap3A_2793, %swap3A_2794, %swap3A_2795] : memref<14x256x128xf32, #tpu.memory_space<vmem>>, vector<1x8x128xf32>
    %swap3A_2797 = vector.shape_cast %swap3A_2796 : vector<1x8x128xf32> to vector<8x128xf32>
    %swap3A_2798 = vector.shape_cast %slice3A_2792 : vector<8x128xf32> to vector<1x8x128xf32>
    tpu.vector_store %arg8[%swap3A_2793, %swap3A_2794, %swap3A_2795], %swap3A_2798 {strides = array<i32>} : memref<14x256x128xf32, #tpu.memory_space<vmem>>, vector<1x8x128xf32>,
    %slice3A_2799 = vector.extract_strided_slice %dot_general3A_2721 {offsets = [88, 0], sizes = [8, 128], strides = [1, 1]} : vector<112x128xf32> to vector<8x128xf32>
    %swap3A_2800 = arith.constant 11 : index
    %swap3A_2801 = arith.constant 192 : index
    %swap3A_2802 = arith.constant 0 : index
    %swap3A_2803 = vector.load %arg8[%swap3A_2800, %swap3A_2801, %swap3A_2802] : memref<14x256x128xf32, #tpu.memory_space<vmem>>, vector<1x8x128xf32>
    %swap3A_2804 = vector.shape_cast %swap3A_2803 : vector<1x8x128xf32> to vector<8x128xf32>
    %swap3A_2805 = vector.shape_cast %slice3A_2799 : vector<8x128xf32> to vector<1x8x128xf32>
    tpu.vector_store %arg8[%swap3A_2800, %swap3A_2801, %swap3A_2802], %swap3A_2805 {strides = array<i32>} : memref<14x256x128xf32, #tpu.memory_space<vmem>>, vector<1x8x128xf32>,
    %slice3A_2806 = vector.extract_strided_slice %dot_general3A_2721 {offsets = [96, 0], sizes = [8, 128], strides = [1, 1]} : vector<112x128xf32> to vector<8x128xf32>
    %swap3A_2807 = arith.constant 12 : index
    %swap3A_2808 = arith.constant 192 : index
    %swap3A_2809 = arith.constant 0 : index
    %swap3A_2810 = vector.load %arg8[%swap3A_2807, %swap3A_2808, %swap3A_2809] : memref<14x256x128xf32, #tpu.memory_space<vmem>>, vector<1x8x128xf32>
    %swap3A_2811 = vector.shape_cast %swap3A_2810 : vector<1x8x128xf32> to vector<8x128xf32>
    %swap3A_2812 = vector.shape_cast %slice3A_2806 : vector<8x128xf32> to vector<1x8x128xf32>
    tpu.vector_store %arg8[%swap3A_2807, %swap3A_2808, %swap3A_2809], %swap3A_2812 {strides = array<i32>} : memref<14x256x128xf32, #tpu.memory_space<vmem>>, vector<1x8x128xf32>,
    %slice3A_2813 = vector.extract_strided_slice %dot_general3A_2721 {offsets = [104, 0], sizes = [8, 128], strides = [1, 1]} : vector<112x128xf32> to vector<8x128xf32>
    %swap3A_2814 = arith.constant 13 : index
    %swap3A_2815 = arith.constant 192 : index
    %swap3A_2816 = arith.constant 0 : index
    %swap3A_2817 = vector.load %arg8[%swap3A_2814, %swap3A_2815, %swap3A_2816] : memref<14x256x128xf32, #tpu.memory_space<vmem>>, vector<1x8x128xf32>
    %swap3A_2818 = vector.shape_cast %swap3A_2817 : vector<1x8x128xf32> to vector<8x128xf32>
    %swap3A_2819 = vector.shape_cast %slice3A_2813 : vector<8x128xf32> to vector<1x8x128xf32>
    tpu.vector_store %arg8[%swap3A_2814, %swap3A_2815, %swap3A_2816], %swap3A_2819 {strides = array<i32>} : memref<14x256x128xf32, #tpu.memory_space<vmem>>, vector<1x8x128xf32>,
    %get3A_2820 = arith.constant 6400 : index
    %get3A_2821 = arith.constant 0 : index
    %get3A_2822 = vector.load %arg1[%get3A_2820, %get3A_2821] : memref<8192x128xf32, #tpu.memory_space<vmem>>, vector<256x128xf32>
    %convert_element_type3A_2823 = arith.truncf %get3A_2822 : vector<256x128xf32> to vector<256x128xbf16>
    %get3A_2824 = arith.constant 25 : index
    %get3A_2825 = arith.constant 0 : index
    %get3A_2826 = arith.constant 0 : index
    %get3A_2827 = arith.constant 0 : index
    %get3A_2828 = vector.load %arg2[%get3A_2824, %get3A_2825, %get3A_2826, %get3A_2827] : memref<32x14x8x32xbf16, #tpu.memory_space<vmem>>, vector<1x14x8x32xbf16>
    %get3A_2829 = vector.shape_cast %get3A_2828 : vector<1x14x8x32xbf16> to vector<14x8x32xbf16>
    %reshape3A_2830 = vector.shape_cast %get3A_2829 : vector<14x8x32xbf16> to vector<112x32xbf16>
    %concatenate3A_2831 = tpu.concatenate %reshape3A_2830, %reshape3A_2830, %reshape3A_2830, %reshape3A_2830, %reshape3A_2830, %reshape3A_2830, %reshape3A_2830, %reshape3A_2830 in 1 : vector<112x32xbf16>, vector<112x32xbf16>, vector<112x32xbf16>, vector<112x32xbf16>, vector<112x32xbf16>, vector<112x32xbf16>, vector<112x32xbf16>, vector<112x32xbf16> -> vector<112x256xbf16>
    %mul3A_2832 = arith.mulf %concatenate3A_2831, %get3A_1 : vector<112x256xbf16>
    %dot_general3A_2833 = arith.constant dense<0.000000e+00> : vector<112x128xf32>
    %dot_general3A_2834 = tpu.matmul %mul3A_2832, %convert_element_type3A_2823, %dot_general3A_2833 {dimension_numbers = #tpu.dot_dimension_numbers<[1], [0], [0], [1], [0, 0, 1, 1], [], []>, transpose_lhs_hint = false} : vector<112x256xbf16>, vector<256x128xbf16>, vector<112x128xf32> -> vector<112x128xf32>
    %slice3A_2835 = vector.extract_strided_slice %dot_general3A_2834 {offsets = [0, 0], sizes = [8, 128], strides = [1, 1]} : vector<112x128xf32> to vector<8x128xf32>
    %swap3A_2836 = arith.constant 0 : index
    %swap3A_2837 = arith.constant 200 : index
    %swap3A_2838 = arith.constant 0 : index
    %swap3A_2839 = vector.load %arg8[%swap3A_2836, %swap3A_2837, %swap3A_2838] : memref<14x256x128xf32, #tpu.memory_space<vmem>>, vector<1x8x128xf32>
    %swap3A_2840 = vector.shape_cast %swap3A_2839 : vector<1x8x128xf32> to vector<8x128xf32>
    %swap3A_2841 = vector.shape_cast %slice3A_2835 : vector<8x128xf32> to vector<1x8x128xf32>
    tpu.vector_store %arg8[%swap3A_2836, %swap3A_2837, %swap3A_2838], %swap3A_2841 {strides = array<i32>} : memref<14x256x128xf32, #tpu.memory_space<vmem>>, vector<1x8x128xf32>,
    %slice3A_2842 = vector.extract_strided_slice %dot_general3A_2834 {offsets = [8, 0], sizes = [8, 128], strides = [1, 1]} : vector<112x128xf32> to vector<8x128xf32>
    %swap3A_2843 = arith.constant 1 : index
    %swap3A_2844 = arith.constant 200 : index
    %swap3A_2845 = arith.constant 0 : index
    %swap3A_2846 = vector.load %arg8[%swap3A_2843, %swap3A_2844, %swap3A_2845] : memref<14x256x128xf32, #tpu.memory_space<vmem>>, vector<1x8x128xf32>
    %swap3A_2847 = vector.shape_cast %swap3A_2846 : vector<1x8x128xf32> to vector<8x128xf32>
    %swap3A_2848 = vector.shape_cast %slice3A_2842 : vector<8x128xf32> to vector<1x8x128xf32>
    tpu.vector_store %arg8[%swap3A_2843, %swap3A_2844, %swap3A_2845], %swap3A_2848 {strides = array<i32>} : memref<14x256x128xf32, #tpu.memory_space<vmem>>, vector<1x8x128xf32>,
    %slice3A_2849 = vector.extract_strided_slice %dot_general3A_2834 {offsets = [16, 0], sizes = [8, 128], strides = [1, 1]} : vector<112x128xf32> to vector<8x128xf32>
    %swap3A_2850 = arith.constant 2 : index
    %swap3A_2851 = arith.constant 200 : index
    %swap3A_2852 = arith.constant 0 : index
    %swap3A_2853 = vector.load %arg8[%swap3A_2850, %swap3A_2851, %swap3A_2852] : memref<14x256x128xf32, #tpu.memory_space<vmem>>, vector<1x8x128xf32>
    %swap3A_2854 = vector.shape_cast %swap3A_2853 : vector<1x8x128xf32> to vector<8x128xf32>
    %swap3A_2855 = vector.shape_cast %slice3A_2849 : vector<8x128xf32> to vector<1x8x128xf32>
    tpu.vector_store %arg8[%swap3A_2850, %swap3A_2851, %swap3A_2852], %swap3A_2855 {strides = array<i32>} : memref<14x256x128xf32, #tpu.memory_space<vmem>>, vector<1x8x128xf32>,
    %slice3A_2856 = vector.extract_strided_slice %dot_general3A_2834 {offsets = [24, 0], sizes = [8, 128], strides = [1, 1]} : vector<112x128xf32> to vector<8x128xf32>
    %swap3A_2857 = arith.constant 3 : index
    %swap3A_2858 = arith.constant 200 : index
    %swap3A_2859 = arith.constant 0 : index
    %swap3A_2860 = vector.load %arg8[%swap3A_2857, %swap3A_2858, %swap3A_2859] : memref<14x256x128xf32, #tpu.memory_space<vmem>>, vector<1x8x128xf32>
    %swap3A_2861 = vector.shape_cast %swap3A_2860 : vector<1x8x128xf32> to vector<8x128xf32>
    %swap3A_2862 = vector.shape_cast %slice3A_2856 : vector<8x128xf32> to vector<1x8x128xf32>
    tpu.vector_store %arg8[%swap3A_2857, %swap3A_2858, %swap3A_2859], %swap3A_2862 {strides = array<i32>} : memref<14x256x128xf32, #tpu.memory_space<vmem>>, vector<1x8x128xf32>,
    %slice3A_2863 = vector.extract_strided_slice %dot_general3A_2834 {offsets = [32, 0], sizes = [8, 128], strides = [1, 1]} : vector<112x128xf32> to vector<8x128xf32>
    %swap3A_2864 = arith.constant 4 : index
    %swap3A_2865 = arith.constant 200 : index
    %swap3A_2866 = arith.constant 0 : index
    %swap3A_2867 = vector.load %arg8[%swap3A_2864, %swap3A_2865, %swap3A_2866] : memref<14x256x128xf32, #tpu.memory_space<vmem>>, vector<1x8x128xf32>
    %swap3A_2868 = vector.shape_cast %swap3A_2867 : vector<1x8x128xf32> to vector<8x128xf32>
    %swap3A_2869 = vector.shape_cast %slice3A_2863 : vector<8x128xf32> to vector<1x8x128xf32>
    tpu.vector_store %arg8[%swap3A_2864, %swap3A_2865, %swap3A_2866], %swap3A_2869 {strides = array<i32>} : memref<14x256x128xf32, #tpu.memory_space<vmem>>, vector<1x8x128xf32>,
    %slice3A_2870 = vector.extract_strided_slice %dot_general3A_2834 {offsets = [40, 0], sizes = [8, 128], strides = [1, 1]} : vector<112x128xf32> to vector<8x128xf32>
    %swap3A_2871 = arith.constant 5 : index
    %swap3A_2872 = arith.constant 200 : index
    %swap3A_2873 = arith.constant 0 : index
    %swap3A_2874 = vector.load %arg8[%swap3A_2871, %swap3A_2872, %swap3A_2873] : memref<14x256x128xf32, #tpu.memory_space<vmem>>, vector<1x8x128xf32>
    %swap3A_2875 = vector.shape_cast %swap3A_2874 : vector<1x8x128xf32> to vector<8x128xf32>
    %swap3A_2876 = vector.shape_cast %slice3A_2870 : vector<8x128xf32> to vector<1x8x128xf32>
    tpu.vector_store %arg8[%swap3A_2871, %swap3A_2872, %swap3A_2873], %swap3A_2876 {strides = array<i32>} : memref<14x256x128xf32, #tpu.memory_space<vmem>>, vector<1x8x128xf32>,
    %slice3A_2877 = vector.extract_strided_slice %dot_general3A_2834 {offsets = [48, 0], sizes = [8, 128], strides = [1, 1]} : vector<112x128xf32> to vector<8x128xf32>
    %swap3A_2878 = arith.constant 6 : index
    %swap3A_2879 = arith.constant 200 : index
    %swap3A_2880 = arith.constant 0 : index
    %swap3A_2881 = vector.load %arg8[%swap3A_2878, %swap3A_2879, %swap3A_2880] : memref<14x256x128xf32, #tpu.memory_space<vmem>>, vector<1x8x128xf32>
    %swap3A_2882 = vector.shape_cast %swap3A_2881 : vector<1x8x128xf32> to vector<8x128xf32>
    %swap3A_2883 = vector.shape_cast %slice3A_2877 : vector<8x128xf32> to vector<1x8x128xf32>
    tpu.vector_store %arg8[%swap3A_2878, %swap3A_2879, %swap3A_2880], %swap3A_2883 {strides = array<i32>} : memref<14x256x128xf32, #tpu.memory_space<vmem>>, vector<1x8x128xf32>,
    %slice3A_2884 = vector.extract_strided_slice %dot_general3A_2834 {offsets = [56, 0], sizes = [8, 128], strides = [1, 1]} : vector<112x128xf32> to vector<8x128xf32>
    %swap3A_2885 = arith.constant 7 : index
    %swap3A_2886 = arith.constant 200 : index
    %swap3A_2887 = arith.constant 0 : index
    %swap3A_2888 = vector.load %arg8[%swap3A_2885, %swap3A_2886, %swap3A_2887] : memref<14x256x128xf32, #tpu.memory_space<vmem>>, vector<1x8x128xf32>
    %swap3A_2889 = vector.shape_cast %swap3A_2888 : vector<1x8x128xf32> to vector<8x128xf32>
    %swap3A_2890 = vector.shape_cast %slice3A_2884 : vector<8x128xf32> to vector<1x8x128xf32>
    tpu.vector_store %arg8[%swap3A_2885, %swap3A_2886, %swap3A_2887], %swap3A_2890 {strides = array<i32>} : memref<14x256x128xf32, #tpu.memory_space<vmem>>, vector<1x8x128xf32>,
    %slice3A_2891 = vector.extract_strided_slice %dot_general3A_2834 {offsets = [64, 0], sizes = [8, 128], strides = [1, 1]} : vector<112x128xf32> to vector<8x128xf32>
    %swap3A_2892 = arith.constant 8 : index
    %swap3A_2893 = arith.constant 200 : index
    %swap3A_2894 = arith.constant 0 : index
    %swap3A_2895 = vector.load %arg8[%swap3A_2892, %swap3A_2893, %swap3A_2894] : memref<14x256x128xf32, #tpu.memory_space<vmem>>, vector<1x8x128xf32>
    %swap3A_2896 = vector.shape_cast %swap3A_2895 : vector<1x8x128xf32> to vector<8x128xf32>
    %swap3A_2897 = vector.shape_cast %slice3A_2891 : vector<8x128xf32> to vector<1x8x128xf32>
    tpu.vector_store %arg8[%swap3A_2892, %swap3A_2893, %swap3A_2894], %swap3A_2897 {strides = array<i32>} : memref<14x256x128xf32, #tpu.memory_space<vmem>>, vector<1x8x128xf32>,
    %slice3A_2898 = vector.extract_strided_slice %dot_general3A_2834 {offsets = [72, 0], sizes = [8, 128], strides = [1, 1]} : vector<112x128xf32> to vector<8x128xf32>
    %swap3A_2899 = arith.constant 9 : index
    %swap3A_2900 = arith.constant 200 : index
    %swap3A_2901 = arith.constant 0 : index
    %swap3A_2902 = vector.load %arg8[%swap3A_2899, %swap3A_2900, %swap3A_2901] : memref<14x256x128xf32, #tpu.memory_space<vmem>>, vector<1x8x128xf32>
    %swap3A_2903 = vector.shape_cast %swap3A_2902 : vector<1x8x128xf32> to vector<8x128xf32>
    %swap3A_2904 = vector.shape_cast %slice3A_2898 : vector<8x128xf32> to vector<1x8x128xf32>
    tpu.vector_store %arg8[%swap3A_2899, %swap3A_2900, %swap3A_2901], %swap3A_2904 {strides = array<i32>} : memref<14x256x128xf32, #tpu.memory_space<vmem>>, vector<1x8x128xf32>,
    %slice3A_2905 = vector.extract_strided_slice %dot_general3A_2834 {offsets = [80, 0], sizes = [8, 128], strides = [1, 1]} : vector<112x128xf32> to vector<8x128xf32>
    %swap3A_2906 = arith.constant 10 : index
    %swap3A_2907 = arith.constant 200 : index
    %swap3A_2908 = arith.constant 0 : index
    %swap3A_2909 = vector.load %arg8[%swap3A_2906, %swap3A_2907, %swap3A_2908] : memref<14x256x128xf32, #tpu.memory_space<vmem>>, vector<1x8x128xf32>
    %swap3A_2910 = vector.shape_cast %swap3A_2909 : vector<1x8x128xf32> to vector<8x128xf32>
    %swap3A_2911 = vector.shape_cast %slice3A_2905 : vector<8x128xf32> to vector<1x8x128xf32>
    tpu.vector_store %arg8[%swap3A_2906, %swap3A_2907, %swap3A_2908], %swap3A_2911 {strides = array<i32>} : memref<14x256x128xf32, #tpu.memory_space<vmem>>, vector<1x8x128xf32>,
    %slice3A_2912 = vector.extract_strided_slice %dot_general3A_2834 {offsets = [88, 0], sizes = [8, 128], strides = [1, 1]} : vector<112x128xf32> to vector<8x128xf32>
    %swap3A_2913 = arith.constant 11 : index
    %swap3A_2914 = arith.constant 200 : index
    %swap3A_2915 = arith.constant 0 : index
    %swap3A_2916 = vector.load %arg8[%swap3A_2913, %swap3A_2914, %swap3A_2915] : memref<14x256x128xf32, #tpu.memory_space<vmem>>, vector<1x8x128xf32>
    %swap3A_2917 = vector.shape_cast %swap3A_2916 : vector<1x8x128xf32> to vector<8x128xf32>
    %swap3A_2918 = vector.shape_cast %slice3A_2912 : vector<8x128xf32> to vector<1x8x128xf32>
    tpu.vector_store %arg8[%swap3A_2913, %swap3A_2914, %swap3A_2915], %swap3A_2918 {strides = array<i32>} : memref<14x256x128xf32, #tpu.memory_space<vmem>>, vector<1x8x128xf32>,
    %slice3A_2919 = vector.extract_strided_slice %dot_general3A_2834 {offsets = [96, 0], sizes = [8, 128], strides = [1, 1]} : vector<112x128xf32> to vector<8x128xf32>
    %swap3A_2920 = arith.constant 12 : index
    %swap3A_2921 = arith.constant 200 : index
    %swap3A_2922 = arith.constant 0 : index
    %swap3A_2923 = vector.load %arg8[%swap3A_2920, %swap3A_2921, %swap3A_2922] : memref<14x256x128xf32, #tpu.memory_space<vmem>>, vector<1x8x128xf32>
    %swap3A_2924 = vector.shape_cast %swap3A_2923 : vector<1x8x128xf32> to vector<8x128xf32>
    %swap3A_2925 = vector.shape_cast %slice3A_2919 : vector<8x128xf32> to vector<1x8x128xf32>
    tpu.vector_store %arg8[%swap3A_2920, %swap3A_2921, %swap3A_2922], %swap3A_2925 {strides = array<i32>} : memref<14x256x128xf32, #tpu.memory_space<vmem>>, vector<1x8x128xf32>,
    %slice3A_2926 = vector.extract_strided_slice %dot_general3A_2834 {offsets = [104, 0], sizes = [8, 128], strides = [1, 1]} : vector<112x128xf32> to vector<8x128xf32>
    %swap3A_2927 = arith.constant 13 : index
    %swap3A_2928 = arith.constant 200 : index
    %swap3A_2929 = arith.constant 0 : index
    %swap3A_2930 = vector.load %arg8[%swap3A_2927, %swap3A_2928, %swap3A_2929] : memref<14x256x128xf32, #tpu.memory_space<vmem>>, vector<1x8x128xf32>
    %swap3A_2931 = vector.shape_cast %swap3A_2930 : vector<1x8x128xf32> to vector<8x128xf32>
    %swap3A_2932 = vector.shape_cast %slice3A_2926 : vector<8x128xf32> to vector<1x8x128xf32>
    tpu.vector_store %arg8[%swap3A_2927, %swap3A_2928, %swap3A_2929], %swap3A_2932 {strides = array<i32>} : memref<14x256x128xf32, #tpu.memory_space<vmem>>, vector<1x8x128xf32>,
    %get3A_2933 = arith.constant 6656 : index
    %get3A_2934 = arith.constant 0 : index
    %get3A_2935 = vector.load %arg1[%get3A_2933, %get3A_2934] : memref<8192x128xf32, #tpu.memory_space<vmem>>, vector<256x128xf32>
    %convert_element_type3A_2936 = arith.truncf %get3A_2935 : vector<256x128xf32> to vector<256x128xbf16>
    %get3A_2937 = arith.constant 26 : index
    %get3A_2938 = arith.constant 0 : index
    %get3A_2939 = arith.constant 0 : index
    %get3A_2940 = arith.constant 0 : index
    %get3A_2941 = vector.load %arg2[%get3A_2937, %get3A_2938, %get3A_2939, %get3A_2940] : memref<32x14x8x32xbf16, #tpu.memory_space<vmem>>, vector<1x14x8x32xbf16>
    %get3A_2942 = vector.shape_cast %get3A_2941 : vector<1x14x8x32xbf16> to vector<14x8x32xbf16>
    %reshape3A_2943 = vector.shape_cast %get3A_2942 : vector<14x8x32xbf16> to vector<112x32xbf16>
    %concatenate3A_2944 = tpu.concatenate %reshape3A_2943, %reshape3A_2943, %reshape3A_2943, %reshape3A_2943, %reshape3A_2943, %reshape3A_2943, %reshape3A_2943, %reshape3A_2943 in 1 : vector<112x32xbf16>, vector<112x32xbf16>, vector<112x32xbf16>, vector<112x32xbf16>, vector<112x32xbf16>, vector<112x32xbf16>, vector<112x32xbf16>, vector<112x32xbf16> -> vector<112x256xbf16>
    %mul3A_2945 = arith.mulf %concatenate3A_2944, %get3A_1 : vector<112x256xbf16>
    %dot_general3A_2946 = arith.constant dense<0.000000e+00> : vector<112x128xf32>
    %dot_general3A_2947 = tpu.matmul %mul3A_2945, %convert_element_type3A_2936, %dot_general3A_2946 {dimension_numbers = #tpu.dot_dimension_numbers<[1], [0], [0], [1], [0, 0, 1, 1], [], []>, transpose_lhs_hint = false} : vector<112x256xbf16>, vector<256x128xbf16>, vector<112x128xf32> -> vector<112x128xf32>
    %slice3A_2948 = vector.extract_strided_slice %dot_general3A_2947 {offsets = [0, 0], sizes = [8, 128], strides = [1, 1]} : vector<112x128xf32> to vector<8x128xf32>
    %swap3A_2949 = arith.constant 0 : index
    %swap3A_2950 = arith.constant 208 : index
    %swap3A_2951 = arith.constant 0 : index
    %swap3A_2952 = vector.load %arg8[%swap3A_2949, %swap3A_2950, %swap3A_2951] : memref<14x256x128xf32, #tpu.memory_space<vmem>>, vector<1x8x128xf32>
    %swap3A_2953 = vector.shape_cast %swap3A_2952 : vector<1x8x128xf32> to vector<8x128xf32>
    %swap3A_2954 = vector.shape_cast %slice3A_2948 : vector<8x128xf32> to vector<1x8x128xf32>
    tpu.vector_store %arg8[%swap3A_2949, %swap3A_2950, %swap3A_2951], %swap3A_2954 {strides = array<i32>} : memref<14x256x128xf32, #tpu.memory_space<vmem>>, vector<1x8x128xf32>,
    %slice3A_2955 = vector.extract_strided_slice %dot_general3A_2947 {offsets = [8, 0], sizes = [8, 128], strides = [1, 1]} : vector<112x128xf32> to vector<8x128xf32>
    %swap3A_2956 = arith.constant 1 : index
    %swap3A_2957 = arith.constant 208 : index
    %swap3A_2958 = arith.constant 0 : index
    %swap3A_2959 = vector.load %arg8[%swap3A_2956, %swap3A_2957, %swap3A_2958] : memref<14x256x128xf32, #tpu.memory_space<vmem>>, vector<1x8x128xf32>
    %swap3A_2960 = vector.shape_cast %swap3A_2959 : vector<1x8x128xf32> to vector<8x128xf32>
    %swap3A_2961 = vector.shape_cast %slice3A_2955 : vector<8x128xf32> to vector<1x8x128xf32>
    tpu.vector_store %arg8[%swap3A_2956, %swap3A_2957, %swap3A_2958], %swap3A_2961 {strides = array<i32>} : memref<14x256x128xf32, #tpu.memory_space<vmem>>, vector<1x8x128xf32>,
    %slice3A_2962 = vector.extract_strided_slice %dot_general3A_2947 {offsets = [16, 0], sizes = [8, 128], strides = [1, 1]} : vector<112x128xf32> to vector<8x128xf32>
    %swap3A_2963 = arith.constant 2 : index
    %swap3A_2964 = arith.constant 208 : index
    %swap3A_2965 = arith.constant 0 : index
    %swap3A_2966 = vector.load %arg8[%swap3A_2963, %swap3A_2964, %swap3A_2965] : memref<14x256x128xf32, #tpu.memory_space<vmem>>, vector<1x8x128xf32>
    %swap3A_2967 = vector.shape_cast %swap3A_2966 : vector<1x8x128xf32> to vector<8x128xf32>
    %swap3A_2968 = vector.shape_cast %slice3A_2962 : vector<8x128xf32> to vector<1x8x128xf32>
    tpu.vector_store %arg8[%swap3A_2963, %swap3A_2964, %swap3A_2965], %swap3A_2968 {strides = array<i32>} : memref<14x256x128xf32, #tpu.memory_space<vmem>>, vector<1x8x128xf32>,
    %slice3A_2969 = vector.extract_strided_slice %dot_general3A_2947 {offsets = [24, 0], sizes = [8, 128], strides = [1, 1]} : vector<112x128xf32> to vector<8x128xf32>
    %swap3A_2970 = arith.constant 3 : index
    %swap3A_2971 = arith.constant 208 : index
    %swap3A_2972 = arith.constant 0 : index
    %swap3A_2973 = vector.load %arg8[%swap3A_2970, %swap3A_2971, %swap3A_2972] : memref<14x256x128xf32, #tpu.memory_space<vmem>>, vector<1x8x128xf32>
    %swap3A_2974 = vector.shape_cast %swap3A_2973 : vector<1x8x128xf32> to vector<8x128xf32>
    %swap3A_2975 = vector.shape_cast %slice3A_2969 : vector<8x128xf32> to vector<1x8x128xf32>
    tpu.vector_store %arg8[%swap3A_2970, %swap3A_2971, %swap3A_2972], %swap3A_2975 {strides = array<i32>} : memref<14x256x128xf32, #tpu.memory_space<vmem>>, vector<1x8x128xf32>,
    %slice3A_2976 = vector.extract_strided_slice %dot_general3A_2947 {offsets = [32, 0], sizes = [8, 128], strides = [1, 1]} : vector<112x128xf32> to vector<8x128xf32>
    %swap3A_2977 = arith.constant 4 : index
    %swap3A_2978 = arith.constant 208 : index
    %swap3A_2979 = arith.constant 0 : index
    %swap3A_2980 = vector.load %arg8[%swap3A_2977, %swap3A_2978, %swap3A_2979] : memref<14x256x128xf32, #tpu.memory_space<vmem>>, vector<1x8x128xf32>
    %swap3A_2981 = vector.shape_cast %swap3A_2980 : vector<1x8x128xf32> to vector<8x128xf32>
    %swap3A_2982 = vector.shape_cast %slice3A_2976 : vector<8x128xf32> to vector<1x8x128xf32>
    tpu.vector_store %arg8[%swap3A_2977, %swap3A_2978, %swap3A_2979], %swap3A_2982 {strides = array<i32>} : memref<14x256x128xf32, #tpu.memory_space<vmem>>, vector<1x8x128xf32>,
    %slice3A_2983 = vector.extract_strided_slice %dot_general3A_2947 {offsets = [40, 0], sizes = [8, 128], strides = [1, 1]} : vector<112x128xf32> to vector<8x128xf32>
    %swap3A_2984 = arith.constant 5 : index
    %swap3A_2985 = arith.constant 208 : index
    %swap3A_2986 = arith.constant 0 : index
    %swap3A_2987 = vector.load %arg8[%swap3A_2984, %swap3A_2985, %swap3A_2986] : memref<14x256x128xf32, #tpu.memory_space<vmem>>, vector<1x8x128xf32>
    %swap3A_2988 = vector.shape_cast %swap3A_2987 : vector<1x8x128xf32> to vector<8x128xf32>
    %swap3A_2989 = vector.shape_cast %slice3A_2983 : vector<8x128xf32> to vector<1x8x128xf32>
    tpu.vector_store %arg8[%swap3A_2984, %swap3A_2985, %swap3A_2986], %swap3A_2989 {strides = array<i32>} : memref<14x256x128xf32, #tpu.memory_space<vmem>>, vector<1x8x128xf32>,
    %slice3A_2990 = vector.extract_strided_slice %dot_general3A_2947 {offsets = [48, 0], sizes = [8, 128], strides = [1, 1]} : vector<112x128xf32> to vector<8x128xf32>
    %swap3A_2991 = arith.constant 6 : index
    %swap3A_2992 = arith.constant 208 : index
    %swap3A_2993 = arith.constant 0 : index
    %swap3A_2994 = vector.load %arg8[%swap3A_2991, %swap3A_2992, %swap3A_2993] : memref<14x256x128xf32, #tpu.memory_space<vmem>>, vector<1x8x128xf32>
    %swap3A_2995 = vector.shape_cast %swap3A_2994 : vector<1x8x128xf32> to vector<8x128xf32>
    %swap3A_2996 = vector.shape_cast %slice3A_2990 : vector<8x128xf32> to vector<1x8x128xf32>
    tpu.vector_store %arg8[%swap3A_2991, %swap3A_2992, %swap3A_2993], %swap3A_2996 {strides = array<i32>} : memref<14x256x128xf32, #tpu.memory_space<vmem>>, vector<1x8x128xf32>,
    %slice3A_2997 = vector.extract_strided_slice %dot_general3A_2947 {offsets = [56, 0], sizes = [8, 128], strides = [1, 1]} : vector<112x128xf32> to vector<8x128xf32>
    %swap3A_2998 = arith.constant 7 : index
    %swap3A_2999 = arith.constant 208 : index
    %swap3A_3000 = arith.constant 0 : index
    %swap3A_3001 = vector.load %arg8[%swap3A_2998, %swap3A_2999, %swap3A_3000] : memref<14x256x128xf32, #tpu.memory_space<vmem>>, vector<1x8x128xf32>
    %swap3A_3002 = vector.shape_cast %swap3A_3001 : vector<1x8x128xf32> to vector<8x128xf32>
    %swap3A_3003 = vector.shape_cast %slice3A_2997 : vector<8x128xf32> to vector<1x8x128xf32>
    tpu.vector_store %arg8[%swap3A_2998, %swap3A_2999, %swap3A_3000], %swap3A_3003 {strides = array<i32>} : memref<14x256x128xf32, #tpu.memory_space<vmem>>, vector<1x8x128xf32>,
    %slice3A_3004 = vector.extract_strided_slice %dot_general3A_2947 {offsets = [64, 0], sizes = [8, 128], strides = [1, 1]} : vector<112x128xf32> to vector<8x128xf32>
    %swap3A_3005 = arith.constant 8 : index
    %swap3A_3006 = arith.constant 208 : index
    %swap3A_3007 = arith.constant 0 : index
    %swap3A_3008 = vector.load %arg8[%swap3A_3005, %swap3A_3006, %swap3A_3007] : memref<14x256x128xf32, #tpu.memory_space<vmem>>, vector<1x8x128xf32>
    %swap3A_3009 = vector.shape_cast %swap3A_3008 : vector<1x8x128xf32> to vector<8x128xf32>
    %swap3A_3010 = vector.shape_cast %slice3A_3004 : vector<8x128xf32> to vector<1x8x128xf32>
    tpu.vector_store %arg8[%swap3A_3005, %swap3A_3006, %swap3A_3007], %swap3A_3010 {strides = array<i32>} : memref<14x256x128xf32, #tpu.memory_space<vmem>>, vector<1x8x128xf32>,
    %slice3A_3011 = vector.extract_strided_slice %dot_general3A_2947 {offsets = [72, 0], sizes = [8, 128], strides = [1, 1]} : vector<112x128xf32> to vector<8x128xf32>
    %swap3A_3012 = arith.constant 9 : index
    %swap3A_3013 = arith.constant 208 : index
    %swap3A_3014 = arith.constant 0 : index
    %swap3A_3015 = vector.load %arg8[%swap3A_3012, %swap3A_3013, %swap3A_3014] : memref<14x256x128xf32, #tpu.memory_space<vmem>>, vector<1x8x128xf32>
    %swap3A_3016 = vector.shape_cast %swap3A_3015 : vector<1x8x128xf32> to vector<8x128xf32>
    %swap3A_3017 = vector.shape_cast %slice3A_3011 : vector<8x128xf32> to vector<1x8x128xf32>
    tpu.vector_store %arg8[%swap3A_3012, %swap3A_3013, %swap3A_3014], %swap3A_3017 {strides = array<i32>} : memref<14x256x128xf32, #tpu.memory_space<vmem>>, vector<1x8x128xf32>,
    %slice3A_3018 = vector.extract_strided_slice %dot_general3A_2947 {offsets = [80, 0], sizes = [8, 128], strides = [1, 1]} : vector<112x128xf32> to vector<8x128xf32>
    %swap3A_3019 = arith.constant 10 : index
    %swap3A_3020 = arith.constant 208 : index
    %swap3A_3021 = arith.constant 0 : index
    %swap3A_3022 = vector.load %arg8[%swap3A_3019, %swap3A_3020, %swap3A_3021] : memref<14x256x128xf32, #tpu.memory_space<vmem>>, vector<1x8x128xf32>
    %swap3A_3023 = vector.shape_cast %swap3A_3022 : vector<1x8x128xf32> to vector<8x128xf32>
    %swap3A_3024 = vector.shape_cast %slice3A_3018 : vector<8x128xf32> to vector<1x8x128xf32>
    tpu.vector_store %arg8[%swap3A_3019, %swap3A_3020, %swap3A_3021], %swap3A_3024 {strides = array<i32>} : memref<14x256x128xf32, #tpu.memory_space<vmem>>, vector<1x8x128xf32>,
    %slice3A_3025 = vector.extract_strided_slice %dot_general3A_2947 {offsets = [88, 0], sizes = [8, 128], strides = [1, 1]} : vector<112x128xf32> to vector<8x128xf32>
    %swap3A_3026 = arith.constant 11 : index
    %swap3A_3027 = arith.constant 208 : index
    %swap3A_3028 = arith.constant 0 : index
    %swap3A_3029 = vector.load %arg8[%swap3A_3026, %swap3A_3027, %swap3A_3028] : memref<14x256x128xf32, #tpu.memory_space<vmem>>, vector<1x8x128xf32>
    %swap3A_3030 = vector.shape_cast %swap3A_3029 : vector<1x8x128xf32> to vector<8x128xf32>
    %swap3A_3031 = vector.shape_cast %slice3A_3025 : vector<8x128xf32> to vector<1x8x128xf32>
    tpu.vector_store %arg8[%swap3A_3026, %swap3A_3027, %swap3A_3028], %swap3A_3031 {strides = array<i32>} : memref<14x256x128xf32, #tpu.memory_space<vmem>>, vector<1x8x128xf32>,
    %slice3A_3032 = vector.extract_strided_slice %dot_general3A_2947 {offsets = [96, 0], sizes = [8, 128], strides = [1, 1]} : vector<112x128xf32> to vector<8x128xf32>
    %swap3A_3033 = arith.constant 12 : index
    %swap3A_3034 = arith.constant 208 : index
    %swap3A_3035 = arith.constant 0 : index
    %swap3A_3036 = vector.load %arg8[%swap3A_3033, %swap3A_3034, %swap3A_3035] : memref<14x256x128xf32, #tpu.memory_space<vmem>>, vector<1x8x128xf32>
    %swap3A_3037 = vector.shape_cast %swap3A_3036 : vector<1x8x128xf32> to vector<8x128xf32>
    %swap3A_3038 = vector.shape_cast %slice3A_3032 : vector<8x128xf32> to vector<1x8x128xf32>
    tpu.vector_store %arg8[%swap3A_3033, %swap3A_3034, %swap3A_3035], %swap3A_3038 {strides = array<i32>} : memref<14x256x128xf32, #tpu.memory_space<vmem>>, vector<1x8x128xf32>,
    %slice3A_3039 = vector.extract_strided_slice %dot_general3A_2947 {offsets = [104, 0], sizes = [8, 128], strides = [1, 1]} : vector<112x128xf32> to vector<8x128xf32>
    %swap3A_3040 = arith.constant 13 : index
    %swap3A_3041 = arith.constant 208 : index
    %swap3A_3042 = arith.constant 0 : index
    %swap3A_3043 = vector.load %arg8[%swap3A_3040, %swap3A_3041, %swap3A_3042] : memref<14x256x128xf32, #tpu.memory_space<vmem>>, vector<1x8x128xf32>
    %swap3A_3044 = vector.shape_cast %swap3A_3043 : vector<1x8x128xf32> to vector<8x128xf32>
    %swap3A_3045 = vector.shape_cast %slice3A_3039 : vector<8x128xf32> to vector<1x8x128xf32>
    tpu.vector_store %arg8[%swap3A_3040, %swap3A_3041, %swap3A_3042], %swap3A_3045 {strides = array<i32>} : memref<14x256x128xf32, #tpu.memory_space<vmem>>, vector<1x8x128xf32>,
    %get3A_3046 = arith.constant 6912 : index
    %get3A_3047 = arith.constant 0 : index
    %get3A_3048 = vector.load %arg1[%get3A_3046, %get3A_3047] : memref<8192x128xf32, #tpu.memory_space<vmem>>, vector<256x128xf32>
    %convert_element_type3A_3049 = arith.truncf %get3A_3048 : vector<256x128xf32> to vector<256x128xbf16>
    %get3A_3050 = arith.constant 27 : index
    %get3A_3051 = arith.constant 0 : index
    %get3A_3052 = arith.constant 0 : index
    %get3A_3053 = arith.constant 0 : index
    %get3A_3054 = vector.load %arg2[%get3A_3050, %get3A_3051, %get3A_3052, %get3A_3053] : memref<32x14x8x32xbf16, #tpu.memory_space<vmem>>, vector<1x14x8x32xbf16>
    %get3A_3055 = vector.shape_cast %get3A_3054 : vector<1x14x8x32xbf16> to vector<14x8x32xbf16>
    %reshape3A_3056 = vector.shape_cast %get3A_3055 : vector<14x8x32xbf16> to vector<112x32xbf16>
    %concatenate3A_3057 = tpu.concatenate %reshape3A_3056, %reshape3A_3056, %reshape3A_3056, %reshape3A_3056, %reshape3A_3056, %reshape3A_3056, %reshape3A_3056, %reshape3A_3056 in 1 : vector<112x32xbf16>, vector<112x32xbf16>, vector<112x32xbf16>, vector<112x32xbf16>, vector<112x32xbf16>, vector<112x32xbf16>, vector<112x32xbf16>, vector<112x32xbf16> -> vector<112x256xbf16>
    %mul3A_3058 = arith.mulf %concatenate3A_3057, %get3A_1 : vector<112x256xbf16>
    %dot_general3A_3059 = arith.constant dense<0.000000e+00> : vector<112x128xf32>
    %dot_general3A_3060 = tpu.matmul %mul3A_3058, %convert_element_type3A_3049, %dot_general3A_3059 {dimension_numbers = #tpu.dot_dimension_numbers<[1], [0], [0], [1], [0, 0, 1, 1], [], []>, transpose_lhs_hint = false} : vector<112x256xbf16>, vector<256x128xbf16>, vector<112x128xf32> -> vector<112x128xf32>
    %slice3A_3061 = vector.extract_strided_slice %dot_general3A_3060 {offsets = [0, 0], sizes = [8, 128], strides = [1, 1]} : vector<112x128xf32> to vector<8x128xf32>
    %swap3A_3062 = arith.constant 0 : index
    %swap3A_3063 = arith.constant 216 : index
    %swap3A_3064 = arith.constant 0 : index
    %swap3A_3065 = vector.load %arg8[%swap3A_3062, %swap3A_3063, %swap3A_3064] : memref<14x256x128xf32, #tpu.memory_space<vmem>>, vector<1x8x128xf32>
    %swap3A_3066 = vector.shape_cast %swap3A_3065 : vector<1x8x128xf32> to vector<8x128xf32>
    %swap3A_3067 = vector.shape_cast %slice3A_3061 : vector<8x128xf32> to vector<1x8x128xf32>
    tpu.vector_store %arg8[%swap3A_3062, %swap3A_3063, %swap3A_3064], %swap3A_3067 {strides = array<i32>} : memref<14x256x128xf32, #tpu.memory_space<vmem>>, vector<1x8x128xf32>,
    %slice3A_3068 = vector.extract_strided_slice %dot_general3A_3060 {offsets = [8, 0], sizes = [8, 128], strides = [1, 1]} : vector<112x128xf32> to vector<8x128xf32>
    %swap3A_3069 = arith.constant 1 : index
    %swap3A_3070 = arith.constant 216 : index
    %swap3A_3071 = arith.constant 0 : index
    %swap3A_3072 = vector.load %arg8[%swap3A_3069, %swap3A_3070, %swap3A_3071] : memref<14x256x128xf32, #tpu.memory_space<vmem>>, vector<1x8x128xf32>
    %swap3A_3073 = vector.shape_cast %swap3A_3072 : vector<1x8x128xf32> to vector<8x128xf32>
    %swap3A_3074 = vector.shape_cast %slice3A_3068 : vector<8x128xf32> to vector<1x8x128xf32>
    tpu.vector_store %arg8[%swap3A_3069, %swap3A_3070, %swap3A_3071], %swap3A_3074 {strides = array<i32>} : memref<14x256x128xf32, #tpu.memory_space<vmem>>, vector<1x8x128xf32>,
    %slice3A_3075 = vector.extract_strided_slice %dot_general3A_3060 {offsets = [16, 0], sizes = [8, 128], strides = [1, 1]} : vector<112x128xf32> to vector<8x128xf32>
    %swap3A_3076 = arith.constant 2 : index
    %swap3A_3077 = arith.constant 216 : index
    %swap3A_3078 = arith.constant 0 : index
    %swap3A_3079 = vector.load %arg8[%swap3A_3076, %swap3A_3077, %swap3A_3078] : memref<14x256x128xf32, #tpu.memory_space<vmem>>, vector<1x8x128xf32>
    %swap3A_3080 = vector.shape_cast %swap3A_3079 : vector<1x8x128xf32> to vector<8x128xf32>
    %swap3A_3081 = vector.shape_cast %slice3A_3075 : vector<8x128xf32> to vector<1x8x128xf32>
    tpu.vector_store %arg8[%swap3A_3076, %swap3A_3077, %swap3A_3078], %swap3A_3081 {strides = array<i32>} : memref<14x256x128xf32, #tpu.memory_space<vmem>>, vector<1x8x128xf32>,
    %slice3A_3082 = vector.extract_strided_slice %dot_general3A_3060 {offsets = [24, 0], sizes = [8, 128], strides = [1, 1]} : vector<112x128xf32> to vector<8x128xf32>
    %swap3A_3083 = arith.constant 3 : index
    %swap3A_3084 = arith.constant 216 : index
    %swap3A_3085 = arith.constant 0 : index
    %swap3A_3086 = vector.load %arg8[%swap3A_3083, %swap3A_3084, %swap3A_3085] : memref<14x256x128xf32, #tpu.memory_space<vmem>>, vector<1x8x128xf32>
    %swap3A_3087 = vector.shape_cast %swap3A_3086 : vector<1x8x128xf32> to vector<8x128xf32>
    %swap3A_3088 = vector.shape_cast %slice3A_3082 : vector<8x128xf32> to vector<1x8x128xf32>
    tpu.vector_store %arg8[%swap3A_3083, %swap3A_3084, %swap3A_3085], %swap3A_3088 {strides = array<i32>} : memref<14x256x128xf32, #tpu.memory_space<vmem>>, vector<1x8x128xf32>,
    %slice3A_3089 = vector.extract_strided_slice %dot_general3A_3060 {offsets = [32, 0], sizes = [8, 128], strides = [1, 1]} : vector<112x128xf32> to vector<8x128xf32>
    %swap3A_3090 = arith.constant 4 : index
    %swap3A_3091 = arith.constant 216 : index
    %swap3A_3092 = arith.constant 0 : index
    %swap3A_3093 = vector.load %arg8[%swap3A_3090, %swap3A_3091, %swap3A_3092] : memref<14x256x128xf32, #tpu.memory_space<vmem>>, vector<1x8x128xf32>
    %swap3A_3094 = vector.shape_cast %swap3A_3093 : vector<1x8x128xf32> to vector<8x128xf32>
    %swap3A_3095 = vector.shape_cast %slice3A_3089 : vector<8x128xf32> to vector<1x8x128xf32>
    tpu.vector_store %arg8[%swap3A_3090, %swap3A_3091, %swap3A_3092], %swap3A_3095 {strides = array<i32>} : memref<14x256x128xf32, #tpu.memory_space<vmem>>, vector<1x8x128xf32>,
    %slice3A_3096 = vector.extract_strided_slice %dot_general3A_3060 {offsets = [40, 0], sizes = [8, 128], strides = [1, 1]} : vector<112x128xf32> to vector<8x128xf32>
    %swap3A_3097 = arith.constant 5 : index
    %swap3A_3098 = arith.constant 216 : index
    %swap3A_3099 = arith.constant 0 : index
    %swap3A_3100 = vector.load %arg8[%swap3A_3097, %swap3A_3098, %swap3A_3099] : memref<14x256x128xf32, #tpu.memory_space<vmem>>, vector<1x8x128xf32>
    %swap3A_3101 = vector.shape_cast %swap3A_3100 : vector<1x8x128xf32> to vector<8x128xf32>
    %swap3A_3102 = vector.shape_cast %slice3A_3096 : vector<8x128xf32> to vector<1x8x128xf32>
    tpu.vector_store %arg8[%swap3A_3097, %swap3A_3098, %swap3A_3099], %swap3A_3102 {strides = array<i32>} : memref<14x256x128xf32, #tpu.memory_space<vmem>>, vector<1x8x128xf32>,
    %slice3A_3103 = vector.extract_strided_slice %dot_general3A_3060 {offsets = [48, 0], sizes = [8, 128], strides = [1, 1]} : vector<112x128xf32> to vector<8x128xf32>
    %swap3A_3104 = arith.constant 6 : index
    %swap3A_3105 = arith.constant 216 : index
    %swap3A_3106 = arith.constant 0 : index
    %swap3A_3107 = vector.load %arg8[%swap3A_3104, %swap3A_3105, %swap3A_3106] : memref<14x256x128xf32, #tpu.memory_space<vmem>>, vector<1x8x128xf32>
    %swap3A_3108 = vector.shape_cast %swap3A_3107 : vector<1x8x128xf32> to vector<8x128xf32>
    %swap3A_3109 = vector.shape_cast %slice3A_3103 : vector<8x128xf32> to vector<1x8x128xf32>
    tpu.vector_store %arg8[%swap3A_3104, %swap3A_3105, %swap3A_3106], %swap3A_3109 {strides = array<i32>} : memref<14x256x128xf32, #tpu.memory_space<vmem>>, vector<1x8x128xf32>,
    %slice3A_3110 = vector.extract_strided_slice %dot_general3A_3060 {offsets = [56, 0], sizes = [8, 128], strides = [1, 1]} : vector<112x128xf32> to vector<8x128xf32>
    %swap3A_3111 = arith.constant 7 : index
    %swap3A_3112 = arith.constant 216 : index
    %swap3A_3113 = arith.constant 0 : index
    %swap3A_3114 = vector.load %arg8[%swap3A_3111, %swap3A_3112, %swap3A_3113] : memref<14x256x128xf32, #tpu.memory_space<vmem>>, vector<1x8x128xf32>
    %swap3A_3115 = vector.shape_cast %swap3A_3114 : vector<1x8x128xf32> to vector<8x128xf32>
    %swap3A_3116 = vector.shape_cast %slice3A_3110 : vector<8x128xf32> to vector<1x8x128xf32>
    tpu.vector_store %arg8[%swap3A_3111, %swap3A_3112, %swap3A_3113], %swap3A_3116 {strides = array<i32>} : memref<14x256x128xf32, #tpu.memory_space<vmem>>, vector<1x8x128xf32>,
    %slice3A_3117 = vector.extract_strided_slice %dot_general3A_3060 {offsets = [64, 0], sizes = [8, 128], strides = [1, 1]} : vector<112x128xf32> to vector<8x128xf32>
    %swap3A_3118 = arith.constant 8 : index
    %swap3A_3119 = arith.constant 216 : index
    %swap3A_3120 = arith.constant 0 : index
    %swap3A_3121 = vector.load %arg8[%swap3A_3118, %swap3A_3119, %swap3A_3120] : memref<14x256x128xf32, #tpu.memory_space<vmem>>, vector<1x8x128xf32>
    %swap3A_3122 = vector.shape_cast %swap3A_3121 : vector<1x8x128xf32> to vector<8x128xf32>
    %swap3A_3123 = vector.shape_cast %slice3A_3117 : vector<8x128xf32> to vector<1x8x128xf32>
    tpu.vector_store %arg8[%swap3A_3118, %swap3A_3119, %swap3A_3120], %swap3A_3123 {strides = array<i32>} : memref<14x256x128xf32, #tpu.memory_space<vmem>>, vector<1x8x128xf32>,
    %slice3A_3124 = vector.extract_strided_slice %dot_general3A_3060 {offsets = [72, 0], sizes = [8, 128], strides = [1, 1]} : vector<112x128xf32> to vector<8x128xf32>
    %swap3A_3125 = arith.constant 9 : index
    %swap3A_3126 = arith.constant 216 : index
    %swap3A_3127 = arith.constant 0 : index
    %swap3A_3128 = vector.load %arg8[%swap3A_3125, %swap3A_3126, %swap3A_3127] : memref<14x256x128xf32, #tpu.memory_space<vmem>>, vector<1x8x128xf32>
    %swap3A_3129 = vector.shape_cast %swap3A_3128 : vector<1x8x128xf32> to vector<8x128xf32>
    %swap3A_3130 = vector.shape_cast %slice3A_3124 : vector<8x128xf32> to vector<1x8x128xf32>
    tpu.vector_store %arg8[%swap3A_3125, %swap3A_3126, %swap3A_3127], %swap3A_3130 {strides = array<i32>} : memref<14x256x128xf32, #tpu.memory_space<vmem>>, vector<1x8x128xf32>,
    %slice3A_3131 = vector.extract_strided_slice %dot_general3A_3060 {offsets = [80, 0], sizes = [8, 128], strides = [1, 1]} : vector<112x128xf32> to vector<8x128xf32>
    %swap3A_3132 = arith.constant 10 : index
    %swap3A_3133 = arith.constant 216 : index
    %swap3A_3134 = arith.constant 0 : index
    %swap3A_3135 = vector.load %arg8[%swap3A_3132, %swap3A_3133, %swap3A_3134] : memref<14x256x128xf32, #tpu.memory_space<vmem>>, vector<1x8x128xf32>
    %swap3A_3136 = vector.shape_cast %swap3A_3135 : vector<1x8x128xf32> to vector<8x128xf32>
    %swap3A_3137 = vector.shape_cast %slice3A_3131 : vector<8x128xf32> to vector<1x8x128xf32>
    tpu.vector_store %arg8[%swap3A_3132, %swap3A_3133, %swap3A_3134], %swap3A_3137 {strides = array<i32>} : memref<14x256x128xf32, #tpu.memory_space<vmem>>, vector<1x8x128xf32>,
    %slice3A_3138 = vector.extract_strided_slice %dot_general3A_3060 {offsets = [88, 0], sizes = [8, 128], strides = [1, 1]} : vector<112x128xf32> to vector<8x128xf32>
    %swap3A_3139 = arith.constant 11 : index
    %swap3A_3140 = arith.constant 216 : index
    %swap3A_3141 = arith.constant 0 : index
    %swap3A_3142 = vector.load %arg8[%swap3A_3139, %swap3A_3140, %swap3A_3141] : memref<14x256x128xf32, #tpu.memory_space<vmem>>, vector<1x8x128xf32>
    %swap3A_3143 = vector.shape_cast %swap3A_3142 : vector<1x8x128xf32> to vector<8x128xf32>
    %swap3A_3144 = vector.shape_cast %slice3A_3138 : vector<8x128xf32> to vector<1x8x128xf32>
    tpu.vector_store %arg8[%swap3A_3139, %swap3A_3140, %swap3A_3141], %swap3A_3144 {strides = array<i32>} : memref<14x256x128xf32, #tpu.memory_space<vmem>>, vector<1x8x128xf32>,
    %slice3A_3145 = vector.extract_strided_slice %dot_general3A_3060 {offsets = [96, 0], sizes = [8, 128], strides = [1, 1]} : vector<112x128xf32> to vector<8x128xf32>
    %swap3A_3146 = arith.constant 12 : index
    %swap3A_3147 = arith.constant 216 : index
    %swap3A_3148 = arith.constant 0 : index
    %swap3A_3149 = vector.load %arg8[%swap3A_3146, %swap3A_3147, %swap3A_3148] : memref<14x256x128xf32, #tpu.memory_space<vmem>>, vector<1x8x128xf32>
    %swap3A_3150 = vector.shape_cast %swap3A_3149 : vector<1x8x128xf32> to vector<8x128xf32>
    %swap3A_3151 = vector.shape_cast %slice3A_3145 : vector<8x128xf32> to vector<1x8x128xf32>
    tpu.vector_store %arg8[%swap3A_3146, %swap3A_3147, %swap3A_3148], %swap3A_3151 {strides = array<i32>} : memref<14x256x128xf32, #tpu.memory_space<vmem>>, vector<1x8x128xf32>,
    %slice3A_3152 = vector.extract_strided_slice %dot_general3A_3060 {offsets = [104, 0], sizes = [8, 128], strides = [1, 1]} : vector<112x128xf32> to vector<8x128xf32>
    %swap3A_3153 = arith.constant 13 : index
    %swap3A_3154 = arith.constant 216 : index
    %swap3A_3155 = arith.constant 0 : index
    %swap3A_3156 = vector.load %arg8[%swap3A_3153, %swap3A_3154, %swap3A_3155] : memref<14x256x128xf32, #tpu.memory_space<vmem>>, vector<1x8x128xf32>
    %swap3A_3157 = vector.shape_cast %swap3A_3156 : vector<1x8x128xf32> to vector<8x128xf32>
    %swap3A_3158 = vector.shape_cast %slice3A_3152 : vector<8x128xf32> to vector<1x8x128xf32>
    tpu.vector_store %arg8[%swap3A_3153, %swap3A_3154, %swap3A_3155], %swap3A_3158 {strides = array<i32>} : memref<14x256x128xf32, #tpu.memory_space<vmem>>, vector<1x8x128xf32>,
    %get3A_3159 = arith.constant 7168 : index
    %get3A_3160 = arith.constant 0 : index
    %get3A_3161 = vector.load %arg1[%get3A_3159, %get3A_3160] : memref<8192x128xf32, #tpu.memory_space<vmem>>, vector<256x128xf32>
    %convert_element_type3A_3162 = arith.truncf %get3A_3161 : vector<256x128xf32> to vector<256x128xbf16>
    %get3A_3163 = arith.constant 28 : index
    %get3A_3164 = arith.constant 0 : index
    %get3A_3165 = arith.constant 0 : index
    %get3A_3166 = arith.constant 0 : index
    %get3A_3167 = vector.load %arg2[%get3A_3163, %get3A_3164, %get3A_3165, %get3A_3166] : memref<32x14x8x32xbf16, #tpu.memory_space<vmem>>, vector<1x14x8x32xbf16>
    %get3A_3168 = vector.shape_cast %get3A_3167 : vector<1x14x8x32xbf16> to vector<14x8x32xbf16>
    %reshape3A_3169 = vector.shape_cast %get3A_3168 : vector<14x8x32xbf16> to vector<112x32xbf16>
    %concatenate3A_3170 = tpu.concatenate %reshape3A_3169, %reshape3A_3169, %reshape3A_3169, %reshape3A_3169, %reshape3A_3169, %reshape3A_3169, %reshape3A_3169, %reshape3A_3169 in 1 : vector<112x32xbf16>, vector<112x32xbf16>, vector<112x32xbf16>, vector<112x32xbf16>, vector<112x32xbf16>, vector<112x32xbf16>, vector<112x32xbf16>, vector<112x32xbf16> -> vector<112x256xbf16>
    %mul3A_3171 = arith.mulf %concatenate3A_3170, %get3A_1 : vector<112x256xbf16>
    %dot_general3A_3172 = arith.constant dense<0.000000e+00> : vector<112x128xf32>
    %dot_general3A_3173 = tpu.matmul %mul3A_3171, %convert_element_type3A_3162, %dot_general3A_3172 {dimension_numbers = #tpu.dot_dimension_numbers<[1], [0], [0], [1], [0, 0, 1, 1], [], []>, transpose_lhs_hint = false} : vector<112x256xbf16>, vector<256x128xbf16>, vector<112x128xf32> -> vector<112x128xf32>
    %slice3A_3174 = vector.extract_strided_slice %dot_general3A_3173 {offsets = [0, 0], sizes = [8, 128], strides = [1, 1]} : vector<112x128xf32> to vector<8x128xf32>
    %swap3A_3175 = arith.constant 0 : index
    %swap3A_3176 = arith.constant 224 : index
    %swap3A_3177 = arith.constant 0 : index
    %swap3A_3178 = vector.load %arg8[%swap3A_3175, %swap3A_3176, %swap3A_3177] : memref<14x256x128xf32, #tpu.memory_space<vmem>>, vector<1x8x128xf32>
    %swap3A_3179 = vector.shape_cast %swap3A_3178 : vector<1x8x128xf32> to vector<8x128xf32>
    %swap3A_3180 = vector.shape_cast %slice3A_3174 : vector<8x128xf32> to vector<1x8x128xf32>
    tpu.vector_store %arg8[%swap3A_3175, %swap3A_3176, %swap3A_3177], %swap3A_3180 {strides = array<i32>} : memref<14x256x128xf32, #tpu.memory_space<vmem>>, vector<1x8x128xf32>,
    %slice3A_3181 = vector.extract_strided_slice %dot_general3A_3173 {offsets = [8, 0], sizes = [8, 128], strides = [1, 1]} : vector<112x128xf32> to vector<8x128xf32>
    %swap3A_3182 = arith.constant 1 : index
    %swap3A_3183 = arith.constant 224 : index
    %swap3A_3184 = arith.constant 0 : index
    %swap3A_3185 = vector.load %arg8[%swap3A_3182, %swap3A_3183, %swap3A_3184] : memref<14x256x128xf32, #tpu.memory_space<vmem>>, vector<1x8x128xf32>
    %swap3A_3186 = vector.shape_cast %swap3A_3185 : vector<1x8x128xf32> to vector<8x128xf32>
    %swap3A_3187 = vector.shape_cast %slice3A_3181 : vector<8x128xf32> to vector<1x8x128xf32>
    tpu.vector_store %arg8[%swap3A_3182, %swap3A_3183, %swap3A_3184], %swap3A_3187 {strides = array<i32>} : memref<14x256x128xf32, #tpu.memory_space<vmem>>, vector<1x8x128xf32>,
    %slice3A_3188 = vector.extract_strided_slice %dot_general3A_3173 {offsets = [16, 0], sizes = [8, 128], strides = [1, 1]} : vector<112x128xf32> to vector<8x128xf32>
    %swap3A_3189 = arith.constant 2 : index
    %swap3A_3190 = arith.constant 224 : index
    %swap3A_3191 = arith.constant 0 : index
    %swap3A_3192 = vector.load %arg8[%swap3A_3189, %swap3A_3190, %swap3A_3191] : memref<14x256x128xf32, #tpu.memory_space<vmem>>, vector<1x8x128xf32>
    %swap3A_3193 = vector.shape_cast %swap3A_3192 : vector<1x8x128xf32> to vector<8x128xf32>
    %swap3A_3194 = vector.shape_cast %slice3A_3188 : vector<8x128xf32> to vector<1x8x128xf32>
    tpu.vector_store %arg8[%swap3A_3189, %swap3A_3190, %swap3A_3191], %swap3A_3194 {strides = array<i32>} : memref<14x256x128xf32, #tpu.memory_space<vmem>>, vector<1x8x128xf32>,
    %slice3A_3195 = vector.extract_strided_slice %dot_general3A_3173 {offsets = [24, 0], sizes = [8, 128], strides = [1, 1]} : vector<112x128xf32> to vector<8x128xf32>
    %swap3A_3196 = arith.constant 3 : index
    %swap3A_3197 = arith.constant 224 : index
    %swap3A_3198 = arith.constant 0 : index
    %swap3A_3199 = vector.load %arg8[%swap3A_3196, %swap3A_3197, %swap3A_3198] : memref<14x256x128xf32, #tpu.memory_space<vmem>>, vector<1x8x128xf32>
    %swap3A_3200 = vector.shape_cast %swap3A_3199 : vector<1x8x128xf32> to vector<8x128xf32>
    %swap3A_3201 = vector.shape_cast %slice3A_3195 : vector<8x128xf32> to vector<1x8x128xf32>
    tpu.vector_store %arg8[%swap3A_3196, %swap3A_3197, %swap3A_3198], %swap3A_3201 {strides = array<i32>} : memref<14x256x128xf32, #tpu.memory_space<vmem>>, vector<1x8x128xf32>,
    %slice3A_3202 = vector.extract_strided_slice %dot_general3A_3173 {offsets = [32, 0], sizes = [8, 128], strides = [1, 1]} : vector<112x128xf32> to vector<8x128xf32>
    %swap3A_3203 = arith.constant 4 : index
    %swap3A_3204 = arith.constant 224 : index
    %swap3A_3205 = arith.constant 0 : index
    %swap3A_3206 = vector.load %arg8[%swap3A_3203, %swap3A_3204, %swap3A_3205] : memref<14x256x128xf32, #tpu.memory_space<vmem>>, vector<1x8x128xf32>
    %swap3A_3207 = vector.shape_cast %swap3A_3206 : vector<1x8x128xf32> to vector<8x128xf32>
    %swap3A_3208 = vector.shape_cast %slice3A_3202 : vector<8x128xf32> to vector<1x8x128xf32>
    tpu.vector_store %arg8[%swap3A_3203, %swap3A_3204, %swap3A_3205], %swap3A_3208 {strides = array<i32>} : memref<14x256x128xf32, #tpu.memory_space<vmem>>, vector<1x8x128xf32>,
    %slice3A_3209 = vector.extract_strided_slice %dot_general3A_3173 {offsets = [40, 0], sizes = [8, 128], strides = [1, 1]} : vector<112x128xf32> to vector<8x128xf32>
    %swap3A_3210 = arith.constant 5 : index
    %swap3A_3211 = arith.constant 224 : index
    %swap3A_3212 = arith.constant 0 : index
    %swap3A_3213 = vector.load %arg8[%swap3A_3210, %swap3A_3211, %swap3A_3212] : memref<14x256x128xf32, #tpu.memory_space<vmem>>, vector<1x8x128xf32>
    %swap3A_3214 = vector.shape_cast %swap3A_3213 : vector<1x8x128xf32> to vector<8x128xf32>
    %swap3A_3215 = vector.shape_cast %slice3A_3209 : vector<8x128xf32> to vector<1x8x128xf32>
    tpu.vector_store %arg8[%swap3A_3210, %swap3A_3211, %swap3A_3212], %swap3A_3215 {strides = array<i32>} : memref<14x256x128xf32, #tpu.memory_space<vmem>>, vector<1x8x128xf32>,
    %slice3A_3216 = vector.extract_strided_slice %dot_general3A_3173 {offsets = [48, 0], sizes = [8, 128], strides = [1, 1]} : vector<112x128xf32> to vector<8x128xf32>
    %swap3A_3217 = arith.constant 6 : index
    %swap3A_3218 = arith.constant 224 : index
    %swap3A_3219 = arith.constant 0 : index
    %swap3A_3220 = vector.load %arg8[%swap3A_3217, %swap3A_3218, %swap3A_3219] : memref<14x256x128xf32, #tpu.memory_space<vmem>>, vector<1x8x128xf32>
    %swap3A_3221 = vector.shape_cast %swap3A_3220 : vector<1x8x128xf32> to vector<8x128xf32>
    %swap3A_3222 = vector.shape_cast %slice3A_3216 : vector<8x128xf32> to vector<1x8x128xf32>
    tpu.vector_store %arg8[%swap3A_3217, %swap3A_3218, %swap3A_3219], %swap3A_3222 {strides = array<i32>} : memref<14x256x128xf32, #tpu.memory_space<vmem>>, vector<1x8x128xf32>,
    %slice3A_3223 = vector.extract_strided_slice %dot_general3A_3173 {offsets = [56, 0], sizes = [8, 128], strides = [1, 1]} : vector<112x128xf32> to vector<8x128xf32>
    %swap3A_3224 = arith.constant 7 : index
    %swap3A_3225 = arith.constant 224 : index
    %swap3A_3226 = arith.constant 0 : index
    %swap3A_3227 = vector.load %arg8[%swap3A_3224, %swap3A_3225, %swap3A_3226] : memref<14x256x128xf32, #tpu.memory_space<vmem>>, vector<1x8x128xf32>
    %swap3A_3228 = vector.shape_cast %swap3A_3227 : vector<1x8x128xf32> to vector<8x128xf32>
    %swap3A_3229 = vector.shape_cast %slice3A_3223 : vector<8x128xf32> to vector<1x8x128xf32>
    tpu.vector_store %arg8[%swap3A_3224, %swap3A_3225, %swap3A_3226], %swap3A_3229 {strides = array<i32>} : memref<14x256x128xf32, #tpu.memory_space<vmem>>, vector<1x8x128xf32>,
    %slice3A_3230 = vector.extract_strided_slice %dot_general3A_3173 {offsets = [64, 0], sizes = [8, 128], strides = [1, 1]} : vector<112x128xf32> to vector<8x128xf32>
    %swap3A_3231 = arith.constant 8 : index
    %swap3A_3232 = arith.constant 224 : index
    %swap3A_3233 = arith.constant 0 : index
    %swap3A_3234 = vector.load %arg8[%swap3A_3231, %swap3A_3232, %swap3A_3233] : memref<14x256x128xf32, #tpu.memory_space<vmem>>, vector<1x8x128xf32>
    %swap3A_3235 = vector.shape_cast %swap3A_3234 : vector<1x8x128xf32> to vector<8x128xf32>
    %swap3A_3236 = vector.shape_cast %slice3A_3230 : vector<8x128xf32> to vector<1x8x128xf32>
    tpu.vector_store %arg8[%swap3A_3231, %swap3A_3232, %swap3A_3233], %swap3A_3236 {strides = array<i32>} : memref<14x256x128xf32, #tpu.memory_space<vmem>>, vector<1x8x128xf32>,
    %slice3A_3237 = vector.extract_strided_slice %dot_general3A_3173 {offsets = [72, 0], sizes = [8, 128], strides = [1, 1]} : vector<112x128xf32> to vector<8x128xf32>
    %swap3A_3238 = arith.constant 9 : index
    %swap3A_3239 = arith.constant 224 : index
    %swap3A_3240 = arith.constant 0 : index
    %swap3A_3241 = vector.load %arg8[%swap3A_3238, %swap3A_3239, %swap3A_3240] : memref<14x256x128xf32, #tpu.memory_space<vmem>>, vector<1x8x128xf32>
    %swap3A_3242 = vector.shape_cast %swap3A_3241 : vector<1x8x128xf32> to vector<8x128xf32>
    %swap3A_3243 = vector.shape_cast %slice3A_3237 : vector<8x128xf32> to vector<1x8x128xf32>
    tpu.vector_store %arg8[%swap3A_3238, %swap3A_3239, %swap3A_3240], %swap3A_3243 {strides = array<i32>} : memref<14x256x128xf32, #tpu.memory_space<vmem>>, vector<1x8x128xf32>,
    %slice3A_3244 = vector.extract_strided_slice %dot_general3A_3173 {offsets = [80, 0], sizes = [8, 128], strides = [1, 1]} : vector<112x128xf32> to vector<8x128xf32>
    %swap3A_3245 = arith.constant 10 : index
    %swap3A_3246 = arith.constant 224 : index
    %swap3A_3247 = arith.constant 0 : index
    %swap3A_3248 = vector.load %arg8[%swap3A_3245, %swap3A_3246, %swap3A_3247] : memref<14x256x128xf32, #tpu.memory_space<vmem>>, vector<1x8x128xf32>
    %swap3A_3249 = vector.shape_cast %swap3A_3248 : vector<1x8x128xf32> to vector<8x128xf32>
    %swap3A_3250 = vector.shape_cast %slice3A_3244 : vector<8x128xf32> to vector<1x8x128xf32>
    tpu.vector_store %arg8[%swap3A_3245, %swap3A_3246, %swap3A_3247], %swap3A_3250 {strides = array<i32>} : memref<14x256x128xf32, #tpu.memory_space<vmem>>, vector<1x8x128xf32>,
    %slice3A_3251 = vector.extract_strided_slice %dot_general3A_3173 {offsets = [88, 0], sizes = [8, 128], strides = [1, 1]} : vector<112x128xf32> to vector<8x128xf32>
    %swap3A_3252 = arith.constant 11 : index
    %swap3A_3253 = arith.constant 224 : index
    %swap3A_3254 = arith.constant 0 : index
    %swap3A_3255 = vector.load %arg8[%swap3A_3252, %swap3A_3253, %swap3A_3254] : memref<14x256x128xf32, #tpu.memory_space<vmem>>, vector<1x8x128xf32>
    %swap3A_3256 = vector.shape_cast %swap3A_3255 : vector<1x8x128xf32> to vector<8x128xf32>
    %swap3A_3257 = vector.shape_cast %slice3A_3251 : vector<8x128xf32> to vector<1x8x128xf32>
    tpu.vector_store %arg8[%swap3A_3252, %swap3A_3253, %swap3A_3254], %swap3A_3257 {strides = array<i32>} : memref<14x256x128xf32, #tpu.memory_space<vmem>>, vector<1x8x128xf32>,
    %slice3A_3258 = vector.extract_strided_slice %dot_general3A_3173 {offsets = [96, 0], sizes = [8, 128], strides = [1, 1]} : vector<112x128xf32> to vector<8x128xf32>
    %swap3A_3259 = arith.constant 12 : index
    %swap3A_3260 = arith.constant 224 : index
    %swap3A_3261 = arith.constant 0 : index
    %swap3A_3262 = vector.load %arg8[%swap3A_3259, %swap3A_3260, %swap3A_3261] : memref<14x256x128xf32, #tpu.memory_space<vmem>>, vector<1x8x128xf32>
    %swap3A_3263 = vector.shape_cast %swap3A_3262 : vector<1x8x128xf32> to vector<8x128xf32>
    %swap3A_3264 = vector.shape_cast %slice3A_3258 : vector<8x128xf32> to vector<1x8x128xf32>
    tpu.vector_store %arg8[%swap3A_3259, %swap3A_3260, %swap3A_3261], %swap3A_3264 {strides = array<i32>} : memref<14x256x128xf32, #tpu.memory_space<vmem>>, vector<1x8x128xf32>,
    %slice3A_3265 = vector.extract_strided_slice %dot_general3A_3173 {offsets = [104, 0], sizes = [8, 128], strides = [1, 1]} : vector<112x128xf32> to vector<8x128xf32>
    %swap3A_3266 = arith.constant 13 : index
    %swap3A_3267 = arith.constant 224 : index
    %swap3A_3268 = arith.constant 0 : index
    %swap3A_3269 = vector.load %arg8[%swap3A_3266, %swap3A_3267, %swap3A_3268] : memref<14x256x128xf32, #tpu.memory_space<vmem>>, vector<1x8x128xf32>
    %swap3A_3270 = vector.shape_cast %swap3A_3269 : vector<1x8x128xf32> to vector<8x128xf32>
    %swap3A_3271 = vector.shape_cast %slice3A_3265 : vector<8x128xf32> to vector<1x8x128xf32>
    tpu.vector_store %arg8[%swap3A_3266, %swap3A_3267, %swap3A_3268], %swap3A_3271 {strides = array<i32>} : memref<14x256x128xf32, #tpu.memory_space<vmem>>, vector<1x8x128xf32>,
    %get3A_3272 = arith.constant 7424 : index
    %get3A_3273 = arith.constant 0 : index
    %get3A_3274 = vector.load %arg1[%get3A_3272, %get3A_3273] : memref<8192x128xf32, #tpu.memory_space<vmem>>, vector<256x128xf32>
    %convert_element_type3A_3275 = arith.truncf %get3A_3274 : vector<256x128xf32> to vector<256x128xbf16>
    %get3A_3276 = arith.constant 29 : index
    %get3A_3277 = arith.constant 0 : index
    %get3A_3278 = arith.constant 0 : index
    %get3A_3279 = arith.constant 0 : index
    %get3A_3280 = vector.load %arg2[%get3A_3276, %get3A_3277, %get3A_3278, %get3A_3279] : memref<32x14x8x32xbf16, #tpu.memory_space<vmem>>, vector<1x14x8x32xbf16>
    %get3A_3281 = vector.shape_cast %get3A_3280 : vector<1x14x8x32xbf16> to vector<14x8x32xbf16>
    %reshape3A_3282 = vector.shape_cast %get3A_3281 : vector<14x8x32xbf16> to vector<112x32xbf16>
    %concatenate3A_3283 = tpu.concatenate %reshape3A_3282, %reshape3A_3282, %reshape3A_3282, %reshape3A_3282, %reshape3A_3282, %reshape3A_3282, %reshape3A_3282, %reshape3A_3282 in 1 : vector<112x32xbf16>, vector<112x32xbf16>, vector<112x32xbf16>, vector<112x32xbf16>, vector<112x32xbf16>, vector<112x32xbf16>, vector<112x32xbf16>, vector<112x32xbf16> -> vector<112x256xbf16>
    %mul3A_3284 = arith.mulf %concatenate3A_3283, %get3A_1 : vector<112x256xbf16>
    %dot_general3A_3285 = arith.constant dense<0.000000e+00> : vector<112x128xf32>
    %dot_general3A_3286 = tpu.matmul %mul3A_3284, %convert_element_type3A_3275, %dot_general3A_3285 {dimension_numbers = #tpu.dot_dimension_numbers<[1], [0], [0], [1], [0, 0, 1, 1], [], []>, transpose_lhs_hint = false} : vector<112x256xbf16>, vector<256x128xbf16>, vector<112x128xf32> -> vector<112x128xf32>
    %slice3A_3287 = vector.extract_strided_slice %dot_general3A_3286 {offsets = [0, 0], sizes = [8, 128], strides = [1, 1]} : vector<112x128xf32> to vector<8x128xf32>
    %swap3A_3288 = arith.constant 0 : index
    %swap3A_3289 = arith.constant 232 : index
    %swap3A_3290 = arith.constant 0 : index
    %swap3A_3291 = vector.load %arg8[%swap3A_3288, %swap3A_3289, %swap3A_3290] : memref<14x256x128xf32, #tpu.memory_space<vmem>>, vector<1x8x128xf32>
    %swap3A_3292 = vector.shape_cast %swap3A_3291 : vector<1x8x128xf32> to vector<8x128xf32>
    %swap3A_3293 = vector.shape_cast %slice3A_3287 : vector<8x128xf32> to vector<1x8x128xf32>
    tpu.vector_store %arg8[%swap3A_3288, %swap3A_3289, %swap3A_3290], %swap3A_3293 {strides = array<i32>} : memref<14x256x128xf32, #tpu.memory_space<vmem>>, vector<1x8x128xf32>,
    %slice3A_3294 = vector.extract_strided_slice %dot_general3A_3286 {offsets = [8, 0], sizes = [8, 128], strides = [1, 1]} : vector<112x128xf32> to vector<8x128xf32>
    %swap3A_3295 = arith.constant 1 : index
    %swap3A_3296 = arith.constant 232 : index
    %swap3A_3297 = arith.constant 0 : index
    %swap3A_3298 = vector.load %arg8[%swap3A_3295, %swap3A_3296, %swap3A_3297] : memref<14x256x128xf32, #tpu.memory_space<vmem>>, vector<1x8x128xf32>
    %swap3A_3299 = vector.shape_cast %swap3A_3298 : vector<1x8x128xf32> to vector<8x128xf32>
    %swap3A_3300 = vector.shape_cast %slice3A_3294 : vector<8x128xf32> to vector<1x8x128xf32>
    tpu.vector_store %arg8[%swap3A_3295, %swap3A_3296, %swap3A_3297], %swap3A_3300 {strides = array<i32>} : memref<14x256x128xf32, #tpu.memory_space<vmem>>, vector<1x8x128xf32>,
    %slice3A_3301 = vector.extract_strided_slice %dot_general3A_3286 {offsets = [16, 0], sizes = [8, 128], strides = [1, 1]} : vector<112x128xf32> to vector<8x128xf32>
    %swap3A_3302 = arith.constant 2 : index
    %swap3A_3303 = arith.constant 232 : index
    %swap3A_3304 = arith.constant 0 : index
    %swap3A_3305 = vector.load %arg8[%swap3A_3302, %swap3A_3303, %swap3A_3304] : memref<14x256x128xf32, #tpu.memory_space<vmem>>, vector<1x8x128xf32>
    %swap3A_3306 = vector.shape_cast %swap3A_3305 : vector<1x8x128xf32> to vector<8x128xf32>
    %swap3A_3307 = vector.shape_cast %slice3A_3301 : vector<8x128xf32> to vector<1x8x128xf32>
    tpu.vector_store %arg8[%swap3A_3302, %swap3A_3303, %swap3A_3304], %swap3A_3307 {strides = array<i32>} : memref<14x256x128xf32, #tpu.memory_space<vmem>>, vector<1x8x128xf32>,
    %slice3A_3308 = vector.extract_strided_slice %dot_general3A_3286 {offsets = [24, 0], sizes = [8, 128], strides = [1, 1]} : vector<112x128xf32> to vector<8x128xf32>
    %swap3A_3309 = arith.constant 3 : index
    %swap3A_3310 = arith.constant 232 : index
    %swap3A_3311 = arith.constant 0 : index
    %swap3A_3312 = vector.load %arg8[%swap3A_3309, %swap3A_3310, %swap3A_3311] : memref<14x256x128xf32, #tpu.memory_space<vmem>>, vector<1x8x128xf32>
    %swap3A_3313 = vector.shape_cast %swap3A_3312 : vector<1x8x128xf32> to vector<8x128xf32>
    %swap3A_3314 = vector.shape_cast %slice3A_3308 : vector<8x128xf32> to vector<1x8x128xf32>
    tpu.vector_store %arg8[%swap3A_3309, %swap3A_3310, %swap3A_3311], %swap3A_3314 {strides = array<i32>} : memref<14x256x128xf32, #tpu.memory_space<vmem>>, vector<1x8x128xf32>,
    %slice3A_3315 = vector.extract_strided_slice %dot_general3A_3286 {offsets = [32, 0], sizes = [8, 128], strides = [1, 1]} : vector<112x128xf32> to vector<8x128xf32>
    %swap3A_3316 = arith.constant 4 : index
    %swap3A_3317 = arith.constant 232 : index
    %swap3A_3318 = arith.constant 0 : index
    %swap3A_3319 = vector.load %arg8[%swap3A_3316, %swap3A_3317, %swap3A_3318] : memref<14x256x128xf32, #tpu.memory_space<vmem>>, vector<1x8x128xf32>
    %swap3A_3320 = vector.shape_cast %swap3A_3319 : vector<1x8x128xf32> to vector<8x128xf32>
    %swap3A_3321 = vector.shape_cast %slice3A_3315 : vector<8x128xf32> to vector<1x8x128xf32>
    tpu.vector_store %arg8[%swap3A_3316, %swap3A_3317, %swap3A_3318], %swap3A_3321 {strides = array<i32>} : memref<14x256x128xf32, #tpu.memory_space<vmem>>, vector<1x8x128xf32>,
    %slice3A_3322 = vector.extract_strided_slice %dot_general3A_3286 {offsets = [40, 0], sizes = [8, 128], strides = [1, 1]} : vector<112x128xf32> to vector<8x128xf32>
    %swap3A_3323 = arith.constant 5 : index
    %swap3A_3324 = arith.constant 232 : index
    %swap3A_3325 = arith.constant 0 : index
    %swap3A_3326 = vector.load %arg8[%swap3A_3323, %swap3A_3324, %swap3A_3325] : memref<14x256x128xf32, #tpu.memory_space<vmem>>, vector<1x8x128xf32>
    %swap3A_3327 = vector.shape_cast %swap3A_3326 : vector<1x8x128xf32> to vector<8x128xf32>
    %swap3A_3328 = vector.shape_cast %slice3A_3322 : vector<8x128xf32> to vector<1x8x128xf32>
    tpu.vector_store %arg8[%swap3A_3323, %swap3A_3324, %swap3A_3325], %swap3A_3328 {strides = array<i32>} : memref<14x256x128xf32, #tpu.memory_space<vmem>>, vector<1x8x128xf32>,
    %slice3A_3329 = vector.extract_strided_slice %dot_general3A_3286 {offsets = [48, 0], sizes = [8, 128], strides = [1, 1]} : vector<112x128xf32> to vector<8x128xf32>
    %swap3A_3330 = arith.constant 6 : index
    %swap3A_3331 = arith.constant 232 : index
    %swap3A_3332 = arith.constant 0 : index
    %swap3A_3333 = vector.load %arg8[%swap3A_3330, %swap3A_3331, %swap3A_3332] : memref<14x256x128xf32, #tpu.memory_space<vmem>>, vector<1x8x128xf32>
    %swap3A_3334 = vector.shape_cast %swap3A_3333 : vector<1x8x128xf32> to vector<8x128xf32>
    %swap3A_3335 = vector.shape_cast %slice3A_3329 : vector<8x128xf32> to vector<1x8x128xf32>
    tpu.vector_store %arg8[%swap3A_3330, %swap3A_3331, %swap3A_3332], %swap3A_3335 {strides = array<i32>} : memref<14x256x128xf32, #tpu.memory_space<vmem>>, vector<1x8x128xf32>,
    %slice3A_3336 = vector.extract_strided_slice %dot_general3A_3286 {offsets = [56, 0], sizes = [8, 128], strides = [1, 1]} : vector<112x128xf32> to vector<8x128xf32>
    %swap3A_3337 = arith.constant 7 : index
    %swap3A_3338 = arith.constant 232 : index
    %swap3A_3339 = arith.constant 0 : index
    %swap3A_3340 = vector.load %arg8[%swap3A_3337, %swap3A_3338, %swap3A_3339] : memref<14x256x128xf32, #tpu.memory_space<vmem>>, vector<1x8x128xf32>
    %swap3A_3341 = vector.shape_cast %swap3A_3340 : vector<1x8x128xf32> to vector<8x128xf32>
    %swap3A_3342 = vector.shape_cast %slice3A_3336 : vector<8x128xf32> to vector<1x8x128xf32>
    tpu.vector_store %arg8[%swap3A_3337, %swap3A_3338, %swap3A_3339], %swap3A_3342 {strides = array<i32>} : memref<14x256x128xf32, #tpu.memory_space<vmem>>, vector<1x8x128xf32>,
    %slice3A_3343 = vector.extract_strided_slice %dot_general3A_3286 {offsets = [64, 0], sizes = [8, 128], strides = [1, 1]} : vector<112x128xf32> to vector<8x128xf32>
    %swap3A_3344 = arith.constant 8 : index
    %swap3A_3345 = arith.constant 232 : index
    %swap3A_3346 = arith.constant 0 : index
    %swap3A_3347 = vector.load %arg8[%swap3A_3344, %swap3A_3345, %swap3A_3346] : memref<14x256x128xf32, #tpu.memory_space<vmem>>, vector<1x8x128xf32>
    %swap3A_3348 = vector.shape_cast %swap3A_3347 : vector<1x8x128xf32> to vector<8x128xf32>
    %swap3A_3349 = vector.shape_cast %slice3A_3343 : vector<8x128xf32> to vector<1x8x128xf32>
    tpu.vector_store %arg8[%swap3A_3344, %swap3A_3345, %swap3A_3346], %swap3A_3349 {strides = array<i32>} : memref<14x256x128xf32, #tpu.memory_space<vmem>>, vector<1x8x128xf32>,
    %slice3A_3350 = vector.extract_strided_slice %dot_general3A_3286 {offsets = [72, 0], sizes = [8, 128], strides = [1, 1]} : vector<112x128xf32> to vector<8x128xf32>
    %swap3A_3351 = arith.constant 9 : index
    %swap3A_3352 = arith.constant 232 : index
    %swap3A_3353 = arith.constant 0 : index
    %swap3A_3354 = vector.load %arg8[%swap3A_3351, %swap3A_3352, %swap3A_3353] : memref<14x256x128xf32, #tpu.memory_space<vmem>>, vector<1x8x128xf32>
    %swap3A_3355 = vector.shape_cast %swap3A_3354 : vector<1x8x128xf32> to vector<8x128xf32>
    %swap3A_3356 = vector.shape_cast %slice3A_3350 : vector<8x128xf32> to vector<1x8x128xf32>
    tpu.vector_store %arg8[%swap3A_3351, %swap3A_3352, %swap3A_3353], %swap3A_3356 {strides = array<i32>} : memref<14x256x128xf32, #tpu.memory_space<vmem>>, vector<1x8x128xf32>,
    %slice3A_3357 = vector.extract_strided_slice %dot_general3A_3286 {offsets = [80, 0], sizes = [8, 128], strides = [1, 1]} : vector<112x128xf32> to vector<8x128xf32>
    %swap3A_3358 = arith.constant 10 : index
    %swap3A_3359 = arith.constant 232 : index
    %swap3A_3360 = arith.constant 0 : index
    %swap3A_3361 = vector.load %arg8[%swap3A_3358, %swap3A_3359, %swap3A_3360] : memref<14x256x128xf32, #tpu.memory_space<vmem>>, vector<1x8x128xf32>
    %swap3A_3362 = vector.shape_cast %swap3A_3361 : vector<1x8x128xf32> to vector<8x128xf32>
    %swap3A_3363 = vector.shape_cast %slice3A_3357 : vector<8x128xf32> to vector<1x8x128xf32>
    tpu.vector_store %arg8[%swap3A_3358, %swap3A_3359, %swap3A_3360], %swap3A_3363 {strides = array<i32>} : memref<14x256x128xf32, #tpu.memory_space<vmem>>, vector<1x8x128xf32>,
    %slice3A_3364 = vector.extract_strided_slice %dot_general3A_3286 {offsets = [88, 0], sizes = [8, 128], strides = [1, 1]} : vector<112x128xf32> to vector<8x128xf32>
    %swap3A_3365 = arith.constant 11 : index
    %swap3A_3366 = arith.constant 232 : index
    %swap3A_3367 = arith.constant 0 : index
    %swap3A_3368 = vector.load %arg8[%swap3A_3365, %swap3A_3366, %swap3A_3367] : memref<14x256x128xf32, #tpu.memory_space<vmem>>, vector<1x8x128xf32>
    %swap3A_3369 = vector.shape_cast %swap3A_3368 : vector<1x8x128xf32> to vector<8x128xf32>
    %swap3A_3370 = vector.shape_cast %slice3A_3364 : vector<8x128xf32> to vector<1x8x128xf32>
    tpu.vector_store %arg8[%swap3A_3365, %swap3A_3366, %swap3A_3367], %swap3A_3370 {strides = array<i32>} : memref<14x256x128xf32, #tpu.memory_space<vmem>>, vector<1x8x128xf32>,
    %slice3A_3371 = vector.extract_strided_slice %dot_general3A_3286 {offsets = [96, 0], sizes = [8, 128], strides = [1, 1]} : vector<112x128xf32> to vector<8x128xf32>
    %swap3A_3372 = arith.constant 12 : index
    %swap3A_3373 = arith.constant 232 : index
    %swap3A_3374 = arith.constant 0 : index
    %swap3A_3375 = vector.load %arg8[%swap3A_3372, %swap3A_3373, %swap3A_3374] : memref<14x256x128xf32, #tpu.memory_space<vmem>>, vector<1x8x128xf32>
    %swap3A_3376 = vector.shape_cast %swap3A_3375 : vector<1x8x128xf32> to vector<8x128xf32>
    %swap3A_3377 = vector.shape_cast %slice3A_3371 : vector<8x128xf32> to vector<1x8x128xf32>
    tpu.vector_store %arg8[%swap3A_3372, %swap3A_3373, %swap3A_3374], %swap3A_3377 {strides = array<i32>} : memref<14x256x128xf32, #tpu.memory_space<vmem>>, vector<1x8x128xf32>,
    %slice3A_3378 = vector.extract_strided_slice %dot_general3A_3286 {offsets = [104, 0], sizes = [8, 128], strides = [1, 1]} : vector<112x128xf32> to vector<8x128xf32>
    %swap3A_3379 = arith.constant 13 : index
    %swap3A_3380 = arith.constant 232 : index
    %swap3A_3381 = arith.constant 0 : index
    %swap3A_3382 = vector.load %arg8[%swap3A_3379, %swap3A_3380, %swap3A_3381] : memref<14x256x128xf32, #tpu.memory_space<vmem>>, vector<1x8x128xf32>
    %swap3A_3383 = vector.shape_cast %swap3A_3382 : vector<1x8x128xf32> to vector<8x128xf32>
    %swap3A_3384 = vector.shape_cast %slice3A_3378 : vector<8x128xf32> to vector<1x8x128xf32>
    tpu.vector_store %arg8[%swap3A_3379, %swap3A_3380, %swap3A_3381], %swap3A_3384 {strides = array<i32>} : memref<14x256x128xf32, #tpu.memory_space<vmem>>, vector<1x8x128xf32>,
    %get3A_3385 = arith.constant 7680 : index
    %get3A_3386 = arith.constant 0 : index
    %get3A_3387 = vector.load %arg1[%get3A_3385, %get3A_3386] : memref<8192x128xf32, #tpu.memory_space<vmem>>, vector<256x128xf32>
    %convert_element_type3A_3388 = arith.truncf %get3A_3387 : vector<256x128xf32> to vector<256x128xbf16>
    %get3A_3389 = arith.constant 30 : index
    %get3A_3390 = arith.constant 0 : index
    %get3A_3391 = arith.constant 0 : index
    %get3A_3392 = arith.constant 0 : index
    %get3A_3393 = vector.load %arg2[%get3A_3389, %get3A_3390, %get3A_3391, %get3A_3392] : memref<32x14x8x32xbf16, #tpu.memory_space<vmem>>, vector<1x14x8x32xbf16>
    %get3A_3394 = vector.shape_cast %get3A_3393 : vector<1x14x8x32xbf16> to vector<14x8x32xbf16>
    %reshape3A_3395 = vector.shape_cast %get3A_3394 : vector<14x8x32xbf16> to vector<112x32xbf16>
    %concatenate3A_3396 = tpu.concatenate %reshape3A_3395, %reshape3A_3395, %reshape3A_3395, %reshape3A_3395, %reshape3A_3395, %reshape3A_3395, %reshape3A_3395, %reshape3A_3395 in 1 : vector<112x32xbf16>, vector<112x32xbf16>, vector<112x32xbf16>, vector<112x32xbf16>, vector<112x32xbf16>, vector<112x32xbf16>, vector<112x32xbf16>, vector<112x32xbf16> -> vector<112x256xbf16>
    %mul3A_3397 = arith.mulf %concatenate3A_3396, %get3A_1 : vector<112x256xbf16>
    %dot_general3A_3398 = arith.constant dense<0.000000e+00> : vector<112x128xf32>
    %dot_general3A_3399 = tpu.matmul %mul3A_3397, %convert_element_type3A_3388, %dot_general3A_3398 {dimension_numbers = #tpu.dot_dimension_numbers<[1], [0], [0], [1], [0, 0, 1, 1], [], []>, transpose_lhs_hint = false} : vector<112x256xbf16>, vector<256x128xbf16>, vector<112x128xf32> -> vector<112x128xf32>
    %slice3A_3400 = vector.extract_strided_slice %dot_general3A_3399 {offsets = [0, 0], sizes = [8, 128], strides = [1, 1]} : vector<112x128xf32> to vector<8x128xf32>
    %swap3A_3401 = arith.constant 0 : index
    %swap3A_3402 = arith.constant 240 : index
    %swap3A_3403 = arith.constant 0 : index
    %swap3A_3404 = vector.load %arg8[%swap3A_3401, %swap3A_3402, %swap3A_3403] : memref<14x256x128xf32, #tpu.memory_space<vmem>>, vector<1x8x128xf32>
    %swap3A_3405 = vector.shape_cast %swap3A_3404 : vector<1x8x128xf32> to vector<8x128xf32>
    %swap3A_3406 = vector.shape_cast %slice3A_3400 : vector<8x128xf32> to vector<1x8x128xf32>
    tpu.vector_store %arg8[%swap3A_3401, %swap3A_3402, %swap3A_3403], %swap3A_3406 {strides = array<i32>} : memref<14x256x128xf32, #tpu.memory_space<vmem>>, vector<1x8x128xf32>,
    %slice3A_3407 = vector.extract_strided_slice %dot_general3A_3399 {offsets = [8, 0], sizes = [8, 128], strides = [1, 1]} : vector<112x128xf32> to vector<8x128xf32>
    %swap3A_3408 = arith.constant 1 : index
    %swap3A_3409 = arith.constant 240 : index
    %swap3A_3410 = arith.constant 0 : index
    %swap3A_3411 = vector.load %arg8[%swap3A_3408, %swap3A_3409, %swap3A_3410] : memref<14x256x128xf32, #tpu.memory_space<vmem>>, vector<1x8x128xf32>
    %swap3A_3412 = vector.shape_cast %swap3A_3411 : vector<1x8x128xf32> to vector<8x128xf32>
    %swap3A_3413 = vector.shape_cast %slice3A_3407 : vector<8x128xf32> to vector<1x8x128xf32>
    tpu.vector_store %arg8[%swap3A_3408, %swap3A_3409, %swap3A_3410], %swap3A_3413 {strides = array<i32>} : memref<14x256x128xf32, #tpu.memory_space<vmem>>, vector<1x8x128xf32>,
    %slice3A_3414 = vector.extract_strided_slice %dot_general3A_3399 {offsets = [16, 0], sizes = [8, 128], strides = [1, 1]} : vector<112x128xf32> to vector<8x128xf32>
    %swap3A_3415 = arith.constant 2 : index
    %swap3A_3416 = arith.constant 240 : index
    %swap3A_3417 = arith.constant 0 : index
    %swap3A_3418 = vector.load %arg8[%swap3A_3415, %swap3A_3416, %swap3A_3417] : memref<14x256x128xf32, #tpu.memory_space<vmem>>, vector<1x8x128xf32>
    %swap3A_3419 = vector.shape_cast %swap3A_3418 : vector<1x8x128xf32> to vector<8x128xf32>
    %swap3A_3420 = vector.shape_cast %slice3A_3414 : vector<8x128xf32> to vector<1x8x128xf32>
    tpu.vector_store %arg8[%swap3A_3415, %swap3A_3416, %swap3A_3417], %swap3A_3420 {strides = array<i32>} : memref<14x256x128xf32, #tpu.memory_space<vmem>>, vector<1x8x128xf32>,
    %slice3A_3421 = vector.extract_strided_slice %dot_general3A_3399 {offsets = [24, 0], sizes = [8, 128], strides = [1, 1]} : vector<112x128xf32> to vector<8x128xf32>
    %swap3A_3422 = arith.constant 3 : index
    %swap3A_3423 = arith.constant 240 : index
    %swap3A_3424 = arith.constant 0 : index
    %swap3A_3425 = vector.load %arg8[%swap3A_3422, %swap3A_3423, %swap3A_3424] : memref<14x256x128xf32, #tpu.memory_space<vmem>>, vector<1x8x128xf32>
    %swap3A_3426 = vector.shape_cast %swap3A_3425 : vector<1x8x128xf32> to vector<8x128xf32>
    %swap3A_3427 = vector.shape_cast %slice3A_3421 : vector<8x128xf32> to vector<1x8x128xf32>
    tpu.vector_store %arg8[%swap3A_3422, %swap3A_3423, %swap3A_3424], %swap3A_3427 {strides = array<i32>} : memref<14x256x128xf32, #tpu.memory_space<vmem>>, vector<1x8x128xf32>,
    %slice3A_3428 = vector.extract_strided_slice %dot_general3A_3399 {offsets = [32, 0], sizes = [8, 128], strides = [1, 1]} : vector<112x128xf32> to vector<8x128xf32>
    %swap3A_3429 = arith.constant 4 : index
    %swap3A_3430 = arith.constant 240 : index
    %swap3A_3431 = arith.constant 0 : index
    %swap3A_3432 = vector.load %arg8[%swap3A_3429, %swap3A_3430, %swap3A_3431] : memref<14x256x128xf32, #tpu.memory_space<vmem>>, vector<1x8x128xf32>
    %swap3A_3433 = vector.shape_cast %swap3A_3432 : vector<1x8x128xf32> to vector<8x128xf32>
    %swap3A_3434 = vector.shape_cast %slice3A_3428 : vector<8x128xf32> to vector<1x8x128xf32>
    tpu.vector_store %arg8[%swap3A_3429, %swap3A_3430, %swap3A_3431], %swap3A_3434 {strides = array<i32>} : memref<14x256x128xf32, #tpu.memory_space<vmem>>, vector<1x8x128xf32>,
    %slice3A_3435 = vector.extract_strided_slice %dot_general3A_3399 {offsets = [40, 0], sizes = [8, 128], strides = [1, 1]} : vector<112x128xf32> to vector<8x128xf32>
    %swap3A_3436 = arith.constant 5 : index
    %swap3A_3437 = arith.constant 240 : index
    %swap3A_3438 = arith.constant 0 : index
    %swap3A_3439 = vector.load %arg8[%swap3A_3436, %swap3A_3437, %swap3A_3438] : memref<14x256x128xf32, #tpu.memory_space<vmem>>, vector<1x8x128xf32>
    %swap3A_3440 = vector.shape_cast %swap3A_3439 : vector<1x8x128xf32> to vector<8x128xf32>
    %swap3A_3441 = vector.shape_cast %slice3A_3435 : vector<8x128xf32> to vector<1x8x128xf32>
    tpu.vector_store %arg8[%swap3A_3436, %swap3A_3437, %swap3A_3438], %swap3A_3441 {strides = array<i32>} : memref<14x256x128xf32, #tpu.memory_space<vmem>>, vector<1x8x128xf32>,
    %slice3A_3442 = vector.extract_strided_slice %dot_general3A_3399 {offsets = [48, 0], sizes = [8, 128], strides = [1, 1]} : vector<112x128xf32> to vector<8x128xf32>
    %swap3A_3443 = arith.constant 6 : index
    %swap3A_3444 = arith.constant 240 : index
    %swap3A_3445 = arith.constant 0 : index
    %swap3A_3446 = vector.load %arg8[%swap3A_3443, %swap3A_3444, %swap3A_3445] : memref<14x256x128xf32, #tpu.memory_space<vmem>>, vector<1x8x128xf32>
    %swap3A_3447 = vector.shape_cast %swap3A_3446 : vector<1x8x128xf32> to vector<8x128xf32>
    %swap3A_3448 = vector.shape_cast %slice3A_3442 : vector<8x128xf32> to vector<1x8x128xf32>
    tpu.vector_store %arg8[%swap3A_3443, %swap3A_3444, %swap3A_3445], %swap3A_3448 {strides = array<i32>} : memref<14x256x128xf32, #tpu.memory_space<vmem>>, vector<1x8x128xf32>,
    %slice3A_3449 = vector.extract_strided_slice %dot_general3A_3399 {offsets = [56, 0], sizes = [8, 128], strides = [1, 1]} : vector<112x128xf32> to vector<8x128xf32>
    %swap3A_3450 = arith.constant 7 : index
    %swap3A_3451 = arith.constant 240 : index
    %swap3A_3452 = arith.constant 0 : index
    %swap3A_3453 = vector.load %arg8[%swap3A_3450, %swap3A_3451, %swap3A_3452] : memref<14x256x128xf32, #tpu.memory_space<vmem>>, vector<1x8x128xf32>
    %swap3A_3454 = vector.shape_cast %swap3A_3453 : vector<1x8x128xf32> to vector<8x128xf32>
    %swap3A_3455 = vector.shape_cast %slice3A_3449 : vector<8x128xf32> to vector<1x8x128xf32>
    tpu.vector_store %arg8[%swap3A_3450, %swap3A_3451, %swap3A_3452], %swap3A_3455 {strides = array<i32>} : memref<14x256x128xf32, #tpu.memory_space<vmem>>, vector<1x8x128xf32>,
    %slice3A_3456 = vector.extract_strided_slice %dot_general3A_3399 {offsets = [64, 0], sizes = [8, 128], strides = [1, 1]} : vector<112x128xf32> to vector<8x128xf32>
    %swap3A_3457 = arith.constant 8 : index
    %swap3A_3458 = arith.constant 240 : index
    %swap3A_3459 = arith.constant 0 : index
    %swap3A_3460 = vector.load %arg8[%swap3A_3457, %swap3A_3458, %swap3A_3459] : memref<14x256x128xf32, #tpu.memory_space<vmem>>, vector<1x8x128xf32>
    %swap3A_3461 = vector.shape_cast %swap3A_3460 : vector<1x8x128xf32> to vector<8x128xf32>
    %swap3A_3462 = vector.shape_cast %slice3A_3456 : vector<8x128xf32> to vector<1x8x128xf32>
    tpu.vector_store %arg8[%swap3A_3457, %swap3A_3458, %swap3A_3459], %swap3A_3462 {strides = array<i32>} : memref<14x256x128xf32, #tpu.memory_space<vmem>>, vector<1x8x128xf32>,
    %slice3A_3463 = vector.extract_strided_slice %dot_general3A_3399 {offsets = [72, 0], sizes = [8, 128], strides = [1, 1]} : vector<112x128xf32> to vector<8x128xf32>
    %swap3A_3464 = arith.constant 9 : index
    %swap3A_3465 = arith.constant 240 : index
    %swap3A_3466 = arith.constant 0 : index
    %swap3A_3467 = vector.load %arg8[%swap3A_3464, %swap3A_3465, %swap3A_3466] : memref<14x256x128xf32, #tpu.memory_space<vmem>>, vector<1x8x128xf32>
    %swap3A_3468 = vector.shape_cast %swap3A_3467 : vector<1x8x128xf32> to vector<8x128xf32>
    %swap3A_3469 = vector.shape_cast %slice3A_3463 : vector<8x128xf32> to vector<1x8x128xf32>
    tpu.vector_store %arg8[%swap3A_3464, %swap3A_3465, %swap3A_3466], %swap3A_3469 {strides = array<i32>} : memref<14x256x128xf32, #tpu.memory_space<vmem>>, vector<1x8x128xf32>,
    %slice3A_3470 = vector.extract_strided_slice %dot_general3A_3399 {offsets = [80, 0], sizes = [8, 128], strides = [1, 1]} : vector<112x128xf32> to vector<8x128xf32>
    %swap3A_3471 = arith.constant 10 : index
    %swap3A_3472 = arith.constant 240 : index
    %swap3A_3473 = arith.constant 0 : index
    %swap3A_3474 = vector.load %arg8[%swap3A_3471, %swap3A_3472, %swap3A_3473] : memref<14x256x128xf32, #tpu.memory_space<vmem>>, vector<1x8x128xf32>
    %swap3A_3475 = vector.shape_cast %swap3A_3474 : vector<1x8x128xf32> to vector<8x128xf32>
    %swap3A_3476 = vector.shape_cast %slice3A_3470 : vector<8x128xf32> to vector<1x8x128xf32>
    tpu.vector_store %arg8[%swap3A_3471, %swap3A_3472, %swap3A_3473], %swap3A_3476 {strides = array<i32>} : memref<14x256x128xf32, #tpu.memory_space<vmem>>, vector<1x8x128xf32>,
    %slice3A_3477 = vector.extract_strided_slice %dot_general3A_3399 {offsets = [88, 0], sizes = [8, 128], strides = [1, 1]} : vector<112x128xf32> to vector<8x128xf32>
    %swap3A_3478 = arith.constant 11 : index
    %swap3A_3479 = arith.constant 240 : index
    %swap3A_3480 = arith.constant 0 : index
    %swap3A_3481 = vector.load %arg8[%swap3A_3478, %swap3A_3479, %swap3A_3480] : memref<14x256x128xf32, #tpu.memory_space<vmem>>, vector<1x8x128xf32>
    %swap3A_3482 = vector.shape_cast %swap3A_3481 : vector<1x8x128xf32> to vector<8x128xf32>
    %swap3A_3483 = vector.shape_cast %slice3A_3477 : vector<8x128xf32> to vector<1x8x128xf32>
    tpu.vector_store %arg8[%swap3A_3478, %swap3A_3479, %swap3A_3480], %swap3A_3483 {strides = array<i32>} : memref<14x256x128xf32, #tpu.memory_space<vmem>>, vector<1x8x128xf32>,
    %slice3A_3484 = vector.extract_strided_slice %dot_general3A_3399 {offsets = [96, 0], sizes = [8, 128], strides = [1, 1]} : vector<112x128xf32> to vector<8x128xf32>
    %swap3A_3485 = arith.constant 12 : index
    %swap3A_3486 = arith.constant 240 : index
    %swap3A_3487 = arith.constant 0 : index
    %swap3A_3488 = vector.load %arg8[%swap3A_3485, %swap3A_3486, %swap3A_3487] : memref<14x256x128xf32, #tpu.memory_space<vmem>>, vector<1x8x128xf32>
    %swap3A_3489 = vector.shape_cast %swap3A_3488 : vector<1x8x128xf32> to vector<8x128xf32>
    %swap3A_3490 = vector.shape_cast %slice3A_3484 : vector<8x128xf32> to vector<1x8x128xf32>
    tpu.vector_store %arg8[%swap3A_3485, %swap3A_3486, %swap3A_3487], %swap3A_3490 {strides = array<i32>} : memref<14x256x128xf32, #tpu.memory_space<vmem>>, vector<1x8x128xf32>,
    %slice3A_3491 = vector.extract_strided_slice %dot_general3A_3399 {offsets = [104, 0], sizes = [8, 128], strides = [1, 1]} : vector<112x128xf32> to vector<8x128xf32>
    %swap3A_3492 = arith.constant 13 : index
    %swap3A_3493 = arith.constant 240 : index
    %swap3A_3494 = arith.constant 0 : index
    %swap3A_3495 = vector.load %arg8[%swap3A_3492, %swap3A_3493, %swap3A_3494] : memref<14x256x128xf32, #tpu.memory_space<vmem>>, vector<1x8x128xf32>
    %swap3A_3496 = vector.shape_cast %swap3A_3495 : vector<1x8x128xf32> to vector<8x128xf32>
    %swap3A_3497 = vector.shape_cast %slice3A_3491 : vector<8x128xf32> to vector<1x8x128xf32>
    tpu.vector_store %arg8[%swap3A_3492, %swap3A_3493, %swap3A_3494], %swap3A_3497 {strides = array<i32>} : memref<14x256x128xf32, #tpu.memory_space<vmem>>, vector<1x8x128xf32>,
    %get3A_3498 = arith.constant 7936 : index
    %get3A_3499 = arith.constant 0 : index
    %get3A_3500 = vector.load %arg1[%get3A_3498, %get3A_3499] : memref<8192x128xf32, #tpu.memory_space<vmem>>, vector<256x128xf32>
    %convert_element_type3A_3501 = arith.truncf %get3A_3500 : vector<256x128xf32> to vector<256x128xbf16>
    %get3A_3502 = arith.constant 31 : index
    %get3A_3503 = arith.constant 0 : index
    %get3A_3504 = arith.constant 0 : index
    %get3A_3505 = arith.constant 0 : index
    %get3A_3506 = vector.load %arg2[%get3A_3502, %get3A_3503, %get3A_3504, %get3A_3505] : memref<32x14x8x32xbf16, #tpu.memory_space<vmem>>, vector<1x14x8x32xbf16>
    %get3A_3507 = vector.shape_cast %get3A_3506 : vector<1x14x8x32xbf16> to vector<14x8x32xbf16>
    %reshape3A_3508 = vector.shape_cast %get3A_3507 : vector<14x8x32xbf16> to vector<112x32xbf16>
    %concatenate3A_3509 = tpu.concatenate %reshape3A_3508, %reshape3A_3508, %reshape3A_3508, %reshape3A_3508, %reshape3A_3508, %reshape3A_3508, %reshape3A_3508, %reshape3A_3508 in 1 : vector<112x32xbf16>, vector<112x32xbf16>, vector<112x32xbf16>, vector<112x32xbf16>, vector<112x32xbf16>, vector<112x32xbf16>, vector<112x32xbf16>, vector<112x32xbf16> -> vector<112x256xbf16>
    %mul3A_3510 = arith.mulf %concatenate3A_3509, %get3A_1 : vector<112x256xbf16>
    %dot_general3A_3511 = arith.constant dense<0.000000e+00> : vector<112x128xf32>
    %dot_general3A_3512 = tpu.matmul %mul3A_3510, %convert_element_type3A_3501, %dot_general3A_3511 {dimension_numbers = #tpu.dot_dimension_numbers<[1], [0], [0], [1], [0, 0, 1, 1], [], []>, transpose_lhs_hint = false} : vector<112x256xbf16>, vector<256x128xbf16>, vector<112x128xf32> -> vector<112x128xf32>
    %slice3A_3513 = vector.extract_strided_slice %dot_general3A_3512 {offsets = [0, 0], sizes = [8, 128], strides = [1, 1]} : vector<112x128xf32> to vector<8x128xf32>
    %swap3A_3514 = arith.constant 0 : index
    %swap3A_3515 = arith.constant 248 : index
    %swap3A_3516 = arith.constant 0 : index
    %swap3A_3517 = vector.load %arg8[%swap3A_3514, %swap3A_3515, %swap3A_3516] : memref<14x256x128xf32, #tpu.memory_space<vmem>>, vector<1x8x128xf32>
    %swap3A_3518 = vector.shape_cast %swap3A_3517 : vector<1x8x128xf32> to vector<8x128xf32>
    %swap3A_3519 = vector.shape_cast %slice3A_3513 : vector<8x128xf32> to vector<1x8x128xf32>
    tpu.vector_store %arg8[%swap3A_3514, %swap3A_3515, %swap3A_3516], %swap3A_3519 {strides = array<i32>} : memref<14x256x128xf32, #tpu.memory_space<vmem>>, vector<1x8x128xf32>,
    %slice3A_3520 = vector.extract_strided_slice %dot_general3A_3512 {offsets = [8, 0], sizes = [8, 128], strides = [1, 1]} : vector<112x128xf32> to vector<8x128xf32>
    %swap3A_3521 = arith.constant 1 : index
    %swap3A_3522 = arith.constant 248 : index
    %swap3A_3523 = arith.constant 0 : index
    %swap3A_3524 = vector.load %arg8[%swap3A_3521, %swap3A_3522, %swap3A_3523] : memref<14x256x128xf32, #tpu.memory_space<vmem>>, vector<1x8x128xf32>
    %swap3A_3525 = vector.shape_cast %swap3A_3524 : vector<1x8x128xf32> to vector<8x128xf32>
    %swap3A_3526 = vector.shape_cast %slice3A_3520 : vector<8x128xf32> to vector<1x8x128xf32>
    tpu.vector_store %arg8[%swap3A_3521, %swap3A_3522, %swap3A_3523], %swap3A_3526 {strides = array<i32>} : memref<14x256x128xf32, #tpu.memory_space<vmem>>, vector<1x8x128xf32>,
    %slice3A_3527 = vector.extract_strided_slice %dot_general3A_3512 {offsets = [16, 0], sizes = [8, 128], strides = [1, 1]} : vector<112x128xf32> to vector<8x128xf32>
    %swap3A_3528 = arith.constant 2 : index
    %swap3A_3529 = arith.constant 248 : index
    %swap3A_3530 = arith.constant 0 : index
    %swap3A_3531 = vector.load %arg8[%swap3A_3528, %swap3A_3529, %swap3A_3530] : memref<14x256x128xf32, #tpu.memory_space<vmem>>, vector<1x8x128xf32>
    %swap3A_3532 = vector.shape_cast %swap3A_3531 : vector<1x8x128xf32> to vector<8x128xf32>
    %swap3A_3533 = vector.shape_cast %slice3A_3527 : vector<8x128xf32> to vector<1x8x128xf32>
    tpu.vector_store %arg8[%swap3A_3528, %swap3A_3529, %swap3A_3530], %swap3A_3533 {strides = array<i32>} : memref<14x256x128xf32, #tpu.memory_space<vmem>>, vector<1x8x128xf32>,
    %slice3A_3534 = vector.extract_strided_slice %dot_general3A_3512 {offsets = [24, 0], sizes = [8, 128], strides = [1, 1]} : vector<112x128xf32> to vector<8x128xf32>
    %swap3A_3535 = arith.constant 3 : index
    %swap3A_3536 = arith.constant 248 : index
    %swap3A_3537 = arith.constant 0 : index
    %swap3A_3538 = vector.load %arg8[%swap3A_3535, %swap3A_3536, %swap3A_3537] : memref<14x256x128xf32, #tpu.memory_space<vmem>>, vector<1x8x128xf32>
    %swap3A_3539 = vector.shape_cast %swap3A_3538 : vector<1x8x128xf32> to vector<8x128xf32>
    %swap3A_3540 = vector.shape_cast %slice3A_3534 : vector<8x128xf32> to vector<1x8x128xf32>
    tpu.vector_store %arg8[%swap3A_3535, %swap3A_3536, %swap3A_3537], %swap3A_3540 {strides = array<i32>} : memref<14x256x128xf32, #tpu.memory_space<vmem>>, vector<1x8x128xf32>,
    %slice3A_3541 = vector.extract_strided_slice %dot_general3A_3512 {offsets = [32, 0], sizes = [8, 128], strides = [1, 1]} : vector<112x128xf32> to vector<8x128xf32>
    %swap3A_3542 = arith.constant 4 : index
    %swap3A_3543 = arith.constant 248 : index
    %swap3A_3544 = arith.constant 0 : index
    %swap3A_3545 = vector.load %arg8[%swap3A_3542, %swap3A_3543, %swap3A_3544] : memref<14x256x128xf32, #tpu.memory_space<vmem>>, vector<1x8x128xf32>
    %swap3A_3546 = vector.shape_cast %swap3A_3545 : vector<1x8x128xf32> to vector<8x128xf32>
    %swap3A_3547 = vector.shape_cast %slice3A_3541 : vector<8x128xf32> to vector<1x8x128xf32>
    tpu.vector_store %arg8[%swap3A_3542, %swap3A_3543, %swap3A_3544], %swap3A_3547 {strides = array<i32>} : memref<14x256x128xf32, #tpu.memory_space<vmem>>, vector<1x8x128xf32>,
    %slice3A_3548 = vector.extract_strided_slice %dot_general3A_3512 {offsets = [40, 0], sizes = [8, 128], strides = [1, 1]} : vector<112x128xf32> to vector<8x128xf32>
    %swap3A_3549 = arith.constant 5 : index
    %swap3A_3550 = arith.constant 248 : index
    %swap3A_3551 = arith.constant 0 : index
    %swap3A_3552 = vector.load %arg8[%swap3A_3549, %swap3A_3550, %swap3A_3551] : memref<14x256x128xf32, #tpu.memory_space<vmem>>, vector<1x8x128xf32>
    %swap3A_3553 = vector.shape_cast %swap3A_3552 : vector<1x8x128xf32> to vector<8x128xf32>
    %swap3A_3554 = vector.shape_cast %slice3A_3548 : vector<8x128xf32> to vector<1x8x128xf32>
    tpu.vector_store %arg8[%swap3A_3549, %swap3A_3550, %swap3A_3551], %swap3A_3554 {strides = array<i32>} : memref<14x256x128xf32, #tpu.memory_space<vmem>>, vector<1x8x128xf32>,
    %slice3A_3555 = vector.extract_strided_slice %dot_general3A_3512 {offsets = [48, 0], sizes = [8, 128], strides = [1, 1]} : vector<112x128xf32> to vector<8x128xf32>
    %swap3A_3556 = arith.constant 6 : index
    %swap3A_3557 = arith.constant 248 : index
    %swap3A_3558 = arith.constant 0 : index
    %swap3A_3559 = vector.load %arg8[%swap3A_3556, %swap3A_3557, %swap3A_3558] : memref<14x256x128xf32, #tpu.memory_space<vmem>>, vector<1x8x128xf32>
    %swap3A_3560 = vector.shape_cast %swap3A_3559 : vector<1x8x128xf32> to vector<8x128xf32>
    %swap3A_3561 = vector.shape_cast %slice3A_3555 : vector<8x128xf32> to vector<1x8x128xf32>
    tpu.vector_store %arg8[%swap3A_3556, %swap3A_3557, %swap3A_3558], %swap3A_3561 {strides = array<i32>} : memref<14x256x128xf32, #tpu.memory_space<vmem>>, vector<1x8x128xf32>,
    %slice3A_3562 = vector.extract_strided_slice %dot_general3A_3512 {offsets = [56, 0], sizes = [8, 128], strides = [1, 1]} : vector<112x128xf32> to vector<8x128xf32>
    %swap3A_3563 = arith.constant 7 : index
    %swap3A_3564 = arith.constant 248 : index
    %swap3A_3565 = arith.constant 0 : index
    %swap3A_3566 = vector.load %arg8[%swap3A_3563, %swap3A_3564, %swap3A_3565] : memref<14x256x128xf32, #tpu.memory_space<vmem>>, vector<1x8x128xf32>
    %swap3A_3567 = vector.shape_cast %swap3A_3566 : vector<1x8x128xf32> to vector<8x128xf32>
    %swap3A_3568 = vector.shape_cast %slice3A_3562 : vector<8x128xf32> to vector<1x8x128xf32>
    tpu.vector_store %arg8[%swap3A_3563, %swap3A_3564, %swap3A_3565], %swap3A_3568 {strides = array<i32>} : memref<14x256x128xf32, #tpu.memory_space<vmem>>, vector<1x8x128xf32>,
    %slice3A_3569 = vector.extract_strided_slice %dot_general3A_3512 {offsets = [64, 0], sizes = [8, 128], strides = [1, 1]} : vector<112x128xf32> to vector<8x128xf32>
    %swap3A_3570 = arith.constant 8 : index
    %swap3A_3571 = arith.constant 248 : index
    %swap3A_3572 = arith.constant 0 : index
    %swap3A_3573 = vector.load %arg8[%swap3A_3570, %swap3A_3571, %swap3A_3572] : memref<14x256x128xf32, #tpu.memory_space<vmem>>, vector<1x8x128xf32>
    %swap3A_3574 = vector.shape_cast %swap3A_3573 : vector<1x8x128xf32> to vector<8x128xf32>
    %swap3A_3575 = vector.shape_cast %slice3A_3569 : vector<8x128xf32> to vector<1x8x128xf32>
    tpu.vector_store %arg8[%swap3A_3570, %swap3A_3571, %swap3A_3572], %swap3A_3575 {strides = array<i32>} : memref<14x256x128xf32, #tpu.memory_space<vmem>>, vector<1x8x128xf32>,
    %slice3A_3576 = vector.extract_strided_slice %dot_general3A_3512 {offsets = [72, 0], sizes = [8, 128], strides = [1, 1]} : vector<112x128xf32> to vector<8x128xf32>
    %swap3A_3577 = arith.constant 9 : index
    %swap3A_3578 = arith.constant 248 : index
    %swap3A_3579 = arith.constant 0 : index
    %swap3A_3580 = vector.load %arg8[%swap3A_3577, %swap3A_3578, %swap3A_3579] : memref<14x256x128xf32, #tpu.memory_space<vmem>>, vector<1x8x128xf32>
    %swap3A_3581 = vector.shape_cast %swap3A_3580 : vector<1x8x128xf32> to vector<8x128xf32>
    %swap3A_3582 = vector.shape_cast %slice3A_3576 : vector<8x128xf32> to vector<1x8x128xf32>
    tpu.vector_store %arg8[%swap3A_3577, %swap3A_3578, %swap3A_3579], %swap3A_3582 {strides = array<i32>} : memref<14x256x128xf32, #tpu.memory_space<vmem>>, vector<1x8x128xf32>,
    %slice3A_3583 = vector.extract_strided_slice %dot_general3A_3512 {offsets = [80, 0], sizes = [8, 128], strides = [1, 1]} : vector<112x128xf32> to vector<8x128xf32>
    %swap3A_3584 = arith.constant 10 : index
    %swap3A_3585 = arith.constant 248 : index
    %swap3A_3586 = arith.constant 0 : index
    %swap3A_3587 = vector.load %arg8[%swap3A_3584, %swap3A_3585, %swap3A_3586] : memref<14x256x128xf32, #tpu.memory_space<vmem>>, vector<1x8x128xf32>
    %swap3A_3588 = vector.shape_cast %swap3A_3587 : vector<1x8x128xf32> to vector<8x128xf32>
    %swap3A_3589 = vector.shape_cast %slice3A_3583 : vector<8x128xf32> to vector<1x8x128xf32>
    tpu.vector_store %arg8[%swap3A_3584, %swap3A_3585, %swap3A_3586], %swap3A_3589 {strides = array<i32>} : memref<14x256x128xf32, #tpu.memory_space<vmem>>, vector<1x8x128xf32>,
    %slice3A_3590 = vector.extract_strided_slice %dot_general3A_3512 {offsets = [88, 0], sizes = [8, 128], strides = [1, 1]} : vector<112x128xf32> to vector<8x128xf32>
    %swap3A_3591 = arith.constant 11 : index
    %swap3A_3592 = arith.constant 248 : index
    %swap3A_3593 = arith.constant 0 : index
    %swap3A_3594 = vector.load %arg8[%swap3A_3591, %swap3A_3592, %swap3A_3593] : memref<14x256x128xf32, #tpu.memory_space<vmem>>, vector<1x8x128xf32>
    %swap3A_3595 = vector.shape_cast %swap3A_3594 : vector<1x8x128xf32> to vector<8x128xf32>
    %swap3A_3596 = vector.shape_cast %slice3A_3590 : vector<8x128xf32> to vector<1x8x128xf32>
    tpu.vector_store %arg8[%swap3A_3591, %swap3A_3592, %swap3A_3593], %swap3A_3596 {strides = array<i32>} : memref<14x256x128xf32, #tpu.memory_space<vmem>>, vector<1x8x128xf32>,
    %slice3A_3597 = vector.extract_strided_slice %dot_general3A_3512 {offsets = [96, 0], sizes = [8, 128], strides = [1, 1]} : vector<112x128xf32> to vector<8x128xf32>
    %swap3A_3598 = arith.constant 12 : index
    %swap3A_3599 = arith.constant 248 : index
    %swap3A_3600 = arith.constant 0 : index
    %swap3A_3601 = vector.load %arg8[%swap3A_3598, %swap3A_3599, %swap3A_3600] : memref<14x256x128xf32, #tpu.memory_space<vmem>>, vector<1x8x128xf32>
    %swap3A_3602 = vector.shape_cast %swap3A_3601 : vector<1x8x128xf32> to vector<8x128xf32>
    %swap3A_3603 = vector.shape_cast %slice3A_3597 : vector<8x128xf32> to vector<1x8x128xf32>
    tpu.vector_store %arg8[%swap3A_3598, %swap3A_3599, %swap3A_3600], %swap3A_3603 {strides = array<i32>} : memref<14x256x128xf32, #tpu.memory_space<vmem>>, vector<1x8x128xf32>,
    %slice3A_3604 = vector.extract_strided_slice %dot_general3A_3512 {offsets = [104, 0], sizes = [8, 128], strides = [1, 1]} : vector<112x128xf32> to vector<8x128xf32>
    %swap3A_3605 = arith.constant 13 : index
    %swap3A_3606 = arith.constant 248 : index
    %swap3A_3607 = arith.constant 0 : index
    %swap3A_3608 = vector.load %arg8[%swap3A_3605, %swap3A_3606, %swap3A_3607] : memref<14x256x128xf32, #tpu.memory_space<vmem>>, vector<1x8x128xf32>
    %swap3A_3609 = vector.shape_cast %swap3A_3608 : vector<1x8x128xf32> to vector<8x128xf32>
    %swap3A_3610 = vector.shape_cast %slice3A_3604 : vector<8x128xf32> to vector<1x8x128xf32>
    tpu.vector_store %arg8[%swap3A_3605, %swap3A_3606, %swap3A_3607], %swap3A_3610 {strides = array<i32>} : memref<14x256x128xf32, #tpu.memory_space<vmem>>, vector<1x8x128xf32>,
    %broadcast_in_dim3A = arith.constant 0.000000e+00 : f32
    %broadcast_in_dim3A_3611 = vector.broadcast %broadcast_in_dim3A : f32 to vector<256x712xf32>
    %get3A_3612 = arith.constant 0 : index
    %get3A_3613 = arith.constant 0 : index
    %get3A_3614 = arith.constant 0 : index
    %get3A_3615 = vector.load %arg8[%get3A_3612, %get3A_3613, %get3A_3614] : memref<14x256x128xf32, #tpu.memory_space<vmem>>, vector<1x256x128xf32>
    %get3A_3616 = vector.shape_cast %get3A_3615 : vector<1x256x128xf32> to vector<256x128xf32>
    %convert_element_type3A_3617 = arith.truncf %get3A_3616 : vector<256x128xf32> to vector<256x128xbf16>
    %get3A_3618 = arith.constant 0 : index
    %get3A_3619 = arith.constant 0 : index
    %get3A_3620 = arith.constant 0 : index
    %get3A_3621 = vector.load %arg3[%get3A_3618, %get3A_3619, %get3A_3620] : memref<14x128x712xbf16, #tpu.memory_space<vmem>>, vector<1x128x712xbf16>
    %get3A_3622 = vector.shape_cast %get3A_3621 : vector<1x128x712xbf16> to vector<128x712xbf16>
    %dot_general3A_3623 = arith.constant dense<0.000000e+00> : vector<256x712xf32>
    %dot_general3A_3624 = tpu.matmul %convert_element_type3A_3617, %get3A_3622, %dot_general3A_3623 {dimension_numbers = #tpu.dot_dimension_numbers<[1], [0], [0], [1], [0, 0, 1, 1], [], []>, transpose_lhs_hint = false} : vector<256x128xbf16>, vector<128x712xbf16>, vector<256x712xf32> -> vector<256x712xf32>
    %add3A = arith.addf %broadcast_in_dim3A_3611, %dot_general3A_3624 : vector<256x712xf32>
    %get3A_3625 = arith.constant 1 : index
    %get3A_3626 = arith.constant 0 : index
    %get3A_3627 = arith.constant 0 : index
    %get3A_3628 = vector.load %arg8[%get3A_3625, %get3A_3626, %get3A_3627] : memref<14x256x128xf32, #tpu.memory_space<vmem>>, vector<1x256x128xf32>
    %get3A_3629 = vector.shape_cast %get3A_3628 : vector<1x256x128xf32> to vector<256x128xf32>
    %convert_element_type3A_3630 = arith.truncf %get3A_3629 : vector<256x128xf32> to vector<256x128xbf16>
    %get3A_3631 = arith.constant 1 : index
    %get3A_3632 = arith.constant 0 : index
    %get3A_3633 = arith.constant 0 : index
    %get3A_3634 = vector.load %arg3[%get3A_3631, %get3A_3632, %get3A_3633] : memref<14x128x712xbf16, #tpu.memory_space<vmem>>, vector<1x128x712xbf16>
    %get3A_3635 = vector.shape_cast %get3A_3634 : vector<1x128x712xbf16> to vector<128x712xbf16>
    %dot_general3A_3636 = arith.constant dense<0.000000e+00> : vector<256x712xf32>
    %dot_general3A_3637 = tpu.matmul %convert_element_type3A_3630, %get3A_3635, %dot_general3A_3636 {dimension_numbers = #tpu.dot_dimension_numbers<[1], [0], [0], [1], [0, 0, 1, 1], [], []>, transpose_lhs_hint = false} : vector<256x128xbf16>, vector<128x712xbf16>, vector<256x712xf32> -> vector<256x712xf32>
    %add3A_3638 = arith.addf %add3A, %dot_general3A_3637 : vector<256x712xf32>
    %get3A_3639 = arith.constant 2 : index
    %get3A_3640 = arith.constant 0 : index
    %get3A_3641 = arith.constant 0 : index
    %get3A_3642 = vector.load %arg8[%get3A_3639, %get3A_3640, %get3A_3641] : memref<14x256x128xf32, #tpu.memory_space<vmem>>, vector<1x256x128xf32>
    %get3A_3643 = vector.shape_cast %get3A_3642 : vector<1x256x128xf32> to vector<256x128xf32>
    %convert_element_type3A_3644 = arith.truncf %get3A_3643 : vector<256x128xf32> to vector<256x128xbf16>
    %get3A_3645 = arith.constant 2 : index
    %get3A_3646 = arith.constant 0 : index
    %get3A_3647 = arith.constant 0 : index
    %get3A_3648 = vector.load %arg3[%get3A_3645, %get3A_3646, %get3A_3647] : memref<14x128x712xbf16, #tpu.memory_space<vmem>>, vector<1x128x712xbf16>
    %get3A_3649 = vector.shape_cast %get3A_3648 : vector<1x128x712xbf16> to vector<128x712xbf16>
    %dot_general3A_3650 = arith.constant dense<0.000000e+00> : vector<256x712xf32>
    %dot_general3A_3651 = tpu.matmul %convert_element_type3A_3644, %get3A_3649, %dot_general3A_3650 {dimension_numbers = #tpu.dot_dimension_numbers<[1], [0], [0], [1], [0, 0, 1, 1], [], []>, transpose_lhs_hint = false} : vector<256x128xbf16>, vector<128x712xbf16>, vector<256x712xf32> -> vector<256x712xf32>
    %add3A_3652 = arith.addf %add3A_3638, %dot_general3A_3651 : vector<256x712xf32>
    %get3A_3653 = arith.constant 3 : index
    %get3A_3654 = arith.constant 0 : index
    %get3A_3655 = arith.constant 0 : index
    %get3A_3656 = vector.load %arg8[%get3A_3653, %get3A_3654, %get3A_3655] : memref<14x256x128xf32, #tpu.memory_space<vmem>>, vector<1x256x128xf32>
    %get3A_3657 = vector.shape_cast %get3A_3656 : vector<1x256x128xf32> to vector<256x128xf32>
    %convert_element_type3A_3658 = arith.truncf %get3A_3657 : vector<256x128xf32> to vector<256x128xbf16>
    %get3A_3659 = arith.constant 3 : index
    %get3A_3660 = arith.constant 0 : index
    %get3A_3661 = arith.constant 0 : index
    %get3A_3662 = vector.load %arg3[%get3A_3659, %get3A_3660, %get3A_3661] : memref<14x128x712xbf16, #tpu.memory_space<vmem>>, vector<1x128x712xbf16>
    %get3A_3663 = vector.shape_cast %get3A_3662 : vector<1x128x712xbf16> to vector<128x712xbf16>
    %dot_general3A_3664 = arith.constant dense<0.000000e+00> : vector<256x712xf32>
    %dot_general3A_3665 = tpu.matmul %convert_element_type3A_3658, %get3A_3663, %dot_general3A_3664 {dimension_numbers = #tpu.dot_dimension_numbers<[1], [0], [0], [1], [0, 0, 1, 1], [], []>, transpose_lhs_hint = false} : vector<256x128xbf16>, vector<128x712xbf16>, vector<256x712xf32> -> vector<256x712xf32>
    %add3A_3666 = arith.addf %add3A_3652, %dot_general3A_3665 : vector<256x712xf32>
    %get3A_3667 = arith.constant 4 : index
    %get3A_3668 = arith.constant 0 : index
    %get3A_3669 = arith.constant 0 : index
    %get3A_3670 = vector.load %arg8[%get3A_3667, %get3A_3668, %get3A_3669] : memref<14x256x128xf32, #tpu.memory_space<vmem>>, vector<1x256x128xf32>
    %get3A_3671 = vector.shape_cast %get3A_3670 : vector<1x256x128xf32> to vector<256x128xf32>
    %convert_element_type3A_3672 = arith.truncf %get3A_3671 : vector<256x128xf32> to vector<256x128xbf16>
    %get3A_3673 = arith.constant 4 : index
    %get3A_3674 = arith.constant 0 : index
    %get3A_3675 = arith.constant 0 : index
    %get3A_3676 = vector.load %arg3[%get3A_3673, %get3A_3674, %get3A_3675] : memref<14x128x712xbf16, #tpu.memory_space<vmem>>, vector<1x128x712xbf16>
    %get3A_3677 = vector.shape_cast %get3A_3676 : vector<1x128x712xbf16> to vector<128x712xbf16>
    %dot_general3A_3678 = arith.constant dense<0.000000e+00> : vector<256x712xf32>
    %dot_general3A_3679 = tpu.matmul %convert_element_type3A_3672, %get3A_3677, %dot_general3A_3678 {dimension_numbers = #tpu.dot_dimension_numbers<[1], [0], [0], [1], [0, 0, 1, 1], [], []>, transpose_lhs_hint = false} : vector<256x128xbf16>, vector<128x712xbf16>, vector<256x712xf32> -> vector<256x712xf32>
    %add3A_3680 = arith.addf %add3A_3666, %dot_general3A_3679 : vector<256x712xf32>
    %get3A_3681 = arith.constant 5 : index
    %get3A_3682 = arith.constant 0 : index
    %get3A_3683 = arith.constant 0 : index
    %get3A_3684 = vector.load %arg8[%get3A_3681, %get3A_3682, %get3A_3683] : memref<14x256x128xf32, #tpu.memory_space<vmem>>, vector<1x256x128xf32>
    %get3A_3685 = vector.shape_cast %get3A_3684 : vector<1x256x128xf32> to vector<256x128xf32>
    %convert_element_type3A_3686 = arith.truncf %get3A_3685 : vector<256x128xf32> to vector<256x128xbf16>
    %get3A_3687 = arith.constant 5 : index
    %get3A_3688 = arith.constant 0 : index
    %get3A_3689 = arith.constant 0 : index
    %get3A_3690 = vector.load %arg3[%get3A_3687, %get3A_3688, %get3A_3689] : memref<14x128x712xbf16, #tpu.memory_space<vmem>>, vector<1x128x712xbf16>
    %get3A_3691 = vector.shape_cast %get3A_3690 : vector<1x128x712xbf16> to vector<128x712xbf16>
    %dot_general3A_3692 = arith.constant dense<0.000000e+00> : vector<256x712xf32>
    %dot_general3A_3693 = tpu.matmul %convert_element_type3A_3686, %get3A_3691, %dot_general3A_3692 {dimension_numbers = #tpu.dot_dimension_numbers<[1], [0], [0], [1], [0, 0, 1, 1], [], []>, transpose_lhs_hint = false} : vector<256x128xbf16>, vector<128x712xbf16>, vector<256x712xf32> -> vector<256x712xf32>
    %add3A_3694 = arith.addf %add3A_3680, %dot_general3A_3693 : vector<256x712xf32>
    %get3A_3695 = arith.constant 6 : index
    %get3A_3696 = arith.constant 0 : index
    %get3A_3697 = arith.constant 0 : index
    %get3A_3698 = vector.load %arg8[%get3A_3695, %get3A_3696, %get3A_3697] : memref<14x256x128xf32, #tpu.memory_space<vmem>>, vector<1x256x128xf32>
    %get3A_3699 = vector.shape_cast %get3A_3698 : vector<1x256x128xf32> to vector<256x128xf32>
    %convert_element_type3A_3700 = arith.truncf %get3A_3699 : vector<256x128xf32> to vector<256x128xbf16>
    %get3A_3701 = arith.constant 6 : index
    %get3A_3702 = arith.constant 0 : index
    %get3A_3703 = arith.constant 0 : index
    %get3A_3704 = vector.load %arg3[%get3A_3701, %get3A_3702, %get3A_3703] : memref<14x128x712xbf16, #tpu.memory_space<vmem>>, vector<1x128x712xbf16>
    %get3A_3705 = vector.shape_cast %get3A_3704 : vector<1x128x712xbf16> to vector<128x712xbf16>
    %dot_general3A_3706 = arith.constant dense<0.000000e+00> : vector<256x712xf32>
    %dot_general3A_3707 = tpu.matmul %convert_element_type3A_3700, %get3A_3705, %dot_general3A_3706 {dimension_numbers = #tpu.dot_dimension_numbers<[1], [0], [0], [1], [0, 0, 1, 1], [], []>, transpose_lhs_hint = false} : vector<256x128xbf16>, vector<128x712xbf16>, vector<256x712xf32> -> vector<256x712xf32>
    %add3A_3708 = arith.addf %add3A_3694, %dot_general3A_3707 : vector<256x712xf32>
    %get3A_3709 = arith.constant 7 : index
    %get3A_3710 = arith.constant 0 : index
    %get3A_3711 = arith.constant 0 : index
    %get3A_3712 = vector.load %arg8[%get3A_3709, %get3A_3710, %get3A_3711] : memref<14x256x128xf32, #tpu.memory_space<vmem>>, vector<1x256x128xf32>
    %get3A_3713 = vector.shape_cast %get3A_3712 : vector<1x256x128xf32> to vector<256x128xf32>
    %convert_element_type3A_3714 = arith.truncf %get3A_3713 : vector<256x128xf32> to vector<256x128xbf16>
    %get3A_3715 = arith.constant 7 : index
    %get3A_3716 = arith.constant 0 : index
    %get3A_3717 = arith.constant 0 : index
    %get3A_3718 = vector.load %arg3[%get3A_3715, %get3A_3716, %get3A_3717] : memref<14x128x712xbf16, #tpu.memory_space<vmem>>, vector<1x128x712xbf16>
    %get3A_3719 = vector.shape_cast %get3A_3718 : vector<1x128x712xbf16> to vector<128x712xbf16>
    %dot_general3A_3720 = arith.constant dense<0.000000e+00> : vector<256x712xf32>
    %dot_general3A_3721 = tpu.matmul %convert_element_type3A_3714, %get3A_3719, %dot_general3A_3720 {dimension_numbers = #tpu.dot_dimension_numbers<[1], [0], [0], [1], [0, 0, 1, 1], [], []>, transpose_lhs_hint = false} : vector<256x128xbf16>, vector<128x712xbf16>, vector<256x712xf32> -> vector<256x712xf32>
    %add3A_3722 = arith.addf %add3A_3708, %dot_general3A_3721 : vector<256x712xf32>
    %get3A_3723 = arith.constant 8 : index
    %get3A_3724 = arith.constant 0 : index
    %get3A_3725 = arith.constant 0 : index
    %get3A_3726 = vector.load %arg8[%get3A_3723, %get3A_3724, %get3A_3725] : memref<14x256x128xf32, #tpu.memory_space<vmem>>, vector<1x256x128xf32>
    %get3A_3727 = vector.shape_cast %get3A_3726 : vector<1x256x128xf32> to vector<256x128xf32>
    %convert_element_type3A_3728 = arith.truncf %get3A_3727 : vector<256x128xf32> to vector<256x128xbf16>
    %get3A_3729 = arith.constant 8 : index
    %get3A_3730 = arith.constant 0 : index
    %get3A_3731 = arith.constant 0 : index
    %get3A_3732 = vector.load %arg3[%get3A_3729, %get3A_3730, %get3A_3731] : memref<14x128x712xbf16, #tpu.memory_space<vmem>>, vector<1x128x712xbf16>
    %get3A_3733 = vector.shape_cast %get3A_3732 : vector<1x128x712xbf16> to vector<128x712xbf16>
    %dot_general3A_3734 = arith.constant dense<0.000000e+00> : vector<256x712xf32>
    %dot_general3A_3735 = tpu.matmul %convert_element_type3A_3728, %get3A_3733, %dot_general3A_3734 {dimension_numbers = #tpu.dot_dimension_numbers<[1], [0], [0], [1], [0, 0, 1, 1], [], []>, transpose_lhs_hint = false} : vector<256x128xbf16>, vector<128x712xbf16>, vector<256x712xf32> -> vector<256x712xf32>
    %add3A_3736 = arith.addf %add3A_3722, %dot_general3A_3735 : vector<256x712xf32>
    %get3A_3737 = arith.constant 9 : index
    %get3A_3738 = arith.constant 0 : index
    %get3A_3739 = arith.constant 0 : index
    %get3A_3740 = vector.load %arg8[%get3A_3737, %get3A_3738, %get3A_3739] : memref<14x256x128xf32, #tpu.memory_space<vmem>>, vector<1x256x128xf32>
    %get3A_3741 = vector.shape_cast %get3A_3740 : vector<1x256x128xf32> to vector<256x128xf32>
    %convert_element_type3A_3742 = arith.truncf %get3A_3741 : vector<256x128xf32> to vector<256x128xbf16>
    %get3A_3743 = arith.constant 9 : index
    %get3A_3744 = arith.constant 0 : index
    %get3A_3745 = arith.constant 0 : index
    %get3A_3746 = vector.load %arg3[%get3A_3743, %get3A_3744, %get3A_3745] : memref<14x128x712xbf16, #tpu.memory_space<vmem>>, vector<1x128x712xbf16>
    %get3A_3747 = vector.shape_cast %get3A_3746 : vector<1x128x712xbf16> to vector<128x712xbf16>
    %dot_general3A_3748 = arith.constant dense<0.000000e+00> : vector<256x712xf32>
    %dot_general3A_3749 = tpu.matmul %convert_element_type3A_3742, %get3A_3747, %dot_general3A_3748 {dimension_numbers = #tpu.dot_dimension_numbers<[1], [0], [0], [1], [0, 0, 1, 1], [], []>, transpose_lhs_hint = false} : vector<256x128xbf16>, vector<128x712xbf16>, vector<256x712xf32> -> vector<256x712xf32>
    %add3A_3750 = arith.addf %add3A_3736, %dot_general3A_3749 : vector<256x712xf32>
    %get3A_3751 = arith.constant 10 : index
    %get3A_3752 = arith.constant 0 : index
    %get3A_3753 = arith.constant 0 : index
    %get3A_3754 = vector.load %arg8[%get3A_3751, %get3A_3752, %get3A_3753] : memref<14x256x128xf32, #tpu.memory_space<vmem>>, vector<1x256x128xf32>
    %get3A_3755 = vector.shape_cast %get3A_3754 : vector<1x256x128xf32> to vector<256x128xf32>
    %convert_element_type3A_3756 = arith.truncf %get3A_3755 : vector<256x128xf32> to vector<256x128xbf16>
    %get3A_3757 = arith.constant 10 : index
    %get3A_3758 = arith.constant 0 : index
    %get3A_3759 = arith.constant 0 : index
    %get3A_3760 = vector.load %arg3[%get3A_3757, %get3A_3758, %get3A_3759] : memref<14x128x712xbf16, #tpu.memory_space<vmem>>, vector<1x128x712xbf16>
    %get3A_3761 = vector.shape_cast %get3A_3760 : vector<1x128x712xbf16> to vector<128x712xbf16>
    %dot_general3A_3762 = arith.constant dense<0.000000e+00> : vector<256x712xf32>
    %dot_general3A_3763 = tpu.matmul %convert_element_type3A_3756, %get3A_3761, %dot_general3A_3762 {dimension_numbers = #tpu.dot_dimension_numbers<[1], [0], [0], [1], [0, 0, 1, 1], [], []>, transpose_lhs_hint = false} : vector<256x128xbf16>, vector<128x712xbf16>, vector<256x712xf32> -> vector<256x712xf32>
    %add3A_3764 = arith.addf %add3A_3750, %dot_general3A_3763 : vector<256x712xf32>
    %get3A_3765 = arith.constant 11 : index
    %get3A_3766 = arith.constant 0 : index
    %get3A_3767 = arith.constant 0 : index
    %get3A_3768 = vector.load %arg8[%get3A_3765, %get3A_3766, %get3A_3767] : memref<14x256x128xf32, #tpu.memory_space<vmem>>, vector<1x256x128xf32>
    %get3A_3769 = vector.shape_cast %get3A_3768 : vector<1x256x128xf32> to vector<256x128xf32>
    %convert_element_type3A_3770 = arith.truncf %get3A_3769 : vector<256x128xf32> to vector<256x128xbf16>
    %get3A_3771 = arith.constant 11 : index
    %get3A_3772 = arith.constant 0 : index
    %get3A_3773 = arith.constant 0 : index
    %get3A_3774 = vector.load %arg3[%get3A_3771, %get3A_3772, %get3A_3773] : memref<14x128x712xbf16, #tpu.memory_space<vmem>>, vector<1x128x712xbf16>
    %get3A_3775 = vector.shape_cast %get3A_3774 : vector<1x128x712xbf16> to vector<128x712xbf16>
    %dot_general3A_3776 = arith.constant dense<0.000000e+00> : vector<256x712xf32>
    %dot_general3A_3777 = tpu.matmul %convert_element_type3A_3770, %get3A_3775, %dot_general3A_3776 {dimension_numbers = #tpu.dot_dimension_numbers<[1], [0], [0], [1], [0, 0, 1, 1], [], []>, transpose_lhs_hint = false} : vector<256x128xbf16>, vector<128x712xbf16>, vector<256x712xf32> -> vector<256x712xf32>
    %add3A_3778 = arith.addf %add3A_3764, %dot_general3A_3777 : vector<256x712xf32>
    %get3A_3779 = arith.constant 12 : index
    %get3A_3780 = arith.constant 0 : index
    %get3A_3781 = arith.constant 0 : index
    %get3A_3782 = vector.load %arg8[%get3A_3779, %get3A_3780, %get3A_3781] : memref<14x256x128xf32, #tpu.memory_space<vmem>>, vector<1x256x128xf32>
    %get3A_3783 = vector.shape_cast %get3A_3782 : vector<1x256x128xf32> to vector<256x128xf32>
    %convert_element_type3A_3784 = arith.truncf %get3A_3783 : vector<256x128xf32> to vector<256x128xbf16>
    %get3A_3785 = arith.constant 12 : index
    %get3A_3786 = arith.constant 0 : index
    %get3A_3787 = arith.constant 0 : index
    %get3A_3788 = vector.load %arg3[%get3A_3785, %get3A_3786, %get3A_3787] : memref<14x128x712xbf16, #tpu.memory_space<vmem>>, vector<1x128x712xbf16>
    %get3A_3789 = vector.shape_cast %get3A_3788 : vector<1x128x712xbf16> to vector<128x712xbf16>
    %dot_general3A_3790 = arith.constant dense<0.000000e+00> : vector<256x712xf32>
    %dot_general3A_3791 = tpu.matmul %convert_element_type3A_3784, %get3A_3789, %dot_general3A_3790 {dimension_numbers = #tpu.dot_dimension_numbers<[1], [0], [0], [1], [0, 0, 1, 1], [], []>, transpose_lhs_hint = false} : vector<256x128xbf16>, vector<128x712xbf16>, vector<256x712xf32> -> vector<256x712xf32>
    %add3A_3792 = arith.addf %add3A_3778, %dot_general3A_3791 : vector<256x712xf32>
    %get3A_3793 = arith.constant 13 : index
    %get3A_3794 = arith.constant 0 : index
    %get3A_3795 = arith.constant 0 : index
    %get3A_3796 = vector.load %arg8[%get3A_3793, %get3A_3794, %get3A_3795] : memref<14x256x128xf32, #tpu.memory_space<vmem>>, vector<1x256x128xf32>
    %get3A_3797 = vector.shape_cast %get3A_3796 : vector<1x256x128xf32> to vector<256x128xf32>
    %convert_element_type3A_3798 = arith.truncf %get3A_3797 : vector<256x128xf32> to vector<256x128xbf16>
    %get3A_3799 = arith.constant 13 : index
    %get3A_3800 = arith.constant 0 : index
    %get3A_3801 = arith.constant 0 : index
    %get3A_3802 = vector.load %arg3[%get3A_3799, %get3A_3800, %get3A_3801] : memref<14x128x712xbf16, #tpu.memory_space<vmem>>, vector<1x128x712xbf16>
    %get3A_3803 = vector.shape_cast %get3A_3802 : vector<1x128x712xbf16> to vector<128x712xbf16>
    %dot_general3A_3804 = arith.constant dense<0.000000e+00> : vector<256x712xf32>
    %dot_general3A_3805 = tpu.matmul %convert_element_type3A_3798, %get3A_3803, %dot_general3A_3804 {dimension_numbers = #tpu.dot_dimension_numbers<[1], [0], [0], [1], [0, 0, 1, 1], [], []>, transpose_lhs_hint = false} : vector<256x128xbf16>, vector<128x712xbf16>, vector<256x712xf32> -> vector<256x712xf32>
    %add3A_3806 = arith.addf %add3A_3792, %dot_general3A_3805 : vector<256x712xf32>
    %slice3A_3807 = vector.extract_strided_slice %add3A_3806 {offsets = [0, 0], sizes = [256, 48], strides = [1, 1]} : vector<256x712xf32> to vector<256x48xf32>
    %swap3A_3808 = arith.constant 0 : index
    %swap3A_3809 = arith.constant 0 : index
    %swap3A_3810 = vector.load %arg5[%swap3A_3808, %swap3A_3809] : memref<256x48xf32, #tpu.memory_space<vmem>>, vector<256x48xf32>
    tpu.vector_store %arg5[%swap3A_3808, %swap3A_3809], %slice3A_3807 {strides = array<i32>} : memref<256x48xf32, #tpu.memory_space<vmem>>, vector<256x48xf32>,
    %slice3A_3811 = vector.extract_strided_slice %add3A_3806 {offsets = [0, 48], sizes = [256, 264], strides = [1, 1]} : vector<256x712xf32> to vector<256x264xf32>
    %swap3A_3812 = arith.constant 0 : index
    %swap3A_3813 = arith.constant 0 : index
    %swap3A_3814 = vector.load %arg6[%swap3A_3812, %swap3A_3813] : memref<256x264xf32, #tpu.memory_space<vmem>>, vector<256x264xf32>
    tpu.vector_store %arg6[%swap3A_3812, %swap3A_3813], %slice3A_3811 {strides = array<i32>} : memref<256x264xf32, #tpu.memory_space<vmem>>, vector<256x264xf32>,
    %slice3A_3815 = vector.extract_strided_slice %add3A_3806 {offsets = [0, 312], sizes = [256, 400], strides = [1, 1]} : vector<256x712xf32> to vector<256x400xf32>
    %swap3A_3816 = arith.constant 0 : index
    %swap3A_3817 = arith.constant 0 : index
    %swap3A_3818 = vector.load %arg7[%swap3A_3816, %swap3A_3817] : memref<256x400xf32, #tpu.memory_space<vmem>>, vector<256x400xf32>
    tpu.vector_store %arg7[%swap3A_3816, %swap3A_3817], %slice3A_3815 {strides = array<i32>} : memref<256x400xf32, #tpu.memory_space<vmem>>, vector<256x400xf32>,
    return
  }
  func.func @transform_0(%arg0: i32) -> (i32, i32) {
    %c0_i32 = arith.constant 0 : i32
    %c0_i32_0 = arith.constant 0 : i32
    return %arg0, %c0_i32 : i32, i32
  }
  func.func @transform_1(%arg0: i32) -> (i32, i32, i32, i32) {
    %c0_i32 = arith.constant 0 : i32
    %c0_i32_0 = arith.constant 0 : i32
    %c0_i32_1 = arith.constant 0 : i32
    %c0_i32_2 = arith.constant 0 : i32
    return %arg0, %c0_i32, %c0_i32_0, %c0_i32_1 : i32, i32, i32, i32
  }
  func.func @transform_2(%arg0: i32) -> (i32, i32, i32) {
    %c0_i32 = arith.constant 0 : i32
    %c0_i32_0 = arith.constant 0 : i32
    %c0_i32_1 = arith.constant 0 : i32
    %c0_i32_2 = arith.constant 0 : i32
    return %c0_i32, %c0_i32_0, %c0_i32_1 : i32, i32, i32
  }
  func.func @transform_3(%arg0: i32) -> (i32, i32) {
    %c0_i32 = arith.constant 0 : i32
    %c0_i32_0 = arith.constant 0 : i32
    %c0_i32_1 = arith.constant 0 : i32
    return %c0_i32, %c0_i32_0 : i32, i32
  }
  func.func @transform_4(%arg0: i32) -> (i32, i32) {
    %c0_i32 = arith.constant 0 : i32
    %c0_i32_0 = arith.constant 0 : i32
    return %arg0, %c0_i32 : i32, i32
  }
  func.func @transform_5(%arg0: i32) -> (i32, i32) {
    %c0_i32 = arith.constant 0 : i32
    %c0_i32_0 = arith.constant 0 : i32
    return %arg0, %c0_i32 : i32, i32
  }
  func.func @transform_6(%arg0: i32) -> (i32, i32) {
    %c0_i32 = arith.constant 0 : i32
    %c0_i32_0 = arith.constant 0 : i32
    return %arg0, %c0_i32 : i32, i32
  }
}

</mosaic_0001>

<sc_bundles>
// kernel: kernel.4.cloned.1.call-start
scs
__scs_entry_jumppad:
0x0: {  	(pc) =	sbr.rel $0x88, $3  }
0x1: {  	(tag) =	ssettag $0x0;
	lr =	simm.s32 $0x1  }
0x2: {  	[smem:$0x3F9C] =	sst lr;
	_ =	strace $0xD0000000  }
0x3: {  	_ = 	snop  }
0x4: {  	_ = 	snop  }
0x5: {  	_ = 	snop  }
0x6: {  	_ = 	snop  }
0x7: {  	_ = 	snop  }
__scs_overlays_trampoline_lowered:
0x8: {  	[smem:$0x3FAB] =	sst s0  }
0x9: {  	[smem:$0x3FAC] =	sst s1  }
0xa: {  	[smem:$0x3FAD] =	sst s2  }
0xb: {  	[smem:$0x3FAE] =	sst s3  }
0xc: {  	[smem:$0x3FAF] =	sst s4  }
0xd: {  	[smem:$0x3FB0] =	sst s5  }
0xe: {  	[smem:$0x3FB1] =	sst s6  }
0xf: {  	[smem:$0x3FB2] =	sst s7  }
0x10: {  	[smem:$0x3FB3] =	sst s8  }
0x11: {  	[smem:$0x3FB4] =	sst s9;
	s0 =	simm.s32 @!p0 $0x0  }
0x12: {  	s1 =	sld [smem:$0x3F9A];
	s0 =	simm.s32 @p0 $0x1  }
0x13: {  	[smem:$0x3FB5] =	sst s0;
	s0 =	simm.s32 @!p1 $0x0  }
0x14: {  	s2 =	sld [smem:$0x3F99];
	s0 =	simm.s32 @p1 $0x1  }
0x15: {  	[smem:$0x3FB6] =	sst s0;
	s0 =	simm.s32 @!p2 $0x0  }
0x16: {  	s3 =	sld [smem:$0x3FDB];
	s0 =	simm.s32 @p2 $0x1  }
0x17: {  	s4 =	simm.s32 $0x1BF5;
	[smem:$0x3FB8] =	sst s0  }
0x18: {  	s0 =	sld [smem:$0x3F9B];
	_ =	swait.ge [sflag:s4], $0x0  }
0x19: {  	s7 =	sld [smem:$0x3F9C]  }
0x1a: {  	s8 =	sadd.s32 $0xFFFFE003, lr  }
0x1b: {  	s9 =	sadd.s32 $0xFFFFFEF7, lr;
	s5 =	simm.s32 $0xFFFFFFFF;
	p2 =	slt.u32 s8, $0xFFFFF086  }
0x1c: {  	p1 =	slt.u32 s9, $0xF7A;
	s5 =	simm.s32 @!p2 $0x0  }
0x1d: {  	s5 =	simm.s32 @p1 $0x1;
	p0 =	seq.s32 s7, s2  }
0x1e: {  	s7 =	smul.u32 @!p0 $0xF7A, s2;
	p2 =	seq.s32 @!p0 s5, $0x0  }
0x1f: {  	s9 =	smul.u32 $0xF7A, s1;
	s8 =	simm.s32 @!p0 $0x1BF5;
	p2 =	por !p2, p0  }
0x20: {  	[sflag:s8] =	ssyncset.s32 @!p0 $0xFFFFF086;
	s6 =	sadd.s32 @!p0 s3, s7;
	s7 =	simm.s32 @!p0 $0x108  }
0x21: {  	s3 =	sadd.s32 s3, s9;
	s6 =	sadd.s32 @!p0 $0x88, s6;
	s7 =	simm.s32 @p2 $0x1082  }
0x22: {  	[simem:s7], [sflag:s8] =	dma.local @!p0 [hbm:s6], $0xF7A  }
0x23: {  	s9 =	sor.u32 $0xD0000000, s2;
	s6 =	simm.s32 $0x108;
	_ =	swait.ge @!p0 [sflag:s8], $0x0  }
0x24: {  	s3 =	sadd.s32 $0x88, s3;
	s6 =	simm.s32 @!p1 $0x1082;
	[sflag:s4] =	ssyncset.s32 $0xFFFFF086  }
0x25: {  	[simem:s6], [sflag:s4] =	dma.local [hbm:s3], $0xF7A  }
0x26: {  	[smem:$0x3F9C] =	sst s1;
	(tag) =	ssettag s2;
	_ =	strace s9  }
0x27: {  	s1 =	sld [smem:$0x3FAC]  }
0x28: {  	s2 =	sld [smem:$0x3FAD]  }
0x29: {  	s4 =	sld [smem:$0x3FAF]  }
0x2a: {  	p0 =	seq.s32 s5, $0x0;
	s5 =	sld [smem:$0x3FB0]  }
0x2b: {  	s6 =	sld [smem:$0x3FB1]  }
0x2c: {  	s7 =	sld [smem:$0x3FB2]  }
0x2d: {  	s3 =	simm.s32 $0x108;
	s8 =	sld [smem:$0x3FB3]  }
0x2e: {  	s3 =	simm.s32 @!p0 $0x1082;
	s9 =	sld [smem:$0x3FB4]  }
0x2f: {  	lr =	sadd.s32 s0, s3;
	s0 =	sld [smem:$0x3FAB]  }
0x30: {  	s3 =	sld [smem:$0x3FAE]  }
0x31: {  	[smem:$0x3FB7] =	sst s10  }
0x32: {  	s10 =	sld [smem:$0x3FB5];
	_ =	sdelay $0x3  }
0x33: {  	p0 =	seq.s32 s10, $0x1;
	s10 =	sld [smem:$0x3FB7];
	_ =	sdelay $0x3  }
0x34: {  	[smem:$0x3FB7] =	sst s10  }
0x35: {  	s10 =	sld [smem:$0x3FB6];
	_ =	sdelay $0x3  }
0x36: {  	p1 =	seq.s32 s10, $0x1;
	s10 =	sld [smem:$0x3FB7];
	_ =	sdelay $0x3  }
0x37: {  	[smem:$0x3FB7] =	sst s10  }
0x38: {  	s10 =	sld [smem:$0x3FB8]  }
0x39: {  	_ = 	snop;
	(pc) =	sbr.ind lr, $3  }
0x3a: {  	_ = 	snop  }
0x3b: {  	_ = 	snop  }
0x3c: {  	p2 =	seq.s32 s10, $0x1;
	s10 =	sld [smem:$0x3FB7]  }
0x3d: {  	_ =	shalt  }
0x3e: {  	_ =	shalt  }
0x3f: {  	_ =	shalt  }
0x40: {  	_ =	shalt  }
0x41: {  	_ =	shalt  }
0x42: {  	_ =	shalt  }
0x43: {  	_ =	shalt  }
0x44: {  	_ =	shalt  }
0x45: {  	_ =	shalt  }
0x46: {  	_ =	shalt  }
0x47: {  	_ =	shalt  }
0x48: {  	_ =	shalt  }
0x49: {  	_ =	shalt  }
0x4a: {  	_ =	shalt  }
0x4b: {  	_ =	shalt  }
0x4c: {  	_ =	shalt  }
0x4d: {  	_ =	shalt  }
0x4e: {  	_ =	shalt  }
0x4f: {  	_ =	shalt  }
0x50: {  	_ =	shalt  }
0x51: {  	_ =	shalt  }
0x52: {  	_ =	shalt  }
0x53: {  	_ =	shalt  }
0x54: {  	_ =	shalt  }
0x55: {  	_ =	shalt  }
0x56: {  	_ =	shalt  }
0x57: {  	_ =	shalt  }
0x58: {  	_ =	shalt  }
0x59: {  	_ =	shalt  }
0x5a: {  	_ =	shalt  }
0x5b: {  	_ =	shalt  }
0x5c: {  	_ =	shalt  }
0x5d: {  	_ =	shalt  }
0x5e: {  	_ =	shalt  }
0x5f: {  	_ =	shalt  }
0x60: {  	_ =	shalt  }
0x61: {  	_ =	shalt  }
0x62: {  	_ =	shalt  }
0x63: {  	_ =	shalt  }
0x64: {  	_ =	shalt  }
0x65: {  	_ =	shalt  }
0x66: {  	_ =	shalt  }
0x67: {  	_ =	shalt  }
0x68: {  	_ =	shalt  }
0x69: {  	_ =	shalt  }
0x6a: {  	_ =	shalt  }
0x6b: {  	_ =	shalt  }
0x6c: {  	_ =	shalt  }
0x6d: {  	_ =	shalt  }
0x6e: {  	_ =	shalt  }
0x6f: {  	_ =	shalt  }
0x70: {  	_ =	shalt  }
0x71: {  	_ =	shalt  }
0x72: {  	_ =	shalt  }
0x73: {  	_ =	shalt  }
0x74: {  	_ =	shalt  }
0x75: {  	_ =	shalt  }
0x76: {  	_ =	shalt  }
0x77: {  	_ =	shalt  }
0x78: {  	_ =	shalt  }
0x79: {  	_ =	shalt  }
0x7a: {  	_ =	shalt  }
0x7b: {  	_ =	shalt  }
0x7c: {  	_ =	shalt  }
0x7d: {  	_ =	shalt  }
0x7e: {  	_ =	shalt  }
0x7f: {  	_ =	shalt  }
0x80: {  	_ =	shalt  }
0x81: {  	_ =	shalt  }
0x82: {  	_ =	shalt  }
0x83: {  	_ =	shalt  }
0x84: {  	_ =	shalt  }
0x85: {  	_ =	shalt  }
0x86: {  	_ =	shalt  }
0x87: {  	_ =	shalt  }
.Lfunc_end0:
.L_simem_size_0:
called_computation_lowered:
.L_overlay_start_0:
0x88: {  	s2 =	sld [smem:$0x3FD9]  }
0x89: {  	s3 =	sld [smem:$0x3FFE];
	_ =	sdelay $0x1  }
0x8a: {  	s1 =	srdreg.scid  }
0x8b: {  	s0 =	sand.u32 $0x1, s1  }
0x8c: {  	s14 =	sshll.u32 s0, $0xA;
	s2 =	sadd.s32 s3, s2  }
0x8d: {  	s2 =	sadd.s32 s2, s14  }
0x8e: {  	[smem:$0x3FC3] =	sst s2  }
0x8f: {  	_ = 	snop  }
0x90: {  	s2 =	sld [smem:$0x3FD0];
	_ =	sdelay $0x2  }
0x91: {  	s15 =	simm.s32 $0xA;
	s4 =	simm.s32 $0x10  }
0x92: {  	[smem:s4], [sflag:s15] =	dma.local [hbm:s2], $0x1  }
0x93: {  	_ =	swait.eq [sflag:s15], $0x1  }
0x94: {  	[sflag:s15] =	ssyncset.done $0x0  }
0x95: {  	s16 =	sld [smem:$0x10];
	[sflag:s15] =	ssyncadd.s32 $0xFFFFFFFF  }
0x96: {  	s17 =	sld [smem:$0x12];
	(tm) =	ssettm $0x1  }
0x97: {  	s18 =	sld [smem:$0x3FFB];
	_ =	sdelay $0x3  }
0x98: {  	_ =	strace s18  }
0x99: {  	s4 =	sld [smem:$0x3FFC];
	_ =	sdelay $0x3  }
0x9a: {  	_ =	strace s4  }
0x9b: {  	s4 =	sld [smem:$0x3FFD];
	_ =	sdelay $0x3  }
0x9c: {  	_ =	strace s4  }
0x9d: {  	_ =	strace $0x8FFFFFFF  }
0x9e: {  	s19 =	sld [smem:$0x3FDB];
	_ =	sdelay $0x1  }
0x9f: {  	s5 =	simm.s32 $_scs_section_size  }
0xa0: {  	s6 =	simm.s32 $_size__tile_overlayer_lowered;
	s7 =	simm.s32 $_tile_overlayer_lowered  }
0xa1: {  	s22 =	simm.s32 $0x1BFF;
	s21 =	sshll.u32 s7, $0x1;
	s4 =	sadd.s32 s5, s19  }
0xa2: {  	s8 =	simm.s32 $0x0;
	s20 =	sshll.u32 s6, $0x1;
	s6 =	sadd.s32 s21, s4  }
0xa3: {  	[timem:s8], [sflag:s22] =	dma.local [hbm:s6], s20  }
0xa4: {  	_ =	swait.ge [sflag:s22], s20  }
0xa5: {  	s5 =	ssub.s32 $0x0, s20;
	[sflag:s22] =	ssyncset.done $0x0  }
0xa6: {  	[sflag:s22] =	ssyncadd.s32 s5;
	_ =	sdelay $0x1  }
0xa7: {  	s23 =	simm.s32 $0x1B8B  }
0xa8: {  	_ =	swait.ge [sflag:s23], $0x1  }
0xa9: {  	[sflag:s23] =	ssyncset.done $0x0  }
0xaa: {  	s25 =	simm.s32 $0x1B8E;
	s24 =	sld [smem:$0x3FFE];
	[sflag:s23] =	ssyncadd.s32 $0xFFFFFFFF  }
0xab: {  	s26 =	simm.s32 $execute0_lowered;
	[smem:$0x3FD2] =	sst s25  }
0xac: {  	s6 =	sshll.u32 s26, $0x1;
	_ =	strace $0x80000046;
	[dreg:$0x1] =	wrdreg $0xFFFFFFFF  }
0xad: {  	s28 =	simm.s32 $_size_execute0_lowered;
	s4 =	sadd.s32 s4, s6;
	[dreg:$0x0] =	wrdreg $0x0  }
0xae: {  	s6 =	sshll.u32 s28, $0x1;
	[dreg:$0x2] =	wrdreg s4  }
0xaf: {  	[dreg:$0x3] =	wrdreg s6  }
0xb0: {  	[dreg:$0x4] =	wrdreg $0xC0  }
0xb1: {  	_ =	task [dreg:s8], $0x5FFFF  }
0xb2: {  	[dreg:$0x1] =	wrdreg $0xFFFFFFFF  }
0xb3: {  	[dreg:$0x0] =	wrdreg $0x60  }
0xb4: {  	[dreg:$0x2] =	wrdreg s17  }
0xb5: {  	[dreg:$0x3] =	wrdreg s16  }
0xb6: {  	[dreg:$0x4] =	wrdreg s24  }
0xb7: {  	[dreg:$0x5] =	wrdreg $0x9  }
0xb8: {  	_ =	task.clear_ibuf [dreg:s8], $0x6FFFF;
	_ =	strace $0x90000046  }
0xb9: {  	s29 =	simm.s32 $0x9;
	_ =	strace $0x80000048  }
0xba: {  	_ =	swait.ge [sflag:s29], $0x1  }
0xbb: {  	[sflag:s29] =	ssyncadd.s32 $0xFFFFFFFF  }
0xbc: {  	_ =	strace $0x90000048  }
0xbd: {  	_ =	sfence  }
0xbe: {  	s30 =	sld [smem:$0x0];
	_ =	sdelay $0x2  }
0xbf: {  	s31 =	sshll.u32 s1, $0xD;
	s1 =	sshrl.u32 s1, $0x2  }
0xc0: {  	s3 =	sand.u32 $0x4000, s31;
	s1 =	sadd.s32 s1, s30  }
0xc1: {  	s0 =	sor.u32 s3, s0;
	s1 =	sshll.u32 s1, $0x11  }
0xc2: {  	s0 =	sor.u32 s1, s0  }
0xc3: {  	s0 =	sadd.s32 $0x8F2B, s0  }
0xc4: {  	[sflag:s0] =	ssyncadd.remote.s32 $0x1  }
0xc5: {  	_ =	sfence.sel $0xFFFF  }
0xc6: {  	[dreg:$0x0] =	wrdreg $0xFFFFFFFF;
	(pc) =	sbr.abs _section_cstart, $3  }
0xc7: {  	[dreg:$0x1] =	wrdreg $0xFFFFFFFF  }
0xc8: {  	_ =	task.clear_ibuf [dreg:s8], $0x2FFFF;
	_ =	strace $0x9FFFFFFF  }
0xc9: {  	(tm) =	ssettm $0x7FFFFFFF  }
tec
execute0_lowered:
.L_overlay_start_1:
0x0: {  	(tag) =	ssettag $0x1  }
0x1: {  	s1 =	rddreg [dreg:$0x0]  }
0x2: {  	s4 =	rddreg [dreg:$0x1]  }
0x3: {  	s5 =	rddreg [dreg:$0x2]  }
0x4: {  	s0 =	rddreg [dreg:$0x3]  }
0x5: {  	s3 =	simm.s32 $0x0;
	s6 =	srdreg.scid;
	s2 =	stileid.u32  }
0x6: {  	s13 =	simm.s32 $0x2000;
	s14 =	simm.s32 $0x6000;
	s15 =	simm.s32 $0x100  }
0x7: {  	s16 =	simm.s32 $0xA000;
	s17 =	simm.s32 $0x180;
	s18 =	simm.s32 $0xE000  }
0x8: {  	s19 =	simm.s32 $0x1;
	s20 =	simm.s32 $0x2;
	s21 =	simm.s32 $0x3  }
0x9: {  	s22 =	simm.s32 $0x4;
	s23 =	simm.s32 $0x0;
	[smem:$0x7FF] =	sst s3  }
0xa: {  	s9 =	sand.u32 $0x1, s6;
	s7 =	sshll.u32 s2, $0xE;
	s10 =	sadd.s32 $0x1000, s5  }
0xb: {  	s12 =	sshll.u32 s2, $0x12;
	_ =	strace $0x80000047;
	s8 =	sshll.u32 s9, $0xD  }
0xc: {  	s6 =	ssub.s32 $0x2, s9;
	s31 =	sshll.u32 s9, $0x11;
	s7 =	sor.u32 s8, s7  }
0xd: {  	s29 =	sshrl.u32 s6, $0x1;
	s30 =	sshrl.u32 s7, $0x3;
	s7 =	sshll.u32 s7, $0x4  }
0xe: {  	s5 =	ssub.s32 s6, s29;
	s4 =	sadd.s32 s4, s30;
	s11 =	sadd.s32 s10, s7  }
0xf: {  	s5 =	smax.u32 s5, $0x1;
	s10 =	sadd.s32 s12, s10;
	s12 =	simm.s32 $0x80  }
0x10: {  	s6 =	sadd.s32 $0x1E000, s11;
	s7 =	sadd.s32 $0x1E800, s11;
	s8 =	sadd.s32 $0x1F000, s11  }
0x11: {  	s9 =	sadd.s32 $0x1F800, s11;
	s10 =	sadd.s32 s31, s10;
	s11 =	simm.s32 $0x5  }
.LBB2_1:
0x12: {  	[tilespmem:s3], [sflag:$0x5] =	stream.linear.gather [hbm4b:s4+s3], $0x2000, $0x38;
	[tilespmem:$0x12000] =	vst v63  }
0x13: {  	_ =	swait.ge [sflag:s11], $0x2000  }
0x14: {  	[sflag:s11] =	ssyncset.done $0x0  }
0x15: {  	[sflag:s11] =	ssyncadd.s32 $0xFFFFE000  }
0x16: {  	[tilespmem:s13], [sflag:$0x1] =	stream.indirect.gather [hbm4b:s1+s12], $0x80, s3, s12, $0xb8;
	[tilespmem:$0x12000] =	vst v63  }
0x17: {  	_ = 	snop  }
0x18: {  	[tilespmem:s14], [sflag:$0x2] =	stream.indirect.gather [hbm4b:s1+s12], $0x80, s12, s12, $0xb8;
	[tilespmem:$0x12000] =	vst v63  }
0x19: {  	_ = 	snop  }
0x1a: {  	[tilespmem:s16], [sflag:$0x3] =	stream.indirect.gather [hbm4b:s1+s12], $0x80, s15, s12, $0xb8;
	[tilespmem:$0x12000] =	vst v63  }
0x1b: {  	_ = 	snop  }
0x1c: {  	[tilespmem:s18], [sflag:$0x4] =	stream.indirect.gather [hbm4b:s1+s12], $0x80, s17, s12, $0xb8;
	[tilespmem:$0x12000] =	vst v63  }
0x1d: {  	_ =	swait.ge [sflag:s19], $0x4000  }
0x1e: {  	[sflag:s19] =	ssyncset.done $0x0  }
0x1f: {  	s24 =	sadd.s32 $0x0, s10;
	[sflag:s19] =	ssyncadd.s32 $0xFFFFC000  }
0x20: {  	[hbm4b:s24+s3] =	stream.linear.scatter [tilespmem:s13], [sflag:$0x5], $0x4000, $0x38;
	[tilespmem:$0x12000] =	vst v63  }
0x21: {  	_ =	swait.ge [sflag:s11], $0x4000  }
0x22: {  	[sflag:s11] =	ssyncset.done $0x0  }
0x23: {  	s25 =	simm.s32 $0x200;
	[sflag:s11] =	ssyncadd.s32 $0xFFFFC000  }
0x24: {  	[tilespmem:s13], [sflag:$0x1] =	stream.indirect.gather [hbm4b:s1+s12], $0x80, s25, s12, $0xb8;
	[tilespmem:$0x12000] =	vst v63  }
0x25: {  	_ =	swait.ge [sflag:s20], $0x4000  }
0x26: {  	[sflag:s20] =	ssyncset.done $0x0  }
0x27: {  	s28 =	sadd.s32 $0x800, s24;
	[sflag:s20] =	ssyncadd.s32 $0xFFFFC000  }
0x28: {  	[hbm4b:s28+s3] =	stream.linear.scatter [tilespmem:s14], [sflag:$0x5], $0x4000, $0x38;
	[tilespmem:$0x12000] =	vst v63  }
0x29: {  	_ =	swait.ge [sflag:s11], $0x4000  }
0x2a: {  	[sflag:s11] =	ssyncset.done $0x0  }
0x2b: {  	s29 =	simm.s32 $0x280;
	[sflag:s11] =	ssyncadd.s32 $0xFFFFC000  }
0x2c: {  	[tilespmem:s14], [sflag:$0x2] =	stream.indirect.gather [hbm4b:s1+s12], $0x80, s29, s12, $0xb8;
	[tilespmem:$0x12000] =	vst v63  }
0x2d: {  	_ =	swait.ge [sflag:s21], $0x4000  }
0x2e: {  	[sflag:s21] =	ssyncset.done $0x0  }
0x2f: {  	s30 =	sadd.s32 $0x1000, s24;
	[sflag:s21] =	ssyncadd.s32 $0xFFFFC000  }
0x30: {  	[hbm4b:s30+s3] =	stream.linear.scatter [tilespmem:s16], [sflag:$0x5], $0x4000, $0x38;
	[tilespmem:$0x12000] =	vst v63  }
0x31: {  	_ =	swait.ge [sflag:s11], $0x4000  }
0x32: {  	[sflag:s11] =	ssyncset.done $0x0  }
0x33: {  	s31 =	simm.s32 $0x300;
	[sflag:s11] =	ssyncadd.s32 $0xFFFFC000  }
0x34: {  	[tilespmem:s16], [sflag:$0x3] =	stream.indirect.gather [hbm4b:s1+s12], $0x80, s31, s12, $0xb8;
	[tilespmem:$0x12000] =	vst v63  }
0x35: {  	_ =	swait.ge [sflag:s22], $0x4000  }
0x36: {  	[sflag:s22] =	ssyncset.done $0x0  }
0x37: {  	s24 =	sadd.s32 $0x1800, s24;
	[sflag:s22] =	ssyncadd.s32 $0xFFFFC000  }
0x38: {  	[hbm4b:s24+s3] =	stream.linear.scatter [tilespmem:s18], [sflag:$0x5], $0x4000, $0x38;
	[tilespmem:$0x12000] =	vst v63  }
0x39: {  	_ =	swait.ge [sflag:s11], $0x4000  }
0x3a: {  	s26 =	simm.s32 $0x580;
	[sflag:s11] =	ssyncset.done $0x0  }
0x3b: {  	s25 =	simm.s32 $0x2000;
	s24 =	simm.s32 $0x380;
	[sflag:s11] =	ssyncadd.s32 $0xFFFFC000  }
.LBB2_2:
0x3c: {  	[tilespmem:s18], [sflag:$0x4] =	stream.indirect.gather [hbm4b:s1+s12], $0x80, s24, s12, $0xb8;
	[tilespmem:$0x12000] =	vst v63  }
0x3d: {  	s28 =	smov.u32 s25;
	s24 =	smov.u32 s26  }
0x3e: {  	p0 =	sne.s32 s25, $0x1C000;
	s25 =	sadd.s32 $0x2000, s25;
	_ =	swait.ge [sflag:s19], $0x4000  }
0x3f: {  	[sflag:s19] =	ssyncset.done $0x0  }
0x40: {  	s28 =	sadd.s32 s28, s10;
	[sflag:s19] =	ssyncadd.s32 $0xFFFFC000  }
0x41: {  	[hbm4b:s28+s3] =	stream.linear.scatter [tilespmem:s13], [sflag:$0x5], $0x4000, $0x38;
	[tilespmem:$0x12000] =	vst v63  }
0x42: {  	_ =	swait.ge [sflag:s11], $0x4000  }
0x43: {  	[sflag:s11] =	ssyncset.done $0x0  }
0x44: {  	s29 =	sadd.s32 $0xFFFFFE80, s26;
	[sflag:s11] =	ssyncadd.s32 $0xFFFFC000  }
0x45: {  	[tilespmem:s13], [sflag:$0x1] =	stream.indirect.gather [hbm4b:s1+s12], $0x80, s29, s12, $0xb8;
	[tilespmem:$0x12000] =	vst v63  }
0x46: {  	_ =	swait.ge [sflag:s20], $0x4000  }
0x47: {  	[sflag:s20] =	ssyncset.done $0x0  }
0x48: {  	s29 =	sadd.s32 $0x800, s28;
	[sflag:s20] =	ssyncadd.s32 $0xFFFFC000  }
0x49: {  	[hbm4b:s29+s3] =	stream.linear.scatter [tilespmem:s14], [sflag:$0x5], $0x4000, $0x38;
	[tilespmem:$0x12000] =	vst v63  }
0x4a: {  	_ =	swait.ge [sflag:s11], $0x4000  }
0x4b: {  	[sflag:s11] =	ssyncset.done $0x0  }
0x4c: {  	s29 =	sadd.s32 $0xFFFFFF00, s26;
	[sflag:s11] =	ssyncadd.s32 $0xFFFFC000  }
0x4d: {  	[tilespmem:s14], [sflag:$0x2] =	stream.indirect.gather [hbm4b:s1+s12], $0x80, s29, s12, $0xb8;
	[tilespmem:$0x12000] =	vst v63  }
0x4e: {  	_ =	swait.ge [sflag:s21], $0x4000  }
0x4f: {  	[sflag:s21] =	ssyncset.done $0x0  }
0x50: {  	s29 =	sadd.s32 $0x1000, s28;
	[sflag:s21] =	ssyncadd.s32 $0xFFFFC000  }
0x51: {  	[hbm4b:s29+s3] =	stream.linear.scatter [tilespmem:s16], [sflag:$0x5], $0x4000, $0x38;
	[tilespmem:$0x12000] =	vst v63  }
0x52: {  	_ =	swait.ge [sflag:s11], $0x4000  }
0x53: {  	[sflag:s11] =	ssyncset.done $0x0  }
0x54: {  	s29 =	sadd.s32 $0xFFFFFF80, s26;
	[sflag:s11] =	ssyncadd.s32 $0xFFFFC000  }
0x55: {  	[tilespmem:s16], [sflag:$0x3] =	stream.indirect.gather [hbm4b:s1+s12], $0x80, s29, s12, $0xb8;
	[tilespmem:$0x12000] =	vst v63  }
0x56: {  	_ =	swait.ge [sflag:s22], $0x4000  }
0x57: {  	[sflag:s22] =	ssyncset.done $0x0  }
.Ltmp0:
0x58: {  	s28 =	sadd.s32 $0x1800, s28;
	[sflag:s22] =	ssyncadd.s32 $0xFFFFC000;
	(pc) =	sbr.rel @p0 .LBB2_2-.Ltmp0, $4  }
0x59: {  	[hbm4b:s28+s3] =	stream.linear.scatter [tilespmem:s18], [sflag:$0x5], $0x4000, $0x38;
	[tilespmem:$0x12000] =	vst v63  }
0x5a: {  	_ =	swait.ge [sflag:s11], $0x4000  }
0x5b: {  	[sflag:s11] =	ssyncset.done $0x0  }
0x5c: {  	s26 =	sadd.s32 $0x200, s26;
	[sflag:s11] =	ssyncadd.s32 $0xFFFFC000  }
0x5d: {  	[tilespmem:s18], [sflag:$0x4] =	stream.indirect.gather [hbm4b:s1+s12], $0x80, s24, s12, $0xb8;
	[tilespmem:$0x12000] =	vst v63  }
0x5e: {  	_ =	swait.ge [sflag:s19], $0x4000  }
0x5f: {  	[sflag:s19] =	ssyncset.done $0x0  }
0x60: {  	[sflag:s19] =	ssyncadd.s32 $0xFFFFC000  }
0x61: {  	[hbm4b:s6+s3] =	stream.linear.scatter [tilespmem:s13], [sflag:$0x5], $0x4000, $0x38;
	[tilespmem:$0x12000] =	vst v63  }
0x62: {  	_ =	swait.ge [sflag:s11], $0x4000  }
0x63: {  	[sflag:s11] =	ssyncset.done $0x0  }
0x64: {  	[sflag:s11] =	ssyncadd.s32 $0xFFFFC000  }
0x65: {  	_ =	swait.ge [sflag:s20], $0x4000  }
0x66: {  	[sflag:s20] =	ssyncset.done $0x0  }
0x67: {  	[sflag:s20] =	ssyncadd.s32 $0xFFFFC000  }
0x68: {  	[hbm4b:s7+s3] =	stream.linear.scatter [tilespmem:s14], [sflag:$0x5], $0x4000, $0x38;
	[tilespmem:$0x12000] =	vst v63  }
0x69: {  	_ =	swait.ge [sflag:s11], $0x4000  }
0x6a: {  	[sflag:s11] =	ssyncset.done $0x0  }
0x6b: {  	[sflag:s11] =	ssyncadd.s32 $0xFFFFC000  }
0x6c: {  	_ =	swait.ge [sflag:s21], $0x4000  }
0x6d: {  	[sflag:s21] =	ssyncset.done $0x0  }
0x6e: {  	[sflag:s21] =	ssyncadd.s32 $0xFFFFC000  }
0x6f: {  	[hbm4b:s8+s3] =	stream.linear.scatter [tilespmem:s16], [sflag:$0x5], $0x4000, $0x38;
	[tilespmem:$0x12000] =	vst v63  }
0x70: {  	_ =	swait.ge [sflag:s11], $0x4000  }
0x71: {  	[sflag:s11] =	ssyncset.done $0x0  }
0x72: {  	[sflag:s11] =	ssyncadd.s32 $0xFFFFC000  }
0x73: {  	s23 =	sadd.s32 $0x1, s23;
	_ =	swait.ge [sflag:s22], $0x4000  }
0x74: {  	p0 =	sne.s32 s23, s5;
	[sflag:s22] =	ssyncset.done $0x0  }
.Ltmp1:
0x75: {  	[sflag:s22] =	ssyncadd.s32 $0xFFFFC000;
	(pc) =	sbr.rel @p0 .LBB2_1-.Ltmp1, $4  }
0x76: {  	[hbm4b:s9+s3] =	stream.linear.scatter [tilespmem:s18], [sflag:$0x5], $0x4000, $0x38;
	[tilespmem:$0x12000] =	vst v63  }
0x77: {  	_ =	swait.ge [sflag:s11], $0x4000  }
0x78: {  	[sflag:s11] =	ssyncset.done $0x0  }
0x79: {  	[sflag:s11] =	ssyncadd.s32 $0xFFFFC000  }
0x7a: {  	_ =	sfence.sel $0x180000  }
0x7b: {  	[bflag:$0x0] =	sbarrier.arrive $0xFFFF  }
0x7c: {  	p0 =	sne.s32 s2, $0x0;
	_ =	strace $0x90000047  }
0x7d: {  	s0 =	sadd.s32 @!p0 $0x100000, s0;
	[bflag:$0x2] =	sbarrier.arrive $0xFFFF  }
0x7e: {  	[sflag:s0] =	ssyncadd.tile.s32 @!p0 $0x1;
	_ =	shalt  }
.Lfunc_end2:
_tile_overlayer_lowered:
.L_overlay_start_2:
0x7f: {  	(tag) =	ssettag $0x2  }
0x80: {  	s0 =	rddreg [dreg:$0x0];
	s2 =	stileid.u32  }
0x81: {  	s1 =	rddreg [dreg:$0x1];
	p0 =	sne.s32 s2, $0x0  }
0x82: {  	s3 =	rddreg [dreg:$0x2];
	[bflag:$0x3] =	sbarrier.arrive $0xFFFF;
	s2 =	simm.s32 @!p0 $0x1C05  }
0x83: {  	[timem:s3], [sflag:s2] =	dma.local @!p0 [hbm:s0], s1  }
0x84: {  	s0 =	simm.s32 @!p0 $0x5  }
0x85: {  	_ =	swait.ge @!p0 [sflag:s0], s1  }
0x86: {  	s1 =	ssub.s32 @!p0 $0x0, s1;
	[sflag:s0] =	ssyncset.done @!p0 $0x0  }
0x87: {  	[sflag:s0] =	ssyncadd.s32 @!p0 s1  }
0x88: {  	[bflag:$0x3] =	sbarrier.arrive $0xFFFF  }
0x89: {  	_ =	shalt  }

</sc_bundles>
